<compile_context>
chip_gen: v7x
topology: tpu7x:2x2x1
jax: 0.10.2.dev20260603
libtpu: 0.0.44.dev20260713+nightly
codegen_flags: <defaults>
</compile_context>

<pallas_src>
import functools

import jax
import jax.numpy as jnp
from jax import lax
from jax.experimental import pallas as pl
from jax.experimental.pallas import tpu as pltpu
from jax.experimental.pallas import tpu_sc as plsc

N_CLUSTERS = 4
KMEANS_ITERS = 10
_HIGH = lax.Precision.DEFAULT
_IPB = 16


def _stageA_body(x_ref, o_ref):
    x = x_ref[...]
    xs = jnp.sum(x.reshape(_IPB, 3, 14, 16, 224), axis=2)
    xm = xs.reshape(_IPB * 48, 224)
    y = jnp.stack([xm[:, 16 * p:16 * (p + 1)] for p in range(14)], axis=0)
    o_ref[...] = y.reshape(14, _IPB, 48, 16) * (1.0 / 196.0)


def _stageB_body(g_ref, wp_ref, bp_ref, f_ref, gb_ref):
    wp = wp_ref[...]
    g2 = g_ref[...].reshape(14 * 96, 768)
    fall = jnp.dot(g2, wp, preferred_element_type=jnp.float32,
                   precision=_HIGH)
    f = bp_ref[...] + jnp.sum(fall.reshape(14, 96, 768), axis=0)
    f_ref[...] = f

    nrm = jnp.sqrt(jnp.sum(f * f, axis=1, keepdims=True))
    xn = f / (nrm + 1e-8)

    r_i = lax.broadcasted_iota(jnp.int32, (128, 96), 0)
    c_i = lax.broadcasted_iota(jnp.int32, (128, 96), 1)
    E = ((c_i == 12 * (r_i // 16) + r_i % 16) & (r_i % 16 < 12)).astype(
        jnp.float32)
    xe = jnp.dot(E, xn, preferred_element_type=jnp.float32,
                 precision=_HIGH)

    blocks = []
    for s in range(8):
        b = xe[16 * s:16 * s + 16, :]
        blocks.append(lax.dot_general(
            b, b, (((1,), (1,)), ((), ())),
            preferred_element_type=jnp.float32, precision=_HIGH))
    gb_ref[...] = jnp.concatenate(blocks, axis=0)


def _gather16(x, idx):
    dnums = lax.GatherDimensionNumbers(
        offset_dims=(), collapsed_slice_dims=(0,), start_index_map=(0,))
    return lax.gather(x, idx[:, None], dnums, (1,),
                      mode=lax.GatherScatterMode.PROMISE_IN_BOUNDS)


def _rsqrt16(q):
    i = lax.bitcast_convert_type(q, jnp.int32)
    i = 0x5F3759DF - lax.shift_right_logical(i, 1)
    x = lax.bitcast_convert_type(i, jnp.float32)
    for _ in range(3):
        x = x * (1.5 - 0.5 * q * x * x)
    return x


def _allsum16(x, lane):
    for sh in (1, 2, 4, 8):
        x = x + _gather16(x, lane ^ sh)
    return x


def _stageC_body(gb_hbm, f_hbm, out_hbm, g_v, f_v, o_v):
    w = lax.axis_index("s") * 2 + lax.axis_index("c")
    s = w // 4

    pltpu.sync_copy(gb_hbm.at[s], g_v)
    pltpu.sync_copy(f_hbm.at[w], f_v)

    gcol = [g_v[j] for j in range(12)]
    lane = lax.broadcasted_iota(jnp.int32, (16,), 0)
    valid = lane < 12

    def assign(ws):
        sims = []
        for k in range(N_CLUSTERS):
            dot = jnp.zeros((16,), jnp.float32)
            for j in range(12):
                wj = _gather16(ws[k], jnp.full((16,), j, jnp.int32))
                dot = dot + wj * gcol[j]
            q = _allsum16(ws[k] * dot, lane)
            q = jnp.maximum(q, 1e-30)
            nrm = q * _rsqrt16(q)
            sims.append(dot / (nrm + 1e-8))
        best = sims[0]
        bk = jnp.zeros((16,), jnp.int32)
        for k in range(1, N_CLUSTERS):
            gt = sims[k] > best
            best = jnp.where(gt, sims[k], best)
            bk = jnp.where(gt, jnp.full((16,), k, jnp.int32), bk)
        return bk

    def body(_, ws):
        bk = assign(ws)
        new_ws = []
        for k in range(N_CLUSTERS):
            oh = (bk == k) & valid
            ohf = jnp.where(oh, 1.0, 0.0)
            cnt = _allsum16(ohf, lane)
            cf = jnp.maximum(cnt, 1.0)
            new_ws.append(jnp.where(cnt > 0.5, ohf / cf, ws[k]))
        return tuple(new_ws)

    onev = jnp.full((16,), 1.0, jnp.float32)
    zerov = jnp.zeros((16,), jnp.float32)
    ws0 = tuple(jnp.where(lane == k, onev, zerov) for k in range(N_CLUSTERS))
    ws = lax.fori_loop(0, KMEANS_ITERS, body, ws0)
    bk = assign(ws)

    acc = [[jnp.zeros((16,), jnp.float32) for _ in range(12)]
           for _ in range(N_CLUSTERS)]
    for i in range(12):
        labi = _gather16(bk, jnp.full((16,), i, jnp.int32))
        row = [f_v[i, pl.ds(16 * v, 16)] for v in range(12)]
        for k in range(N_CLUSTERS):
            mk = jnp.where(labi == k, 1.0, 0.0)
            for v in range(12):
                acc[k][v] = acc[k][v] + row[v] * mk
    for v in range(12):
        m01 = jnp.maximum(acc[0][v], acc[1][v])
        m23 = jnp.maximum(acc[2][v], acc[3][v])
        o_v[pl.ds(16 * v, 16)] = jnp.maximum(m01, m23)

    pltpu.sync_copy(o_v, out_hbm.at[w])


_stageC = functools.partial(
    pl.kernel,
    out_type=jax.ShapeDtypeStruct((32, 192), jnp.float32),
    mesh=plsc.VectorSubcoreMesh(core_axis_name="c", subcore_axis_name="s"),
    scratch_types=[
        pltpu.VMEM((16, 16), jnp.float32),
        pltpu.VMEM((12, 192), jnp.float32),
        pltpu.VMEM((192,), jnp.float32),
    ],
)(_stageC_body)


@jax.jit
def kernel(mvimages, W_patch, b_patch):
    B, M, C, H, W = mvimages.shape
    N = B * M
    x4 = mvimages.reshape(N, C, H, W)

    g = pl.pallas_call(
        _stageA_body,
        grid=(N // _IPB,),
        in_specs=[pl.BlockSpec((_IPB, C, H, W), lambda n: (n, 0, 0, 0))],
        out_specs=pl.BlockSpec((14, _IPB, 48, 16), lambda n: (0, n, 0, 0)),
        out_shape=jax.ShapeDtypeStruct((14, N, 48, 16), jnp.float32),
    )(x4)

    g2 = g.reshape(14, N, 768)
    bp2 = b_patch.reshape(1, 768)

    f, gb = pl.pallas_call(
        _stageB_body,
        in_specs=[
            pl.BlockSpec((14, N, 768), lambda: (0, 0, 0)),
            pl.BlockSpec((768, 768), lambda: (0, 0)),
            pl.BlockSpec((1, 768), lambda: (0, 0)),
        ],
        out_specs=[
            pl.BlockSpec((N, 768), lambda: (0, 0)),
            pl.BlockSpec((128, 16), lambda: (0, 0)),
        ],
        out_shape=[
            jax.ShapeDtypeStruct((N, 768), jnp.float32),
            jax.ShapeDtypeStruct((128, 16), jnp.float32),
        ],
    )(g2, W_patch, bp2)

    f_sc = f.reshape(B, M, 4, 192).transpose(0, 2, 1, 3).reshape(32, M, 192)
    gb3 = gb.reshape(8, 16, 16)
    out = _stageC(gb3, f_sc)
    return out.reshape(B, 768)

# --- scband reference (transcript-rebuilt; emitter-appended) ---
"""Pipeline reference for scband-view-max-agregate-6416681140490 (READ-ONLY COPY).

The authoritative reference and input builder live on the scoring server;
editing this copy changes nothing except your own understanding.
"""

import jax, jax.numpy as jnp
import numpy as np

N_CLUSTERS = 4
KMEANS_ITERS = 10


def setup_inputs(seed: int = 0) -> dict:
    key = jax.random.key(seed)
    k1, k2 = jax.random.split(key, 2)
    mvimages = jax.random.normal(k1, (8, 12, 3, 224, 224), dtype=jnp.float32)
    # 'model' = patch-embed conv (3->768, kernel=stride=16) + global average pool
    W_patch = jax.random.normal(k2, (3 * 16 * 16, 768), dtype=jnp.float32) * 0.02
    b_patch = jnp.zeros((768,), dtype=jnp.float32)
    return {"mvimages": mvimages, "W_patch": W_patch, "b_patch": b_patch}


def _model(x, Wp, bp):
    # x: [N, 3, 224, 224] -> patchify (equivalent to Conv2d k=16 s=16) -> GAP
    N = x.shape[0]
    x = x.reshape(N, 3, 14, 16, 14, 16)
    x = x.transpose(0, 2, 4, 1, 3, 5).reshape(N, 14 * 14, 3 * 16 * 16)
    feats = x @ Wp + bp  # [N, 196, 768]
    return feats.mean(axis=1)  # [N, 768]


def _cosine_kmeans_labels(feat):
    # fit_predict of cosine KMeans: normalize, init centroids from first points,
    # iterate argmax-assign / mean-update, return final labels
    Xn = feat / (jnp.linalg.norm(feat, axis=1, keepdims=True) + 1e-8)
    cent0 = Xn[:N_CLUSTERS]

    def body(cent, _):
        cn = cent / (jnp.linalg.norm(cent, axis=1, keepdims=True) + 1e-8)
        sim = Xn @ cn.T  # [M, 4]
        labels = jnp.argmax(sim, axis=1)
        sums = jax.ops.segment_sum(Xn, labels, num_segments=N_CLUSTERS)
        counts = jax.ops.segment_sum(jnp.ones((Xn.shape[0],), dtype=Xn.dtype), labels, num_segments=N_CLUSTERS)
        new_cent = jnp.where(counts[:, None] > 0, sums / jnp.maximum(counts[:, None], 1.0), cent)
        return new_cent, None

    cent, _ = jax.lax.scan(body, cent0, None, length=KMEANS_ITERS)
    cn = cent / (jnp.linalg.norm(cent, axis=1, keepdims=True) + 1e-8)
    labels = jnp.argmax(Xn @ cn.T, axis=1)
    return labels


def reference(mvimages, W_patch, b_patch):
    B_, M_, C_, H_, W_ = mvimages.shape
    flat = mvimages.reshape(B_ * M_, C_, H_, W_)  # batch_tensor(dim=1)
    feats = _model(flat, W_patch, b_patch).reshape(B_, M_, -1)  # unbatch_tensor

    def per_sample(f):
        labels = _cosine_kmeans_labels(f)
        # new_feature[labels[i]] += feature[i]  -> scatter-add / segment_sum
        return jax.ops.segment_sum(f, labels, num_segments=N_CLUSTERS)  # [4, D]

    c_mvfeatures = jax.vmap(per_sample)(feats)  # [B, 4, D]
    pooled_view = jnp.max(c_mvfeatures, axis=1)  # torch.max(..., dim=1)[0]
    return jnp.squeeze(pooled_view)

if __name__ == "__main__":
    import jax
    _d = setup_inputs()
    print(jax.jit(kernel)(*tuple(_d.values())))

</pallas_src>

<mosaic_0001>
#map = affine_map<(d0, d1) -> (0, 0, 0)>
#map1 = affine_map<(d0, d1) -> (0, 0)>
module attributes {stable_mosaic.version = 14 : i64} {
  func.func @_stageC_body(%arg0: i32, %arg1: i32, %arg2: memref<8x16x16xf32, #tpu.memory_space<hbm>>, %arg3: memref<32x12x192xf32, #tpu.memory_space<hbm>>, %arg4: memref<32x192xf32, #tpu.memory_space<hbm>>, %arg5: memref<16x16xf32, #tpu.memory_space<vmem>>, %arg6: memref<12x192xf32, #tpu.memory_space<vmem>>, %arg7: memref<192xf32, #tpu.memory_space<vmem>>) attributes {dimension_semantics = [#tpu.dimension_semantics<core_parallel>, #tpu.dimension_semantics<subcore_parallel>], iteration_bounds = array<i64: 2, 16>, scalar_prefetch = 0 : i64, scratch_operands = 3 : i64, tpu.core_type = #tpu.core_type<sc_vector_subcore>, window_params = [{transform_indices = #map}, {transform_indices = #map}, {transform_indices = #map1}]} {
    %mul3A = arith.constant 2 : i32
    %mul3A_0 = arith.muli %arg1, %mul3A : i32
    %add3A = arith.addi %mul3A_0, %arg0 : i32
    %jit3A = arith.constant 4 : i32
    %div3A = arith.divsi %add3A, %jit3A : i32
    %sign3A = arith.constant 0 : i32
    %sign3A_1 = arith.cmpi sgt, %add3A, %sign3A : i32
    %sign3A_2 = arith.extui %sign3A_1 : i1 to i32
    %sign3A_3 = arith.constant 0 : i32
    %sign3A_4 = arith.cmpi slt, %add3A, %sign3A_3 : i32
    %sign3A_5 = arith.extui %sign3A_4 : i1 to i32
    %sign3A_6 = arith.subi %sign3A_2, %sign3A_5 : i32
    %sign3A_7 = arith.constant 0 : i32
    %sign3A_8 = arith.cmpi sgt, %jit3A, %sign3A_7 : i32
    %sign3A_9 = arith.extui %sign3A_8 : i1 to i32
    %sign3A_10 = arith.constant 0 : i32
    %sign3A_11 = arith.cmpi slt, %jit3A, %sign3A_10 : i32
    %sign3A_12 = arith.extui %sign3A_11 : i1 to i32
    %sign3A_13 = arith.subi %sign3A_9, %sign3A_12 : i32
    %ne3A = arith.cmpi ne, %sign3A_6, %sign3A_13 : i32
    %rem3A = arith.remsi %add3A, %jit3A : i32
    %ne3A_14 = arith.constant 0 : i32
    %ne3A_15 = arith.cmpi ne, %rem3A, %ne3A_14 : i32
    %and3A = arith.andi %ne3A, %ne3A_15 : i1
    %sub3A = arith.constant 1 : i32
    %sub3A_16 = arith.subi %div3A, %sub3A : i32
    %select_n3A = arith.select %and3A, %sub3A_16, %div3A : i32
    "tpu.region"() ({
      %run_scoped3A = tpu.sem_alloc : memref<!tpu.dma_semaphore, #tpu.memory_space<semaphore_mem>>
      %dma_start3A = arith.constant 0 : i32
      %dma_start3A_3239 = arith.constant 0 : i32
      %dma_start3A_3240 = tpu.memref_slice %arg2[%select_n3A, %dma_start3A, %dma_start3A_3239] : memref<8x16x16xf32, #tpu.memory_space<hbm>> -> memref<1x16x16xf32, #tpu.memory_space<hbm>>
      %dma_start3A_3241 = tpu.memref_squeeze %dma_start3A_3240 : memref<1x16x16xf32, #tpu.memory_space<hbm>> -> memref<16x16xf32, #tpu.memory_space<hbm>>
      %dma_start3A_3242 = arith.constant 0 : i32
      %dma_start3A_3243 = arith.constant 0 : i32
      %dma_start3A_3244 = tpu.memref_slice %arg2[%select_n3A, %dma_start3A_3242, %dma_start3A_3243] : memref<8x16x16xf32, #tpu.memory_space<hbm>> -> memref<1x16x16xf32, #tpu.memory_space<hbm>>
      %dma_start3A_3245 = tpu.memref_squeeze %dma_start3A_3244 : memref<1x16x16xf32, #tpu.memory_space<hbm>> -> memref<16x16xf32, #tpu.memory_space<hbm>>
      tpu.enqueue_dma source(%dma_start3A_3245 : memref<16x16xf32, #tpu.memory_space<hbm>>) target(%arg5 : memref<16x16xf32, #tpu.memory_space<vmem>>) target_semaphore(%run_scoped3A : memref<!tpu.dma_semaphore, #tpu.memory_space<semaphore_mem>>)
      %dma_wait3A = arith.constant 0 : i32
      %dma_wait3A_3246 = arith.constant 0 : i32
      %dma_wait3A_3247 = tpu.memref_slice %arg2[%select_n3A, %dma_wait3A, %dma_wait3A_3246] : memref<8x16x16xf32, #tpu.memory_space<hbm>> -> memref<1x16x16xf32, #tpu.memory_space<hbm>>
      %dma_wait3A_3248 = tpu.memref_squeeze %dma_wait3A_3247 : memref<1x16x16xf32, #tpu.memory_space<hbm>> -> memref<16x16xf32, #tpu.memory_space<hbm>>
      %dma_wait3A_3249 = arith.constant 0 : i32
      %dma_wait3A_3250 = arith.constant 0 : i32
      %dma_wait3A_3251 = tpu.memref_slice %arg2[%select_n3A, %dma_wait3A_3249, %dma_wait3A_3250] : memref<8x16x16xf32, #tpu.memory_space<hbm>> -> memref<1x16x16xf32, #tpu.memory_space<hbm>>
      %dma_wait3A_3252 = tpu.memref_squeeze %dma_wait3A_3251 : memref<1x16x16xf32, #tpu.memory_space<hbm>> -> memref<16x16xf32, #tpu.memory_space<hbm>>
      tpu.wait_dma2 semaphore(%run_scoped3A : memref<!tpu.dma_semaphore, #tpu.memory_space<semaphore_mem>>) src(%dma_wait3A_3252 : memref<16x16xf32, #tpu.memory_space<hbm>>) dst(%arg5 : memref<16x16xf32, #tpu.memory_space<vmem>>)
      tpu.yield
    }) : () -> ()
    "tpu.region"() ({
      %run_scoped3A = tpu.sem_alloc : memref<!tpu.dma_semaphore, #tpu.memory_space<semaphore_mem>>
      %dma_start3A = arith.constant 0 : i32
      %dma_start3A_3239 = arith.constant 0 : i32
      %dma_start3A_3240 = tpu.memref_slice %arg3[%add3A, %dma_start3A, %dma_start3A_3239] : memref<32x12x192xf32, #tpu.memory_space<hbm>> -> memref<1x12x192xf32, #tpu.memory_space<hbm>>
      %dma_start3A_3241 = tpu.memref_squeeze %dma_start3A_3240 : memref<1x12x192xf32, #tpu.memory_space<hbm>> -> memref<12x192xf32, #tpu.memory_space<hbm>>
      %dma_start3A_3242 = arith.constant 0 : i32
      %dma_start3A_3243 = arith.constant 0 : i32
      %dma_start3A_3244 = tpu.memref_slice %arg3[%add3A, %dma_start3A_3242, %dma_start3A_3243] : memref<32x12x192xf32, #tpu.memory_space<hbm>> -> memref<1x12x192xf32, #tpu.memory_space<hbm>>
      %dma_start3A_3245 = tpu.memref_squeeze %dma_start3A_3244 : memref<1x12x192xf32, #tpu.memory_space<hbm>> -> memref<12x192xf32, #tpu.memory_space<hbm>>
      tpu.enqueue_dma source(%dma_start3A_3245 : memref<12x192xf32, #tpu.memory_space<hbm>>) target(%arg6 : memref<12x192xf32, #tpu.memory_space<vmem>>) target_semaphore(%run_scoped3A : memref<!tpu.dma_semaphore, #tpu.memory_space<semaphore_mem>>)
      %dma_wait3A = arith.constant 0 : i32
      %dma_wait3A_3246 = arith.constant 0 : i32
      %dma_wait3A_3247 = tpu.memref_slice %arg3[%add3A, %dma_wait3A, %dma_wait3A_3246] : memref<32x12x192xf32, #tpu.memory_space<hbm>> -> memref<1x12x192xf32, #tpu.memory_space<hbm>>
      %dma_wait3A_3248 = tpu.memref_squeeze %dma_wait3A_3247 : memref<1x12x192xf32, #tpu.memory_space<hbm>> -> memref<12x192xf32, #tpu.memory_space<hbm>>
      %dma_wait3A_3249 = arith.constant 0 : i32
      %dma_wait3A_3250 = arith.constant 0 : i32
      %dma_wait3A_3251 = tpu.memref_slice %arg3[%add3A, %dma_wait3A_3249, %dma_wait3A_3250] : memref<32x12x192xf32, #tpu.memory_space<hbm>> -> memref<1x12x192xf32, #tpu.memory_space<hbm>>
      %dma_wait3A_3252 = tpu.memref_squeeze %dma_wait3A_3251 : memref<1x12x192xf32, #tpu.memory_space<hbm>> -> memref<12x192xf32, #tpu.memory_space<hbm>>
      tpu.wait_dma2 semaphore(%run_scoped3A : memref<!tpu.dma_semaphore, #tpu.memory_space<semaphore_mem>>) src(%dma_wait3A_3252 : memref<12x192xf32, #tpu.memory_space<hbm>>) dst(%arg6 : memref<12x192xf32, #tpu.memory_space<vmem>>)
      tpu.yield
    }) : () -> ()
    %get3A = arith.constant 0 : i32
    %get3A_17 = arith.index_cast %get3A : i32 to index
    %get3A_18 = arith.constant 0 : index
    %get3A_19 = tpu.vector_load %arg5[%get3A_17, %get3A_18] {strides = array<i32>} : memref<16x16xf32, #tpu.memory_space<vmem>>, vector<1x16xf32>,
    %get3A_20 = vector.shape_cast %get3A_19 : vector<1x16xf32> to vector<16xf32>
    %get3A_21 = arith.constant 1 : i32
    %get3A_22 = arith.index_cast %get3A_21 : i32 to index
    %get3A_23 = arith.constant 0 : index
    %get3A_24 = tpu.vector_load %arg5[%get3A_22, %get3A_23] {strides = array<i32>} : memref<16x16xf32, #tpu.memory_space<vmem>>, vector<1x16xf32>,
    %get3A_25 = vector.shape_cast %get3A_24 : vector<1x16xf32> to vector<16xf32>
    %get3A_26 = arith.constant 2 : i32
    %get3A_27 = arith.index_cast %get3A_26 : i32 to index
    %get3A_28 = arith.constant 0 : index
    %get3A_29 = tpu.vector_load %arg5[%get3A_27, %get3A_28] {strides = array<i32>} : memref<16x16xf32, #tpu.memory_space<vmem>>, vector<1x16xf32>,
    %get3A_30 = vector.shape_cast %get3A_29 : vector<1x16xf32> to vector<16xf32>
    %get3A_31 = arith.constant 3 : i32
    %get3A_32 = arith.index_cast %get3A_31 : i32 to index
    %get3A_33 = arith.constant 0 : index
    %get3A_34 = tpu.vector_load %arg5[%get3A_32, %get3A_33] {strides = array<i32>} : memref<16x16xf32, #tpu.memory_space<vmem>>, vector<1x16xf32>,
    %get3A_35 = vector.shape_cast %get3A_34 : vector<1x16xf32> to vector<16xf32>
    %get3A_36 = arith.constant 4 : i32
    %get3A_37 = arith.index_cast %get3A_36 : i32 to index
    %get3A_38 = arith.constant 0 : index
    %get3A_39 = tpu.vector_load %arg5[%get3A_37, %get3A_38] {strides = array<i32>} : memref<16x16xf32, #tpu.memory_space<vmem>>, vector<1x16xf32>,
    %get3A_40 = vector.shape_cast %get3A_39 : vector<1x16xf32> to vector<16xf32>
    %get3A_41 = arith.constant 5 : i32
    %get3A_42 = arith.index_cast %get3A_41 : i32 to index
    %get3A_43 = arith.constant 0 : index
    %get3A_44 = tpu.vector_load %arg5[%get3A_42, %get3A_43] {strides = array<i32>} : memref<16x16xf32, #tpu.memory_space<vmem>>, vector<1x16xf32>,
    %get3A_45 = vector.shape_cast %get3A_44 : vector<1x16xf32> to vector<16xf32>
    %get3A_46 = arith.constant 6 : i32
    %get3A_47 = arith.index_cast %get3A_46 : i32 to index
    %get3A_48 = arith.constant 0 : index
    %get3A_49 = tpu.vector_load %arg5[%get3A_47, %get3A_48] {strides = array<i32>} : memref<16x16xf32, #tpu.memory_space<vmem>>, vector<1x16xf32>,
    %get3A_50 = vector.shape_cast %get3A_49 : vector<1x16xf32> to vector<16xf32>
    %get3A_51 = arith.constant 7 : i32
    %get3A_52 = arith.index_cast %get3A_51 : i32 to index
    %get3A_53 = arith.constant 0 : index
    %get3A_54 = tpu.vector_load %arg5[%get3A_52, %get3A_53] {strides = array<i32>} : memref<16x16xf32, #tpu.memory_space<vmem>>, vector<1x16xf32>,
    %get3A_55 = vector.shape_cast %get3A_54 : vector<1x16xf32> to vector<16xf32>
    %get3A_56 = arith.constant 8 : i32
    %get3A_57 = arith.index_cast %get3A_56 : i32 to index
    %get3A_58 = arith.constant 0 : index
    %get3A_59 = tpu.vector_load %arg5[%get3A_57, %get3A_58] {strides = array<i32>} : memref<16x16xf32, #tpu.memory_space<vmem>>, vector<1x16xf32>,
    %get3A_60 = vector.shape_cast %get3A_59 : vector<1x16xf32> to vector<16xf32>
    %get3A_61 = arith.constant 9 : i32
    %get3A_62 = arith.index_cast %get3A_61 : i32 to index
    %get3A_63 = arith.constant 0 : index
    %get3A_64 = tpu.vector_load %arg5[%get3A_62, %get3A_63] {strides = array<i32>} : memref<16x16xf32, #tpu.memory_space<vmem>>, vector<1x16xf32>,
    %get3A_65 = vector.shape_cast %get3A_64 : vector<1x16xf32> to vector<16xf32>
    %get3A_66 = arith.constant 10 : i32
    %get3A_67 = arith.index_cast %get3A_66 : i32 to index
    %get3A_68 = arith.constant 0 : index
    %get3A_69 = tpu.vector_load %arg5[%get3A_67, %get3A_68] {strides = array<i32>} : memref<16x16xf32, #tpu.memory_space<vmem>>, vector<1x16xf32>,
    %get3A_70 = vector.shape_cast %get3A_69 : vector<1x16xf32> to vector<16xf32>
    %get3A_71 = arith.constant 11 : i32
    %get3A_72 = arith.index_cast %get3A_71 : i32 to index
    %get3A_73 = arith.constant 0 : index
    %get3A_74 = tpu.vector_load %arg5[%get3A_72, %get3A_73] {strides = array<i32>} : memref<16x16xf32, #tpu.memory_space<vmem>>, vector<1x16xf32>,
    %get3A_75 = vector.shape_cast %get3A_74 : vector<1x16xf32> to vector<16xf32>
    %iota3A = tpu.iota {dimensions = array<i32: 0>} : vector<16xi32>
    %lt3A = arith.constant 12 : i32
    %lt3A_76 = vector.broadcast %lt3A : i32 to vector<16xi32>
    %lt3A_77 = arith.cmpi slt, %iota3A, %lt3A_76 : vector<16xi32>
    %broadcast_in_dim3A = arith.constant 1.000000e+00 : f32
    %broadcast_in_dim3A_78 = vector.broadcast %broadcast_in_dim3A : f32 to vector<16xf32>
    %broadcast_in_dim3A_79 = arith.constant 0.000000e+00 : f32
    %broadcast_in_dim3A_80 = vector.broadcast %broadcast_in_dim3A_79 : f32 to vector<16xf32>
    %eq3A = arith.constant 0 : i32
    %eq3A_81 = vector.broadcast %eq3A : i32 to vector<16xi32>
    %eq3A_82 = arith.cmpi eq, %iota3A, %eq3A_81 : vector<16xi32>
    %select_n3A_83 = arith.select %eq3A_82, %broadcast_in_dim3A_78, %broadcast_in_dim3A_80 : vector<16xi1>, vector<16xf32>
    %eq3A_84 = arith.constant 1 : i32
    %eq3A_85 = vector.broadcast %eq3A_84 : i32 to vector<16xi32>
    %eq3A_86 = arith.cmpi eq, %iota3A, %eq3A_85 : vector<16xi32>
    %select_n3A_87 = arith.select %eq3A_86, %broadcast_in_dim3A_78, %broadcast_in_dim3A_80 : vector<16xi1>, vector<16xf32>
    %eq3A_88 = arith.constant 2 : i32
    %eq3A_89 = vector.broadcast %eq3A_88 : i32 to vector<16xi32>
    %eq3A_90 = arith.cmpi eq, %iota3A, %eq3A_89 : vector<16xi32>
    %select_n3A_91 = arith.select %eq3A_90, %broadcast_in_dim3A_78, %broadcast_in_dim3A_80 : vector<16xi1>, vector<16xf32>
    %eq3A_92 = arith.constant 3 : i32
    %eq3A_93 = vector.broadcast %eq3A_92 : i32 to vector<16xi32>
    %eq3A_94 = arith.cmpi eq, %iota3A, %eq3A_93 : vector<16xi32>
    %select_n3A_95 = arith.select %eq3A_94, %broadcast_in_dim3A_78, %broadcast_in_dim3A_80 : vector<16xi1>, vector<16xf32>
    %scan3A = arith.constant 0 : i32
    %scan3A_96 = arith.constant 10 : i32
    %scan3A_97 = arith.addi %scan3A, %scan3A_96 : i32
    %scan3A_98 = arith.constant 1 : i32
    %scan3A_99:4 = scf.for %scan3A_3239 = %scan3A to %scan3A_97 step %scan3A_98 iter_args(%scan3A_3240 = %select_n3A_83, %scan3A_3241 = %select_n3A_87, %scan3A_3242 = %select_n3A_91, %scan3A_3243 = %select_n3A_95) -> (vector<16xf32>, vector<16xf32>, vector<16xf32>, vector<16xf32>)  : i32 {
      %broadcast_in_dim3A_3244 = arith.constant 0.000000e+00 : f32
      %broadcast_in_dim3A_3245 = vector.broadcast %broadcast_in_dim3A_3244 : f32 to vector<16xf32>
      %broadcast_in_dim3A_3246 = arith.constant 0 : i32
      %broadcast_in_dim3A_3247 = vector.broadcast %broadcast_in_dim3A_3246 : i32 to vector<16xi32>
      %broadcast_in_dim3A_3248 = vector.shape_cast %broadcast_in_dim3A_3247 : vector<16xi32> to vector<16x1xi32>
      %gather3A_3249 = vector.shape_cast %broadcast_in_dim3A_3248 : vector<16x1xi32> to vector<16xi32>
      %gather3A_3250 = tpu.dynamic_gather %scan3A_3240[%gather3A_3249] in [0] : vector<16xf32>, vector<16xi32> -> vector<16xf32>
      %mul3A_3251 = arith.mulf %gather3A_3250, %get3A_20 : vector<16xf32>
      %add3A_3252 = arith.addf %broadcast_in_dim3A_3245, %mul3A_3251 : vector<16xf32>
      %broadcast_in_dim3A_3253 = arith.constant 1 : i32
      %broadcast_in_dim3A_3254 = vector.broadcast %broadcast_in_dim3A_3253 : i32 to vector<16xi32>
      %broadcast_in_dim3A_3255 = vector.shape_cast %broadcast_in_dim3A_3254 : vector<16xi32> to vector<16x1xi32>
      %gather3A_3256 = vector.shape_cast %broadcast_in_dim3A_3255 : vector<16x1xi32> to vector<16xi32>
      %gather3A_3257 = tpu.dynamic_gather %scan3A_3240[%gather3A_3256] in [0] : vector<16xf32>, vector<16xi32> -> vector<16xf32>
      %mul3A_3258 = arith.mulf %gather3A_3257, %get3A_25 : vector<16xf32>
      %add3A_3259 = arith.addf %add3A_3252, %mul3A_3258 : vector<16xf32>
      %broadcast_in_dim3A_3260 = arith.constant 2 : i32
      %broadcast_in_dim3A_3261 = vector.broadcast %broadcast_in_dim3A_3260 : i32 to vector<16xi32>
      %broadcast_in_dim3A_3262 = vector.shape_cast %broadcast_in_dim3A_3261 : vector<16xi32> to vector<16x1xi32>
      %gather3A_3263 = vector.shape_cast %broadcast_in_dim3A_3262 : vector<16x1xi32> to vector<16xi32>
      %gather3A_3264 = tpu.dynamic_gather %scan3A_3240[%gather3A_3263] in [0] : vector<16xf32>, vector<16xi32> -> vector<16xf32>
      %mul3A_3265 = arith.mulf %gather3A_3264, %get3A_30 : vector<16xf32>
      %add3A_3266 = arith.addf %add3A_3259, %mul3A_3265 : vector<16xf32>
      %broadcast_in_dim3A_3267 = arith.constant 3 : i32
      %broadcast_in_dim3A_3268 = vector.broadcast %broadcast_in_dim3A_3267 : i32 to vector<16xi32>
      %broadcast_in_dim3A_3269 = vector.shape_cast %broadcast_in_dim3A_3268 : vector<16xi32> to vector<16x1xi32>
      %gather3A_3270 = vector.shape_cast %broadcast_in_dim3A_3269 : vector<16x1xi32> to vector<16xi32>
      %gather3A_3271 = tpu.dynamic_gather %scan3A_3240[%gather3A_3270] in [0] : vector<16xf32>, vector<16xi32> -> vector<16xf32>
      %mul3A_3272 = arith.mulf %gather3A_3271, %get3A_35 : vector<16xf32>
      %add3A_3273 = arith.addf %add3A_3266, %mul3A_3272 : vector<16xf32>
      %broadcast_in_dim3A_3274 = arith.constant 4 : i32
      %broadcast_in_dim3A_3275 = vector.broadcast %broadcast_in_dim3A_3274 : i32 to vector<16xi32>
      %broadcast_in_dim3A_3276 = vector.shape_cast %broadcast_in_dim3A_3275 : vector<16xi32> to vector<16x1xi32>
      %gather3A_3277 = vector.shape_cast %broadcast_in_dim3A_3276 : vector<16x1xi32> to vector<16xi32>
      %gather3A_3278 = tpu.dynamic_gather %scan3A_3240[%gather3A_3277] in [0] : vector<16xf32>, vector<16xi32> -> vector<16xf32>
      %mul3A_3279 = arith.mulf %gather3A_3278, %get3A_40 : vector<16xf32>
      %add3A_3280 = arith.addf %add3A_3273, %mul3A_3279 : vector<16xf32>
      %broadcast_in_dim3A_3281 = arith.constant 5 : i32
      %broadcast_in_dim3A_3282 = vector.broadcast %broadcast_in_dim3A_3281 : i32 to vector<16xi32>
      %broadcast_in_dim3A_3283 = vector.shape_cast %broadcast_in_dim3A_3282 : vector<16xi32> to vector<16x1xi32>
      %gather3A_3284 = vector.shape_cast %broadcast_in_dim3A_3283 : vector<16x1xi32> to vector<16xi32>
      %gather3A_3285 = tpu.dynamic_gather %scan3A_3240[%gather3A_3284] in [0] : vector<16xf32>, vector<16xi32> -> vector<16xf32>
      %mul3A_3286 = arith.mulf %gather3A_3285, %get3A_45 : vector<16xf32>
      %add3A_3287 = arith.addf %add3A_3280, %mul3A_3286 : vector<16xf32>
      %broadcast_in_dim3A_3288 = arith.constant 6 : i32
      %broadcast_in_dim3A_3289 = vector.broadcast %broadcast_in_dim3A_3288 : i32 to vector<16xi32>
      %broadcast_in_dim3A_3290 = vector.shape_cast %broadcast_in_dim3A_3289 : vector<16xi32> to vector<16x1xi32>
      %gather3A_3291 = vector.shape_cast %broadcast_in_dim3A_3290 : vector<16x1xi32> to vector<16xi32>
      %gather3A_3292 = tpu.dynamic_gather %scan3A_3240[%gather3A_3291] in [0] : vector<16xf32>, vector<16xi32> -> vector<16xf32>
      %mul3A_3293 = arith.mulf %gather3A_3292, %get3A_50 : vector<16xf32>
      %add3A_3294 = arith.addf %add3A_3287, %mul3A_3293 : vector<16xf32>
      %broadcast_in_dim3A_3295 = arith.constant 7 : i32
      %broadcast_in_dim3A_3296 = vector.broadcast %broadcast_in_dim3A_3295 : i32 to vector<16xi32>
      %broadcast_in_dim3A_3297 = vector.shape_cast %broadcast_in_dim3A_3296 : vector<16xi32> to vector<16x1xi32>
      %gather3A_3298 = vector.shape_cast %broadcast_in_dim3A_3297 : vector<16x1xi32> to vector<16xi32>
      %gather3A_3299 = tpu.dynamic_gather %scan3A_3240[%gather3A_3298] in [0] : vector<16xf32>, vector<16xi32> -> vector<16xf32>
      %mul3A_3300 = arith.mulf %gather3A_3299, %get3A_55 : vector<16xf32>
      %add3A_3301 = arith.addf %add3A_3294, %mul3A_3300 : vector<16xf32>
      %broadcast_in_dim3A_3302 = arith.constant 8 : i32
      %broadcast_in_dim3A_3303 = vector.broadcast %broadcast_in_dim3A_3302 : i32 to vector<16xi32>
      %broadcast_in_dim3A_3304 = vector.shape_cast %broadcast_in_dim3A_3303 : vector<16xi32> to vector<16x1xi32>
      %gather3A_3305 = vector.shape_cast %broadcast_in_dim3A_3304 : vector<16x1xi32> to vector<16xi32>
      %gather3A_3306 = tpu.dynamic_gather %scan3A_3240[%gather3A_3305] in [0] : vector<16xf32>, vector<16xi32> -> vector<16xf32>
      %mul3A_3307 = arith.mulf %gather3A_3306, %get3A_60 : vector<16xf32>
      %add3A_3308 = arith.addf %add3A_3301, %mul3A_3307 : vector<16xf32>
      %broadcast_in_dim3A_3309 = arith.constant 9 : i32
      %broadcast_in_dim3A_3310 = vector.broadcast %broadcast_in_dim3A_3309 : i32 to vector<16xi32>
      %broadcast_in_dim3A_3311 = vector.shape_cast %broadcast_in_dim3A_3310 : vector<16xi32> to vector<16x1xi32>
      %gather3A_3312 = vector.shape_cast %broadcast_in_dim3A_3311 : vector<16x1xi32> to vector<16xi32>
      %gather3A_3313 = tpu.dynamic_gather %scan3A_3240[%gather3A_3312] in [0] : vector<16xf32>, vector<16xi32> -> vector<16xf32>
      %mul3A_3314 = arith.mulf %gather3A_3313, %get3A_65 : vector<16xf32>
      %add3A_3315 = arith.addf %add3A_3308, %mul3A_3314 : vector<16xf32>
      %broadcast_in_dim3A_3316 = arith.constant 10 : i32
      %broadcast_in_dim3A_3317 = vector.broadcast %broadcast_in_dim3A_3316 : i32 to vector<16xi32>
      %broadcast_in_dim3A_3318 = vector.shape_cast %broadcast_in_dim3A_3317 : vector<16xi32> to vector<16x1xi32>
      %gather3A_3319 = vector.shape_cast %broadcast_in_dim3A_3318 : vector<16x1xi32> to vector<16xi32>
      %gather3A_3320 = tpu.dynamic_gather %scan3A_3240[%gather3A_3319] in [0] : vector<16xf32>, vector<16xi32> -> vector<16xf32>
      %mul3A_3321 = arith.mulf %gather3A_3320, %get3A_70 : vector<16xf32>
      %add3A_3322 = arith.addf %add3A_3315, %mul3A_3321 : vector<16xf32>
      %broadcast_in_dim3A_3323 = arith.constant 11 : i32
      %broadcast_in_dim3A_3324 = vector.broadcast %broadcast_in_dim3A_3323 : i32 to vector<16xi32>
      %broadcast_in_dim3A_3325 = vector.shape_cast %broadcast_in_dim3A_3324 : vector<16xi32> to vector<16x1xi32>
      %gather3A_3326 = vector.shape_cast %broadcast_in_dim3A_3325 : vector<16x1xi32> to vector<16xi32>
      %gather3A_3327 = tpu.dynamic_gather %scan3A_3240[%gather3A_3326] in [0] : vector<16xf32>, vector<16xi32> -> vector<16xf32>
      %mul3A_3328 = arith.mulf %gather3A_3327, %get3A_75 : vector<16xf32>
      %add3A_3329 = arith.addf %add3A_3322, %mul3A_3328 : vector<16xf32>
      %mul3A_3330 = arith.mulf %scan3A_3240, %add3A_3329 : vector<16xf32>
      %xor3A_3331 = arith.constant 1 : i32
      %xor3A_3332 = vector.broadcast %xor3A_3331 : i32 to vector<16xi32>
      %xor3A_3333 = arith.xori %iota3A, %xor3A_3332 : vector<16xi32>
      %broadcast_in_dim3A_3334 = vector.shape_cast %xor3A_3333 : vector<16xi32> to vector<16x1xi32>
      %gather3A_3335 = vector.shape_cast %broadcast_in_dim3A_3334 : vector<16x1xi32> to vector<16xi32>
      %gather3A_3336 = tpu.dynamic_gather %mul3A_3330[%gather3A_3335] in [0] : vector<16xf32>, vector<16xi32> -> vector<16xf32>
      %add3A_3337 = arith.addf %mul3A_3330, %gather3A_3336 : vector<16xf32>
      %xor3A_3338 = arith.constant 2 : i32
      %xor3A_3339 = vector.broadcast %xor3A_3338 : i32 to vector<16xi32>
      %xor3A_3340 = arith.xori %iota3A, %xor3A_3339 : vector<16xi32>
      %broadcast_in_dim3A_3341 = vector.shape_cast %xor3A_3340 : vector<16xi32> to vector<16x1xi32>
      %gather3A_3342 = vector.shape_cast %broadcast_in_dim3A_3341 : vector<16x1xi32> to vector<16xi32>
      %gather3A_3343 = tpu.dynamic_gather %add3A_3337[%gather3A_3342] in [0] : vector<16xf32>, vector<16xi32> -> vector<16xf32>
      %add3A_3344 = arith.addf %add3A_3337, %gather3A_3343 : vector<16xf32>
      %xor3A_3345 = arith.constant 4 : i32
      %xor3A_3346 = vector.broadcast %xor3A_3345 : i32 to vector<16xi32>
      %xor3A_3347 = arith.xori %iota3A, %xor3A_3346 : vector<16xi32>
      %broadcast_in_dim3A_3348 = vector.shape_cast %xor3A_3347 : vector<16xi32> to vector<16x1xi32>
      %gather3A_3349 = vector.shape_cast %broadcast_in_dim3A_3348 : vector<16x1xi32> to vector<16xi32>
      %gather3A_3350 = tpu.dynamic_gather %add3A_3344[%gather3A_3349] in [0] : vector<16xf32>, vector<16xi32> -> vector<16xf32>
      %add3A_3351 = arith.addf %add3A_3344, %gather3A_3350 : vector<16xf32>
      %xor3A_3352 = arith.constant 8 : i32
      %xor3A_3353 = vector.broadcast %xor3A_3352 : i32 to vector<16xi32>
      %xor3A_3354 = arith.xori %iota3A, %xor3A_3353 : vector<16xi32>
      %broadcast_in_dim3A_3355 = vector.shape_cast %xor3A_3354 : vector<16xi32> to vector<16x1xi32>
      %gather3A_3356 = vector.shape_cast %broadcast_in_dim3A_3355 : vector<16x1xi32> to vector<16xi32>
      %gather3A_3357 = tpu.dynamic_gather %add3A_3351[%gather3A_3356] in [0] : vector<16xf32>, vector<16xi32> -> vector<16xf32>
      %add3A_3358 = arith.addf %add3A_3351, %gather3A_3357 : vector<16xf32>
      %max3A_3359 = arith.constant 1.000000e-30 : f32
      %max3A_3360 = vector.broadcast %max3A_3359 : f32 to vector<16xf32>
      %max3A_3361 = arith.maximumf %add3A_3358, %max3A_3360 : vector<16xf32>
      %bitcast_convert_type3A_3362 = tpu.bitcast %max3A_3361 : vector<16xf32> -> vector<16xi32>
      %shift_right_logical3A_3363 = arith.constant 1 : i32
      %shift_right_logical3A_3364 = vector.broadcast %shift_right_logical3A_3363 : i32 to vector<16xi32>
      %shift_right_logical3A_3365 = arith.shrui %bitcast_convert_type3A_3362, %shift_right_logical3A_3364 : vector<16xi32>
      %sub3A_3366 = arith.constant 1597463007 : i32
      %sub3A_3367 = vector.broadcast %sub3A_3366 : i32 to vector<16xi32>
      %sub3A_3368 = arith.subi %sub3A_3367, %shift_right_logical3A_3365 : vector<16xi32>
      %bitcast_convert_type3A_3369 = tpu.bitcast %sub3A_3368 : vector<16xi32> -> vector<16xf32>
      %mul3A_3370 = arith.constant 5.000000e-01 : f32
      %mul3A_3371 = vector.broadcast %mul3A_3370 : f32 to vector<16xf32>
      %mul3A_3372 = arith.mulf %mul3A_3371, %max3A_3361 : vector<16xf32>
      %mul3A_3373 = arith.mulf %mul3A_3372, %bitcast_convert_type3A_3369 : vector<16xf32>
      %mul3A_3374 = arith.mulf %mul3A_3373, %bitcast_convert_type3A_3369 : vector<16xf32>
      %sub3A_3375 = arith.constant 1.500000e+00 : f32
      %sub3A_3376 = vector.broadcast %sub3A_3375 : f32 to vector<16xf32>
      %sub3A_3377 = arith.subf %sub3A_3376, %mul3A_3374 : vector<16xf32>
      %mul3A_3378 = arith.mulf %bitcast_convert_type3A_3369, %sub3A_3377 : vector<16xf32>
      %mul3A_3379 = arith.constant 5.000000e-01 : f32
      %mul3A_3380 = vector.broadcast %mul3A_3379 : f32 to vector<16xf32>
      %mul3A_3381 = arith.mulf %mul3A_3380, %max3A_3361 : vector<16xf32>
      %mul3A_3382 = arith.mulf %mul3A_3381, %mul3A_3378 : vector<16xf32>
      %mul3A_3383 = arith.mulf %mul3A_3382, %mul3A_3378 : vector<16xf32>
      %sub3A_3384 = arith.constant 1.500000e+00 : f32
      %sub3A_3385 = vector.broadcast %sub3A_3384 : f32 to vector<16xf32>
      %sub3A_3386 = arith.subf %sub3A_3385, %mul3A_3383 : vector<16xf32>
      %mul3A_3387 = arith.mulf %mul3A_3378, %sub3A_3386 : vector<16xf32>
      %mul3A_3388 = arith.constant 5.000000e-01 : f32
      %mul3A_3389 = vector.broadcast %mul3A_3388 : f32 to vector<16xf32>
      %mul3A_3390 = arith.mulf %mul3A_3389, %max3A_3361 : vector<16xf32>
      %mul3A_3391 = arith.mulf %mul3A_3390, %mul3A_3387 : vector<16xf32>
      %mul3A_3392 = arith.mulf %mul3A_3391, %mul3A_3387 : vector<16xf32>
      %sub3A_3393 = arith.constant 1.500000e+00 : f32
      %sub3A_3394 = vector.broadcast %sub3A_3393 : f32 to vector<16xf32>
      %sub3A_3395 = arith.subf %sub3A_3394, %mul3A_3392 : vector<16xf32>
      %mul3A_3396 = arith.mulf %mul3A_3387, %sub3A_3395 : vector<16xf32>
      %mul3A_3397 = arith.mulf %max3A_3361, %mul3A_3396 : vector<16xf32>
      %add3A_3398 = arith.constant 9.99999993E-9 : f32
      %add3A_3399 = vector.broadcast %add3A_3398 : f32 to vector<16xf32>
      %add3A_3400 = arith.addf %mul3A_3397, %add3A_3399 : vector<16xf32>
      %div3A_3401 = arith.divf %add3A_3329, %add3A_3400 : vector<16xf32>
      %broadcast_in_dim3A_3402 = arith.constant 0.000000e+00 : f32
      %broadcast_in_dim3A_3403 = vector.broadcast %broadcast_in_dim3A_3402 : f32 to vector<16xf32>
      %broadcast_in_dim3A_3404 = arith.constant 0 : i32
      %broadcast_in_dim3A_3405 = vector.broadcast %broadcast_in_dim3A_3404 : i32 to vector<16xi32>
      %broadcast_in_dim3A_3406 = vector.shape_cast %broadcast_in_dim3A_3405 : vector<16xi32> to vector<16x1xi32>
      %gather3A_3407 = vector.shape_cast %broadcast_in_dim3A_3406 : vector<16x1xi32> to vector<16xi32>
      %gather3A_3408 = tpu.dynamic_gather %scan3A_3241[%gather3A_3407] in [0] : vector<16xf32>, vector<16xi32> -> vector<16xf32>
      %mul3A_3409 = arith.mulf %gather3A_3408, %get3A_20 : vector<16xf32>
      %add3A_3410 = arith.addf %broadcast_in_dim3A_3403, %mul3A_3409 : vector<16xf32>
      %broadcast_in_dim3A_3411 = arith.constant 1 : i32
      %broadcast_in_dim3A_3412 = vector.broadcast %broadcast_in_dim3A_3411 : i32 to vector<16xi32>
      %broadcast_in_dim3A_3413 = vector.shape_cast %broadcast_in_dim3A_3412 : vector<16xi32> to vector<16x1xi32>
      %gather3A_3414 = vector.shape_cast %broadcast_in_dim3A_3413 : vector<16x1xi32> to vector<16xi32>
      %gather3A_3415 = tpu.dynamic_gather %scan3A_3241[%gather3A_3414] in [0] : vector<16xf32>, vector<16xi32> -> vector<16xf32>
      %mul3A_3416 = arith.mulf %gather3A_3415, %get3A_25 : vector<16xf32>
      %add3A_3417 = arith.addf %add3A_3410, %mul3A_3416 : vector<16xf32>
      %broadcast_in_dim3A_3418 = arith.constant 2 : i32
      %broadcast_in_dim3A_3419 = vector.broadcast %broadcast_in_dim3A_3418 : i32 to vector<16xi32>
      %broadcast_in_dim3A_3420 = vector.shape_cast %broadcast_in_dim3A_3419 : vector<16xi32> to vector<16x1xi32>
      %gather3A_3421 = vector.shape_cast %broadcast_in_dim3A_3420 : vector<16x1xi32> to vector<16xi32>
      %gather3A_3422 = tpu.dynamic_gather %scan3A_3241[%gather3A_3421] in [0] : vector<16xf32>, vector<16xi32> -> vector<16xf32>
      %mul3A_3423 = arith.mulf %gather3A_3422, %get3A_30 : vector<16xf32>
      %add3A_3424 = arith.addf %add3A_3417, %mul3A_3423 : vector<16xf32>
      %broadcast_in_dim3A_3425 = arith.constant 3 : i32
      %broadcast_in_dim3A_3426 = vector.broadcast %broadcast_in_dim3A_3425 : i32 to vector<16xi32>
      %broadcast_in_dim3A_3427 = vector.shape_cast %broadcast_in_dim3A_3426 : vector<16xi32> to vector<16x1xi32>
      %gather3A_3428 = vector.shape_cast %broadcast_in_dim3A_3427 : vector<16x1xi32> to vector<16xi32>
      %gather3A_3429 = tpu.dynamic_gather %scan3A_3241[%gather3A_3428] in [0] : vector<16xf32>, vector<16xi32> -> vector<16xf32>
      %mul3A_3430 = arith.mulf %gather3A_3429, %get3A_35 : vector<16xf32>
      %add3A_3431 = arith.addf %add3A_3424, %mul3A_3430 : vector<16xf32>
      %broadcast_in_dim3A_3432 = arith.constant 4 : i32
      %broadcast_in_dim3A_3433 = vector.broadcast %broadcast_in_dim3A_3432 : i32 to vector<16xi32>
      %broadcast_in_dim3A_3434 = vector.shape_cast %broadcast_in_dim3A_3433 : vector<16xi32> to vector<16x1xi32>
      %gather3A_3435 = vector.shape_cast %broadcast_in_dim3A_3434 : vector<16x1xi32> to vector<16xi32>
      %gather3A_3436 = tpu.dynamic_gather %scan3A_3241[%gather3A_3435] in [0] : vector<16xf32>, vector<16xi32> -> vector<16xf32>
      %mul3A_3437 = arith.mulf %gather3A_3436, %get3A_40 : vector<16xf32>
      %add3A_3438 = arith.addf %add3A_3431, %mul3A_3437 : vector<16xf32>
      %broadcast_in_dim3A_3439 = arith.constant 5 : i32
      %broadcast_in_dim3A_3440 = vector.broadcast %broadcast_in_dim3A_3439 : i32 to vector<16xi32>
      %broadcast_in_dim3A_3441 = vector.shape_cast %broadcast_in_dim3A_3440 : vector<16xi32> to vector<16x1xi32>
      %gather3A_3442 = vector.shape_cast %broadcast_in_dim3A_3441 : vector<16x1xi32> to vector<16xi32>
      %gather3A_3443 = tpu.dynamic_gather %scan3A_3241[%gather3A_3442] in [0] : vector<16xf32>, vector<16xi32> -> vector<16xf32>
      %mul3A_3444 = arith.mulf %gather3A_3443, %get3A_45 : vector<16xf32>
      %add3A_3445 = arith.addf %add3A_3438, %mul3A_3444 : vector<16xf32>
      %broadcast_in_dim3A_3446 = arith.constant 6 : i32
      %broadcast_in_dim3A_3447 = vector.broadcast %broadcast_in_dim3A_3446 : i32 to vector<16xi32>
      %broadcast_in_dim3A_3448 = vector.shape_cast %broadcast_in_dim3A_3447 : vector<16xi32> to vector<16x1xi32>
      %gather3A_3449 = vector.shape_cast %broadcast_in_dim3A_3448 : vector<16x1xi32> to vector<16xi32>
      %gather3A_3450 = tpu.dynamic_gather %scan3A_3241[%gather3A_3449] in [0] : vector<16xf32>, vector<16xi32> -> vector<16xf32>
      %mul3A_3451 = arith.mulf %gather3A_3450, %get3A_50 : vector<16xf32>
      %add3A_3452 = arith.addf %add3A_3445, %mul3A_3451 : vector<16xf32>
      %broadcast_in_dim3A_3453 = arith.constant 7 : i32
      %broadcast_in_dim3A_3454 = vector.broadcast %broadcast_in_dim3A_3453 : i32 to vector<16xi32>
      %broadcast_in_dim3A_3455 = vector.shape_cast %broadcast_in_dim3A_3454 : vector<16xi32> to vector<16x1xi32>
      %gather3A_3456 = vector.shape_cast %broadcast_in_dim3A_3455 : vector<16x1xi32> to vector<16xi32>
      %gather3A_3457 = tpu.dynamic_gather %scan3A_3241[%gather3A_3456] in [0] : vector<16xf32>, vector<16xi32> -> vector<16xf32>
      %mul3A_3458 = arith.mulf %gather3A_3457, %get3A_55 : vector<16xf32>
      %add3A_3459 = arith.addf %add3A_3452, %mul3A_3458 : vector<16xf32>
      %broadcast_in_dim3A_3460 = arith.constant 8 : i32
      %broadcast_in_dim3A_3461 = vector.broadcast %broadcast_in_dim3A_3460 : i32 to vector<16xi32>
      %broadcast_in_dim3A_3462 = vector.shape_cast %broadcast_in_dim3A_3461 : vector<16xi32> to vector<16x1xi32>
      %gather3A_3463 = vector.shape_cast %broadcast_in_dim3A_3462 : vector<16x1xi32> to vector<16xi32>
      %gather3A_3464 = tpu.dynamic_gather %scan3A_3241[%gather3A_3463] in [0] : vector<16xf32>, vector<16xi32> -> vector<16xf32>
      %mul3A_3465 = arith.mulf %gather3A_3464, %get3A_60 : vector<16xf32>
      %add3A_3466 = arith.addf %add3A_3459, %mul3A_3465 : vector<16xf32>
      %broadcast_in_dim3A_3467 = arith.constant 9 : i32
      %broadcast_in_dim3A_3468 = vector.broadcast %broadcast_in_dim3A_3467 : i32 to vector<16xi32>
      %broadcast_in_dim3A_3469 = vector.shape_cast %broadcast_in_dim3A_3468 : vector<16xi32> to vector<16x1xi32>
      %gather3A_3470 = vector.shape_cast %broadcast_in_dim3A_3469 : vector<16x1xi32> to vector<16xi32>
      %gather3A_3471 = tpu.dynamic_gather %scan3A_3241[%gather3A_3470] in [0] : vector<16xf32>, vector<16xi32> -> vector<16xf32>
      %mul3A_3472 = arith.mulf %gather3A_3471, %get3A_65 : vector<16xf32>
      %add3A_3473 = arith.addf %add3A_3466, %mul3A_3472 : vector<16xf32>
      %broadcast_in_dim3A_3474 = arith.constant 10 : i32
      %broadcast_in_dim3A_3475 = vector.broadcast %broadcast_in_dim3A_3474 : i32 to vector<16xi32>
      %broadcast_in_dim3A_3476 = vector.shape_cast %broadcast_in_dim3A_3475 : vector<16xi32> to vector<16x1xi32>
      %gather3A_3477 = vector.shape_cast %broadcast_in_dim3A_3476 : vector<16x1xi32> to vector<16xi32>
      %gather3A_3478 = tpu.dynamic_gather %scan3A_3241[%gather3A_3477] in [0] : vector<16xf32>, vector<16xi32> -> vector<16xf32>
      %mul3A_3479 = arith.mulf %gather3A_3478, %get3A_70 : vector<16xf32>
      %add3A_3480 = arith.addf %add3A_3473, %mul3A_3479 : vector<16xf32>
      %broadcast_in_dim3A_3481 = arith.constant 11 : i32
      %broadcast_in_dim3A_3482 = vector.broadcast %broadcast_in_dim3A_3481 : i32 to vector<16xi32>
      %broadcast_in_dim3A_3483 = vector.shape_cast %broadcast_in_dim3A_3482 : vector<16xi32> to vector<16x1xi32>
      %gather3A_3484 = vector.shape_cast %broadcast_in_dim3A_3483 : vector<16x1xi32> to vector<16xi32>
      %gather3A_3485 = tpu.dynamic_gather %scan3A_3241[%gather3A_3484] in [0] : vector<16xf32>, vector<16xi32> -> vector<16xf32>
      %mul3A_3486 = arith.mulf %gather3A_3485, %get3A_75 : vector<16xf32>
      %add3A_3487 = arith.addf %add3A_3480, %mul3A_3486 : vector<16xf32>
      %mul3A_3488 = arith.mulf %scan3A_3241, %add3A_3487 : vector<16xf32>
      %xor3A_3489 = arith.constant 1 : i32
      %xor3A_3490 = vector.broadcast %xor3A_3489 : i32 to vector<16xi32>
      %xor3A_3491 = arith.xori %iota3A, %xor3A_3490 : vector<16xi32>
      %broadcast_in_dim3A_3492 = vector.shape_cast %xor3A_3491 : vector<16xi32> to vector<16x1xi32>
      %gather3A_3493 = vector.shape_cast %broadcast_in_dim3A_3492 : vector<16x1xi32> to vector<16xi32>
      %gather3A_3494 = tpu.dynamic_gather %mul3A_3488[%gather3A_3493] in [0] : vector<16xf32>, vector<16xi32> -> vector<16xf32>
      %add3A_3495 = arith.addf %mul3A_3488, %gather3A_3494 : vector<16xf32>
      %xor3A_3496 = arith.constant 2 : i32
      %xor3A_3497 = vector.broadcast %xor3A_3496 : i32 to vector<16xi32>
      %xor3A_3498 = arith.xori %iota3A, %xor3A_3497 : vector<16xi32>
      %broadcast_in_dim3A_3499 = vector.shape_cast %xor3A_3498 : vector<16xi32> to vector<16x1xi32>
      %gather3A_3500 = vector.shape_cast %broadcast_in_dim3A_3499 : vector<16x1xi32> to vector<16xi32>
      %gather3A_3501 = tpu.dynamic_gather %add3A_3495[%gather3A_3500] in [0] : vector<16xf32>, vector<16xi32> -> vector<16xf32>
      %add3A_3502 = arith.addf %add3A_3495, %gather3A_3501 : vector<16xf32>
      %xor3A_3503 = arith.constant 4 : i32
      %xor3A_3504 = vector.broadcast %xor3A_3503 : i32 to vector<16xi32>
      %xor3A_3505 = arith.xori %iota3A, %xor3A_3504 : vector<16xi32>
      %broadcast_in_dim3A_3506 = vector.shape_cast %xor3A_3505 : vector<16xi32> to vector<16x1xi32>
      %gather3A_3507 = vector.shape_cast %broadcast_in_dim3A_3506 : vector<16x1xi32> to vector<16xi32>
      %gather3A_3508 = tpu.dynamic_gather %add3A_3502[%gather3A_3507] in [0] : vector<16xf32>, vector<16xi32> -> vector<16xf32>
      %add3A_3509 = arith.addf %add3A_3502, %gather3A_3508 : vector<16xf32>
      %xor3A_3510 = arith.constant 8 : i32
      %xor3A_3511 = vector.broadcast %xor3A_3510 : i32 to vector<16xi32>
      %xor3A_3512 = arith.xori %iota3A, %xor3A_3511 : vector<16xi32>
      %broadcast_in_dim3A_3513 = vector.shape_cast %xor3A_3512 : vector<16xi32> to vector<16x1xi32>
      %gather3A_3514 = vector.shape_cast %broadcast_in_dim3A_3513 : vector<16x1xi32> to vector<16xi32>
      %gather3A_3515 = tpu.dynamic_gather %add3A_3509[%gather3A_3514] in [0] : vector<16xf32>, vector<16xi32> -> vector<16xf32>
      %add3A_3516 = arith.addf %add3A_3509, %gather3A_3515 : vector<16xf32>
      %max3A_3517 = arith.constant 1.000000e-30 : f32
      %max3A_3518 = vector.broadcast %max3A_3517 : f32 to vector<16xf32>
      %max3A_3519 = arith.maximumf %add3A_3516, %max3A_3518 : vector<16xf32>
      %bitcast_convert_type3A_3520 = tpu.bitcast %max3A_3519 : vector<16xf32> -> vector<16xi32>
      %shift_right_logical3A_3521 = arith.constant 1 : i32
      %shift_right_logical3A_3522 = vector.broadcast %shift_right_logical3A_3521 : i32 to vector<16xi32>
      %shift_right_logical3A_3523 = arith.shrui %bitcast_convert_type3A_3520, %shift_right_logical3A_3522 : vector<16xi32>
      %sub3A_3524 = arith.constant 1597463007 : i32
      %sub3A_3525 = vector.broadcast %sub3A_3524 : i32 to vector<16xi32>
      %sub3A_3526 = arith.subi %sub3A_3525, %shift_right_logical3A_3523 : vector<16xi32>
      %bitcast_convert_type3A_3527 = tpu.bitcast %sub3A_3526 : vector<16xi32> -> vector<16xf32>
      %mul3A_3528 = arith.constant 5.000000e-01 : f32
      %mul3A_3529 = vector.broadcast %mul3A_3528 : f32 to vector<16xf32>
      %mul3A_3530 = arith.mulf %mul3A_3529, %max3A_3519 : vector<16xf32>
      %mul3A_3531 = arith.mulf %mul3A_3530, %bitcast_convert_type3A_3527 : vector<16xf32>
      %mul3A_3532 = arith.mulf %mul3A_3531, %bitcast_convert_type3A_3527 : vector<16xf32>
      %sub3A_3533 = arith.constant 1.500000e+00 : f32
      %sub3A_3534 = vector.broadcast %sub3A_3533 : f32 to vector<16xf32>
      %sub3A_3535 = arith.subf %sub3A_3534, %mul3A_3532 : vector<16xf32>
      %mul3A_3536 = arith.mulf %bitcast_convert_type3A_3527, %sub3A_3535 : vector<16xf32>
      %mul3A_3537 = arith.constant 5.000000e-01 : f32
      %mul3A_3538 = vector.broadcast %mul3A_3537 : f32 to vector<16xf32>
      %mul3A_3539 = arith.mulf %mul3A_3538, %max3A_3519 : vector<16xf32>
      %mul3A_3540 = arith.mulf %mul3A_3539, %mul3A_3536 : vector<16xf32>
      %mul3A_3541 = arith.mulf %mul3A_3540, %mul3A_3536 : vector<16xf32>
      %sub3A_3542 = arith.constant 1.500000e+00 : f32
      %sub3A_3543 = vector.broadcast %sub3A_3542 : f32 to vector<16xf32>
      %sub3A_3544 = arith.subf %sub3A_3543, %mul3A_3541 : vector<16xf32>
      %mul3A_3545 = arith.mulf %mul3A_3536, %sub3A_3544 : vector<16xf32>
      %mul3A_3546 = arith.constant 5.000000e-01 : f32
      %mul3A_3547 = vector.broadcast %mul3A_3546 : f32 to vector<16xf32>
      %mul3A_3548 = arith.mulf %mul3A_3547, %max3A_3519 : vector<16xf32>
      %mul3A_3549 = arith.mulf %mul3A_3548, %mul3A_3545 : vector<16xf32>
      %mul3A_3550 = arith.mulf %mul3A_3549, %mul3A_3545 : vector<16xf32>
      %sub3A_3551 = arith.constant 1.500000e+00 : f32
      %sub3A_3552 = vector.broadcast %sub3A_3551 : f32 to vector<16xf32>
      %sub3A_3553 = arith.subf %sub3A_3552, %mul3A_3550 : vector<16xf32>
      %mul3A_3554 = arith.mulf %mul3A_3545, %sub3A_3553 : vector<16xf32>
      %mul3A_3555 = arith.mulf %max3A_3519, %mul3A_3554 : vector<16xf32>
      %add3A_3556 = arith.constant 9.99999993E-9 : f32
      %add3A_3557 = vector.broadcast %add3A_3556 : f32 to vector<16xf32>
      %add3A_3558 = arith.addf %mul3A_3555, %add3A_3557 : vector<16xf32>
      %div3A_3559 = arith.divf %add3A_3487, %add3A_3558 : vector<16xf32>
      %broadcast_in_dim3A_3560 = arith.constant 0.000000e+00 : f32
      %broadcast_in_dim3A_3561 = vector.broadcast %broadcast_in_dim3A_3560 : f32 to vector<16xf32>
      %broadcast_in_dim3A_3562 = arith.constant 0 : i32
      %broadcast_in_dim3A_3563 = vector.broadcast %broadcast_in_dim3A_3562 : i32 to vector<16xi32>
      %broadcast_in_dim3A_3564 = vector.shape_cast %broadcast_in_dim3A_3563 : vector<16xi32> to vector<16x1xi32>
      %gather3A_3565 = vector.shape_cast %broadcast_in_dim3A_3564 : vector<16x1xi32> to vector<16xi32>
      %gather3A_3566 = tpu.dynamic_gather %scan3A_3242[%gather3A_3565] in [0] : vector<16xf32>, vector<16xi32> -> vector<16xf32>
      %mul3A_3567 = arith.mulf %gather3A_3566, %get3A_20 : vector<16xf32>
      %add3A_3568 = arith.addf %broadcast_in_dim3A_3561, %mul3A_3567 : vector<16xf32>
      %broadcast_in_dim3A_3569 = arith.constant 1 : i32
      %broadcast_in_dim3A_3570 = vector.broadcast %broadcast_in_dim3A_3569 : i32 to vector<16xi32>
      %broadcast_in_dim3A_3571 = vector.shape_cast %broadcast_in_dim3A_3570 : vector<16xi32> to vector<16x1xi32>
      %gather3A_3572 = vector.shape_cast %broadcast_in_dim3A_3571 : vector<16x1xi32> to vector<16xi32>
      %gather3A_3573 = tpu.dynamic_gather %scan3A_3242[%gather3A_3572] in [0] : vector<16xf32>, vector<16xi32> -> vector<16xf32>
      %mul3A_3574 = arith.mulf %gather3A_3573, %get3A_25 : vector<16xf32>
      %add3A_3575 = arith.addf %add3A_3568, %mul3A_3574 : vector<16xf32>
      %broadcast_in_dim3A_3576 = arith.constant 2 : i32
      %broadcast_in_dim3A_3577 = vector.broadcast %broadcast_in_dim3A_3576 : i32 to vector<16xi32>
      %broadcast_in_dim3A_3578 = vector.shape_cast %broadcast_in_dim3A_3577 : vector<16xi32> to vector<16x1xi32>
      %gather3A_3579 = vector.shape_cast %broadcast_in_dim3A_3578 : vector<16x1xi32> to vector<16xi32>
      %gather3A_3580 = tpu.dynamic_gather %scan3A_3242[%gather3A_3579] in [0] : vector<16xf32>, vector<16xi32> -> vector<16xf32>
      %mul3A_3581 = arith.mulf %gather3A_3580, %get3A_30 : vector<16xf32>
      %add3A_3582 = arith.addf %add3A_3575, %mul3A_3581 : vector<16xf32>
      %broadcast_in_dim3A_3583 = arith.constant 3 : i32
      %broadcast_in_dim3A_3584 = vector.broadcast %broadcast_in_dim3A_3583 : i32 to vector<16xi32>
      %broadcast_in_dim3A_3585 = vector.shape_cast %broadcast_in_dim3A_3584 : vector<16xi32> to vector<16x1xi32>
      %gather3A_3586 = vector.shape_cast %broadcast_in_dim3A_3585 : vector<16x1xi32> to vector<16xi32>
      %gather3A_3587 = tpu.dynamic_gather %scan3A_3242[%gather3A_3586] in [0] : vector<16xf32>, vector<16xi32> -> vector<16xf32>
      %mul3A_3588 = arith.mulf %gather3A_3587, %get3A_35 : vector<16xf32>
      %add3A_3589 = arith.addf %add3A_3582, %mul3A_3588 : vector<16xf32>
      %broadcast_in_dim3A_3590 = arith.constant 4 : i32
      %broadcast_in_dim3A_3591 = vector.broadcast %broadcast_in_dim3A_3590 : i32 to vector<16xi32>
      %broadcast_in_dim3A_3592 = vector.shape_cast %broadcast_in_dim3A_3591 : vector<16xi32> to vector<16x1xi32>
      %gather3A_3593 = vector.shape_cast %broadcast_in_dim3A_3592 : vector<16x1xi32> to vector<16xi32>
      %gather3A_3594 = tpu.dynamic_gather %scan3A_3242[%gather3A_3593] in [0] : vector<16xf32>, vector<16xi32> -> vector<16xf32>
      %mul3A_3595 = arith.mulf %gather3A_3594, %get3A_40 : vector<16xf32>
      %add3A_3596 = arith.addf %add3A_3589, %mul3A_3595 : vector<16xf32>
      %broadcast_in_dim3A_3597 = arith.constant 5 : i32
      %broadcast_in_dim3A_3598 = vector.broadcast %broadcast_in_dim3A_3597 : i32 to vector<16xi32>
      %broadcast_in_dim3A_3599 = vector.shape_cast %broadcast_in_dim3A_3598 : vector<16xi32> to vector<16x1xi32>
      %gather3A_3600 = vector.shape_cast %broadcast_in_dim3A_3599 : vector<16x1xi32> to vector<16xi32>
      %gather3A_3601 = tpu.dynamic_gather %scan3A_3242[%gather3A_3600] in [0] : vector<16xf32>, vector<16xi32> -> vector<16xf32>
      %mul3A_3602 = arith.mulf %gather3A_3601, %get3A_45 : vector<16xf32>
      %add3A_3603 = arith.addf %add3A_3596, %mul3A_3602 : vector<16xf32>
      %broadcast_in_dim3A_3604 = arith.constant 6 : i32
      %broadcast_in_dim3A_3605 = vector.broadcast %broadcast_in_dim3A_3604 : i32 to vector<16xi32>
      %broadcast_in_dim3A_3606 = vector.shape_cast %broadcast_in_dim3A_3605 : vector<16xi32> to vector<16x1xi32>
      %gather3A_3607 = vector.shape_cast %broadcast_in_dim3A_3606 : vector<16x1xi32> to vector<16xi32>
      %gather3A_3608 = tpu.dynamic_gather %scan3A_3242[%gather3A_3607] in [0] : vector<16xf32>, vector<16xi32> -> vector<16xf32>
      %mul3A_3609 = arith.mulf %gather3A_3608, %get3A_50 : vector<16xf32>
      %add3A_3610 = arith.addf %add3A_3603, %mul3A_3609 : vector<16xf32>
      %broadcast_in_dim3A_3611 = arith.constant 7 : i32
      %broadcast_in_dim3A_3612 = vector.broadcast %broadcast_in_dim3A_3611 : i32 to vector<16xi32>
      %broadcast_in_dim3A_3613 = vector.shape_cast %broadcast_in_dim3A_3612 : vector<16xi32> to vector<16x1xi32>
      %gather3A_3614 = vector.shape_cast %broadcast_in_dim3A_3613 : vector<16x1xi32> to vector<16xi32>
      %gather3A_3615 = tpu.dynamic_gather %scan3A_3242[%gather3A_3614] in [0] : vector<16xf32>, vector<16xi32> -> vector<16xf32>
      %mul3A_3616 = arith.mulf %gather3A_3615, %get3A_55 : vector<16xf32>
      %add3A_3617 = arith.addf %add3A_3610, %mul3A_3616 : vector<16xf32>
      %broadcast_in_dim3A_3618 = arith.constant 8 : i32
      %broadcast_in_dim3A_3619 = vector.broadcast %broadcast_in_dim3A_3618 : i32 to vector<16xi32>
      %broadcast_in_dim3A_3620 = vector.shape_cast %broadcast_in_dim3A_3619 : vector<16xi32> to vector<16x1xi32>
      %gather3A_3621 = vector.shape_cast %broadcast_in_dim3A_3620 : vector<16x1xi32> to vector<16xi32>
      %gather3A_3622 = tpu.dynamic_gather %scan3A_3242[%gather3A_3621] in [0] : vector<16xf32>, vector<16xi32> -> vector<16xf32>
      %mul3A_3623 = arith.mulf %gather3A_3622, %get3A_60 : vector<16xf32>
      %add3A_3624 = arith.addf %add3A_3617, %mul3A_3623 : vector<16xf32>
      %broadcast_in_dim3A_3625 = arith.constant 9 : i32
      %broadcast_in_dim3A_3626 = vector.broadcast %broadcast_in_dim3A_3625 : i32 to vector<16xi32>
      %broadcast_in_dim3A_3627 = vector.shape_cast %broadcast_in_dim3A_3626 : vector<16xi32> to vector<16x1xi32>
      %gather3A_3628 = vector.shape_cast %broadcast_in_dim3A_3627 : vector<16x1xi32> to vector<16xi32>
      %gather3A_3629 = tpu.dynamic_gather %scan3A_3242[%gather3A_3628] in [0] : vector<16xf32>, vector<16xi32> -> vector<16xf32>
      %mul3A_3630 = arith.mulf %gather3A_3629, %get3A_65 : vector<16xf32>
      %add3A_3631 = arith.addf %add3A_3624, %mul3A_3630 : vector<16xf32>
      %broadcast_in_dim3A_3632 = arith.constant 10 : i32
      %broadcast_in_dim3A_3633 = vector.broadcast %broadcast_in_dim3A_3632 : i32 to vector<16xi32>
      %broadcast_in_dim3A_3634 = vector.shape_cast %broadcast_in_dim3A_3633 : vector<16xi32> to vector<16x1xi32>
      %gather3A_3635 = vector.shape_cast %broadcast_in_dim3A_3634 : vector<16x1xi32> to vector<16xi32>
      %gather3A_3636 = tpu.dynamic_gather %scan3A_3242[%gather3A_3635] in [0] : vector<16xf32>, vector<16xi32> -> vector<16xf32>
      %mul3A_3637 = arith.mulf %gather3A_3636, %get3A_70 : vector<16xf32>
      %add3A_3638 = arith.addf %add3A_3631, %mul3A_3637 : vector<16xf32>
      %broadcast_in_dim3A_3639 = arith.constant 11 : i32
      %broadcast_in_dim3A_3640 = vector.broadcast %broadcast_in_dim3A_3639 : i32 to vector<16xi32>
      %broadcast_in_dim3A_3641 = vector.shape_cast %broadcast_in_dim3A_3640 : vector<16xi32> to vector<16x1xi32>
      %gather3A_3642 = vector.shape_cast %broadcast_in_dim3A_3641 : vector<16x1xi32> to vector<16xi32>
      %gather3A_3643 = tpu.dynamic_gather %scan3A_3242[%gather3A_3642] in [0] : vector<16xf32>, vector<16xi32> -> vector<16xf32>
      %mul3A_3644 = arith.mulf %gather3A_3643, %get3A_75 : vector<16xf32>
      %add3A_3645 = arith.addf %add3A_3638, %mul3A_3644 : vector<16xf32>
      %mul3A_3646 = arith.mulf %scan3A_3242, %add3A_3645 : vector<16xf32>
      %xor3A_3647 = arith.constant 1 : i32
      %xor3A_3648 = vector.broadcast %xor3A_3647 : i32 to vector<16xi32>
      %xor3A_3649 = arith.xori %iota3A, %xor3A_3648 : vector<16xi32>
      %broadcast_in_dim3A_3650 = vector.shape_cast %xor3A_3649 : vector<16xi32> to vector<16x1xi32>
      %gather3A_3651 = vector.shape_cast %broadcast_in_dim3A_3650 : vector<16x1xi32> to vector<16xi32>
      %gather3A_3652 = tpu.dynamic_gather %mul3A_3646[%gather3A_3651] in [0] : vector<16xf32>, vector<16xi32> -> vector<16xf32>
      %add3A_3653 = arith.addf %mul3A_3646, %gather3A_3652 : vector<16xf32>
      %xor3A_3654 = arith.constant 2 : i32
      %xor3A_3655 = vector.broadcast %xor3A_3654 : i32 to vector<16xi32>
      %xor3A_3656 = arith.xori %iota3A, %xor3A_3655 : vector<16xi32>
      %broadcast_in_dim3A_3657 = vector.shape_cast %xor3A_3656 : vector<16xi32> to vector<16x1xi32>
      %gather3A_3658 = vector.shape_cast %broadcast_in_dim3A_3657 : vector<16x1xi32> to vector<16xi32>
      %gather3A_3659 = tpu.dynamic_gather %add3A_3653[%gather3A_3658] in [0] : vector<16xf32>, vector<16xi32> -> vector<16xf32>
      %add3A_3660 = arith.addf %add3A_3653, %gather3A_3659 : vector<16xf32>
      %xor3A_3661 = arith.constant 4 : i32
      %xor3A_3662 = vector.broadcast %xor3A_3661 : i32 to vector<16xi32>
      %xor3A_3663 = arith.xori %iota3A, %xor3A_3662 : vector<16xi32>
      %broadcast_in_dim3A_3664 = vector.shape_cast %xor3A_3663 : vector<16xi32> to vector<16x1xi32>
      %gather3A_3665 = vector.shape_cast %broadcast_in_dim3A_3664 : vector<16x1xi32> to vector<16xi32>
      %gather3A_3666 = tpu.dynamic_gather %add3A_3660[%gather3A_3665] in [0] : vector<16xf32>, vector<16xi32> -> vector<16xf32>
      %add3A_3667 = arith.addf %add3A_3660, %gather3A_3666 : vector<16xf32>
      %xor3A_3668 = arith.constant 8 : i32
      %xor3A_3669 = vector.broadcast %xor3A_3668 : i32 to vector<16xi32>
      %xor3A_3670 = arith.xori %iota3A, %xor3A_3669 : vector<16xi32>
      %broadcast_in_dim3A_3671 = vector.shape_cast %xor3A_3670 : vector<16xi32> to vector<16x1xi32>
      %gather3A_3672 = vector.shape_cast %broadcast_in_dim3A_3671 : vector<16x1xi32> to vector<16xi32>
      %gather3A_3673 = tpu.dynamic_gather %add3A_3667[%gather3A_3672] in [0] : vector<16xf32>, vector<16xi32> -> vector<16xf32>
      %add3A_3674 = arith.addf %add3A_3667, %gather3A_3673 : vector<16xf32>
      %max3A_3675 = arith.constant 1.000000e-30 : f32
      %max3A_3676 = vector.broadcast %max3A_3675 : f32 to vector<16xf32>
      %max3A_3677 = arith.maximumf %add3A_3674, %max3A_3676 : vector<16xf32>
      %bitcast_convert_type3A_3678 = tpu.bitcast %max3A_3677 : vector<16xf32> -> vector<16xi32>
      %shift_right_logical3A_3679 = arith.constant 1 : i32
      %shift_right_logical3A_3680 = vector.broadcast %shift_right_logical3A_3679 : i32 to vector<16xi32>
      %shift_right_logical3A_3681 = arith.shrui %bitcast_convert_type3A_3678, %shift_right_logical3A_3680 : vector<16xi32>
      %sub3A_3682 = arith.constant 1597463007 : i32
      %sub3A_3683 = vector.broadcast %sub3A_3682 : i32 to vector<16xi32>
      %sub3A_3684 = arith.subi %sub3A_3683, %shift_right_logical3A_3681 : vector<16xi32>
      %bitcast_convert_type3A_3685 = tpu.bitcast %sub3A_3684 : vector<16xi32> -> vector<16xf32>
      %mul3A_3686 = arith.constant 5.000000e-01 : f32
      %mul3A_3687 = vector.broadcast %mul3A_3686 : f32 to vector<16xf32>
      %mul3A_3688 = arith.mulf %mul3A_3687, %max3A_3677 : vector<16xf32>
      %mul3A_3689 = arith.mulf %mul3A_3688, %bitcast_convert_type3A_3685 : vector<16xf32>
      %mul3A_3690 = arith.mulf %mul3A_3689, %bitcast_convert_type3A_3685 : vector<16xf32>
      %sub3A_3691 = arith.constant 1.500000e+00 : f32
      %sub3A_3692 = vector.broadcast %sub3A_3691 : f32 to vector<16xf32>
      %sub3A_3693 = arith.subf %sub3A_3692, %mul3A_3690 : vector<16xf32>
      %mul3A_3694 = arith.mulf %bitcast_convert_type3A_3685, %sub3A_3693 : vector<16xf32>
      %mul3A_3695 = arith.constant 5.000000e-01 : f32
      %mul3A_3696 = vector.broadcast %mul3A_3695 : f32 to vector<16xf32>
      %mul3A_3697 = arith.mulf %mul3A_3696, %max3A_3677 : vector<16xf32>
      %mul3A_3698 = arith.mulf %mul3A_3697, %mul3A_3694 : vector<16xf32>
      %mul3A_3699 = arith.mulf %mul3A_3698, %mul3A_3694 : vector<16xf32>
      %sub3A_3700 = arith.constant 1.500000e+00 : f32
      %sub3A_3701 = vector.broadcast %sub3A_3700 : f32 to vector<16xf32>
      %sub3A_3702 = arith.subf %sub3A_3701, %mul3A_3699 : vector<16xf32>
      %mul3A_3703 = arith.mulf %mul3A_3694, %sub3A_3702 : vector<16xf32>
      %mul3A_3704 = arith.constant 5.000000e-01 : f32
      %mul3A_3705 = vector.broadcast %mul3A_3704 : f32 to vector<16xf32>
      %mul3A_3706 = arith.mulf %mul3A_3705, %max3A_3677 : vector<16xf32>
      %mul3A_3707 = arith.mulf %mul3A_3706, %mul3A_3703 : vector<16xf32>
      %mul3A_3708 = arith.mulf %mul3A_3707, %mul3A_3703 : vector<16xf32>
      %sub3A_3709 = arith.constant 1.500000e+00 : f32
      %sub3A_3710 = vector.broadcast %sub3A_3709 : f32 to vector<16xf32>
      %sub3A_3711 = arith.subf %sub3A_3710, %mul3A_3708 : vector<16xf32>
      %mul3A_3712 = arith.mulf %mul3A_3703, %sub3A_3711 : vector<16xf32>
      %mul3A_3713 = arith.mulf %max3A_3677, %mul3A_3712 : vector<16xf32>
      %add3A_3714 = arith.constant 9.99999993E-9 : f32
      %add3A_3715 = vector.broadcast %add3A_3714 : f32 to vector<16xf32>
      %add3A_3716 = arith.addf %mul3A_3713, %add3A_3715 : vector<16xf32>
      %div3A_3717 = arith.divf %add3A_3645, %add3A_3716 : vector<16xf32>
      %broadcast_in_dim3A_3718 = arith.constant 0.000000e+00 : f32
      %broadcast_in_dim3A_3719 = vector.broadcast %broadcast_in_dim3A_3718 : f32 to vector<16xf32>
      %broadcast_in_dim3A_3720 = arith.constant 0 : i32
      %broadcast_in_dim3A_3721 = vector.broadcast %broadcast_in_dim3A_3720 : i32 to vector<16xi32>
      %broadcast_in_dim3A_3722 = vector.shape_cast %broadcast_in_dim3A_3721 : vector<16xi32> to vector<16x1xi32>
      %gather3A_3723 = vector.shape_cast %broadcast_in_dim3A_3722 : vector<16x1xi32> to vector<16xi32>
      %gather3A_3724 = tpu.dynamic_gather %scan3A_3243[%gather3A_3723] in [0] : vector<16xf32>, vector<16xi32> -> vector<16xf32>
      %mul3A_3725 = arith.mulf %gather3A_3724, %get3A_20 : vector<16xf32>
      %add3A_3726 = arith.addf %broadcast_in_dim3A_3719, %mul3A_3725 : vector<16xf32>
      %broadcast_in_dim3A_3727 = arith.constant 1 : i32
      %broadcast_in_dim3A_3728 = vector.broadcast %broadcast_in_dim3A_3727 : i32 to vector<16xi32>
      %broadcast_in_dim3A_3729 = vector.shape_cast %broadcast_in_dim3A_3728 : vector<16xi32> to vector<16x1xi32>
      %gather3A_3730 = vector.shape_cast %broadcast_in_dim3A_3729 : vector<16x1xi32> to vector<16xi32>
      %gather3A_3731 = tpu.dynamic_gather %scan3A_3243[%gather3A_3730] in [0] : vector<16xf32>, vector<16xi32> -> vector<16xf32>
      %mul3A_3732 = arith.mulf %gather3A_3731, %get3A_25 : vector<16xf32>
      %add3A_3733 = arith.addf %add3A_3726, %mul3A_3732 : vector<16xf32>
      %broadcast_in_dim3A_3734 = arith.constant 2 : i32
      %broadcast_in_dim3A_3735 = vector.broadcast %broadcast_in_dim3A_3734 : i32 to vector<16xi32>
      %broadcast_in_dim3A_3736 = vector.shape_cast %broadcast_in_dim3A_3735 : vector<16xi32> to vector<16x1xi32>
      %gather3A_3737 = vector.shape_cast %broadcast_in_dim3A_3736 : vector<16x1xi32> to vector<16xi32>
      %gather3A_3738 = tpu.dynamic_gather %scan3A_3243[%gather3A_3737] in [0] : vector<16xf32>, vector<16xi32> -> vector<16xf32>
      %mul3A_3739 = arith.mulf %gather3A_3738, %get3A_30 : vector<16xf32>
      %add3A_3740 = arith.addf %add3A_3733, %mul3A_3739 : vector<16xf32>
      %broadcast_in_dim3A_3741 = arith.constant 3 : i32
      %broadcast_in_dim3A_3742 = vector.broadcast %broadcast_in_dim3A_3741 : i32 to vector<16xi32>
      %broadcast_in_dim3A_3743 = vector.shape_cast %broadcast_in_dim3A_3742 : vector<16xi32> to vector<16x1xi32>
      %gather3A_3744 = vector.shape_cast %broadcast_in_dim3A_3743 : vector<16x1xi32> to vector<16xi32>
      %gather3A_3745 = tpu.dynamic_gather %scan3A_3243[%gather3A_3744] in [0] : vector<16xf32>, vector<16xi32> -> vector<16xf32>
      %mul3A_3746 = arith.mulf %gather3A_3745, %get3A_35 : vector<16xf32>
      %add3A_3747 = arith.addf %add3A_3740, %mul3A_3746 : vector<16xf32>
      %broadcast_in_dim3A_3748 = arith.constant 4 : i32
      %broadcast_in_dim3A_3749 = vector.broadcast %broadcast_in_dim3A_3748 : i32 to vector<16xi32>
      %broadcast_in_dim3A_3750 = vector.shape_cast %broadcast_in_dim3A_3749 : vector<16xi32> to vector<16x1xi32>
      %gather3A_3751 = vector.shape_cast %broadcast_in_dim3A_3750 : vector<16x1xi32> to vector<16xi32>
      %gather3A_3752 = tpu.dynamic_gather %scan3A_3243[%gather3A_3751] in [0] : vector<16xf32>, vector<16xi32> -> vector<16xf32>
      %mul3A_3753 = arith.mulf %gather3A_3752, %get3A_40 : vector<16xf32>
      %add3A_3754 = arith.addf %add3A_3747, %mul3A_3753 : vector<16xf32>
      %broadcast_in_dim3A_3755 = arith.constant 5 : i32
      %broadcast_in_dim3A_3756 = vector.broadcast %broadcast_in_dim3A_3755 : i32 to vector<16xi32>
      %broadcast_in_dim3A_3757 = vector.shape_cast %broadcast_in_dim3A_3756 : vector<16xi32> to vector<16x1xi32>
      %gather3A_3758 = vector.shape_cast %broadcast_in_dim3A_3757 : vector<16x1xi32> to vector<16xi32>
      %gather3A_3759 = tpu.dynamic_gather %scan3A_3243[%gather3A_3758] in [0] : vector<16xf32>, vector<16xi32> -> vector<16xf32>
      %mul3A_3760 = arith.mulf %gather3A_3759, %get3A_45 : vector<16xf32>
      %add3A_3761 = arith.addf %add3A_3754, %mul3A_3760 : vector<16xf32>
      %broadcast_in_dim3A_3762 = arith.constant 6 : i32
      %broadcast_in_dim3A_3763 = vector.broadcast %broadcast_in_dim3A_3762 : i32 to vector<16xi32>
      %broadcast_in_dim3A_3764 = vector.shape_cast %broadcast_in_dim3A_3763 : vector<16xi32> to vector<16x1xi32>
      %gather3A_3765 = vector.shape_cast %broadcast_in_dim3A_3764 : vector<16x1xi32> to vector<16xi32>
      %gather3A_3766 = tpu.dynamic_gather %scan3A_3243[%gather3A_3765] in [0] : vector<16xf32>, vector<16xi32> -> vector<16xf32>
      %mul3A_3767 = arith.mulf %gather3A_3766, %get3A_50 : vector<16xf32>
      %add3A_3768 = arith.addf %add3A_3761, %mul3A_3767 : vector<16xf32>
      %broadcast_in_dim3A_3769 = arith.constant 7 : i32
      %broadcast_in_dim3A_3770 = vector.broadcast %broadcast_in_dim3A_3769 : i32 to vector<16xi32>
      %broadcast_in_dim3A_3771 = vector.shape_cast %broadcast_in_dim3A_3770 : vector<16xi32> to vector<16x1xi32>
      %gather3A_3772 = vector.shape_cast %broadcast_in_dim3A_3771 : vector<16x1xi32> to vector<16xi32>
      %gather3A_3773 = tpu.dynamic_gather %scan3A_3243[%gather3A_3772] in [0] : vector<16xf32>, vector<16xi32> -> vector<16xf32>
      %mul3A_3774 = arith.mulf %gather3A_3773, %get3A_55 : vector<16xf32>
      %add3A_3775 = arith.addf %add3A_3768, %mul3A_3774 : vector<16xf32>
      %broadcast_in_dim3A_3776 = arith.constant 8 : i32
      %broadcast_in_dim3A_3777 = vector.broadcast %broadcast_in_dim3A_3776 : i32 to vector<16xi32>
      %broadcast_in_dim3A_3778 = vector.shape_cast %broadcast_in_dim3A_3777 : vector<16xi32> to vector<16x1xi32>
      %gather3A_3779 = vector.shape_cast %broadcast_in_dim3A_3778 : vector<16x1xi32> to vector<16xi32>
      %gather3A_3780 = tpu.dynamic_gather %scan3A_3243[%gather3A_3779] in [0] : vector<16xf32>, vector<16xi32> -> vector<16xf32>
      %mul3A_3781 = arith.mulf %gather3A_3780, %get3A_60 : vector<16xf32>
      %add3A_3782 = arith.addf %add3A_3775, %mul3A_3781 : vector<16xf32>
      %broadcast_in_dim3A_3783 = arith.constant 9 : i32
      %broadcast_in_dim3A_3784 = vector.broadcast %broadcast_in_dim3A_3783 : i32 to vector<16xi32>
      %broadcast_in_dim3A_3785 = vector.shape_cast %broadcast_in_dim3A_3784 : vector<16xi32> to vector<16x1xi32>
      %gather3A_3786 = vector.shape_cast %broadcast_in_dim3A_3785 : vector<16x1xi32> to vector<16xi32>
      %gather3A_3787 = tpu.dynamic_gather %scan3A_3243[%gather3A_3786] in [0] : vector<16xf32>, vector<16xi32> -> vector<16xf32>
      %mul3A_3788 = arith.mulf %gather3A_3787, %get3A_65 : vector<16xf32>
      %add3A_3789 = arith.addf %add3A_3782, %mul3A_3788 : vector<16xf32>
      %broadcast_in_dim3A_3790 = arith.constant 10 : i32
      %broadcast_in_dim3A_3791 = vector.broadcast %broadcast_in_dim3A_3790 : i32 to vector<16xi32>
      %broadcast_in_dim3A_3792 = vector.shape_cast %broadcast_in_dim3A_3791 : vector<16xi32> to vector<16x1xi32>
      %gather3A_3793 = vector.shape_cast %broadcast_in_dim3A_3792 : vector<16x1xi32> to vector<16xi32>
      %gather3A_3794 = tpu.dynamic_gather %scan3A_3243[%gather3A_3793] in [0] : vector<16xf32>, vector<16xi32> -> vector<16xf32>
      %mul3A_3795 = arith.mulf %gather3A_3794, %get3A_70 : vector<16xf32>
      %add3A_3796 = arith.addf %add3A_3789, %mul3A_3795 : vector<16xf32>
      %broadcast_in_dim3A_3797 = arith.constant 11 : i32
      %broadcast_in_dim3A_3798 = vector.broadcast %broadcast_in_dim3A_3797 : i32 to vector<16xi32>
      %broadcast_in_dim3A_3799 = vector.shape_cast %broadcast_in_dim3A_3798 : vector<16xi32> to vector<16x1xi32>
      %gather3A_3800 = vector.shape_cast %broadcast_in_dim3A_3799 : vector<16x1xi32> to vector<16xi32>
      %gather3A_3801 = tpu.dynamic_gather %scan3A_3243[%gather3A_3800] in [0] : vector<16xf32>, vector<16xi32> -> vector<16xf32>
      %mul3A_3802 = arith.mulf %gather3A_3801, %get3A_75 : vector<16xf32>
      %add3A_3803 = arith.addf %add3A_3796, %mul3A_3802 : vector<16xf32>
      %mul3A_3804 = arith.mulf %scan3A_3243, %add3A_3803 : vector<16xf32>
      %xor3A_3805 = arith.constant 1 : i32
      %xor3A_3806 = vector.broadcast %xor3A_3805 : i32 to vector<16xi32>
      %xor3A_3807 = arith.xori %iota3A, %xor3A_3806 : vector<16xi32>
      %broadcast_in_dim3A_3808 = vector.shape_cast %xor3A_3807 : vector<16xi32> to vector<16x1xi32>
      %gather3A_3809 = vector.shape_cast %broadcast_in_dim3A_3808 : vector<16x1xi32> to vector<16xi32>
      %gather3A_3810 = tpu.dynamic_gather %mul3A_3804[%gather3A_3809] in [0] : vector<16xf32>, vector<16xi32> -> vector<16xf32>
      %add3A_3811 = arith.addf %mul3A_3804, %gather3A_3810 : vector<16xf32>
      %xor3A_3812 = arith.constant 2 : i32
      %xor3A_3813 = vector.broadcast %xor3A_3812 : i32 to vector<16xi32>
      %xor3A_3814 = arith.xori %iota3A, %xor3A_3813 : vector<16xi32>
      %broadcast_in_dim3A_3815 = vector.shape_cast %xor3A_3814 : vector<16xi32> to vector<16x1xi32>
      %gather3A_3816 = vector.shape_cast %broadcast_in_dim3A_3815 : vector<16x1xi32> to vector<16xi32>
      %gather3A_3817 = tpu.dynamic_gather %add3A_3811[%gather3A_3816] in [0] : vector<16xf32>, vector<16xi32> -> vector<16xf32>
      %add3A_3818 = arith.addf %add3A_3811, %gather3A_3817 : vector<16xf32>
      %xor3A_3819 = arith.constant 4 : i32
      %xor3A_3820 = vector.broadcast %xor3A_3819 : i32 to vector<16xi32>
      %xor3A_3821 = arith.xori %iota3A, %xor3A_3820 : vector<16xi32>
      %broadcast_in_dim3A_3822 = vector.shape_cast %xor3A_3821 : vector<16xi32> to vector<16x1xi32>
      %gather3A_3823 = vector.shape_cast %broadcast_in_dim3A_3822 : vector<16x1xi32> to vector<16xi32>
      %gather3A_3824 = tpu.dynamic_gather %add3A_3818[%gather3A_3823] in [0] : vector<16xf32>, vector<16xi32> -> vector<16xf32>
      %add3A_3825 = arith.addf %add3A_3818, %gather3A_3824 : vector<16xf32>
      %xor3A_3826 = arith.constant 8 : i32
      %xor3A_3827 = vector.broadcast %xor3A_3826 : i32 to vector<16xi32>
      %xor3A_3828 = arith.xori %iota3A, %xor3A_3827 : vector<16xi32>
      %broadcast_in_dim3A_3829 = vector.shape_cast %xor3A_3828 : vector<16xi32> to vector<16x1xi32>
      %gather3A_3830 = vector.shape_cast %broadcast_in_dim3A_3829 : vector<16x1xi32> to vector<16xi32>
      %gather3A_3831 = tpu.dynamic_gather %add3A_3825[%gather3A_3830] in [0] : vector<16xf32>, vector<16xi32> -> vector<16xf32>
      %add3A_3832 = arith.addf %add3A_3825, %gather3A_3831 : vector<16xf32>
      %max3A_3833 = arith.constant 1.000000e-30 : f32
      %max3A_3834 = vector.broadcast %max3A_3833 : f32 to vector<16xf32>
      %max3A_3835 = arith.maximumf %add3A_3832, %max3A_3834 : vector<16xf32>
      %bitcast_convert_type3A_3836 = tpu.bitcast %max3A_3835 : vector<16xf32> -> vector<16xi32>
      %shift_right_logical3A_3837 = arith.constant 1 : i32
      %shift_right_logical3A_3838 = vector.broadcast %shift_right_logical3A_3837 : i32 to vector<16xi32>
      %shift_right_logical3A_3839 = arith.shrui %bitcast_convert_type3A_3836, %shift_right_logical3A_3838 : vector<16xi32>
      %sub3A_3840 = arith.constant 1597463007 : i32
      %sub3A_3841 = vector.broadcast %sub3A_3840 : i32 to vector<16xi32>
      %sub3A_3842 = arith.subi %sub3A_3841, %shift_right_logical3A_3839 : vector<16xi32>
      %bitcast_convert_type3A_3843 = tpu.bitcast %sub3A_3842 : vector<16xi32> -> vector<16xf32>
      %mul3A_3844 = arith.constant 5.000000e-01 : f32
      %mul3A_3845 = vector.broadcast %mul3A_3844 : f32 to vector<16xf32>
      %mul3A_3846 = arith.mulf %mul3A_3845, %max3A_3835 : vector<16xf32>
      %mul3A_3847 = arith.mulf %mul3A_3846, %bitcast_convert_type3A_3843 : vector<16xf32>
      %mul3A_3848 = arith.mulf %mul3A_3847, %bitcast_convert_type3A_3843 : vector<16xf32>
      %sub3A_3849 = arith.constant 1.500000e+00 : f32
      %sub3A_3850 = vector.broadcast %sub3A_3849 : f32 to vector<16xf32>
      %sub3A_3851 = arith.subf %sub3A_3850, %mul3A_3848 : vector<16xf32>
      %mul3A_3852 = arith.mulf %bitcast_convert_type3A_3843, %sub3A_3851 : vector<16xf32>
      %mul3A_3853 = arith.constant 5.000000e-01 : f32
      %mul3A_3854 = vector.broadcast %mul3A_3853 : f32 to vector<16xf32>
      %mul3A_3855 = arith.mulf %mul3A_3854, %max3A_3835 : vector<16xf32>
      %mul3A_3856 = arith.mulf %mul3A_3855, %mul3A_3852 : vector<16xf32>
      %mul3A_3857 = arith.mulf %mul3A_3856, %mul3A_3852 : vector<16xf32>
      %sub3A_3858 = arith.constant 1.500000e+00 : f32
      %sub3A_3859 = vector.broadcast %sub3A_3858 : f32 to vector<16xf32>
      %sub3A_3860 = arith.subf %sub3A_3859, %mul3A_3857 : vector<16xf32>
      %mul3A_3861 = arith.mulf %mul3A_3852, %sub3A_3860 : vector<16xf32>
      %mul3A_3862 = arith.constant 5.000000e-01 : f32
      %mul3A_3863 = vector.broadcast %mul3A_3862 : f32 to vector<16xf32>
      %mul3A_3864 = arith.mulf %mul3A_3863, %max3A_3835 : vector<16xf32>
      %mul3A_3865 = arith.mulf %mul3A_3864, %mul3A_3861 : vector<16xf32>
      %mul3A_3866 = arith.mulf %mul3A_3865, %mul3A_3861 : vector<16xf32>
      %sub3A_3867 = arith.constant 1.500000e+00 : f32
      %sub3A_3868 = vector.broadcast %sub3A_3867 : f32 to vector<16xf32>
      %sub3A_3869 = arith.subf %sub3A_3868, %mul3A_3866 : vector<16xf32>
      %mul3A_3870 = arith.mulf %mul3A_3861, %sub3A_3869 : vector<16xf32>
      %mul3A_3871 = arith.mulf %max3A_3835, %mul3A_3870 : vector<16xf32>
      %add3A_3872 = arith.constant 9.99999993E-9 : f32
      %add3A_3873 = vector.broadcast %add3A_3872 : f32 to vector<16xf32>
      %add3A_3874 = arith.addf %mul3A_3871, %add3A_3873 : vector<16xf32>
      %div3A_3875 = arith.divf %add3A_3803, %add3A_3874 : vector<16xf32>
      %broadcast_in_dim3A_3876 = arith.constant 0 : i32
      %broadcast_in_dim3A_3877 = vector.broadcast %broadcast_in_dim3A_3876 : i32 to vector<16xi32>
      %gt3A_3878 = arith.cmpf ogt, %div3A_3559, %div3A_3401 : vector<16xf32>
      %select_n3A_3879 = arith.select %gt3A_3878, %div3A_3559, %div3A_3401 : vector<16xi1>, vector<16xf32>
      %broadcast_in_dim3A_3880 = arith.constant 1 : i32
      %broadcast_in_dim3A_3881 = vector.broadcast %broadcast_in_dim3A_3880 : i32 to vector<16xi32>
      %select_n3A_3882 = arith.select %gt3A_3878, %broadcast_in_dim3A_3881, %broadcast_in_dim3A_3877 : vector<16xi1>, vector<16xi32>
      %gt3A_3883 = arith.cmpf ogt, %div3A_3717, %select_n3A_3879 : vector<16xf32>
      %select_n3A_3884 = arith.select %gt3A_3883, %div3A_3717, %select_n3A_3879 : vector<16xi1>, vector<16xf32>
      %broadcast_in_dim3A_3885 = arith.constant 2 : i32
      %broadcast_in_dim3A_3886 = vector.broadcast %broadcast_in_dim3A_3885 : i32 to vector<16xi32>
      %select_n3A_3887 = arith.select %gt3A_3883, %broadcast_in_dim3A_3886, %select_n3A_3882 : vector<16xi1>, vector<16xi32>
      %gt3A_3888 = arith.cmpf ogt, %div3A_3875, %select_n3A_3884 : vector<16xf32>
      %select_n3A_3889 = arith.select %gt3A_3888, %div3A_3875, %select_n3A_3884 : vector<16xi1>, vector<16xf32>
      %broadcast_in_dim3A_3890 = arith.constant 3 : i32
      %broadcast_in_dim3A_3891 = vector.broadcast %broadcast_in_dim3A_3890 : i32 to vector<16xi32>
      %select_n3A_3892 = arith.select %gt3A_3888, %broadcast_in_dim3A_3891, %select_n3A_3887 : vector<16xi1>, vector<16xi32>
      %eq3A_3893 = arith.constant 0 : i32
      %eq3A_3894 = vector.broadcast %eq3A_3893 : i32 to vector<16xi32>
      %eq3A_3895 = arith.cmpi eq, %select_n3A_3892, %eq3A_3894 : vector<16xi32>
      %and3A_3896 = arith.andi %eq3A_3895, %lt3A_77 : vector<16xi1>
      %jit3A_3897 = arith.constant 1.000000e+00 : f32
      %jit3A_3898 = arith.constant 0.000000e+00 : f32
      %broadcast_in_dim3A_3899 = vector.broadcast %jit3A_3897 : f32 to vector<16xf32>
      %broadcast_in_dim3A_3900 = vector.broadcast %jit3A_3898 : f32 to vector<16xf32>
      %select_n3A_3901 = arith.select %and3A_3896, %broadcast_in_dim3A_3899, %broadcast_in_dim3A_3900 : vector<16xi1>, vector<16xf32>
      %xor3A_3902 = arith.constant 1 : i32
      %xor3A_3903 = vector.broadcast %xor3A_3902 : i32 to vector<16xi32>
      %xor3A_3904 = arith.xori %iota3A, %xor3A_3903 : vector<16xi32>
      %broadcast_in_dim3A_3905 = vector.shape_cast %xor3A_3904 : vector<16xi32> to vector<16x1xi32>
      %gather3A_3906 = vector.shape_cast %broadcast_in_dim3A_3905 : vector<16x1xi32> to vector<16xi32>
      %gather3A_3907 = tpu.dynamic_gather %select_n3A_3901[%gather3A_3906] in [0] : vector<16xf32>, vector<16xi32> -> vector<16xf32>
      %add3A_3908 = arith.addf %select_n3A_3901, %gather3A_3907 : vector<16xf32>
      %xor3A_3909 = arith.constant 2 : i32
      %xor3A_3910 = vector.broadcast %xor3A_3909 : i32 to vector<16xi32>
      %xor3A_3911 = arith.xori %iota3A, %xor3A_3910 : vector<16xi32>
      %broadcast_in_dim3A_3912 = vector.shape_cast %xor3A_3911 : vector<16xi32> to vector<16x1xi32>
      %gather3A_3913 = vector.shape_cast %broadcast_in_dim3A_3912 : vector<16x1xi32> to vector<16xi32>
      %gather3A_3914 = tpu.dynamic_gather %add3A_3908[%gather3A_3913] in [0] : vector<16xf32>, vector<16xi32> -> vector<16xf32>
      %add3A_3915 = arith.addf %add3A_3908, %gather3A_3914 : vector<16xf32>
      %xor3A_3916 = arith.constant 4 : i32
      %xor3A_3917 = vector.broadcast %xor3A_3916 : i32 to vector<16xi32>
      %xor3A_3918 = arith.xori %iota3A, %xor3A_3917 : vector<16xi32>
      %broadcast_in_dim3A_3919 = vector.shape_cast %xor3A_3918 : vector<16xi32> to vector<16x1xi32>
      %gather3A_3920 = vector.shape_cast %broadcast_in_dim3A_3919 : vector<16x1xi32> to vector<16xi32>
      %gather3A_3921 = tpu.dynamic_gather %add3A_3915[%gather3A_3920] in [0] : vector<16xf32>, vector<16xi32> -> vector<16xf32>
      %add3A_3922 = arith.addf %add3A_3915, %gather3A_3921 : vector<16xf32>
      %xor3A_3923 = arith.constant 8 : i32
      %xor3A_3924 = vector.broadcast %xor3A_3923 : i32 to vector<16xi32>
      %xor3A_3925 = arith.xori %iota3A, %xor3A_3924 : vector<16xi32>
      %broadcast_in_dim3A_3926 = vector.shape_cast %xor3A_3925 : vector<16xi32> to vector<16x1xi32>
      %gather3A_3927 = vector.shape_cast %broadcast_in_dim3A_3926 : vector<16x1xi32> to vector<16xi32>
      %gather3A_3928 = tpu.dynamic_gather %add3A_3922[%gather3A_3927] in [0] : vector<16xf32>, vector<16xi32> -> vector<16xf32>
      %add3A_3929 = arith.addf %add3A_3922, %gather3A_3928 : vector<16xf32>
      %max3A_3930 = arith.constant 1.000000e+00 : f32
      %max3A_3931 = vector.broadcast %max3A_3930 : f32 to vector<16xf32>
      %max3A_3932 = arith.maximumf %add3A_3929, %max3A_3931 : vector<16xf32>
      %gt3A_3933 = arith.constant 5.000000e-01 : f32
      %gt3A_3934 = vector.broadcast %gt3A_3933 : f32 to vector<16xf32>
      %gt3A_3935 = arith.cmpf ogt, %add3A_3929, %gt3A_3934 : vector<16xf32>
      %div3A_3936 = arith.divf %select_n3A_3901, %max3A_3932 : vector<16xf32>
      %select_n3A_3937 = arith.select %gt3A_3935, %div3A_3936, %scan3A_3240 : vector<16xi1>, vector<16xf32>
      %eq3A_3938 = arith.constant 1 : i32
      %eq3A_3939 = vector.broadcast %eq3A_3938 : i32 to vector<16xi32>
      %eq3A_3940 = arith.cmpi eq, %select_n3A_3892, %eq3A_3939 : vector<16xi32>
      %and3A_3941 = arith.andi %eq3A_3940, %lt3A_77 : vector<16xi1>
      %jit3A_3942 = arith.constant 1.000000e+00 : f32
      %jit3A_3943 = arith.constant 0.000000e+00 : f32
      %broadcast_in_dim3A_3944 = vector.broadcast %jit3A_3942 : f32 to vector<16xf32>
      %broadcast_in_dim3A_3945 = vector.broadcast %jit3A_3943 : f32 to vector<16xf32>
      %select_n3A_3946 = arith.select %and3A_3941, %broadcast_in_dim3A_3944, %broadcast_in_dim3A_3945 : vector<16xi1>, vector<16xf32>
      %xor3A_3947 = arith.constant 1 : i32
      %xor3A_3948 = vector.broadcast %xor3A_3947 : i32 to vector<16xi32>
      %xor3A_3949 = arith.xori %iota3A, %xor3A_3948 : vector<16xi32>
      %broadcast_in_dim3A_3950 = vector.shape_cast %xor3A_3949 : vector<16xi32> to vector<16x1xi32>
      %gather3A_3951 = vector.shape_cast %broadcast_in_dim3A_3950 : vector<16x1xi32> to vector<16xi32>
      %gather3A_3952 = tpu.dynamic_gather %select_n3A_3946[%gather3A_3951] in [0] : vector<16xf32>, vector<16xi32> -> vector<16xf32>
      %add3A_3953 = arith.addf %select_n3A_3946, %gather3A_3952 : vector<16xf32>
      %xor3A_3954 = arith.constant 2 : i32
      %xor3A_3955 = vector.broadcast %xor3A_3954 : i32 to vector<16xi32>
      %xor3A_3956 = arith.xori %iota3A, %xor3A_3955 : vector<16xi32>
      %broadcast_in_dim3A_3957 = vector.shape_cast %xor3A_3956 : vector<16xi32> to vector<16x1xi32>
      %gather3A_3958 = vector.shape_cast %broadcast_in_dim3A_3957 : vector<16x1xi32> to vector<16xi32>
      %gather3A_3959 = tpu.dynamic_gather %add3A_3953[%gather3A_3958] in [0] : vector<16xf32>, vector<16xi32> -> vector<16xf32>
      %add3A_3960 = arith.addf %add3A_3953, %gather3A_3959 : vector<16xf32>
      %xor3A_3961 = arith.constant 4 : i32
      %xor3A_3962 = vector.broadcast %xor3A_3961 : i32 to vector<16xi32>
      %xor3A_3963 = arith.xori %iota3A, %xor3A_3962 : vector<16xi32>
      %broadcast_in_dim3A_3964 = vector.shape_cast %xor3A_3963 : vector<16xi32> to vector<16x1xi32>
      %gather3A_3965 = vector.shape_cast %broadcast_in_dim3A_3964 : vector<16x1xi32> to vector<16xi32>
      %gather3A_3966 = tpu.dynamic_gather %add3A_3960[%gather3A_3965] in [0] : vector<16xf32>, vector<16xi32> -> vector<16xf32>
      %add3A_3967 = arith.addf %add3A_3960, %gather3A_3966 : vector<16xf32>
      %xor3A_3968 = arith.constant 8 : i32
      %xor3A_3969 = vector.broadcast %xor3A_3968 : i32 to vector<16xi32>
      %xor3A_3970 = arith.xori %iota3A, %xor3A_3969 : vector<16xi32>
      %broadcast_in_dim3A_3971 = vector.shape_cast %xor3A_3970 : vector<16xi32> to vector<16x1xi32>
      %gather3A_3972 = vector.shape_cast %broadcast_in_dim3A_3971 : vector<16x1xi32> to vector<16xi32>
      %gather3A_3973 = tpu.dynamic_gather %add3A_3967[%gather3A_3972] in [0] : vector<16xf32>, vector<16xi32> -> vector<16xf32>
      %add3A_3974 = arith.addf %add3A_3967, %gather3A_3973 : vector<16xf32>
      %max3A_3975 = arith.constant 1.000000e+00 : f32
      %max3A_3976 = vector.broadcast %max3A_3975 : f32 to vector<16xf32>
      %max3A_3977 = arith.maximumf %add3A_3974, %max3A_3976 : vector<16xf32>
      %gt3A_3978 = arith.constant 5.000000e-01 : f32
      %gt3A_3979 = vector.broadcast %gt3A_3978 : f32 to vector<16xf32>
      %gt3A_3980 = arith.cmpf ogt, %add3A_3974, %gt3A_3979 : vector<16xf32>
      %div3A_3981 = arith.divf %select_n3A_3946, %max3A_3977 : vector<16xf32>
      %select_n3A_3982 = arith.select %gt3A_3980, %div3A_3981, %scan3A_3241 : vector<16xi1>, vector<16xf32>
      %eq3A_3983 = arith.constant 2 : i32
      %eq3A_3984 = vector.broadcast %eq3A_3983 : i32 to vector<16xi32>
      %eq3A_3985 = arith.cmpi eq, %select_n3A_3892, %eq3A_3984 : vector<16xi32>
      %and3A_3986 = arith.andi %eq3A_3985, %lt3A_77 : vector<16xi1>
      %jit3A_3987 = arith.constant 1.000000e+00 : f32
      %jit3A_3988 = arith.constant 0.000000e+00 : f32
      %broadcast_in_dim3A_3989 = vector.broadcast %jit3A_3987 : f32 to vector<16xf32>
      %broadcast_in_dim3A_3990 = vector.broadcast %jit3A_3988 : f32 to vector<16xf32>
      %select_n3A_3991 = arith.select %and3A_3986, %broadcast_in_dim3A_3989, %broadcast_in_dim3A_3990 : vector<16xi1>, vector<16xf32>
      %xor3A_3992 = arith.constant 1 : i32
      %xor3A_3993 = vector.broadcast %xor3A_3992 : i32 to vector<16xi32>
      %xor3A_3994 = arith.xori %iota3A, %xor3A_3993 : vector<16xi32>
      %broadcast_in_dim3A_3995 = vector.shape_cast %xor3A_3994 : vector<16xi32> to vector<16x1xi32>
      %gather3A_3996 = vector.shape_cast %broadcast_in_dim3A_3995 : vector<16x1xi32> to vector<16xi32>
      %gather3A_3997 = tpu.dynamic_gather %select_n3A_3991[%gather3A_3996] in [0] : vector<16xf32>, vector<16xi32> -> vector<16xf32>
      %add3A_3998 = arith.addf %select_n3A_3991, %gather3A_3997 : vector<16xf32>
      %xor3A_3999 = arith.constant 2 : i32
      %xor3A_4000 = vector.broadcast %xor3A_3999 : i32 to vector<16xi32>
      %xor3A_4001 = arith.xori %iota3A, %xor3A_4000 : vector<16xi32>
      %broadcast_in_dim3A_4002 = vector.shape_cast %xor3A_4001 : vector<16xi32> to vector<16x1xi32>
      %gather3A_4003 = vector.shape_cast %broadcast_in_dim3A_4002 : vector<16x1xi32> to vector<16xi32>
      %gather3A_4004 = tpu.dynamic_gather %add3A_3998[%gather3A_4003] in [0] : vector<16xf32>, vector<16xi32> -> vector<16xf32>
      %add3A_4005 = arith.addf %add3A_3998, %gather3A_4004 : vector<16xf32>
      %xor3A_4006 = arith.constant 4 : i32
      %xor3A_4007 = vector.broadcast %xor3A_4006 : i32 to vector<16xi32>
      %xor3A_4008 = arith.xori %iota3A, %xor3A_4007 : vector<16xi32>
      %broadcast_in_dim3A_4009 = vector.shape_cast %xor3A_4008 : vector<16xi32> to vector<16x1xi32>
      %gather3A_4010 = vector.shape_cast %broadcast_in_dim3A_4009 : vector<16x1xi32> to vector<16xi32>
      %gather3A_4011 = tpu.dynamic_gather %add3A_4005[%gather3A_4010] in [0] : vector<16xf32>, vector<16xi32> -> vector<16xf32>
      %add3A_4012 = arith.addf %add3A_4005, %gather3A_4011 : vector<16xf32>
      %xor3A_4013 = arith.constant 8 : i32
      %xor3A_4014 = vector.broadcast %xor3A_4013 : i32 to vector<16xi32>
      %xor3A_4015 = arith.xori %iota3A, %xor3A_4014 : vector<16xi32>
      %broadcast_in_dim3A_4016 = vector.shape_cast %xor3A_4015 : vector<16xi32> to vector<16x1xi32>
      %gather3A_4017 = vector.shape_cast %broadcast_in_dim3A_4016 : vector<16x1xi32> to vector<16xi32>
      %gather3A_4018 = tpu.dynamic_gather %add3A_4012[%gather3A_4017] in [0] : vector<16xf32>, vector<16xi32> -> vector<16xf32>
      %add3A_4019 = arith.addf %add3A_4012, %gather3A_4018 : vector<16xf32>
      %max3A_4020 = arith.constant 1.000000e+00 : f32
      %max3A_4021 = vector.broadcast %max3A_4020 : f32 to vector<16xf32>
      %max3A_4022 = arith.maximumf %add3A_4019, %max3A_4021 : vector<16xf32>
      %gt3A_4023 = arith.constant 5.000000e-01 : f32
      %gt3A_4024 = vector.broadcast %gt3A_4023 : f32 to vector<16xf32>
      %gt3A_4025 = arith.cmpf ogt, %add3A_4019, %gt3A_4024 : vector<16xf32>
      %div3A_4026 = arith.divf %select_n3A_3991, %max3A_4022 : vector<16xf32>
      %select_n3A_4027 = arith.select %gt3A_4025, %div3A_4026, %scan3A_3242 : vector<16xi1>, vector<16xf32>
      %eq3A_4028 = arith.constant 3 : i32
      %eq3A_4029 = vector.broadcast %eq3A_4028 : i32 to vector<16xi32>
      %eq3A_4030 = arith.cmpi eq, %select_n3A_3892, %eq3A_4029 : vector<16xi32>
      %and3A_4031 = arith.andi %eq3A_4030, %lt3A_77 : vector<16xi1>
      %jit3A_4032 = arith.constant 1.000000e+00 : f32
      %jit3A_4033 = arith.constant 0.000000e+00 : f32
      %broadcast_in_dim3A_4034 = vector.broadcast %jit3A_4032 : f32 to vector<16xf32>
      %broadcast_in_dim3A_4035 = vector.broadcast %jit3A_4033 : f32 to vector<16xf32>
      %select_n3A_4036 = arith.select %and3A_4031, %broadcast_in_dim3A_4034, %broadcast_in_dim3A_4035 : vector<16xi1>, vector<16xf32>
      %xor3A_4037 = arith.constant 1 : i32
      %xor3A_4038 = vector.broadcast %xor3A_4037 : i32 to vector<16xi32>
      %xor3A_4039 = arith.xori %iota3A, %xor3A_4038 : vector<16xi32>
      %broadcast_in_dim3A_4040 = vector.shape_cast %xor3A_4039 : vector<16xi32> to vector<16x1xi32>
      %gather3A_4041 = vector.shape_cast %broadcast_in_dim3A_4040 : vector<16x1xi32> to vector<16xi32>
      %gather3A_4042 = tpu.dynamic_gather %select_n3A_4036[%gather3A_4041] in [0] : vector<16xf32>, vector<16xi32> -> vector<16xf32>
      %add3A_4043 = arith.addf %select_n3A_4036, %gather3A_4042 : vector<16xf32>
      %xor3A_4044 = arith.constant 2 : i32
      %xor3A_4045 = vector.broadcast %xor3A_4044 : i32 to vector<16xi32>
      %xor3A_4046 = arith.xori %iota3A, %xor3A_4045 : vector<16xi32>
      %broadcast_in_dim3A_4047 = vector.shape_cast %xor3A_4046 : vector<16xi32> to vector<16x1xi32>
      %gather3A_4048 = vector.shape_cast %broadcast_in_dim3A_4047 : vector<16x1xi32> to vector<16xi32>
      %gather3A_4049 = tpu.dynamic_gather %add3A_4043[%gather3A_4048] in [0] : vector<16xf32>, vector<16xi32> -> vector<16xf32>
      %add3A_4050 = arith.addf %add3A_4043, %gather3A_4049 : vector<16xf32>
      %xor3A_4051 = arith.constant 4 : i32
      %xor3A_4052 = vector.broadcast %xor3A_4051 : i32 to vector<16xi32>
      %xor3A_4053 = arith.xori %iota3A, %xor3A_4052 : vector<16xi32>
      %broadcast_in_dim3A_4054 = vector.shape_cast %xor3A_4053 : vector<16xi32> to vector<16x1xi32>
      %gather3A_4055 = vector.shape_cast %broadcast_in_dim3A_4054 : vector<16x1xi32> to vector<16xi32>
      %gather3A_4056 = tpu.dynamic_gather %add3A_4050[%gather3A_4055] in [0] : vector<16xf32>, vector<16xi32> -> vector<16xf32>
      %add3A_4057 = arith.addf %add3A_4050, %gather3A_4056 : vector<16xf32>
      %xor3A_4058 = arith.constant 8 : i32
      %xor3A_4059 = vector.broadcast %xor3A_4058 : i32 to vector<16xi32>
      %xor3A_4060 = arith.xori %iota3A, %xor3A_4059 : vector<16xi32>
      %broadcast_in_dim3A_4061 = vector.shape_cast %xor3A_4060 : vector<16xi32> to vector<16x1xi32>
      %gather3A_4062 = vector.shape_cast %broadcast_in_dim3A_4061 : vector<16x1xi32> to vector<16xi32>
      %gather3A_4063 = tpu.dynamic_gather %add3A_4057[%gather3A_4062] in [0] : vector<16xf32>, vector<16xi32> -> vector<16xf32>
      %add3A_4064 = arith.addf %add3A_4057, %gather3A_4063 : vector<16xf32>
      %max3A_4065 = arith.constant 1.000000e+00 : f32
      %max3A_4066 = vector.broadcast %max3A_4065 : f32 to vector<16xf32>
      %max3A_4067 = arith.maximumf %add3A_4064, %max3A_4066 : vector<16xf32>
      %gt3A_4068 = arith.constant 5.000000e-01 : f32
      %gt3A_4069 = vector.broadcast %gt3A_4068 : f32 to vector<16xf32>
      %gt3A_4070 = arith.cmpf ogt, %add3A_4064, %gt3A_4069 : vector<16xf32>
      %div3A_4071 = arith.divf %select_n3A_4036, %max3A_4067 : vector<16xf32>
      %select_n3A_4072 = arith.select %gt3A_4070, %div3A_4071, %scan3A_3243 : vector<16xi1>, vector<16xf32>
      scf.yield %select_n3A_3937, %select_n3A_3982, %select_n3A_4027, %select_n3A_4072 : vector<16xf32>, vector<16xf32>, vector<16xf32>, vector<16xf32>
    }
    %scan3A_100 = arith.constant 10 : i32
    %broadcast_in_dim3A_101 = arith.constant 0.000000e+00 : f32
    %broadcast_in_dim3A_102 = vector.broadcast %broadcast_in_dim3A_101 : f32 to vector<16xf32>
    %broadcast_in_dim3A_103 = arith.constant 0 : i32
    %broadcast_in_dim3A_104 = vector.broadcast %broadcast_in_dim3A_103 : i32 to vector<16xi32>
    %broadcast_in_dim3A_105 = vector.shape_cast %broadcast_in_dim3A_104 : vector<16xi32> to vector<16x1xi32>
    %gather3A = vector.shape_cast %broadcast_in_dim3A_105 : vector<16x1xi32> to vector<16xi32>
    %gather3A_106 = tpu.dynamic_gather %scan3A_99#0[%gather3A] in [0] : vector<16xf32>, vector<16xi32> -> vector<16xf32>
    %mul3A_107 = arith.mulf %gather3A_106, %get3A_20 : vector<16xf32>
    %add3A_108 = arith.addf %broadcast_in_dim3A_102, %mul3A_107 : vector<16xf32>
    %broadcast_in_dim3A_109 = arith.constant 1 : i32
    %broadcast_in_dim3A_110 = vector.broadcast %broadcast_in_dim3A_109 : i32 to vector<16xi32>
    %broadcast_in_dim3A_111 = vector.shape_cast %broadcast_in_dim3A_110 : vector<16xi32> to vector<16x1xi32>
    %gather3A_112 = vector.shape_cast %broadcast_in_dim3A_111 : vector<16x1xi32> to vector<16xi32>
    %gather3A_113 = tpu.dynamic_gather %scan3A_99#0[%gather3A_112] in [0] : vector<16xf32>, vector<16xi32> -> vector<16xf32>
    %mul3A_114 = arith.mulf %gather3A_113, %get3A_25 : vector<16xf32>
    %add3A_115 = arith.addf %add3A_108, %mul3A_114 : vector<16xf32>
    %broadcast_in_dim3A_116 = arith.constant 2 : i32
    %broadcast_in_dim3A_117 = vector.broadcast %broadcast_in_dim3A_116 : i32 to vector<16xi32>
    %broadcast_in_dim3A_118 = vector.shape_cast %broadcast_in_dim3A_117 : vector<16xi32> to vector<16x1xi32>
    %gather3A_119 = vector.shape_cast %broadcast_in_dim3A_118 : vector<16x1xi32> to vector<16xi32>
    %gather3A_120 = tpu.dynamic_gather %scan3A_99#0[%gather3A_119] in [0] : vector<16xf32>, vector<16xi32> -> vector<16xf32>
    %mul3A_121 = arith.mulf %gather3A_120, %get3A_30 : vector<16xf32>
    %add3A_122 = arith.addf %add3A_115, %mul3A_121 : vector<16xf32>
    %broadcast_in_dim3A_123 = arith.constant 3 : i32
    %broadcast_in_dim3A_124 = vector.broadcast %broadcast_in_dim3A_123 : i32 to vector<16xi32>
    %broadcast_in_dim3A_125 = vector.shape_cast %broadcast_in_dim3A_124 : vector<16xi32> to vector<16x1xi32>
    %gather3A_126 = vector.shape_cast %broadcast_in_dim3A_125 : vector<16x1xi32> to vector<16xi32>
    %gather3A_127 = tpu.dynamic_gather %scan3A_99#0[%gather3A_126] in [0] : vector<16xf32>, vector<16xi32> -> vector<16xf32>
    %mul3A_128 = arith.mulf %gather3A_127, %get3A_35 : vector<16xf32>
    %add3A_129 = arith.addf %add3A_122, %mul3A_128 : vector<16xf32>
    %broadcast_in_dim3A_130 = arith.constant 4 : i32
    %broadcast_in_dim3A_131 = vector.broadcast %broadcast_in_dim3A_130 : i32 to vector<16xi32>
    %broadcast_in_dim3A_132 = vector.shape_cast %broadcast_in_dim3A_131 : vector<16xi32> to vector<16x1xi32>
    %gather3A_133 = vector.shape_cast %broadcast_in_dim3A_132 : vector<16x1xi32> to vector<16xi32>
    %gather3A_134 = tpu.dynamic_gather %scan3A_99#0[%gather3A_133] in [0] : vector<16xf32>, vector<16xi32> -> vector<16xf32>
    %mul3A_135 = arith.mulf %gather3A_134, %get3A_40 : vector<16xf32>
    %add3A_136 = arith.addf %add3A_129, %mul3A_135 : vector<16xf32>
    %broadcast_in_dim3A_137 = arith.constant 5 : i32
    %broadcast_in_dim3A_138 = vector.broadcast %broadcast_in_dim3A_137 : i32 to vector<16xi32>
    %broadcast_in_dim3A_139 = vector.shape_cast %broadcast_in_dim3A_138 : vector<16xi32> to vector<16x1xi32>
    %gather3A_140 = vector.shape_cast %broadcast_in_dim3A_139 : vector<16x1xi32> to vector<16xi32>
    %gather3A_141 = tpu.dynamic_gather %scan3A_99#0[%gather3A_140] in [0] : vector<16xf32>, vector<16xi32> -> vector<16xf32>
    %mul3A_142 = arith.mulf %gather3A_141, %get3A_45 : vector<16xf32>
    %add3A_143 = arith.addf %add3A_136, %mul3A_142 : vector<16xf32>
    %broadcast_in_dim3A_144 = arith.constant 6 : i32
    %broadcast_in_dim3A_145 = vector.broadcast %broadcast_in_dim3A_144 : i32 to vector<16xi32>
    %broadcast_in_dim3A_146 = vector.shape_cast %broadcast_in_dim3A_145 : vector<16xi32> to vector<16x1xi32>
    %gather3A_147 = vector.shape_cast %broadcast_in_dim3A_146 : vector<16x1xi32> to vector<16xi32>
    %gather3A_148 = tpu.dynamic_gather %scan3A_99#0[%gather3A_147] in [0] : vector<16xf32>, vector<16xi32> -> vector<16xf32>
    %mul3A_149 = arith.mulf %gather3A_148, %get3A_50 : vector<16xf32>
    %add3A_150 = arith.addf %add3A_143, %mul3A_149 : vector<16xf32>
    %broadcast_in_dim3A_151 = arith.constant 7 : i32
    %broadcast_in_dim3A_152 = vector.broadcast %broadcast_in_dim3A_151 : i32 to vector<16xi32>
    %broadcast_in_dim3A_153 = vector.shape_cast %broadcast_in_dim3A_152 : vector<16xi32> to vector<16x1xi32>
    %gather3A_154 = vector.shape_cast %broadcast_in_dim3A_153 : vector<16x1xi32> to vector<16xi32>
    %gather3A_155 = tpu.dynamic_gather %scan3A_99#0[%gather3A_154] in [0] : vector<16xf32>, vector<16xi32> -> vector<16xf32>
    %mul3A_156 = arith.mulf %gather3A_155, %get3A_55 : vector<16xf32>
    %add3A_157 = arith.addf %add3A_150, %mul3A_156 : vector<16xf32>
    %broadcast_in_dim3A_158 = arith.constant 8 : i32
    %broadcast_in_dim3A_159 = vector.broadcast %broadcast_in_dim3A_158 : i32 to vector<16xi32>
    %broadcast_in_dim3A_160 = vector.shape_cast %broadcast_in_dim3A_159 : vector<16xi32> to vector<16x1xi32>
    %gather3A_161 = vector.shape_cast %broadcast_in_dim3A_160 : vector<16x1xi32> to vector<16xi32>
    %gather3A_162 = tpu.dynamic_gather %scan3A_99#0[%gather3A_161] in [0] : vector<16xf32>, vector<16xi32> -> vector<16xf32>
    %mul3A_163 = arith.mulf %gather3A_162, %get3A_60 : vector<16xf32>
    %add3A_164 = arith.addf %add3A_157, %mul3A_163 : vector<16xf32>
    %broadcast_in_dim3A_165 = arith.constant 9 : i32
    %broadcast_in_dim3A_166 = vector.broadcast %broadcast_in_dim3A_165 : i32 to vector<16xi32>
    %broadcast_in_dim3A_167 = vector.shape_cast %broadcast_in_dim3A_166 : vector<16xi32> to vector<16x1xi32>
    %gather3A_168 = vector.shape_cast %broadcast_in_dim3A_167 : vector<16x1xi32> to vector<16xi32>
    %gather3A_169 = tpu.dynamic_gather %scan3A_99#0[%gather3A_168] in [0] : vector<16xf32>, vector<16xi32> -> vector<16xf32>
    %mul3A_170 = arith.mulf %gather3A_169, %get3A_65 : vector<16xf32>
    %add3A_171 = arith.addf %add3A_164, %mul3A_170 : vector<16xf32>
    %broadcast_in_dim3A_172 = arith.constant 10 : i32
    %broadcast_in_dim3A_173 = vector.broadcast %broadcast_in_dim3A_172 : i32 to vector<16xi32>
    %broadcast_in_dim3A_174 = vector.shape_cast %broadcast_in_dim3A_173 : vector<16xi32> to vector<16x1xi32>
    %gather3A_175 = vector.shape_cast %broadcast_in_dim3A_174 : vector<16x1xi32> to vector<16xi32>
    %gather3A_176 = tpu.dynamic_gather %scan3A_99#0[%gather3A_175] in [0] : vector<16xf32>, vector<16xi32> -> vector<16xf32>
    %mul3A_177 = arith.mulf %gather3A_176, %get3A_70 : vector<16xf32>
    %add3A_178 = arith.addf %add3A_171, %mul3A_177 : vector<16xf32>
    %broadcast_in_dim3A_179 = arith.constant 11 : i32
    %broadcast_in_dim3A_180 = vector.broadcast %broadcast_in_dim3A_179 : i32 to vector<16xi32>
    %broadcast_in_dim3A_181 = vector.shape_cast %broadcast_in_dim3A_180 : vector<16xi32> to vector<16x1xi32>
    %gather3A_182 = vector.shape_cast %broadcast_in_dim3A_181 : vector<16x1xi32> to vector<16xi32>
    %gather3A_183 = tpu.dynamic_gather %scan3A_99#0[%gather3A_182] in [0] : vector<16xf32>, vector<16xi32> -> vector<16xf32>
    %mul3A_184 = arith.mulf %gather3A_183, %get3A_75 : vector<16xf32>
    %add3A_185 = arith.addf %add3A_178, %mul3A_184 : vector<16xf32>
    %mul3A_186 = arith.mulf %scan3A_99#0, %add3A_185 : vector<16xf32>
    %xor3A = arith.constant 1 : i32
    %xor3A_187 = vector.broadcast %xor3A : i32 to vector<16xi32>
    %xor3A_188 = arith.xori %iota3A, %xor3A_187 : vector<16xi32>
    %broadcast_in_dim3A_189 = vector.shape_cast %xor3A_188 : vector<16xi32> to vector<16x1xi32>
    %gather3A_190 = vector.shape_cast %broadcast_in_dim3A_189 : vector<16x1xi32> to vector<16xi32>
    %gather3A_191 = tpu.dynamic_gather %mul3A_186[%gather3A_190] in [0] : vector<16xf32>, vector<16xi32> -> vector<16xf32>
    %add3A_192 = arith.addf %mul3A_186, %gather3A_191 : vector<16xf32>
    %xor3A_193 = arith.constant 2 : i32
    %xor3A_194 = vector.broadcast %xor3A_193 : i32 to vector<16xi32>
    %xor3A_195 = arith.xori %iota3A, %xor3A_194 : vector<16xi32>
    %broadcast_in_dim3A_196 = vector.shape_cast %xor3A_195 : vector<16xi32> to vector<16x1xi32>
    %gather3A_197 = vector.shape_cast %broadcast_in_dim3A_196 : vector<16x1xi32> to vector<16xi32>
    %gather3A_198 = tpu.dynamic_gather %add3A_192[%gather3A_197] in [0] : vector<16xf32>, vector<16xi32> -> vector<16xf32>
    %add3A_199 = arith.addf %add3A_192, %gather3A_198 : vector<16xf32>
    %xor3A_200 = arith.constant 4 : i32
    %xor3A_201 = vector.broadcast %xor3A_200 : i32 to vector<16xi32>
    %xor3A_202 = arith.xori %iota3A, %xor3A_201 : vector<16xi32>
    %broadcast_in_dim3A_203 = vector.shape_cast %xor3A_202 : vector<16xi32> to vector<16x1xi32>
    %gather3A_204 = vector.shape_cast %broadcast_in_dim3A_203 : vector<16x1xi32> to vector<16xi32>
    %gather3A_205 = tpu.dynamic_gather %add3A_199[%gather3A_204] in [0] : vector<16xf32>, vector<16xi32> -> vector<16xf32>
    %add3A_206 = arith.addf %add3A_199, %gather3A_205 : vector<16xf32>
    %xor3A_207 = arith.constant 8 : i32
    %xor3A_208 = vector.broadcast %xor3A_207 : i32 to vector<16xi32>
    %xor3A_209 = arith.xori %iota3A, %xor3A_208 : vector<16xi32>
    %broadcast_in_dim3A_210 = vector.shape_cast %xor3A_209 : vector<16xi32> to vector<16x1xi32>
    %gather3A_211 = vector.shape_cast %broadcast_in_dim3A_210 : vector<16x1xi32> to vector<16xi32>
    %gather3A_212 = tpu.dynamic_gather %add3A_206[%gather3A_211] in [0] : vector<16xf32>, vector<16xi32> -> vector<16xf32>
    %add3A_213 = arith.addf %add3A_206, %gather3A_212 : vector<16xf32>
    %max3A = arith.constant 1.000000e-30 : f32
    %max3A_214 = vector.broadcast %max3A : f32 to vector<16xf32>
    %max3A_215 = arith.maximumf %add3A_213, %max3A_214 : vector<16xf32>
    %bitcast_convert_type3A = tpu.bitcast %max3A_215 : vector<16xf32> -> vector<16xi32>
    %shift_right_logical3A = arith.constant 1 : i32
    %shift_right_logical3A_216 = vector.broadcast %shift_right_logical3A : i32 to vector<16xi32>
    %shift_right_logical3A_217 = arith.shrui %bitcast_convert_type3A, %shift_right_logical3A_216 : vector<16xi32>
    %sub3A_218 = arith.constant 1597463007 : i32
    %sub3A_219 = vector.broadcast %sub3A_218 : i32 to vector<16xi32>
    %sub3A_220 = arith.subi %sub3A_219, %shift_right_logical3A_217 : vector<16xi32>
    %bitcast_convert_type3A_221 = tpu.bitcast %sub3A_220 : vector<16xi32> -> vector<16xf32>
    %mul3A_222 = arith.constant 5.000000e-01 : f32
    %mul3A_223 = vector.broadcast %mul3A_222 : f32 to vector<16xf32>
    %mul3A_224 = arith.mulf %mul3A_223, %max3A_215 : vector<16xf32>
    %mul3A_225 = arith.mulf %mul3A_224, %bitcast_convert_type3A_221 : vector<16xf32>
    %mul3A_226 = arith.mulf %mul3A_225, %bitcast_convert_type3A_221 : vector<16xf32>
    %sub3A_227 = arith.constant 1.500000e+00 : f32
    %sub3A_228 = vector.broadcast %sub3A_227 : f32 to vector<16xf32>
    %sub3A_229 = arith.subf %sub3A_228, %mul3A_226 : vector<16xf32>
    %mul3A_230 = arith.mulf %bitcast_convert_type3A_221, %sub3A_229 : vector<16xf32>
    %mul3A_231 = arith.constant 5.000000e-01 : f32
    %mul3A_232 = vector.broadcast %mul3A_231 : f32 to vector<16xf32>
    %mul3A_233 = arith.mulf %mul3A_232, %max3A_215 : vector<16xf32>
    %mul3A_234 = arith.mulf %mul3A_233, %mul3A_230 : vector<16xf32>
    %mul3A_235 = arith.mulf %mul3A_234, %mul3A_230 : vector<16xf32>
    %sub3A_236 = arith.constant 1.500000e+00 : f32
    %sub3A_237 = vector.broadcast %sub3A_236 : f32 to vector<16xf32>
    %sub3A_238 = arith.subf %sub3A_237, %mul3A_235 : vector<16xf32>
    %mul3A_239 = arith.mulf %mul3A_230, %sub3A_238 : vector<16xf32>
    %mul3A_240 = arith.constant 5.000000e-01 : f32
    %mul3A_241 = vector.broadcast %mul3A_240 : f32 to vector<16xf32>
    %mul3A_242 = arith.mulf %mul3A_241, %max3A_215 : vector<16xf32>
    %mul3A_243 = arith.mulf %mul3A_242, %mul3A_239 : vector<16xf32>
    %mul3A_244 = arith.mulf %mul3A_243, %mul3A_239 : vector<16xf32>
    %sub3A_245 = arith.constant 1.500000e+00 : f32
    %sub3A_246 = vector.broadcast %sub3A_245 : f32 to vector<16xf32>
    %sub3A_247 = arith.subf %sub3A_246, %mul3A_244 : vector<16xf32>
    %mul3A_248 = arith.mulf %mul3A_239, %sub3A_247 : vector<16xf32>
    %mul3A_249 = arith.mulf %max3A_215, %mul3A_248 : vector<16xf32>
    %add3A_250 = arith.constant 9.99999993E-9 : f32
    %add3A_251 = vector.broadcast %add3A_250 : f32 to vector<16xf32>
    %add3A_252 = arith.addf %mul3A_249, %add3A_251 : vector<16xf32>
    %div3A_253 = arith.divf %add3A_185, %add3A_252 : vector<16xf32>
    %broadcast_in_dim3A_254 = arith.constant 0.000000e+00 : f32
    %broadcast_in_dim3A_255 = vector.broadcast %broadcast_in_dim3A_254 : f32 to vector<16xf32>
    %broadcast_in_dim3A_256 = arith.constant 0 : i32
    %broadcast_in_dim3A_257 = vector.broadcast %broadcast_in_dim3A_256 : i32 to vector<16xi32>
    %broadcast_in_dim3A_258 = vector.shape_cast %broadcast_in_dim3A_257 : vector<16xi32> to vector<16x1xi32>
    %gather3A_259 = vector.shape_cast %broadcast_in_dim3A_258 : vector<16x1xi32> to vector<16xi32>
    %gather3A_260 = tpu.dynamic_gather %scan3A_99#1[%gather3A_259] in [0] : vector<16xf32>, vector<16xi32> -> vector<16xf32>
    %mul3A_261 = arith.mulf %gather3A_260, %get3A_20 : vector<16xf32>
    %add3A_262 = arith.addf %broadcast_in_dim3A_255, %mul3A_261 : vector<16xf32>
    %broadcast_in_dim3A_263 = arith.constant 1 : i32
    %broadcast_in_dim3A_264 = vector.broadcast %broadcast_in_dim3A_263 : i32 to vector<16xi32>
    %broadcast_in_dim3A_265 = vector.shape_cast %broadcast_in_dim3A_264 : vector<16xi32> to vector<16x1xi32>
    %gather3A_266 = vector.shape_cast %broadcast_in_dim3A_265 : vector<16x1xi32> to vector<16xi32>
    %gather3A_267 = tpu.dynamic_gather %scan3A_99#1[%gather3A_266] in [0] : vector<16xf32>, vector<16xi32> -> vector<16xf32>
    %mul3A_268 = arith.mulf %gather3A_267, %get3A_25 : vector<16xf32>
    %add3A_269 = arith.addf %add3A_262, %mul3A_268 : vector<16xf32>
    %broadcast_in_dim3A_270 = arith.constant 2 : i32
    %broadcast_in_dim3A_271 = vector.broadcast %broadcast_in_dim3A_270 : i32 to vector<16xi32>
    %broadcast_in_dim3A_272 = vector.shape_cast %broadcast_in_dim3A_271 : vector<16xi32> to vector<16x1xi32>
    %gather3A_273 = vector.shape_cast %broadcast_in_dim3A_272 : vector<16x1xi32> to vector<16xi32>
    %gather3A_274 = tpu.dynamic_gather %scan3A_99#1[%gather3A_273] in [0] : vector<16xf32>, vector<16xi32> -> vector<16xf32>
    %mul3A_275 = arith.mulf %gather3A_274, %get3A_30 : vector<16xf32>
    %add3A_276 = arith.addf %add3A_269, %mul3A_275 : vector<16xf32>
    %broadcast_in_dim3A_277 = arith.constant 3 : i32
    %broadcast_in_dim3A_278 = vector.broadcast %broadcast_in_dim3A_277 : i32 to vector<16xi32>
    %broadcast_in_dim3A_279 = vector.shape_cast %broadcast_in_dim3A_278 : vector<16xi32> to vector<16x1xi32>
    %gather3A_280 = vector.shape_cast %broadcast_in_dim3A_279 : vector<16x1xi32> to vector<16xi32>
    %gather3A_281 = tpu.dynamic_gather %scan3A_99#1[%gather3A_280] in [0] : vector<16xf32>, vector<16xi32> -> vector<16xf32>
    %mul3A_282 = arith.mulf %gather3A_281, %get3A_35 : vector<16xf32>
    %add3A_283 = arith.addf %add3A_276, %mul3A_282 : vector<16xf32>
    %broadcast_in_dim3A_284 = arith.constant 4 : i32
    %broadcast_in_dim3A_285 = vector.broadcast %broadcast_in_dim3A_284 : i32 to vector<16xi32>
    %broadcast_in_dim3A_286 = vector.shape_cast %broadcast_in_dim3A_285 : vector<16xi32> to vector<16x1xi32>
    %gather3A_287 = vector.shape_cast %broadcast_in_dim3A_286 : vector<16x1xi32> to vector<16xi32>
    %gather3A_288 = tpu.dynamic_gather %scan3A_99#1[%gather3A_287] in [0] : vector<16xf32>, vector<16xi32> -> vector<16xf32>
    %mul3A_289 = arith.mulf %gather3A_288, %get3A_40 : vector<16xf32>
    %add3A_290 = arith.addf %add3A_283, %mul3A_289 : vector<16xf32>
    %broadcast_in_dim3A_291 = arith.constant 5 : i32
    %broadcast_in_dim3A_292 = vector.broadcast %broadcast_in_dim3A_291 : i32 to vector<16xi32>
    %broadcast_in_dim3A_293 = vector.shape_cast %broadcast_in_dim3A_292 : vector<16xi32> to vector<16x1xi32>
    %gather3A_294 = vector.shape_cast %broadcast_in_dim3A_293 : vector<16x1xi32> to vector<16xi32>
    %gather3A_295 = tpu.dynamic_gather %scan3A_99#1[%gather3A_294] in [0] : vector<16xf32>, vector<16xi32> -> vector<16xf32>
    %mul3A_296 = arith.mulf %gather3A_295, %get3A_45 : vector<16xf32>
    %add3A_297 = arith.addf %add3A_290, %mul3A_296 : vector<16xf32>
    %broadcast_in_dim3A_298 = arith.constant 6 : i32
    %broadcast_in_dim3A_299 = vector.broadcast %broadcast_in_dim3A_298 : i32 to vector<16xi32>
    %broadcast_in_dim3A_300 = vector.shape_cast %broadcast_in_dim3A_299 : vector<16xi32> to vector<16x1xi32>
    %gather3A_301 = vector.shape_cast %broadcast_in_dim3A_300 : vector<16x1xi32> to vector<16xi32>
    %gather3A_302 = tpu.dynamic_gather %scan3A_99#1[%gather3A_301] in [0] : vector<16xf32>, vector<16xi32> -> vector<16xf32>
    %mul3A_303 = arith.mulf %gather3A_302, %get3A_50 : vector<16xf32>
    %add3A_304 = arith.addf %add3A_297, %mul3A_303 : vector<16xf32>
    %broadcast_in_dim3A_305 = arith.constant 7 : i32
    %broadcast_in_dim3A_306 = vector.broadcast %broadcast_in_dim3A_305 : i32 to vector<16xi32>
    %broadcast_in_dim3A_307 = vector.shape_cast %broadcast_in_dim3A_306 : vector<16xi32> to vector<16x1xi32>
    %gather3A_308 = vector.shape_cast %broadcast_in_dim3A_307 : vector<16x1xi32> to vector<16xi32>
    %gather3A_309 = tpu.dynamic_gather %scan3A_99#1[%gather3A_308] in [0] : vector<16xf32>, vector<16xi32> -> vector<16xf32>
    %mul3A_310 = arith.mulf %gather3A_309, %get3A_55 : vector<16xf32>
    %add3A_311 = arith.addf %add3A_304, %mul3A_310 : vector<16xf32>
    %broadcast_in_dim3A_312 = arith.constant 8 : i32
    %broadcast_in_dim3A_313 = vector.broadcast %broadcast_in_dim3A_312 : i32 to vector<16xi32>
    %broadcast_in_dim3A_314 = vector.shape_cast %broadcast_in_dim3A_313 : vector<16xi32> to vector<16x1xi32>
    %gather3A_315 = vector.shape_cast %broadcast_in_dim3A_314 : vector<16x1xi32> to vector<16xi32>
    %gather3A_316 = tpu.dynamic_gather %scan3A_99#1[%gather3A_315] in [0] : vector<16xf32>, vector<16xi32> -> vector<16xf32>
    %mul3A_317 = arith.mulf %gather3A_316, %get3A_60 : vector<16xf32>
    %add3A_318 = arith.addf %add3A_311, %mul3A_317 : vector<16xf32>
    %broadcast_in_dim3A_319 = arith.constant 9 : i32
    %broadcast_in_dim3A_320 = vector.broadcast %broadcast_in_dim3A_319 : i32 to vector<16xi32>
    %broadcast_in_dim3A_321 = vector.shape_cast %broadcast_in_dim3A_320 : vector<16xi32> to vector<16x1xi32>
    %gather3A_322 = vector.shape_cast %broadcast_in_dim3A_321 : vector<16x1xi32> to vector<16xi32>
    %gather3A_323 = tpu.dynamic_gather %scan3A_99#1[%gather3A_322] in [0] : vector<16xf32>, vector<16xi32> -> vector<16xf32>
    %mul3A_324 = arith.mulf %gather3A_323, %get3A_65 : vector<16xf32>
    %add3A_325 = arith.addf %add3A_318, %mul3A_324 : vector<16xf32>
    %broadcast_in_dim3A_326 = arith.constant 10 : i32
    %broadcast_in_dim3A_327 = vector.broadcast %broadcast_in_dim3A_326 : i32 to vector<16xi32>
    %broadcast_in_dim3A_328 = vector.shape_cast %broadcast_in_dim3A_327 : vector<16xi32> to vector<16x1xi32>
    %gather3A_329 = vector.shape_cast %broadcast_in_dim3A_328 : vector<16x1xi32> to vector<16xi32>
    %gather3A_330 = tpu.dynamic_gather %scan3A_99#1[%gather3A_329] in [0] : vector<16xf32>, vector<16xi32> -> vector<16xf32>
    %mul3A_331 = arith.mulf %gather3A_330, %get3A_70 : vector<16xf32>
    %add3A_332 = arith.addf %add3A_325, %mul3A_331 : vector<16xf32>
    %broadcast_in_dim3A_333 = arith.constant 11 : i32
    %broadcast_in_dim3A_334 = vector.broadcast %broadcast_in_dim3A_333 : i32 to vector<16xi32>
    %broadcast_in_dim3A_335 = vector.shape_cast %broadcast_in_dim3A_334 : vector<16xi32> to vector<16x1xi32>
    %gather3A_336 = vector.shape_cast %broadcast_in_dim3A_335 : vector<16x1xi32> to vector<16xi32>
    %gather3A_337 = tpu.dynamic_gather %scan3A_99#1[%gather3A_336] in [0] : vector<16xf32>, vector<16xi32> -> vector<16xf32>
    %mul3A_338 = arith.mulf %gather3A_337, %get3A_75 : vector<16xf32>
    %add3A_339 = arith.addf %add3A_332, %mul3A_338 : vector<16xf32>
    %mul3A_340 = arith.mulf %scan3A_99#1, %add3A_339 : vector<16xf32>
    %xor3A_341 = arith.constant 1 : i32
    %xor3A_342 = vector.broadcast %xor3A_341 : i32 to vector<16xi32>
    %xor3A_343 = arith.xori %iota3A, %xor3A_342 : vector<16xi32>
    %broadcast_in_dim3A_344 = vector.shape_cast %xor3A_343 : vector<16xi32> to vector<16x1xi32>
    %gather3A_345 = vector.shape_cast %broadcast_in_dim3A_344 : vector<16x1xi32> to vector<16xi32>
    %gather3A_346 = tpu.dynamic_gather %mul3A_340[%gather3A_345] in [0] : vector<16xf32>, vector<16xi32> -> vector<16xf32>
    %add3A_347 = arith.addf %mul3A_340, %gather3A_346 : vector<16xf32>
    %xor3A_348 = arith.constant 2 : i32
    %xor3A_349 = vector.broadcast %xor3A_348 : i32 to vector<16xi32>
    %xor3A_350 = arith.xori %iota3A, %xor3A_349 : vector<16xi32>
    %broadcast_in_dim3A_351 = vector.shape_cast %xor3A_350 : vector<16xi32> to vector<16x1xi32>
    %gather3A_352 = vector.shape_cast %broadcast_in_dim3A_351 : vector<16x1xi32> to vector<16xi32>
    %gather3A_353 = tpu.dynamic_gather %add3A_347[%gather3A_352] in [0] : vector<16xf32>, vector<16xi32> -> vector<16xf32>
    %add3A_354 = arith.addf %add3A_347, %gather3A_353 : vector<16xf32>
    %xor3A_355 = arith.constant 4 : i32
    %xor3A_356 = vector.broadcast %xor3A_355 : i32 to vector<16xi32>
    %xor3A_357 = arith.xori %iota3A, %xor3A_356 : vector<16xi32>
    %broadcast_in_dim3A_358 = vector.shape_cast %xor3A_357 : vector<16xi32> to vector<16x1xi32>
    %gather3A_359 = vector.shape_cast %broadcast_in_dim3A_358 : vector<16x1xi32> to vector<16xi32>
    %gather3A_360 = tpu.dynamic_gather %add3A_354[%gather3A_359] in [0] : vector<16xf32>, vector<16xi32> -> vector<16xf32>
    %add3A_361 = arith.addf %add3A_354, %gather3A_360 : vector<16xf32>
    %xor3A_362 = arith.constant 8 : i32
    %xor3A_363 = vector.broadcast %xor3A_362 : i32 to vector<16xi32>
    %xor3A_364 = arith.xori %iota3A, %xor3A_363 : vector<16xi32>
    %broadcast_in_dim3A_365 = vector.shape_cast %xor3A_364 : vector<16xi32> to vector<16x1xi32>
    %gather3A_366 = vector.shape_cast %broadcast_in_dim3A_365 : vector<16x1xi32> to vector<16xi32>
    %gather3A_367 = tpu.dynamic_gather %add3A_361[%gather3A_366] in [0] : vector<16xf32>, vector<16xi32> -> vector<16xf32>
    %add3A_368 = arith.addf %add3A_361, %gather3A_367 : vector<16xf32>
    %max3A_369 = arith.constant 1.000000e-30 : f32
    %max3A_370 = vector.broadcast %max3A_369 : f32 to vector<16xf32>
    %max3A_371 = arith.maximumf %add3A_368, %max3A_370 : vector<16xf32>
    %bitcast_convert_type3A_372 = tpu.bitcast %max3A_371 : vector<16xf32> -> vector<16xi32>
    %shift_right_logical3A_373 = arith.constant 1 : i32
    %shift_right_logical3A_374 = vector.broadcast %shift_right_logical3A_373 : i32 to vector<16xi32>
    %shift_right_logical3A_375 = arith.shrui %bitcast_convert_type3A_372, %shift_right_logical3A_374 : vector<16xi32>
    %sub3A_376 = arith.constant 1597463007 : i32
    %sub3A_377 = vector.broadcast %sub3A_376 : i32 to vector<16xi32>
    %sub3A_378 = arith.subi %sub3A_377, %shift_right_logical3A_375 : vector<16xi32>
    %bitcast_convert_type3A_379 = tpu.bitcast %sub3A_378 : vector<16xi32> -> vector<16xf32>
    %mul3A_380 = arith.constant 5.000000e-01 : f32
    %mul3A_381 = vector.broadcast %mul3A_380 : f32 to vector<16xf32>
    %mul3A_382 = arith.mulf %mul3A_381, %max3A_371 : vector<16xf32>
    %mul3A_383 = arith.mulf %mul3A_382, %bitcast_convert_type3A_379 : vector<16xf32>
    %mul3A_384 = arith.mulf %mul3A_383, %bitcast_convert_type3A_379 : vector<16xf32>
    %sub3A_385 = arith.constant 1.500000e+00 : f32
    %sub3A_386 = vector.broadcast %sub3A_385 : f32 to vector<16xf32>
    %sub3A_387 = arith.subf %sub3A_386, %mul3A_384 : vector<16xf32>
    %mul3A_388 = arith.mulf %bitcast_convert_type3A_379, %sub3A_387 : vector<16xf32>
    %mul3A_389 = arith.constant 5.000000e-01 : f32
    %mul3A_390 = vector.broadcast %mul3A_389 : f32 to vector<16xf32>
    %mul3A_391 = arith.mulf %mul3A_390, %max3A_371 : vector<16xf32>
    %mul3A_392 = arith.mulf %mul3A_391, %mul3A_388 : vector<16xf32>
    %mul3A_393 = arith.mulf %mul3A_392, %mul3A_388 : vector<16xf32>
    %sub3A_394 = arith.constant 1.500000e+00 : f32
    %sub3A_395 = vector.broadcast %sub3A_394 : f32 to vector<16xf32>
    %sub3A_396 = arith.subf %sub3A_395, %mul3A_393 : vector<16xf32>
    %mul3A_397 = arith.mulf %mul3A_388, %sub3A_396 : vector<16xf32>
    %mul3A_398 = arith.constant 5.000000e-01 : f32
    %mul3A_399 = vector.broadcast %mul3A_398 : f32 to vector<16xf32>
    %mul3A_400 = arith.mulf %mul3A_399, %max3A_371 : vector<16xf32>
    %mul3A_401 = arith.mulf %mul3A_400, %mul3A_397 : vector<16xf32>
    %mul3A_402 = arith.mulf %mul3A_401, %mul3A_397 : vector<16xf32>
    %sub3A_403 = arith.constant 1.500000e+00 : f32
    %sub3A_404 = vector.broadcast %sub3A_403 : f32 to vector<16xf32>
    %sub3A_405 = arith.subf %sub3A_404, %mul3A_402 : vector<16xf32>
    %mul3A_406 = arith.mulf %mul3A_397, %sub3A_405 : vector<16xf32>
    %mul3A_407 = arith.mulf %max3A_371, %mul3A_406 : vector<16xf32>
    %add3A_408 = arith.constant 9.99999993E-9 : f32
    %add3A_409 = vector.broadcast %add3A_408 : f32 to vector<16xf32>
    %add3A_410 = arith.addf %mul3A_407, %add3A_409 : vector<16xf32>
    %div3A_411 = arith.divf %add3A_339, %add3A_410 : vector<16xf32>
    %broadcast_in_dim3A_412 = arith.constant 0.000000e+00 : f32
    %broadcast_in_dim3A_413 = vector.broadcast %broadcast_in_dim3A_412 : f32 to vector<16xf32>
    %broadcast_in_dim3A_414 = arith.constant 0 : i32
    %broadcast_in_dim3A_415 = vector.broadcast %broadcast_in_dim3A_414 : i32 to vector<16xi32>
    %broadcast_in_dim3A_416 = vector.shape_cast %broadcast_in_dim3A_415 : vector<16xi32> to vector<16x1xi32>
    %gather3A_417 = vector.shape_cast %broadcast_in_dim3A_416 : vector<16x1xi32> to vector<16xi32>
    %gather3A_418 = tpu.dynamic_gather %scan3A_99#2[%gather3A_417] in [0] : vector<16xf32>, vector<16xi32> -> vector<16xf32>
    %mul3A_419 = arith.mulf %gather3A_418, %get3A_20 : vector<16xf32>
    %add3A_420 = arith.addf %broadcast_in_dim3A_413, %mul3A_419 : vector<16xf32>
    %broadcast_in_dim3A_421 = arith.constant 1 : i32
    %broadcast_in_dim3A_422 = vector.broadcast %broadcast_in_dim3A_421 : i32 to vector<16xi32>
    %broadcast_in_dim3A_423 = vector.shape_cast %broadcast_in_dim3A_422 : vector<16xi32> to vector<16x1xi32>
    %gather3A_424 = vector.shape_cast %broadcast_in_dim3A_423 : vector<16x1xi32> to vector<16xi32>
    %gather3A_425 = tpu.dynamic_gather %scan3A_99#2[%gather3A_424] in [0] : vector<16xf32>, vector<16xi32> -> vector<16xf32>
    %mul3A_426 = arith.mulf %gather3A_425, %get3A_25 : vector<16xf32>
    %add3A_427 = arith.addf %add3A_420, %mul3A_426 : vector<16xf32>
    %broadcast_in_dim3A_428 = arith.constant 2 : i32
    %broadcast_in_dim3A_429 = vector.broadcast %broadcast_in_dim3A_428 : i32 to vector<16xi32>
    %broadcast_in_dim3A_430 = vector.shape_cast %broadcast_in_dim3A_429 : vector<16xi32> to vector<16x1xi32>
    %gather3A_431 = vector.shape_cast %broadcast_in_dim3A_430 : vector<16x1xi32> to vector<16xi32>
    %gather3A_432 = tpu.dynamic_gather %scan3A_99#2[%gather3A_431] in [0] : vector<16xf32>, vector<16xi32> -> vector<16xf32>
    %mul3A_433 = arith.mulf %gather3A_432, %get3A_30 : vector<16xf32>
    %add3A_434 = arith.addf %add3A_427, %mul3A_433 : vector<16xf32>
    %broadcast_in_dim3A_435 = arith.constant 3 : i32
    %broadcast_in_dim3A_436 = vector.broadcast %broadcast_in_dim3A_435 : i32 to vector<16xi32>
    %broadcast_in_dim3A_437 = vector.shape_cast %broadcast_in_dim3A_436 : vector<16xi32> to vector<16x1xi32>
    %gather3A_438 = vector.shape_cast %broadcast_in_dim3A_437 : vector<16x1xi32> to vector<16xi32>
    %gather3A_439 = tpu.dynamic_gather %scan3A_99#2[%gather3A_438] in [0] : vector<16xf32>, vector<16xi32> -> vector<16xf32>
    %mul3A_440 = arith.mulf %gather3A_439, %get3A_35 : vector<16xf32>
    %add3A_441 = arith.addf %add3A_434, %mul3A_440 : vector<16xf32>
    %broadcast_in_dim3A_442 = arith.constant 4 : i32
    %broadcast_in_dim3A_443 = vector.broadcast %broadcast_in_dim3A_442 : i32 to vector<16xi32>
    %broadcast_in_dim3A_444 = vector.shape_cast %broadcast_in_dim3A_443 : vector<16xi32> to vector<16x1xi32>
    %gather3A_445 = vector.shape_cast %broadcast_in_dim3A_444 : vector<16x1xi32> to vector<16xi32>
    %gather3A_446 = tpu.dynamic_gather %scan3A_99#2[%gather3A_445] in [0] : vector<16xf32>, vector<16xi32> -> vector<16xf32>
    %mul3A_447 = arith.mulf %gather3A_446, %get3A_40 : vector<16xf32>
    %add3A_448 = arith.addf %add3A_441, %mul3A_447 : vector<16xf32>
    %broadcast_in_dim3A_449 = arith.constant 5 : i32
    %broadcast_in_dim3A_450 = vector.broadcast %broadcast_in_dim3A_449 : i32 to vector<16xi32>
    %broadcast_in_dim3A_451 = vector.shape_cast %broadcast_in_dim3A_450 : vector<16xi32> to vector<16x1xi32>
    %gather3A_452 = vector.shape_cast %broadcast_in_dim3A_451 : vector<16x1xi32> to vector<16xi32>
    %gather3A_453 = tpu.dynamic_gather %scan3A_99#2[%gather3A_452] in [0] : vector<16xf32>, vector<16xi32> -> vector<16xf32>
    %mul3A_454 = arith.mulf %gather3A_453, %get3A_45 : vector<16xf32>
    %add3A_455 = arith.addf %add3A_448, %mul3A_454 : vector<16xf32>
    %broadcast_in_dim3A_456 = arith.constant 6 : i32
    %broadcast_in_dim3A_457 = vector.broadcast %broadcast_in_dim3A_456 : i32 to vector<16xi32>
    %broadcast_in_dim3A_458 = vector.shape_cast %broadcast_in_dim3A_457 : vector<16xi32> to vector<16x1xi32>
    %gather3A_459 = vector.shape_cast %broadcast_in_dim3A_458 : vector<16x1xi32> to vector<16xi32>
    %gather3A_460 = tpu.dynamic_gather %scan3A_99#2[%gather3A_459] in [0] : vector<16xf32>, vector<16xi32> -> vector<16xf32>
    %mul3A_461 = arith.mulf %gather3A_460, %get3A_50 : vector<16xf32>
    %add3A_462 = arith.addf %add3A_455, %mul3A_461 : vector<16xf32>
    %broadcast_in_dim3A_463 = arith.constant 7 : i32
    %broadcast_in_dim3A_464 = vector.broadcast %broadcast_in_dim3A_463 : i32 to vector<16xi32>
    %broadcast_in_dim3A_465 = vector.shape_cast %broadcast_in_dim3A_464 : vector<16xi32> to vector<16x1xi32>
    %gather3A_466 = vector.shape_cast %broadcast_in_dim3A_465 : vector<16x1xi32> to vector<16xi32>
    %gather3A_467 = tpu.dynamic_gather %scan3A_99#2[%gather3A_466] in [0] : vector<16xf32>, vector<16xi32> -> vector<16xf32>
    %mul3A_468 = arith.mulf %gather3A_467, %get3A_55 : vector<16xf32>
    %add3A_469 = arith.addf %add3A_462, %mul3A_468 : vector<16xf32>
    %broadcast_in_dim3A_470 = arith.constant 8 : i32
    %broadcast_in_dim3A_471 = vector.broadcast %broadcast_in_dim3A_470 : i32 to vector<16xi32>
    %broadcast_in_dim3A_472 = vector.shape_cast %broadcast_in_dim3A_471 : vector<16xi32> to vector<16x1xi32>
    %gather3A_473 = vector.shape_cast %broadcast_in_dim3A_472 : vector<16x1xi32> to vector<16xi32>
    %gather3A_474 = tpu.dynamic_gather %scan3A_99#2[%gather3A_473] in [0] : vector<16xf32>, vector<16xi32> -> vector<16xf32>
    %mul3A_475 = arith.mulf %gather3A_474, %get3A_60 : vector<16xf32>
    %add3A_476 = arith.addf %add3A_469, %mul3A_475 : vector<16xf32>
    %broadcast_in_dim3A_477 = arith.constant 9 : i32
    %broadcast_in_dim3A_478 = vector.broadcast %broadcast_in_dim3A_477 : i32 to vector<16xi32>
    %broadcast_in_dim3A_479 = vector.shape_cast %broadcast_in_dim3A_478 : vector<16xi32> to vector<16x1xi32>
    %gather3A_480 = vector.shape_cast %broadcast_in_dim3A_479 : vector<16x1xi32> to vector<16xi32>
    %gather3A_481 = tpu.dynamic_gather %scan3A_99#2[%gather3A_480] in [0] : vector<16xf32>, vector<16xi32> -> vector<16xf32>
    %mul3A_482 = arith.mulf %gather3A_481, %get3A_65 : vector<16xf32>
    %add3A_483 = arith.addf %add3A_476, %mul3A_482 : vector<16xf32>
    %broadcast_in_dim3A_484 = arith.constant 10 : i32
    %broadcast_in_dim3A_485 = vector.broadcast %broadcast_in_dim3A_484 : i32 to vector<16xi32>
    %broadcast_in_dim3A_486 = vector.shape_cast %broadcast_in_dim3A_485 : vector<16xi32> to vector<16x1xi32>
    %gather3A_487 = vector.shape_cast %broadcast_in_dim3A_486 : vector<16x1xi32> to vector<16xi32>
    %gather3A_488 = tpu.dynamic_gather %scan3A_99#2[%gather3A_487] in [0] : vector<16xf32>, vector<16xi32> -> vector<16xf32>
    %mul3A_489 = arith.mulf %gather3A_488, %get3A_70 : vector<16xf32>
    %add3A_490 = arith.addf %add3A_483, %mul3A_489 : vector<16xf32>
    %broadcast_in_dim3A_491 = arith.constant 11 : i32
    %broadcast_in_dim3A_492 = vector.broadcast %broadcast_in_dim3A_491 : i32 to vector<16xi32>
    %broadcast_in_dim3A_493 = vector.shape_cast %broadcast_in_dim3A_492 : vector<16xi32> to vector<16x1xi32>
    %gather3A_494 = vector.shape_cast %broadcast_in_dim3A_493 : vector<16x1xi32> to vector<16xi32>
    %gather3A_495 = tpu.dynamic_gather %scan3A_99#2[%gather3A_494] in [0] : vector<16xf32>, vector<16xi32> -> vector<16xf32>
    %mul3A_496 = arith.mulf %gather3A_495, %get3A_75 : vector<16xf32>
    %add3A_497 = arith.addf %add3A_490, %mul3A_496 : vector<16xf32>
    %mul3A_498 = arith.mulf %scan3A_99#2, %add3A_497 : vector<16xf32>
    %xor3A_499 = arith.constant 1 : i32
    %xor3A_500 = vector.broadcast %xor3A_499 : i32 to vector<16xi32>
    %xor3A_501 = arith.xori %iota3A, %xor3A_500 : vector<16xi32>
    %broadcast_in_dim3A_502 = vector.shape_cast %xor3A_501 : vector<16xi32> to vector<16x1xi32>
    %gather3A_503 = vector.shape_cast %broadcast_in_dim3A_502 : vector<16x1xi32> to vector<16xi32>
    %gather3A_504 = tpu.dynamic_gather %mul3A_498[%gather3A_503] in [0] : vector<16xf32>, vector<16xi32> -> vector<16xf32>
    %add3A_505 = arith.addf %mul3A_498, %gather3A_504 : vector<16xf32>
    %xor3A_506 = arith.constant 2 : i32
    %xor3A_507 = vector.broadcast %xor3A_506 : i32 to vector<16xi32>
    %xor3A_508 = arith.xori %iota3A, %xor3A_507 : vector<16xi32>
    %broadcast_in_dim3A_509 = vector.shape_cast %xor3A_508 : vector<16xi32> to vector<16x1xi32>
    %gather3A_510 = vector.shape_cast %broadcast_in_dim3A_509 : vector<16x1xi32> to vector<16xi32>
    %gather3A_511 = tpu.dynamic_gather %add3A_505[%gather3A_510] in [0] : vector<16xf32>, vector<16xi32> -> vector<16xf32>
    %add3A_512 = arith.addf %add3A_505, %gather3A_511 : vector<16xf32>
    %xor3A_513 = arith.constant 4 : i32
    %xor3A_514 = vector.broadcast %xor3A_513 : i32 to vector<16xi32>
    %xor3A_515 = arith.xori %iota3A, %xor3A_514 : vector<16xi32>
    %broadcast_in_dim3A_516 = vector.shape_cast %xor3A_515 : vector<16xi32> to vector<16x1xi32>
    %gather3A_517 = vector.shape_cast %broadcast_in_dim3A_516 : vector<16x1xi32> to vector<16xi32>
    %gather3A_518 = tpu.dynamic_gather %add3A_512[%gather3A_517] in [0] : vector<16xf32>, vector<16xi32> -> vector<16xf32>
    %add3A_519 = arith.addf %add3A_512, %gather3A_518 : vector<16xf32>
    %xor3A_520 = arith.constant 8 : i32
    %xor3A_521 = vector.broadcast %xor3A_520 : i32 to vector<16xi32>
    %xor3A_522 = arith.xori %iota3A, %xor3A_521 : vector<16xi32>
    %broadcast_in_dim3A_523 = vector.shape_cast %xor3A_522 : vector<16xi32> to vector<16x1xi32>
    %gather3A_524 = vector.shape_cast %broadcast_in_dim3A_523 : vector<16x1xi32> to vector<16xi32>
    %gather3A_525 = tpu.dynamic_gather %add3A_519[%gather3A_524] in [0] : vector<16xf32>, vector<16xi32> -> vector<16xf32>
    %add3A_526 = arith.addf %add3A_519, %gather3A_525 : vector<16xf32>
    %max3A_527 = arith.constant 1.000000e-30 : f32
    %max3A_528 = vector.broadcast %max3A_527 : f32 to vector<16xf32>
    %max3A_529 = arith.maximumf %add3A_526, %max3A_528 : vector<16xf32>
    %bitcast_convert_type3A_530 = tpu.bitcast %max3A_529 : vector<16xf32> -> vector<16xi32>
    %shift_right_logical3A_531 = arith.constant 1 : i32
    %shift_right_logical3A_532 = vector.broadcast %shift_right_logical3A_531 : i32 to vector<16xi32>
    %shift_right_logical3A_533 = arith.shrui %bitcast_convert_type3A_530, %shift_right_logical3A_532 : vector<16xi32>
    %sub3A_534 = arith.constant 1597463007 : i32
    %sub3A_535 = vector.broadcast %sub3A_534 : i32 to vector<16xi32>
    %sub3A_536 = arith.subi %sub3A_535, %shift_right_logical3A_533 : vector<16xi32>
    %bitcast_convert_type3A_537 = tpu.bitcast %sub3A_536 : vector<16xi32> -> vector<16xf32>
    %mul3A_538 = arith.constant 5.000000e-01 : f32
    %mul3A_539 = vector.broadcast %mul3A_538 : f32 to vector<16xf32>
    %mul3A_540 = arith.mulf %mul3A_539, %max3A_529 : vector<16xf32>
    %mul3A_541 = arith.mulf %mul3A_540, %bitcast_convert_type3A_537 : vector<16xf32>
    %mul3A_542 = arith.mulf %mul3A_541, %bitcast_convert_type3A_537 : vector<16xf32>
    %sub3A_543 = arith.constant 1.500000e+00 : f32
    %sub3A_544 = vector.broadcast %sub3A_543 : f32 to vector<16xf32>
    %sub3A_545 = arith.subf %sub3A_544, %mul3A_542 : vector<16xf32>
    %mul3A_546 = arith.mulf %bitcast_convert_type3A_537, %sub3A_545 : vector<16xf32>
    %mul3A_547 = arith.constant 5.000000e-01 : f32
    %mul3A_548 = vector.broadcast %mul3A_547 : f32 to vector<16xf32>
    %mul3A_549 = arith.mulf %mul3A_548, %max3A_529 : vector<16xf32>
    %mul3A_550 = arith.mulf %mul3A_549, %mul3A_546 : vector<16xf32>
    %mul3A_551 = arith.mulf %mul3A_550, %mul3A_546 : vector<16xf32>
    %sub3A_552 = arith.constant 1.500000e+00 : f32
    %sub3A_553 = vector.broadcast %sub3A_552 : f32 to vector<16xf32>
    %sub3A_554 = arith.subf %sub3A_553, %mul3A_551 : vector<16xf32>
    %mul3A_555 = arith.mulf %mul3A_546, %sub3A_554 : vector<16xf32>
    %mul3A_556 = arith.constant 5.000000e-01 : f32
    %mul3A_557 = vector.broadcast %mul3A_556 : f32 to vector<16xf32>
    %mul3A_558 = arith.mulf %mul3A_557, %max3A_529 : vector<16xf32>
    %mul3A_559 = arith.mulf %mul3A_558, %mul3A_555 : vector<16xf32>
    %mul3A_560 = arith.mulf %mul3A_559, %mul3A_555 : vector<16xf32>
    %sub3A_561 = arith.constant 1.500000e+00 : f32
    %sub3A_562 = vector.broadcast %sub3A_561 : f32 to vector<16xf32>
    %sub3A_563 = arith.subf %sub3A_562, %mul3A_560 : vector<16xf32>
    %mul3A_564 = arith.mulf %mul3A_555, %sub3A_563 : vector<16xf32>
    %mul3A_565 = arith.mulf %max3A_529, %mul3A_564 : vector<16xf32>
    %add3A_566 = arith.constant 9.99999993E-9 : f32
    %add3A_567 = vector.broadcast %add3A_566 : f32 to vector<16xf32>
    %add3A_568 = arith.addf %mul3A_565, %add3A_567 : vector<16xf32>
    %div3A_569 = arith.divf %add3A_497, %add3A_568 : vector<16xf32>
    %broadcast_in_dim3A_570 = arith.constant 0.000000e+00 : f32
    %broadcast_in_dim3A_571 = vector.broadcast %broadcast_in_dim3A_570 : f32 to vector<16xf32>
    %broadcast_in_dim3A_572 = arith.constant 0 : i32
    %broadcast_in_dim3A_573 = vector.broadcast %broadcast_in_dim3A_572 : i32 to vector<16xi32>
    %broadcast_in_dim3A_574 = vector.shape_cast %broadcast_in_dim3A_573 : vector<16xi32> to vector<16x1xi32>
    %gather3A_575 = vector.shape_cast %broadcast_in_dim3A_574 : vector<16x1xi32> to vector<16xi32>
    %gather3A_576 = tpu.dynamic_gather %scan3A_99#3[%gather3A_575] in [0] : vector<16xf32>, vector<16xi32> -> vector<16xf32>
    %mul3A_577 = arith.mulf %gather3A_576, %get3A_20 : vector<16xf32>
    %add3A_578 = arith.addf %broadcast_in_dim3A_571, %mul3A_577 : vector<16xf32>
    %broadcast_in_dim3A_579 = arith.constant 1 : i32
    %broadcast_in_dim3A_580 = vector.broadcast %broadcast_in_dim3A_579 : i32 to vector<16xi32>
    %broadcast_in_dim3A_581 = vector.shape_cast %broadcast_in_dim3A_580 : vector<16xi32> to vector<16x1xi32>
    %gather3A_582 = vector.shape_cast %broadcast_in_dim3A_581 : vector<16x1xi32> to vector<16xi32>
    %gather3A_583 = tpu.dynamic_gather %scan3A_99#3[%gather3A_582] in [0] : vector<16xf32>, vector<16xi32> -> vector<16xf32>
    %mul3A_584 = arith.mulf %gather3A_583, %get3A_25 : vector<16xf32>
    %add3A_585 = arith.addf %add3A_578, %mul3A_584 : vector<16xf32>
    %broadcast_in_dim3A_586 = arith.constant 2 : i32
    %broadcast_in_dim3A_587 = vector.broadcast %broadcast_in_dim3A_586 : i32 to vector<16xi32>
    %broadcast_in_dim3A_588 = vector.shape_cast %broadcast_in_dim3A_587 : vector<16xi32> to vector<16x1xi32>
    %gather3A_589 = vector.shape_cast %broadcast_in_dim3A_588 : vector<16x1xi32> to vector<16xi32>
    %gather3A_590 = tpu.dynamic_gather %scan3A_99#3[%gather3A_589] in [0] : vector<16xf32>, vector<16xi32> -> vector<16xf32>
    %mul3A_591 = arith.mulf %gather3A_590, %get3A_30 : vector<16xf32>
    %add3A_592 = arith.addf %add3A_585, %mul3A_591 : vector<16xf32>
    %broadcast_in_dim3A_593 = arith.constant 3 : i32
    %broadcast_in_dim3A_594 = vector.broadcast %broadcast_in_dim3A_593 : i32 to vector<16xi32>
    %broadcast_in_dim3A_595 = vector.shape_cast %broadcast_in_dim3A_594 : vector<16xi32> to vector<16x1xi32>
    %gather3A_596 = vector.shape_cast %broadcast_in_dim3A_595 : vector<16x1xi32> to vector<16xi32>
    %gather3A_597 = tpu.dynamic_gather %scan3A_99#3[%gather3A_596] in [0] : vector<16xf32>, vector<16xi32> -> vector<16xf32>
    %mul3A_598 = arith.mulf %gather3A_597, %get3A_35 : vector<16xf32>
    %add3A_599 = arith.addf %add3A_592, %mul3A_598 : vector<16xf32>
    %broadcast_in_dim3A_600 = arith.constant 4 : i32
    %broadcast_in_dim3A_601 = vector.broadcast %broadcast_in_dim3A_600 : i32 to vector<16xi32>
    %broadcast_in_dim3A_602 = vector.shape_cast %broadcast_in_dim3A_601 : vector<16xi32> to vector<16x1xi32>
    %gather3A_603 = vector.shape_cast %broadcast_in_dim3A_602 : vector<16x1xi32> to vector<16xi32>
    %gather3A_604 = tpu.dynamic_gather %scan3A_99#3[%gather3A_603] in [0] : vector<16xf32>, vector<16xi32> -> vector<16xf32>
    %mul3A_605 = arith.mulf %gather3A_604, %get3A_40 : vector<16xf32>
    %add3A_606 = arith.addf %add3A_599, %mul3A_605 : vector<16xf32>
    %broadcast_in_dim3A_607 = arith.constant 5 : i32
    %broadcast_in_dim3A_608 = vector.broadcast %broadcast_in_dim3A_607 : i32 to vector<16xi32>
    %broadcast_in_dim3A_609 = vector.shape_cast %broadcast_in_dim3A_608 : vector<16xi32> to vector<16x1xi32>
    %gather3A_610 = vector.shape_cast %broadcast_in_dim3A_609 : vector<16x1xi32> to vector<16xi32>
    %gather3A_611 = tpu.dynamic_gather %scan3A_99#3[%gather3A_610] in [0] : vector<16xf32>, vector<16xi32> -> vector<16xf32>
    %mul3A_612 = arith.mulf %gather3A_611, %get3A_45 : vector<16xf32>
    %add3A_613 = arith.addf %add3A_606, %mul3A_612 : vector<16xf32>
    %broadcast_in_dim3A_614 = arith.constant 6 : i32
    %broadcast_in_dim3A_615 = vector.broadcast %broadcast_in_dim3A_614 : i32 to vector<16xi32>
    %broadcast_in_dim3A_616 = vector.shape_cast %broadcast_in_dim3A_615 : vector<16xi32> to vector<16x1xi32>
    %gather3A_617 = vector.shape_cast %broadcast_in_dim3A_616 : vector<16x1xi32> to vector<16xi32>
    %gather3A_618 = tpu.dynamic_gather %scan3A_99#3[%gather3A_617] in [0] : vector<16xf32>, vector<16xi32> -> vector<16xf32>
    %mul3A_619 = arith.mulf %gather3A_618, %get3A_50 : vector<16xf32>
    %add3A_620 = arith.addf %add3A_613, %mul3A_619 : vector<16xf32>
    %broadcast_in_dim3A_621 = arith.constant 7 : i32
    %broadcast_in_dim3A_622 = vector.broadcast %broadcast_in_dim3A_621 : i32 to vector<16xi32>
    %broadcast_in_dim3A_623 = vector.shape_cast %broadcast_in_dim3A_622 : vector<16xi32> to vector<16x1xi32>
    %gather3A_624 = vector.shape_cast %broadcast_in_dim3A_623 : vector<16x1xi32> to vector<16xi32>
    %gather3A_625 = tpu.dynamic_gather %scan3A_99#3[%gather3A_624] in [0] : vector<16xf32>, vector<16xi32> -> vector<16xf32>
    %mul3A_626 = arith.mulf %gather3A_625, %get3A_55 : vector<16xf32>
    %add3A_627 = arith.addf %add3A_620, %mul3A_626 : vector<16xf32>
    %broadcast_in_dim3A_628 = arith.constant 8 : i32
    %broadcast_in_dim3A_629 = vector.broadcast %broadcast_in_dim3A_628 : i32 to vector<16xi32>
    %broadcast_in_dim3A_630 = vector.shape_cast %broadcast_in_dim3A_629 : vector<16xi32> to vector<16x1xi32>
    %gather3A_631 = vector.shape_cast %broadcast_in_dim3A_630 : vector<16x1xi32> to vector<16xi32>
    %gather3A_632 = tpu.dynamic_gather %scan3A_99#3[%gather3A_631] in [0] : vector<16xf32>, vector<16xi32> -> vector<16xf32>
    %mul3A_633 = arith.mulf %gather3A_632, %get3A_60 : vector<16xf32>
    %add3A_634 = arith.addf %add3A_627, %mul3A_633 : vector<16xf32>
    %broadcast_in_dim3A_635 = arith.constant 9 : i32
    %broadcast_in_dim3A_636 = vector.broadcast %broadcast_in_dim3A_635 : i32 to vector<16xi32>
    %broadcast_in_dim3A_637 = vector.shape_cast %broadcast_in_dim3A_636 : vector<16xi32> to vector<16x1xi32>
    %gather3A_638 = vector.shape_cast %broadcast_in_dim3A_637 : vector<16x1xi32> to vector<16xi32>
    %gather3A_639 = tpu.dynamic_gather %scan3A_99#3[%gather3A_638] in [0] : vector<16xf32>, vector<16xi32> -> vector<16xf32>
    %mul3A_640 = arith.mulf %gather3A_639, %get3A_65 : vector<16xf32>
    %add3A_641 = arith.addf %add3A_634, %mul3A_640 : vector<16xf32>
    %broadcast_in_dim3A_642 = arith.constant 10 : i32
    %broadcast_in_dim3A_643 = vector.broadcast %broadcast_in_dim3A_642 : i32 to vector<16xi32>
    %broadcast_in_dim3A_644 = vector.shape_cast %broadcast_in_dim3A_643 : vector<16xi32> to vector<16x1xi32>
    %gather3A_645 = vector.shape_cast %broadcast_in_dim3A_644 : vector<16x1xi32> to vector<16xi32>
    %gather3A_646 = tpu.dynamic_gather %scan3A_99#3[%gather3A_645] in [0] : vector<16xf32>, vector<16xi32> -> vector<16xf32>
    %mul3A_647 = arith.mulf %gather3A_646, %get3A_70 : vector<16xf32>
    %add3A_648 = arith.addf %add3A_641, %mul3A_647 : vector<16xf32>
    %broadcast_in_dim3A_649 = arith.constant 11 : i32
    %broadcast_in_dim3A_650 = vector.broadcast %broadcast_in_dim3A_649 : i32 to vector<16xi32>
    %broadcast_in_dim3A_651 = vector.shape_cast %broadcast_in_dim3A_650 : vector<16xi32> to vector<16x1xi32>
    %gather3A_652 = vector.shape_cast %broadcast_in_dim3A_651 : vector<16x1xi32> to vector<16xi32>
    %gather3A_653 = tpu.dynamic_gather %scan3A_99#3[%gather3A_652] in [0] : vector<16xf32>, vector<16xi32> -> vector<16xf32>
    %mul3A_654 = arith.mulf %gather3A_653, %get3A_75 : vector<16xf32>
    %add3A_655 = arith.addf %add3A_648, %mul3A_654 : vector<16xf32>
    %mul3A_656 = arith.mulf %scan3A_99#3, %add3A_655 : vector<16xf32>
    %xor3A_657 = arith.constant 1 : i32
    %xor3A_658 = vector.broadcast %xor3A_657 : i32 to vector<16xi32>
    %xor3A_659 = arith.xori %iota3A, %xor3A_658 : vector<16xi32>
    %broadcast_in_dim3A_660 = vector.shape_cast %xor3A_659 : vector<16xi32> to vector<16x1xi32>
    %gather3A_661 = vector.shape_cast %broadcast_in_dim3A_660 : vector<16x1xi32> to vector<16xi32>
    %gather3A_662 = tpu.dynamic_gather %mul3A_656[%gather3A_661] in [0] : vector<16xf32>, vector<16xi32> -> vector<16xf32>
    %add3A_663 = arith.addf %mul3A_656, %gather3A_662 : vector<16xf32>
    %xor3A_664 = arith.constant 2 : i32
    %xor3A_665 = vector.broadcast %xor3A_664 : i32 to vector<16xi32>
    %xor3A_666 = arith.xori %iota3A, %xor3A_665 : vector<16xi32>
    %broadcast_in_dim3A_667 = vector.shape_cast %xor3A_666 : vector<16xi32> to vector<16x1xi32>
    %gather3A_668 = vector.shape_cast %broadcast_in_dim3A_667 : vector<16x1xi32> to vector<16xi32>
    %gather3A_669 = tpu.dynamic_gather %add3A_663[%gather3A_668] in [0] : vector<16xf32>, vector<16xi32> -> vector<16xf32>
    %add3A_670 = arith.addf %add3A_663, %gather3A_669 : vector<16xf32>
    %xor3A_671 = arith.constant 4 : i32
    %xor3A_672 = vector.broadcast %xor3A_671 : i32 to vector<16xi32>
    %xor3A_673 = arith.xori %iota3A, %xor3A_672 : vector<16xi32>
    %broadcast_in_dim3A_674 = vector.shape_cast %xor3A_673 : vector<16xi32> to vector<16x1xi32>
    %gather3A_675 = vector.shape_cast %broadcast_in_dim3A_674 : vector<16x1xi32> to vector<16xi32>
    %gather3A_676 = tpu.dynamic_gather %add3A_670[%gather3A_675] in [0] : vector<16xf32>, vector<16xi32> -> vector<16xf32>
    %add3A_677 = arith.addf %add3A_670, %gather3A_676 : vector<16xf32>
    %xor3A_678 = arith.constant 8 : i32
    %xor3A_679 = vector.broadcast %xor3A_678 : i32 to vector<16xi32>
    %xor3A_680 = arith.xori %iota3A, %xor3A_679 : vector<16xi32>
    %broadcast_in_dim3A_681 = vector.shape_cast %xor3A_680 : vector<16xi32> to vector<16x1xi32>
    %gather3A_682 = vector.shape_cast %broadcast_in_dim3A_681 : vector<16x1xi32> to vector<16xi32>
    %gather3A_683 = tpu.dynamic_gather %add3A_677[%gather3A_682] in [0] : vector<16xf32>, vector<16xi32> -> vector<16xf32>
    %add3A_684 = arith.addf %add3A_677, %gather3A_683 : vector<16xf32>
    %max3A_685 = arith.constant 1.000000e-30 : f32
    %max3A_686 = vector.broadcast %max3A_685 : f32 to vector<16xf32>
    %max3A_687 = arith.maximumf %add3A_684, %max3A_686 : vector<16xf32>
    %bitcast_convert_type3A_688 = tpu.bitcast %max3A_687 : vector<16xf32> -> vector<16xi32>
    %shift_right_logical3A_689 = arith.constant 1 : i32
    %shift_right_logical3A_690 = vector.broadcast %shift_right_logical3A_689 : i32 to vector<16xi32>
    %shift_right_logical3A_691 = arith.shrui %bitcast_convert_type3A_688, %shift_right_logical3A_690 : vector<16xi32>
    %sub3A_692 = arith.constant 1597463007 : i32
    %sub3A_693 = vector.broadcast %sub3A_692 : i32 to vector<16xi32>
    %sub3A_694 = arith.subi %sub3A_693, %shift_right_logical3A_691 : vector<16xi32>
    %bitcast_convert_type3A_695 = tpu.bitcast %sub3A_694 : vector<16xi32> -> vector<16xf32>
    %mul3A_696 = arith.constant 5.000000e-01 : f32
    %mul3A_697 = vector.broadcast %mul3A_696 : f32 to vector<16xf32>
    %mul3A_698 = arith.mulf %mul3A_697, %max3A_687 : vector<16xf32>
    %mul3A_699 = arith.mulf %mul3A_698, %bitcast_convert_type3A_695 : vector<16xf32>
    %mul3A_700 = arith.mulf %mul3A_699, %bitcast_convert_type3A_695 : vector<16xf32>
    %sub3A_701 = arith.constant 1.500000e+00 : f32
    %sub3A_702 = vector.broadcast %sub3A_701 : f32 to vector<16xf32>
    %sub3A_703 = arith.subf %sub3A_702, %mul3A_700 : vector<16xf32>
    %mul3A_704 = arith.mulf %bitcast_convert_type3A_695, %sub3A_703 : vector<16xf32>
    %mul3A_705 = arith.constant 5.000000e-01 : f32
    %mul3A_706 = vector.broadcast %mul3A_705 : f32 to vector<16xf32>
    %mul3A_707 = arith.mulf %mul3A_706, %max3A_687 : vector<16xf32>
    %mul3A_708 = arith.mulf %mul3A_707, %mul3A_704 : vector<16xf32>
    %mul3A_709 = arith.mulf %mul3A_708, %mul3A_704 : vector<16xf32>
    %sub3A_710 = arith.constant 1.500000e+00 : f32
    %sub3A_711 = vector.broadcast %sub3A_710 : f32 to vector<16xf32>
    %sub3A_712 = arith.subf %sub3A_711, %mul3A_709 : vector<16xf32>
    %mul3A_713 = arith.mulf %mul3A_704, %sub3A_712 : vector<16xf32>
    %mul3A_714 = arith.constant 5.000000e-01 : f32
    %mul3A_715 = vector.broadcast %mul3A_714 : f32 to vector<16xf32>
    %mul3A_716 = arith.mulf %mul3A_715, %max3A_687 : vector<16xf32>
    %mul3A_717 = arith.mulf %mul3A_716, %mul3A_713 : vector<16xf32>
    %mul3A_718 = arith.mulf %mul3A_717, %mul3A_713 : vector<16xf32>
    %sub3A_719 = arith.constant 1.500000e+00 : f32
    %sub3A_720 = vector.broadcast %sub3A_719 : f32 to vector<16xf32>
    %sub3A_721 = arith.subf %sub3A_720, %mul3A_718 : vector<16xf32>
    %mul3A_722 = arith.mulf %mul3A_713, %sub3A_721 : vector<16xf32>
    %mul3A_723 = arith.mulf %max3A_687, %mul3A_722 : vector<16xf32>
    %add3A_724 = arith.constant 9.99999993E-9 : f32
    %add3A_725 = vector.broadcast %add3A_724 : f32 to vector<16xf32>
    %add3A_726 = arith.addf %mul3A_723, %add3A_725 : vector<16xf32>
    %div3A_727 = arith.divf %add3A_655, %add3A_726 : vector<16xf32>
    %broadcast_in_dim3A_728 = arith.constant 0 : i32
    %broadcast_in_dim3A_729 = vector.broadcast %broadcast_in_dim3A_728 : i32 to vector<16xi32>
    %gt3A = arith.cmpf ogt, %div3A_411, %div3A_253 : vector<16xf32>
    %select_n3A_730 = arith.select %gt3A, %div3A_411, %div3A_253 : vector<16xi1>, vector<16xf32>
    %broadcast_in_dim3A_731 = arith.constant 1 : i32
    %broadcast_in_dim3A_732 = vector.broadcast %broadcast_in_dim3A_731 : i32 to vector<16xi32>
    %select_n3A_733 = arith.select %gt3A, %broadcast_in_dim3A_732, %broadcast_in_dim3A_729 : vector<16xi1>, vector<16xi32>
    %gt3A_734 = arith.cmpf ogt, %div3A_569, %select_n3A_730 : vector<16xf32>
    %select_n3A_735 = arith.select %gt3A_734, %div3A_569, %select_n3A_730 : vector<16xi1>, vector<16xf32>
    %broadcast_in_dim3A_736 = arith.constant 2 : i32
    %broadcast_in_dim3A_737 = vector.broadcast %broadcast_in_dim3A_736 : i32 to vector<16xi32>
    %select_n3A_738 = arith.select %gt3A_734, %broadcast_in_dim3A_737, %select_n3A_733 : vector<16xi1>, vector<16xi32>
    %gt3A_739 = arith.cmpf ogt, %div3A_727, %select_n3A_735 : vector<16xf32>
    %select_n3A_740 = arith.select %gt3A_739, %div3A_727, %select_n3A_735 : vector<16xi1>, vector<16xf32>
    %broadcast_in_dim3A_741 = arith.constant 3 : i32
    %broadcast_in_dim3A_742 = vector.broadcast %broadcast_in_dim3A_741 : i32 to vector<16xi32>
    %select_n3A_743 = arith.select %gt3A_739, %broadcast_in_dim3A_742, %select_n3A_738 : vector<16xi1>, vector<16xi32>
    %broadcast_in_dim3A_744 = arith.constant 0.000000e+00 : f32
    %broadcast_in_dim3A_745 = vector.broadcast %broadcast_in_dim3A_744 : f32 to vector<16xf32>
    %broadcast_in_dim3A_746 = arith.constant 0.000000e+00 : f32
    %broadcast_in_dim3A_747 = vector.broadcast %broadcast_in_dim3A_746 : f32 to vector<16xf32>
    %broadcast_in_dim3A_748 = arith.constant 0.000000e+00 : f32
    %broadcast_in_dim3A_749 = vector.broadcast %broadcast_in_dim3A_748 : f32 to vector<16xf32>
    %broadcast_in_dim3A_750 = arith.constant 0.000000e+00 : f32
    %broadcast_in_dim3A_751 = vector.broadcast %broadcast_in_dim3A_750 : f32 to vector<16xf32>
    %broadcast_in_dim3A_752 = arith.constant 0.000000e+00 : f32
    %broadcast_in_dim3A_753 = vector.broadcast %broadcast_in_dim3A_752 : f32 to vector<16xf32>
    %broadcast_in_dim3A_754 = arith.constant 0.000000e+00 : f32
    %broadcast_in_dim3A_755 = vector.broadcast %broadcast_in_dim3A_754 : f32 to vector<16xf32>
    %broadcast_in_dim3A_756 = arith.constant 0.000000e+00 : f32
    %broadcast_in_dim3A_757 = vector.broadcast %broadcast_in_dim3A_756 : f32 to vector<16xf32>
    %broadcast_in_dim3A_758 = arith.constant 0.000000e+00 : f32
    %broadcast_in_dim3A_759 = vector.broadcast %broadcast_in_dim3A_758 : f32 to vector<16xf32>
    %broadcast_in_dim3A_760 = arith.constant 0.000000e+00 : f32
    %broadcast_in_dim3A_761 = vector.broadcast %broadcast_in_dim3A_760 : f32 to vector<16xf32>
    %broadcast_in_dim3A_762 = arith.constant 0.000000e+00 : f32
    %broadcast_in_dim3A_763 = vector.broadcast %broadcast_in_dim3A_762 : f32 to vector<16xf32>
    %broadcast_in_dim3A_764 = arith.constant 0.000000e+00 : f32
    %broadcast_in_dim3A_765 = vector.broadcast %broadcast_in_dim3A_764 : f32 to vector<16xf32>
    %broadcast_in_dim3A_766 = arith.constant 0.000000e+00 : f32
    %broadcast_in_dim3A_767 = vector.broadcast %broadcast_in_dim3A_766 : f32 to vector<16xf32>
    %broadcast_in_dim3A_768 = arith.constant 0.000000e+00 : f32
    %broadcast_in_dim3A_769 = vector.broadcast %broadcast_in_dim3A_768 : f32 to vector<16xf32>
    %broadcast_in_dim3A_770 = arith.constant 0.000000e+00 : f32
    %broadcast_in_dim3A_771 = vector.broadcast %broadcast_in_dim3A_770 : f32 to vector<16xf32>
    %broadcast_in_dim3A_772 = arith.constant 0.000000e+00 : f32
    %broadcast_in_dim3A_773 = vector.broadcast %broadcast_in_dim3A_772 : f32 to vector<16xf32>
    %broadcast_in_dim3A_774 = arith.constant 0.000000e+00 : f32
    %broadcast_in_dim3A_775 = vector.broadcast %broadcast_in_dim3A_774 : f32 to vector<16xf32>
    %broadcast_in_dim3A_776 = arith.constant 0.000000e+00 : f32
    %broadcast_in_dim3A_777 = vector.broadcast %broadcast_in_dim3A_776 : f32 to vector<16xf32>
    %broadcast_in_dim3A_778 = arith.constant 0.000000e+00 : f32
    %broadcast_in_dim3A_779 = vector.broadcast %broadcast_in_dim3A_778 : f32 to vector<16xf32>
    %broadcast_in_dim3A_780 = arith.constant 0.000000e+00 : f32
    %broadcast_in_dim3A_781 = vector.broadcast %broadcast_in_dim3A_780 : f32 to vector<16xf32>
    %broadcast_in_dim3A_782 = arith.constant 0.000000e+00 : f32
    %broadcast_in_dim3A_783 = vector.broadcast %broadcast_in_dim3A_782 : f32 to vector<16xf32>
    %broadcast_in_dim3A_784 = arith.constant 0.000000e+00 : f32
    %broadcast_in_dim3A_785 = vector.broadcast %broadcast_in_dim3A_784 : f32 to vector<16xf32>
    %broadcast_in_dim3A_786 = arith.constant 0.000000e+00 : f32
    %broadcast_in_dim3A_787 = vector.broadcast %broadcast_in_dim3A_786 : f32 to vector<16xf32>
    %broadcast_in_dim3A_788 = arith.constant 0.000000e+00 : f32
    %broadcast_in_dim3A_789 = vector.broadcast %broadcast_in_dim3A_788 : f32 to vector<16xf32>
    %broadcast_in_dim3A_790 = arith.constant 0.000000e+00 : f32
    %broadcast_in_dim3A_791 = vector.broadcast %broadcast_in_dim3A_790 : f32 to vector<16xf32>
    %broadcast_in_dim3A_792 = arith.constant 0.000000e+00 : f32
    %broadcast_in_dim3A_793 = vector.broadcast %broadcast_in_dim3A_792 : f32 to vector<16xf32>
    %broadcast_in_dim3A_794 = arith.constant 0.000000e+00 : f32
    %broadcast_in_dim3A_795 = vector.broadcast %broadcast_in_dim3A_794 : f32 to vector<16xf32>
    %broadcast_in_dim3A_796 = arith.constant 0.000000e+00 : f32
    %broadcast_in_dim3A_797 = vector.broadcast %broadcast_in_dim3A_796 : f32 to vector<16xf32>
    %broadcast_in_dim3A_798 = arith.constant 0.000000e+00 : f32
    %broadcast_in_dim3A_799 = vector.broadcast %broadcast_in_dim3A_798 : f32 to vector<16xf32>
    %broadcast_in_dim3A_800 = arith.constant 0.000000e+00 : f32
    %broadcast_in_dim3A_801 = vector.broadcast %broadcast_in_dim3A_800 : f32 to vector<16xf32>
    %broadcast_in_dim3A_802 = arith.constant 0.000000e+00 : f32
    %broadcast_in_dim3A_803 = vector.broadcast %broadcast_in_dim3A_802 : f32 to vector<16xf32>
    %broadcast_in_dim3A_804 = arith.constant 0.000000e+00 : f32
    %broadcast_in_dim3A_805 = vector.broadcast %broadcast_in_dim3A_804 : f32 to vector<16xf32>
    %broadcast_in_dim3A_806 = arith.constant 0.000000e+00 : f32
    %broadcast_in_dim3A_807 = vector.broadcast %broadcast_in_dim3A_806 : f32 to vector<16xf32>
    %broadcast_in_dim3A_808 = arith.constant 0.000000e+00 : f32
    %broadcast_in_dim3A_809 = vector.broadcast %broadcast_in_dim3A_808 : f32 to vector<16xf32>
    %broadcast_in_dim3A_810 = arith.constant 0.000000e+00 : f32
    %broadcast_in_dim3A_811 = vector.broadcast %broadcast_in_dim3A_810 : f32 to vector<16xf32>
    %broadcast_in_dim3A_812 = arith.constant 0.000000e+00 : f32
    %broadcast_in_dim3A_813 = vector.broadcast %broadcast_in_dim3A_812 : f32 to vector<16xf32>
    %broadcast_in_dim3A_814 = arith.constant 0.000000e+00 : f32
    %broadcast_in_dim3A_815 = vector.broadcast %broadcast_in_dim3A_814 : f32 to vector<16xf32>
    %broadcast_in_dim3A_816 = arith.constant 0.000000e+00 : f32
    %broadcast_in_dim3A_817 = vector.broadcast %broadcast_in_dim3A_816 : f32 to vector<16xf32>
    %broadcast_in_dim3A_818 = arith.constant 0.000000e+00 : f32
    %broadcast_in_dim3A_819 = vector.broadcast %broadcast_in_dim3A_818 : f32 to vector<16xf32>
    %broadcast_in_dim3A_820 = arith.constant 0.000000e+00 : f32
    %broadcast_in_dim3A_821 = vector.broadcast %broadcast_in_dim3A_820 : f32 to vector<16xf32>
    %broadcast_in_dim3A_822 = arith.constant 0.000000e+00 : f32
    %broadcast_in_dim3A_823 = vector.broadcast %broadcast_in_dim3A_822 : f32 to vector<16xf32>
    %broadcast_in_dim3A_824 = arith.constant 0.000000e+00 : f32
    %broadcast_in_dim3A_825 = vector.broadcast %broadcast_in_dim3A_824 : f32 to vector<16xf32>
    %broadcast_in_dim3A_826 = arith.constant 0.000000e+00 : f32
    %broadcast_in_dim3A_827 = vector.broadcast %broadcast_in_dim3A_826 : f32 to vector<16xf32>
    %broadcast_in_dim3A_828 = arith.constant 0.000000e+00 : f32
    %broadcast_in_dim3A_829 = vector.broadcast %broadcast_in_dim3A_828 : f32 to vector<16xf32>
    %broadcast_in_dim3A_830 = arith.constant 0.000000e+00 : f32
    %broadcast_in_dim3A_831 = vector.broadcast %broadcast_in_dim3A_830 : f32 to vector<16xf32>
    %broadcast_in_dim3A_832 = arith.constant 0.000000e+00 : f32
    %broadcast_in_dim3A_833 = vector.broadcast %broadcast_in_dim3A_832 : f32 to vector<16xf32>
    %broadcast_in_dim3A_834 = arith.constant 0.000000e+00 : f32
    %broadcast_in_dim3A_835 = vector.broadcast %broadcast_in_dim3A_834 : f32 to vector<16xf32>
    %broadcast_in_dim3A_836 = arith.constant 0.000000e+00 : f32
    %broadcast_in_dim3A_837 = vector.broadcast %broadcast_in_dim3A_836 : f32 to vector<16xf32>
    %broadcast_in_dim3A_838 = arith.constant 0.000000e+00 : f32
    %broadcast_in_dim3A_839 = vector.broadcast %broadcast_in_dim3A_838 : f32 to vector<16xf32>
    %broadcast_in_dim3A_840 = arith.constant 0 : i32
    %broadcast_in_dim3A_841 = vector.broadcast %broadcast_in_dim3A_840 : i32 to vector<16xi32>
    %broadcast_in_dim3A_842 = vector.shape_cast %broadcast_in_dim3A_841 : vector<16xi32> to vector<16x1xi32>
    %gather3A_843 = vector.shape_cast %broadcast_in_dim3A_842 : vector<16x1xi32> to vector<16xi32>
    %gather3A_844 = tpu.dynamic_gather %select_n3A_743[%gather3A_843] in [0] : vector<16xi32>, vector<16xi32> -> vector<16xi32>
    %get3A_845 = arith.constant 0 : i32
    %get3A_846 = arith.index_cast %get3A_845 : i32 to index
    %get3A_847 = arith.constant 0 : index
    %get3A_848 = tpu.vector_load %arg6[%get3A_846, %get3A_847] {strides = array<i32>} : memref<12x192xf32, #tpu.memory_space<vmem>>, vector<1x16xf32>,
    %get3A_849 = vector.shape_cast %get3A_848 : vector<1x16xf32> to vector<16xf32>
    %get3A_850 = arith.constant 0 : i32
    %get3A_851 = arith.index_cast %get3A_850 : i32 to index
    %get3A_852 = arith.constant 16 : index
    %get3A_853 = tpu.vector_load %arg6[%get3A_851, %get3A_852] {strides = array<i32>} : memref<12x192xf32, #tpu.memory_space<vmem>>, vector<1x16xf32>,
    %get3A_854 = vector.shape_cast %get3A_853 : vector<1x16xf32> to vector<16xf32>
    %get3A_855 = arith.constant 0 : i32
    %get3A_856 = arith.index_cast %get3A_855 : i32 to index
    %get3A_857 = arith.constant 32 : index
    %get3A_858 = tpu.vector_load %arg6[%get3A_856, %get3A_857] {strides = array<i32>} : memref<12x192xf32, #tpu.memory_space<vmem>>, vector<1x16xf32>,
    %get3A_859 = vector.shape_cast %get3A_858 : vector<1x16xf32> to vector<16xf32>
    %get3A_860 = arith.constant 0 : i32
    %get3A_861 = arith.index_cast %get3A_860 : i32 to index
    %get3A_862 = arith.constant 48 : index
    %get3A_863 = tpu.vector_load %arg6[%get3A_861, %get3A_862] {strides = array<i32>} : memref<12x192xf32, #tpu.memory_space<vmem>>, vector<1x16xf32>,
    %get3A_864 = vector.shape_cast %get3A_863 : vector<1x16xf32> to vector<16xf32>
    %get3A_865 = arith.constant 0 : i32
    %get3A_866 = arith.index_cast %get3A_865 : i32 to index
    %get3A_867 = arith.constant 64 : index
    %get3A_868 = tpu.vector_load %arg6[%get3A_866, %get3A_867] {strides = array<i32>} : memref<12x192xf32, #tpu.memory_space<vmem>>, vector<1x16xf32>,
    %get3A_869 = vector.shape_cast %get3A_868 : vector<1x16xf32> to vector<16xf32>
    %get3A_870 = arith.constant 0 : i32
    %get3A_871 = arith.index_cast %get3A_870 : i32 to index
    %get3A_872 = arith.constant 80 : index
    %get3A_873 = tpu.vector_load %arg6[%get3A_871, %get3A_872] {strides = array<i32>} : memref<12x192xf32, #tpu.memory_space<vmem>>, vector<1x16xf32>,
    %get3A_874 = vector.shape_cast %get3A_873 : vector<1x16xf32> to vector<16xf32>
    %get3A_875 = arith.constant 0 : i32
    %get3A_876 = arith.index_cast %get3A_875 : i32 to index
    %get3A_877 = arith.constant 96 : index
    %get3A_878 = tpu.vector_load %arg6[%get3A_876, %get3A_877] {strides = array<i32>} : memref<12x192xf32, #tpu.memory_space<vmem>>, vector<1x16xf32>,
    %get3A_879 = vector.shape_cast %get3A_878 : vector<1x16xf32> to vector<16xf32>
    %get3A_880 = arith.constant 0 : i32
    %get3A_881 = arith.index_cast %get3A_880 : i32 to index
    %get3A_882 = arith.constant 112 : index
    %get3A_883 = tpu.vector_load %arg6[%get3A_881, %get3A_882] {strides = array<i32>} : memref<12x192xf32, #tpu.memory_space<vmem>>, vector<1x16xf32>,
    %get3A_884 = vector.shape_cast %get3A_883 : vector<1x16xf32> to vector<16xf32>
    %get3A_885 = arith.constant 0 : i32
    %get3A_886 = arith.index_cast %get3A_885 : i32 to index
    %get3A_887 = arith.constant 128 : index
    %get3A_888 = tpu.vector_load %arg6[%get3A_886, %get3A_887] {strides = array<i32>} : memref<12x192xf32, #tpu.memory_space<vmem>>, vector<1x16xf32>,
    %get3A_889 = vector.shape_cast %get3A_888 : vector<1x16xf32> to vector<16xf32>
    %get3A_890 = arith.constant 0 : i32
    %get3A_891 = arith.index_cast %get3A_890 : i32 to index
    %get3A_892 = arith.constant 144 : index
    %get3A_893 = tpu.vector_load %arg6[%get3A_891, %get3A_892] {strides = array<i32>} : memref<12x192xf32, #tpu.memory_space<vmem>>, vector<1x16xf32>,
    %get3A_894 = vector.shape_cast %get3A_893 : vector<1x16xf32> to vector<16xf32>
    %get3A_895 = arith.constant 0 : i32
    %get3A_896 = arith.index_cast %get3A_895 : i32 to index
    %get3A_897 = arith.constant 160 : index
    %get3A_898 = tpu.vector_load %arg6[%get3A_896, %get3A_897] {strides = array<i32>} : memref<12x192xf32, #tpu.memory_space<vmem>>, vector<1x16xf32>,
    %get3A_899 = vector.shape_cast %get3A_898 : vector<1x16xf32> to vector<16xf32>
    %get3A_900 = arith.constant 0 : i32
    %get3A_901 = arith.index_cast %get3A_900 : i32 to index
    %get3A_902 = arith.constant 176 : index
    %get3A_903 = tpu.vector_load %arg6[%get3A_901, %get3A_902] {strides = array<i32>} : memref<12x192xf32, #tpu.memory_space<vmem>>, vector<1x16xf32>,
    %get3A_904 = vector.shape_cast %get3A_903 : vector<1x16xf32> to vector<16xf32>
    %eq3A_905 = arith.constant 0 : i32
    %eq3A_906 = vector.broadcast %eq3A_905 : i32 to vector<16xi32>
    %eq3A_907 = arith.cmpi eq, %gather3A_844, %eq3A_906 : vector<16xi32>
    %jit3A_908 = arith.constant 1.000000e+00 : f32
    %jit3A_909 = arith.constant 0.000000e+00 : f32
    %broadcast_in_dim3A_910 = vector.broadcast %jit3A_908 : f32 to vector<16xf32>
    %broadcast_in_dim3A_911 = vector.broadcast %jit3A_909 : f32 to vector<16xf32>
    %select_n3A_912 = arith.select %eq3A_907, %broadcast_in_dim3A_910, %broadcast_in_dim3A_911 : vector<16xi1>, vector<16xf32>
    %mul3A_913 = arith.mulf %get3A_849, %select_n3A_912 : vector<16xf32>
    %add3A_914 = arith.addf %broadcast_in_dim3A_745, %mul3A_913 : vector<16xf32>
    %mul3A_915 = arith.mulf %get3A_854, %select_n3A_912 : vector<16xf32>
    %add3A_916 = arith.addf %broadcast_in_dim3A_747, %mul3A_915 : vector<16xf32>
    %mul3A_917 = arith.mulf %get3A_859, %select_n3A_912 : vector<16xf32>
    %add3A_918 = arith.addf %broadcast_in_dim3A_749, %mul3A_917 : vector<16xf32>
    %mul3A_919 = arith.mulf %get3A_864, %select_n3A_912 : vector<16xf32>
    %add3A_920 = arith.addf %broadcast_in_dim3A_751, %mul3A_919 : vector<16xf32>
    %mul3A_921 = arith.mulf %get3A_869, %select_n3A_912 : vector<16xf32>
    %add3A_922 = arith.addf %broadcast_in_dim3A_753, %mul3A_921 : vector<16xf32>
    %mul3A_923 = arith.mulf %get3A_874, %select_n3A_912 : vector<16xf32>
    %add3A_924 = arith.addf %broadcast_in_dim3A_755, %mul3A_923 : vector<16xf32>
    %mul3A_925 = arith.mulf %get3A_879, %select_n3A_912 : vector<16xf32>
    %add3A_926 = arith.addf %broadcast_in_dim3A_757, %mul3A_925 : vector<16xf32>
    %mul3A_927 = arith.mulf %get3A_884, %select_n3A_912 : vector<16xf32>
    %add3A_928 = arith.addf %broadcast_in_dim3A_759, %mul3A_927 : vector<16xf32>
    %mul3A_929 = arith.mulf %get3A_889, %select_n3A_912 : vector<16xf32>
    %add3A_930 = arith.addf %broadcast_in_dim3A_761, %mul3A_929 : vector<16xf32>
    %mul3A_931 = arith.mulf %get3A_894, %select_n3A_912 : vector<16xf32>
    %add3A_932 = arith.addf %broadcast_in_dim3A_763, %mul3A_931 : vector<16xf32>
    %mul3A_933 = arith.mulf %get3A_899, %select_n3A_912 : vector<16xf32>
    %add3A_934 = arith.addf %broadcast_in_dim3A_765, %mul3A_933 : vector<16xf32>
    %mul3A_935 = arith.mulf %get3A_904, %select_n3A_912 : vector<16xf32>
    %add3A_936 = arith.addf %broadcast_in_dim3A_767, %mul3A_935 : vector<16xf32>
    %eq3A_937 = arith.constant 1 : i32
    %eq3A_938 = vector.broadcast %eq3A_937 : i32 to vector<16xi32>
    %eq3A_939 = arith.cmpi eq, %gather3A_844, %eq3A_938 : vector<16xi32>
    %jit3A_940 = arith.constant 1.000000e+00 : f32
    %jit3A_941 = arith.constant 0.000000e+00 : f32
    %broadcast_in_dim3A_942 = vector.broadcast %jit3A_940 : f32 to vector<16xf32>
    %broadcast_in_dim3A_943 = vector.broadcast %jit3A_941 : f32 to vector<16xf32>
    %select_n3A_944 = arith.select %eq3A_939, %broadcast_in_dim3A_942, %broadcast_in_dim3A_943 : vector<16xi1>, vector<16xf32>
    %mul3A_945 = arith.mulf %get3A_849, %select_n3A_944 : vector<16xf32>
    %add3A_946 = arith.addf %broadcast_in_dim3A_769, %mul3A_945 : vector<16xf32>
    %mul3A_947 = arith.mulf %get3A_854, %select_n3A_944 : vector<16xf32>
    %add3A_948 = arith.addf %broadcast_in_dim3A_771, %mul3A_947 : vector<16xf32>
    %mul3A_949 = arith.mulf %get3A_859, %select_n3A_944 : vector<16xf32>
    %add3A_950 = arith.addf %broadcast_in_dim3A_773, %mul3A_949 : vector<16xf32>
    %mul3A_951 = arith.mulf %get3A_864, %select_n3A_944 : vector<16xf32>
    %add3A_952 = arith.addf %broadcast_in_dim3A_775, %mul3A_951 : vector<16xf32>
    %mul3A_953 = arith.mulf %get3A_869, %select_n3A_944 : vector<16xf32>
    %add3A_954 = arith.addf %broadcast_in_dim3A_777, %mul3A_953 : vector<16xf32>
    %mul3A_955 = arith.mulf %get3A_874, %select_n3A_944 : vector<16xf32>
    %add3A_956 = arith.addf %broadcast_in_dim3A_779, %mul3A_955 : vector<16xf32>
    %mul3A_957 = arith.mulf %get3A_879, %select_n3A_944 : vector<16xf32>
    %add3A_958 = arith.addf %broadcast_in_dim3A_781, %mul3A_957 : vector<16xf32>
    %mul3A_959 = arith.mulf %get3A_884, %select_n3A_944 : vector<16xf32>
    %add3A_960 = arith.addf %broadcast_in_dim3A_783, %mul3A_959 : vector<16xf32>
    %mul3A_961 = arith.mulf %get3A_889, %select_n3A_944 : vector<16xf32>
    %add3A_962 = arith.addf %broadcast_in_dim3A_785, %mul3A_961 : vector<16xf32>
    %mul3A_963 = arith.mulf %get3A_894, %select_n3A_944 : vector<16xf32>
    %add3A_964 = arith.addf %broadcast_in_dim3A_787, %mul3A_963 : vector<16xf32>
    %mul3A_965 = arith.mulf %get3A_899, %select_n3A_944 : vector<16xf32>
    %add3A_966 = arith.addf %broadcast_in_dim3A_789, %mul3A_965 : vector<16xf32>
    %mul3A_967 = arith.mulf %get3A_904, %select_n3A_944 : vector<16xf32>
    %add3A_968 = arith.addf %broadcast_in_dim3A_791, %mul3A_967 : vector<16xf32>
    %eq3A_969 = arith.constant 2 : i32
    %eq3A_970 = vector.broadcast %eq3A_969 : i32 to vector<16xi32>
    %eq3A_971 = arith.cmpi eq, %gather3A_844, %eq3A_970 : vector<16xi32>
    %jit3A_972 = arith.constant 1.000000e+00 : f32
    %jit3A_973 = arith.constant 0.000000e+00 : f32
    %broadcast_in_dim3A_974 = vector.broadcast %jit3A_972 : f32 to vector<16xf32>
    %broadcast_in_dim3A_975 = vector.broadcast %jit3A_973 : f32 to vector<16xf32>
    %select_n3A_976 = arith.select %eq3A_971, %broadcast_in_dim3A_974, %broadcast_in_dim3A_975 : vector<16xi1>, vector<16xf32>
    %mul3A_977 = arith.mulf %get3A_849, %select_n3A_976 : vector<16xf32>
    %add3A_978 = arith.addf %broadcast_in_dim3A_793, %mul3A_977 : vector<16xf32>
    %mul3A_979 = arith.mulf %get3A_854, %select_n3A_976 : vector<16xf32>
    %add3A_980 = arith.addf %broadcast_in_dim3A_795, %mul3A_979 : vector<16xf32>
    %mul3A_981 = arith.mulf %get3A_859, %select_n3A_976 : vector<16xf32>
    %add3A_982 = arith.addf %broadcast_in_dim3A_797, %mul3A_981 : vector<16xf32>
    %mul3A_983 = arith.mulf %get3A_864, %select_n3A_976 : vector<16xf32>
    %add3A_984 = arith.addf %broadcast_in_dim3A_799, %mul3A_983 : vector<16xf32>
    %mul3A_985 = arith.mulf %get3A_869, %select_n3A_976 : vector<16xf32>
    %add3A_986 = arith.addf %broadcast_in_dim3A_801, %mul3A_985 : vector<16xf32>
    %mul3A_987 = arith.mulf %get3A_874, %select_n3A_976 : vector<16xf32>
    %add3A_988 = arith.addf %broadcast_in_dim3A_803, %mul3A_987 : vector<16xf32>
    %mul3A_989 = arith.mulf %get3A_879, %select_n3A_976 : vector<16xf32>
    %add3A_990 = arith.addf %broadcast_in_dim3A_805, %mul3A_989 : vector<16xf32>
    %mul3A_991 = arith.mulf %get3A_884, %select_n3A_976 : vector<16xf32>
    %add3A_992 = arith.addf %broadcast_in_dim3A_807, %mul3A_991 : vector<16xf32>
    %mul3A_993 = arith.mulf %get3A_889, %select_n3A_976 : vector<16xf32>
    %add3A_994 = arith.addf %broadcast_in_dim3A_809, %mul3A_993 : vector<16xf32>
    %mul3A_995 = arith.mulf %get3A_894, %select_n3A_976 : vector<16xf32>
    %add3A_996 = arith.addf %broadcast_in_dim3A_811, %mul3A_995 : vector<16xf32>
    %mul3A_997 = arith.mulf %get3A_899, %select_n3A_976 : vector<16xf32>
    %add3A_998 = arith.addf %broadcast_in_dim3A_813, %mul3A_997 : vector<16xf32>
    %mul3A_999 = arith.mulf %get3A_904, %select_n3A_976 : vector<16xf32>
    %add3A_1000 = arith.addf %broadcast_in_dim3A_815, %mul3A_999 : vector<16xf32>
    %eq3A_1001 = arith.constant 3 : i32
    %eq3A_1002 = vector.broadcast %eq3A_1001 : i32 to vector<16xi32>
    %eq3A_1003 = arith.cmpi eq, %gather3A_844, %eq3A_1002 : vector<16xi32>
    %jit3A_1004 = arith.constant 1.000000e+00 : f32
    %jit3A_1005 = arith.constant 0.000000e+00 : f32
    %broadcast_in_dim3A_1006 = vector.broadcast %jit3A_1004 : f32 to vector<16xf32>
    %broadcast_in_dim3A_1007 = vector.broadcast %jit3A_1005 : f32 to vector<16xf32>
    %select_n3A_1008 = arith.select %eq3A_1003, %broadcast_in_dim3A_1006, %broadcast_in_dim3A_1007 : vector<16xi1>, vector<16xf32>
    %mul3A_1009 = arith.mulf %get3A_849, %select_n3A_1008 : vector<16xf32>
    %add3A_1010 = arith.addf %broadcast_in_dim3A_817, %mul3A_1009 : vector<16xf32>
    %mul3A_1011 = arith.mulf %get3A_854, %select_n3A_1008 : vector<16xf32>
    %add3A_1012 = arith.addf %broadcast_in_dim3A_819, %mul3A_1011 : vector<16xf32>
    %mul3A_1013 = arith.mulf %get3A_859, %select_n3A_1008 : vector<16xf32>
    %add3A_1014 = arith.addf %broadcast_in_dim3A_821, %mul3A_1013 : vector<16xf32>
    %mul3A_1015 = arith.mulf %get3A_864, %select_n3A_1008 : vector<16xf32>
    %add3A_1016 = arith.addf %broadcast_in_dim3A_823, %mul3A_1015 : vector<16xf32>
    %mul3A_1017 = arith.mulf %get3A_869, %select_n3A_1008 : vector<16xf32>
    %add3A_1018 = arith.addf %broadcast_in_dim3A_825, %mul3A_1017 : vector<16xf32>
    %mul3A_1019 = arith.mulf %get3A_874, %select_n3A_1008 : vector<16xf32>
    %add3A_1020 = arith.addf %broadcast_in_dim3A_827, %mul3A_1019 : vector<16xf32>
    %mul3A_1021 = arith.mulf %get3A_879, %select_n3A_1008 : vector<16xf32>
    %add3A_1022 = arith.addf %broadcast_in_dim3A_829, %mul3A_1021 : vector<16xf32>
    %mul3A_1023 = arith.mulf %get3A_884, %select_n3A_1008 : vector<16xf32>
    %add3A_1024 = arith.addf %broadcast_in_dim3A_831, %mul3A_1023 : vector<16xf32>
    %mul3A_1025 = arith.mulf %get3A_889, %select_n3A_1008 : vector<16xf32>
    %add3A_1026 = arith.addf %broadcast_in_dim3A_833, %mul3A_1025 : vector<16xf32>
    %mul3A_1027 = arith.mulf %get3A_894, %select_n3A_1008 : vector<16xf32>
    %add3A_1028 = arith.addf %broadcast_in_dim3A_835, %mul3A_1027 : vector<16xf32>
    %mul3A_1029 = arith.mulf %get3A_899, %select_n3A_1008 : vector<16xf32>
    %add3A_1030 = arith.addf %broadcast_in_dim3A_837, %mul3A_1029 : vector<16xf32>
    %mul3A_1031 = arith.mulf %get3A_904, %select_n3A_1008 : vector<16xf32>
    %add3A_1032 = arith.addf %broadcast_in_dim3A_839, %mul3A_1031 : vector<16xf32>
    %broadcast_in_dim3A_1033 = arith.constant 1 : i32
    %broadcast_in_dim3A_1034 = vector.broadcast %broadcast_in_dim3A_1033 : i32 to vector<16xi32>
    %broadcast_in_dim3A_1035 = vector.shape_cast %broadcast_in_dim3A_1034 : vector<16xi32> to vector<16x1xi32>
    %gather3A_1036 = vector.shape_cast %broadcast_in_dim3A_1035 : vector<16x1xi32> to vector<16xi32>
    %gather3A_1037 = tpu.dynamic_gather %select_n3A_743[%gather3A_1036] in [0] : vector<16xi32>, vector<16xi32> -> vector<16xi32>
    %get3A_1038 = arith.constant 1 : i32
    %get3A_1039 = arith.index_cast %get3A_1038 : i32 to index
    %get3A_1040 = arith.constant 0 : index
    %get3A_1041 = tpu.vector_load %arg6[%get3A_1039, %get3A_1040] {strides = array<i32>} : memref<12x192xf32, #tpu.memory_space<vmem>>, vector<1x16xf32>,
    %get3A_1042 = vector.shape_cast %get3A_1041 : vector<1x16xf32> to vector<16xf32>
    %get3A_1043 = arith.constant 1 : i32
    %get3A_1044 = arith.index_cast %get3A_1043 : i32 to index
    %get3A_1045 = arith.constant 16 : index
    %get3A_1046 = tpu.vector_load %arg6[%get3A_1044, %get3A_1045] {strides = array<i32>} : memref<12x192xf32, #tpu.memory_space<vmem>>, vector<1x16xf32>,
    %get3A_1047 = vector.shape_cast %get3A_1046 : vector<1x16xf32> to vector<16xf32>
    %get3A_1048 = arith.constant 1 : i32
    %get3A_1049 = arith.index_cast %get3A_1048 : i32 to index
    %get3A_1050 = arith.constant 32 : index
    %get3A_1051 = tpu.vector_load %arg6[%get3A_1049, %get3A_1050] {strides = array<i32>} : memref<12x192xf32, #tpu.memory_space<vmem>>, vector<1x16xf32>,
    %get3A_1052 = vector.shape_cast %get3A_1051 : vector<1x16xf32> to vector<16xf32>
    %get3A_1053 = arith.constant 1 : i32
    %get3A_1054 = arith.index_cast %get3A_1053 : i32 to index
    %get3A_1055 = arith.constant 48 : index
    %get3A_1056 = tpu.vector_load %arg6[%get3A_1054, %get3A_1055] {strides = array<i32>} : memref<12x192xf32, #tpu.memory_space<vmem>>, vector<1x16xf32>,
    %get3A_1057 = vector.shape_cast %get3A_1056 : vector<1x16xf32> to vector<16xf32>
    %get3A_1058 = arith.constant 1 : i32
    %get3A_1059 = arith.index_cast %get3A_1058 : i32 to index
    %get3A_1060 = arith.constant 64 : index
    %get3A_1061 = tpu.vector_load %arg6[%get3A_1059, %get3A_1060] {strides = array<i32>} : memref<12x192xf32, #tpu.memory_space<vmem>>, vector<1x16xf32>,
    %get3A_1062 = vector.shape_cast %get3A_1061 : vector<1x16xf32> to vector<16xf32>
    %get3A_1063 = arith.constant 1 : i32
    %get3A_1064 = arith.index_cast %get3A_1063 : i32 to index
    %get3A_1065 = arith.constant 80 : index
    %get3A_1066 = tpu.vector_load %arg6[%get3A_1064, %get3A_1065] {strides = array<i32>} : memref<12x192xf32, #tpu.memory_space<vmem>>, vector<1x16xf32>,
    %get3A_1067 = vector.shape_cast %get3A_1066 : vector<1x16xf32> to vector<16xf32>
    %get3A_1068 = arith.constant 1 : i32
    %get3A_1069 = arith.index_cast %get3A_1068 : i32 to index
    %get3A_1070 = arith.constant 96 : index
    %get3A_1071 = tpu.vector_load %arg6[%get3A_1069, %get3A_1070] {strides = array<i32>} : memref<12x192xf32, #tpu.memory_space<vmem>>, vector<1x16xf32>,
    %get3A_1072 = vector.shape_cast %get3A_1071 : vector<1x16xf32> to vector<16xf32>
    %get3A_1073 = arith.constant 1 : i32
    %get3A_1074 = arith.index_cast %get3A_1073 : i32 to index
    %get3A_1075 = arith.constant 112 : index
    %get3A_1076 = tpu.vector_load %arg6[%get3A_1074, %get3A_1075] {strides = array<i32>} : memref<12x192xf32, #tpu.memory_space<vmem>>, vector<1x16xf32>,
    %get3A_1077 = vector.shape_cast %get3A_1076 : vector<1x16xf32> to vector<16xf32>
    %get3A_1078 = arith.constant 1 : i32
    %get3A_1079 = arith.index_cast %get3A_1078 : i32 to index
    %get3A_1080 = arith.constant 128 : index
    %get3A_1081 = tpu.vector_load %arg6[%get3A_1079, %get3A_1080] {strides = array<i32>} : memref<12x192xf32, #tpu.memory_space<vmem>>, vector<1x16xf32>,
    %get3A_1082 = vector.shape_cast %get3A_1081 : vector<1x16xf32> to vector<16xf32>
    %get3A_1083 = arith.constant 1 : i32
    %get3A_1084 = arith.index_cast %get3A_1083 : i32 to index
    %get3A_1085 = arith.constant 144 : index
    %get3A_1086 = tpu.vector_load %arg6[%get3A_1084, %get3A_1085] {strides = array<i32>} : memref<12x192xf32, #tpu.memory_space<vmem>>, vector<1x16xf32>,
    %get3A_1087 = vector.shape_cast %get3A_1086 : vector<1x16xf32> to vector<16xf32>
    %get3A_1088 = arith.constant 1 : i32
    %get3A_1089 = arith.index_cast %get3A_1088 : i32 to index
    %get3A_1090 = arith.constant 160 : index
    %get3A_1091 = tpu.vector_load %arg6[%get3A_1089, %get3A_1090] {strides = array<i32>} : memref<12x192xf32, #tpu.memory_space<vmem>>, vector<1x16xf32>,
    %get3A_1092 = vector.shape_cast %get3A_1091 : vector<1x16xf32> to vector<16xf32>
    %get3A_1093 = arith.constant 1 : i32
    %get3A_1094 = arith.index_cast %get3A_1093 : i32 to index
    %get3A_1095 = arith.constant 176 : index
    %get3A_1096 = tpu.vector_load %arg6[%get3A_1094, %get3A_1095] {strides = array<i32>} : memref<12x192xf32, #tpu.memory_space<vmem>>, vector<1x16xf32>,
    %get3A_1097 = vector.shape_cast %get3A_1096 : vector<1x16xf32> to vector<16xf32>
    %eq3A_1098 = arith.constant 0 : i32
    %eq3A_1099 = vector.broadcast %eq3A_1098 : i32 to vector<16xi32>
    %eq3A_1100 = arith.cmpi eq, %gather3A_1037, %eq3A_1099 : vector<16xi32>
    %jit3A_1101 = arith.constant 1.000000e+00 : f32
    %jit3A_1102 = arith.constant 0.000000e+00 : f32
    %broadcast_in_dim3A_1103 = vector.broadcast %jit3A_1101 : f32 to vector<16xf32>
    %broadcast_in_dim3A_1104 = vector.broadcast %jit3A_1102 : f32 to vector<16xf32>
    %select_n3A_1105 = arith.select %eq3A_1100, %broadcast_in_dim3A_1103, %broadcast_in_dim3A_1104 : vector<16xi1>, vector<16xf32>
    %mul3A_1106 = arith.mulf %get3A_1042, %select_n3A_1105 : vector<16xf32>
    %add3A_1107 = arith.addf %add3A_914, %mul3A_1106 : vector<16xf32>
    %mul3A_1108 = arith.mulf %get3A_1047, %select_n3A_1105 : vector<16xf32>
    %add3A_1109 = arith.addf %add3A_916, %mul3A_1108 : vector<16xf32>
    %mul3A_1110 = arith.mulf %get3A_1052, %select_n3A_1105 : vector<16xf32>
    %add3A_1111 = arith.addf %add3A_918, %mul3A_1110 : vector<16xf32>
    %mul3A_1112 = arith.mulf %get3A_1057, %select_n3A_1105 : vector<16xf32>
    %add3A_1113 = arith.addf %add3A_920, %mul3A_1112 : vector<16xf32>
    %mul3A_1114 = arith.mulf %get3A_1062, %select_n3A_1105 : vector<16xf32>
    %add3A_1115 = arith.addf %add3A_922, %mul3A_1114 : vector<16xf32>
    %mul3A_1116 = arith.mulf %get3A_1067, %select_n3A_1105 : vector<16xf32>
    %add3A_1117 = arith.addf %add3A_924, %mul3A_1116 : vector<16xf32>
    %mul3A_1118 = arith.mulf %get3A_1072, %select_n3A_1105 : vector<16xf32>
    %add3A_1119 = arith.addf %add3A_926, %mul3A_1118 : vector<16xf32>
    %mul3A_1120 = arith.mulf %get3A_1077, %select_n3A_1105 : vector<16xf32>
    %add3A_1121 = arith.addf %add3A_928, %mul3A_1120 : vector<16xf32>
    %mul3A_1122 = arith.mulf %get3A_1082, %select_n3A_1105 : vector<16xf32>
    %add3A_1123 = arith.addf %add3A_930, %mul3A_1122 : vector<16xf32>
    %mul3A_1124 = arith.mulf %get3A_1087, %select_n3A_1105 : vector<16xf32>
    %add3A_1125 = arith.addf %add3A_932, %mul3A_1124 : vector<16xf32>
    %mul3A_1126 = arith.mulf %get3A_1092, %select_n3A_1105 : vector<16xf32>
    %add3A_1127 = arith.addf %add3A_934, %mul3A_1126 : vector<16xf32>
    %mul3A_1128 = arith.mulf %get3A_1097, %select_n3A_1105 : vector<16xf32>
    %add3A_1129 = arith.addf %add3A_936, %mul3A_1128 : vector<16xf32>
    %eq3A_1130 = arith.constant 1 : i32
    %eq3A_1131 = vector.broadcast %eq3A_1130 : i32 to vector<16xi32>
    %eq3A_1132 = arith.cmpi eq, %gather3A_1037, %eq3A_1131 : vector<16xi32>
    %jit3A_1133 = arith.constant 1.000000e+00 : f32
    %jit3A_1134 = arith.constant 0.000000e+00 : f32
    %broadcast_in_dim3A_1135 = vector.broadcast %jit3A_1133 : f32 to vector<16xf32>
    %broadcast_in_dim3A_1136 = vector.broadcast %jit3A_1134 : f32 to vector<16xf32>
    %select_n3A_1137 = arith.select %eq3A_1132, %broadcast_in_dim3A_1135, %broadcast_in_dim3A_1136 : vector<16xi1>, vector<16xf32>
    %mul3A_1138 = arith.mulf %get3A_1042, %select_n3A_1137 : vector<16xf32>
    %add3A_1139 = arith.addf %add3A_946, %mul3A_1138 : vector<16xf32>
    %mul3A_1140 = arith.mulf %get3A_1047, %select_n3A_1137 : vector<16xf32>
    %add3A_1141 = arith.addf %add3A_948, %mul3A_1140 : vector<16xf32>
    %mul3A_1142 = arith.mulf %get3A_1052, %select_n3A_1137 : vector<16xf32>
    %add3A_1143 = arith.addf %add3A_950, %mul3A_1142 : vector<16xf32>
    %mul3A_1144 = arith.mulf %get3A_1057, %select_n3A_1137 : vector<16xf32>
    %add3A_1145 = arith.addf %add3A_952, %mul3A_1144 : vector<16xf32>
    %mul3A_1146 = arith.mulf %get3A_1062, %select_n3A_1137 : vector<16xf32>
    %add3A_1147 = arith.addf %add3A_954, %mul3A_1146 : vector<16xf32>
    %mul3A_1148 = arith.mulf %get3A_1067, %select_n3A_1137 : vector<16xf32>
    %add3A_1149 = arith.addf %add3A_956, %mul3A_1148 : vector<16xf32>
    %mul3A_1150 = arith.mulf %get3A_1072, %select_n3A_1137 : vector<16xf32>
    %add3A_1151 = arith.addf %add3A_958, %mul3A_1150 : vector<16xf32>
    %mul3A_1152 = arith.mulf %get3A_1077, %select_n3A_1137 : vector<16xf32>
    %add3A_1153 = arith.addf %add3A_960, %mul3A_1152 : vector<16xf32>
    %mul3A_1154 = arith.mulf %get3A_1082, %select_n3A_1137 : vector<16xf32>
    %add3A_1155 = arith.addf %add3A_962, %mul3A_1154 : vector<16xf32>
    %mul3A_1156 = arith.mulf %get3A_1087, %select_n3A_1137 : vector<16xf32>
    %add3A_1157 = arith.addf %add3A_964, %mul3A_1156 : vector<16xf32>
    %mul3A_1158 = arith.mulf %get3A_1092, %select_n3A_1137 : vector<16xf32>
    %add3A_1159 = arith.addf %add3A_966, %mul3A_1158 : vector<16xf32>
    %mul3A_1160 = arith.mulf %get3A_1097, %select_n3A_1137 : vector<16xf32>
    %add3A_1161 = arith.addf %add3A_968, %mul3A_1160 : vector<16xf32>
    %eq3A_1162 = arith.constant 2 : i32
    %eq3A_1163 = vector.broadcast %eq3A_1162 : i32 to vector<16xi32>
    %eq3A_1164 = arith.cmpi eq, %gather3A_1037, %eq3A_1163 : vector<16xi32>
    %jit3A_1165 = arith.constant 1.000000e+00 : f32
    %jit3A_1166 = arith.constant 0.000000e+00 : f32
    %broadcast_in_dim3A_1167 = vector.broadcast %jit3A_1165 : f32 to vector<16xf32>
    %broadcast_in_dim3A_1168 = vector.broadcast %jit3A_1166 : f32 to vector<16xf32>
    %select_n3A_1169 = arith.select %eq3A_1164, %broadcast_in_dim3A_1167, %broadcast_in_dim3A_1168 : vector<16xi1>, vector<16xf32>
    %mul3A_1170 = arith.mulf %get3A_1042, %select_n3A_1169 : vector<16xf32>
    %add3A_1171 = arith.addf %add3A_978, %mul3A_1170 : vector<16xf32>
    %mul3A_1172 = arith.mulf %get3A_1047, %select_n3A_1169 : vector<16xf32>
    %add3A_1173 = arith.addf %add3A_980, %mul3A_1172 : vector<16xf32>
    %mul3A_1174 = arith.mulf %get3A_1052, %select_n3A_1169 : vector<16xf32>
    %add3A_1175 = arith.addf %add3A_982, %mul3A_1174 : vector<16xf32>
    %mul3A_1176 = arith.mulf %get3A_1057, %select_n3A_1169 : vector<16xf32>
    %add3A_1177 = arith.addf %add3A_984, %mul3A_1176 : vector<16xf32>
    %mul3A_1178 = arith.mulf %get3A_1062, %select_n3A_1169 : vector<16xf32>
    %add3A_1179 = arith.addf %add3A_986, %mul3A_1178 : vector<16xf32>
    %mul3A_1180 = arith.mulf %get3A_1067, %select_n3A_1169 : vector<16xf32>
    %add3A_1181 = arith.addf %add3A_988, %mul3A_1180 : vector<16xf32>
    %mul3A_1182 = arith.mulf %get3A_1072, %select_n3A_1169 : vector<16xf32>
    %add3A_1183 = arith.addf %add3A_990, %mul3A_1182 : vector<16xf32>
    %mul3A_1184 = arith.mulf %get3A_1077, %select_n3A_1169 : vector<16xf32>
    %add3A_1185 = arith.addf %add3A_992, %mul3A_1184 : vector<16xf32>
    %mul3A_1186 = arith.mulf %get3A_1082, %select_n3A_1169 : vector<16xf32>
    %add3A_1187 = arith.addf %add3A_994, %mul3A_1186 : vector<16xf32>
    %mul3A_1188 = arith.mulf %get3A_1087, %select_n3A_1169 : vector<16xf32>
    %add3A_1189 = arith.addf %add3A_996, %mul3A_1188 : vector<16xf32>
    %mul3A_1190 = arith.mulf %get3A_1092, %select_n3A_1169 : vector<16xf32>
    %add3A_1191 = arith.addf %add3A_998, %mul3A_1190 : vector<16xf32>
    %mul3A_1192 = arith.mulf %get3A_1097, %select_n3A_1169 : vector<16xf32>
    %add3A_1193 = arith.addf %add3A_1000, %mul3A_1192 : vector<16xf32>
    %eq3A_1194 = arith.constant 3 : i32
    %eq3A_1195 = vector.broadcast %eq3A_1194 : i32 to vector<16xi32>
    %eq3A_1196 = arith.cmpi eq, %gather3A_1037, %eq3A_1195 : vector<16xi32>
    %jit3A_1197 = arith.constant 1.000000e+00 : f32
    %jit3A_1198 = arith.constant 0.000000e+00 : f32
    %broadcast_in_dim3A_1199 = vector.broadcast %jit3A_1197 : f32 to vector<16xf32>
    %broadcast_in_dim3A_1200 = vector.broadcast %jit3A_1198 : f32 to vector<16xf32>
    %select_n3A_1201 = arith.select %eq3A_1196, %broadcast_in_dim3A_1199, %broadcast_in_dim3A_1200 : vector<16xi1>, vector<16xf32>
    %mul3A_1202 = arith.mulf %get3A_1042, %select_n3A_1201 : vector<16xf32>
    %add3A_1203 = arith.addf %add3A_1010, %mul3A_1202 : vector<16xf32>
    %mul3A_1204 = arith.mulf %get3A_1047, %select_n3A_1201 : vector<16xf32>
    %add3A_1205 = arith.addf %add3A_1012, %mul3A_1204 : vector<16xf32>
    %mul3A_1206 = arith.mulf %get3A_1052, %select_n3A_1201 : vector<16xf32>
    %add3A_1207 = arith.addf %add3A_1014, %mul3A_1206 : vector<16xf32>
    %mul3A_1208 = arith.mulf %get3A_1057, %select_n3A_1201 : vector<16xf32>
    %add3A_1209 = arith.addf %add3A_1016, %mul3A_1208 : vector<16xf32>
    %mul3A_1210 = arith.mulf %get3A_1062, %select_n3A_1201 : vector<16xf32>
    %add3A_1211 = arith.addf %add3A_1018, %mul3A_1210 : vector<16xf32>
    %mul3A_1212 = arith.mulf %get3A_1067, %select_n3A_1201 : vector<16xf32>
    %add3A_1213 = arith.addf %add3A_1020, %mul3A_1212 : vector<16xf32>
    %mul3A_1214 = arith.mulf %get3A_1072, %select_n3A_1201 : vector<16xf32>
    %add3A_1215 = arith.addf %add3A_1022, %mul3A_1214 : vector<16xf32>
    %mul3A_1216 = arith.mulf %get3A_1077, %select_n3A_1201 : vector<16xf32>
    %add3A_1217 = arith.addf %add3A_1024, %mul3A_1216 : vector<16xf32>
    %mul3A_1218 = arith.mulf %get3A_1082, %select_n3A_1201 : vector<16xf32>
    %add3A_1219 = arith.addf %add3A_1026, %mul3A_1218 : vector<16xf32>
    %mul3A_1220 = arith.mulf %get3A_1087, %select_n3A_1201 : vector<16xf32>
    %add3A_1221 = arith.addf %add3A_1028, %mul3A_1220 : vector<16xf32>
    %mul3A_1222 = arith.mulf %get3A_1092, %select_n3A_1201 : vector<16xf32>
    %add3A_1223 = arith.addf %add3A_1030, %mul3A_1222 : vector<16xf32>
    %mul3A_1224 = arith.mulf %get3A_1097, %select_n3A_1201 : vector<16xf32>
    %add3A_1225 = arith.addf %add3A_1032, %mul3A_1224 : vector<16xf32>
    %broadcast_in_dim3A_1226 = arith.constant 2 : i32
    %broadcast_in_dim3A_1227 = vector.broadcast %broadcast_in_dim3A_1226 : i32 to vector<16xi32>
    %broadcast_in_dim3A_1228 = vector.shape_cast %broadcast_in_dim3A_1227 : vector<16xi32> to vector<16x1xi32>
    %gather3A_1229 = vector.shape_cast %broadcast_in_dim3A_1228 : vector<16x1xi32> to vector<16xi32>
    %gather3A_1230 = tpu.dynamic_gather %select_n3A_743[%gather3A_1229] in [0] : vector<16xi32>, vector<16xi32> -> vector<16xi32>
    %get3A_1231 = arith.constant 2 : i32
    %get3A_1232 = arith.index_cast %get3A_1231 : i32 to index
    %get3A_1233 = arith.constant 0 : index
    %get3A_1234 = tpu.vector_load %arg6[%get3A_1232, %get3A_1233] {strides = array<i32>} : memref<12x192xf32, #tpu.memory_space<vmem>>, vector<1x16xf32>,
    %get3A_1235 = vector.shape_cast %get3A_1234 : vector<1x16xf32> to vector<16xf32>
    %get3A_1236 = arith.constant 2 : i32
    %get3A_1237 = arith.index_cast %get3A_1236 : i32 to index
    %get3A_1238 = arith.constant 16 : index
    %get3A_1239 = tpu.vector_load %arg6[%get3A_1237, %get3A_1238] {strides = array<i32>} : memref<12x192xf32, #tpu.memory_space<vmem>>, vector<1x16xf32>,
    %get3A_1240 = vector.shape_cast %get3A_1239 : vector<1x16xf32> to vector<16xf32>
    %get3A_1241 = arith.constant 2 : i32
    %get3A_1242 = arith.index_cast %get3A_1241 : i32 to index
    %get3A_1243 = arith.constant 32 : index
    %get3A_1244 = tpu.vector_load %arg6[%get3A_1242, %get3A_1243] {strides = array<i32>} : memref<12x192xf32, #tpu.memory_space<vmem>>, vector<1x16xf32>,
    %get3A_1245 = vector.shape_cast %get3A_1244 : vector<1x16xf32> to vector<16xf32>
    %get3A_1246 = arith.constant 2 : i32
    %get3A_1247 = arith.index_cast %get3A_1246 : i32 to index
    %get3A_1248 = arith.constant 48 : index
    %get3A_1249 = tpu.vector_load %arg6[%get3A_1247, %get3A_1248] {strides = array<i32>} : memref<12x192xf32, #tpu.memory_space<vmem>>, vector<1x16xf32>,
    %get3A_1250 = vector.shape_cast %get3A_1249 : vector<1x16xf32> to vector<16xf32>
    %get3A_1251 = arith.constant 2 : i32
    %get3A_1252 = arith.index_cast %get3A_1251 : i32 to index
    %get3A_1253 = arith.constant 64 : index
    %get3A_1254 = tpu.vector_load %arg6[%get3A_1252, %get3A_1253] {strides = array<i32>} : memref<12x192xf32, #tpu.memory_space<vmem>>, vector<1x16xf32>,
    %get3A_1255 = vector.shape_cast %get3A_1254 : vector<1x16xf32> to vector<16xf32>
    %get3A_1256 = arith.constant 2 : i32
    %get3A_1257 = arith.index_cast %get3A_1256 : i32 to index
    %get3A_1258 = arith.constant 80 : index
    %get3A_1259 = tpu.vector_load %arg6[%get3A_1257, %get3A_1258] {strides = array<i32>} : memref<12x192xf32, #tpu.memory_space<vmem>>, vector<1x16xf32>,
    %get3A_1260 = vector.shape_cast %get3A_1259 : vector<1x16xf32> to vector<16xf32>
    %get3A_1261 = arith.constant 2 : i32
    %get3A_1262 = arith.index_cast %get3A_1261 : i32 to index
    %get3A_1263 = arith.constant 96 : index
    %get3A_1264 = tpu.vector_load %arg6[%get3A_1262, %get3A_1263] {strides = array<i32>} : memref<12x192xf32, #tpu.memory_space<vmem>>, vector<1x16xf32>,
    %get3A_1265 = vector.shape_cast %get3A_1264 : vector<1x16xf32> to vector<16xf32>
    %get3A_1266 = arith.constant 2 : i32
    %get3A_1267 = arith.index_cast %get3A_1266 : i32 to index
    %get3A_1268 = arith.constant 112 : index
    %get3A_1269 = tpu.vector_load %arg6[%get3A_1267, %get3A_1268] {strides = array<i32>} : memref<12x192xf32, #tpu.memory_space<vmem>>, vector<1x16xf32>,
    %get3A_1270 = vector.shape_cast %get3A_1269 : vector<1x16xf32> to vector<16xf32>
    %get3A_1271 = arith.constant 2 : i32
    %get3A_1272 = arith.index_cast %get3A_1271 : i32 to index
    %get3A_1273 = arith.constant 128 : index
    %get3A_1274 = tpu.vector_load %arg6[%get3A_1272, %get3A_1273] {strides = array<i32>} : memref<12x192xf32, #tpu.memory_space<vmem>>, vector<1x16xf32>,
    %get3A_1275 = vector.shape_cast %get3A_1274 : vector<1x16xf32> to vector<16xf32>
    %get3A_1276 = arith.constant 2 : i32
    %get3A_1277 = arith.index_cast %get3A_1276 : i32 to index
    %get3A_1278 = arith.constant 144 : index
    %get3A_1279 = tpu.vector_load %arg6[%get3A_1277, %get3A_1278] {strides = array<i32>} : memref<12x192xf32, #tpu.memory_space<vmem>>, vector<1x16xf32>,
    %get3A_1280 = vector.shape_cast %get3A_1279 : vector<1x16xf32> to vector<16xf32>
    %get3A_1281 = arith.constant 2 : i32
    %get3A_1282 = arith.index_cast %get3A_1281 : i32 to index
    %get3A_1283 = arith.constant 160 : index
    %get3A_1284 = tpu.vector_load %arg6[%get3A_1282, %get3A_1283] {strides = array<i32>} : memref<12x192xf32, #tpu.memory_space<vmem>>, vector<1x16xf32>,
    %get3A_1285 = vector.shape_cast %get3A_1284 : vector<1x16xf32> to vector<16xf32>
    %get3A_1286 = arith.constant 2 : i32
    %get3A_1287 = arith.index_cast %get3A_1286 : i32 to index
    %get3A_1288 = arith.constant 176 : index
    %get3A_1289 = tpu.vector_load %arg6[%get3A_1287, %get3A_1288] {strides = array<i32>} : memref<12x192xf32, #tpu.memory_space<vmem>>, vector<1x16xf32>,
    %get3A_1290 = vector.shape_cast %get3A_1289 : vector<1x16xf32> to vector<16xf32>
    %eq3A_1291 = arith.constant 0 : i32
    %eq3A_1292 = vector.broadcast %eq3A_1291 : i32 to vector<16xi32>
    %eq3A_1293 = arith.cmpi eq, %gather3A_1230, %eq3A_1292 : vector<16xi32>
    %jit3A_1294 = arith.constant 1.000000e+00 : f32
    %jit3A_1295 = arith.constant 0.000000e+00 : f32
    %broadcast_in_dim3A_1296 = vector.broadcast %jit3A_1294 : f32 to vector<16xf32>
    %broadcast_in_dim3A_1297 = vector.broadcast %jit3A_1295 : f32 to vector<16xf32>
    %select_n3A_1298 = arith.select %eq3A_1293, %broadcast_in_dim3A_1296, %broadcast_in_dim3A_1297 : vector<16xi1>, vector<16xf32>
    %mul3A_1299 = arith.mulf %get3A_1235, %select_n3A_1298 : vector<16xf32>
    %add3A_1300 = arith.addf %add3A_1107, %mul3A_1299 : vector<16xf32>
    %mul3A_1301 = arith.mulf %get3A_1240, %select_n3A_1298 : vector<16xf32>
    %add3A_1302 = arith.addf %add3A_1109, %mul3A_1301 : vector<16xf32>
    %mul3A_1303 = arith.mulf %get3A_1245, %select_n3A_1298 : vector<16xf32>
    %add3A_1304 = arith.addf %add3A_1111, %mul3A_1303 : vector<16xf32>
    %mul3A_1305 = arith.mulf %get3A_1250, %select_n3A_1298 : vector<16xf32>
    %add3A_1306 = arith.addf %add3A_1113, %mul3A_1305 : vector<16xf32>
    %mul3A_1307 = arith.mulf %get3A_1255, %select_n3A_1298 : vector<16xf32>
    %add3A_1308 = arith.addf %add3A_1115, %mul3A_1307 : vector<16xf32>
    %mul3A_1309 = arith.mulf %get3A_1260, %select_n3A_1298 : vector<16xf32>
    %add3A_1310 = arith.addf %add3A_1117, %mul3A_1309 : vector<16xf32>
    %mul3A_1311 = arith.mulf %get3A_1265, %select_n3A_1298 : vector<16xf32>
    %add3A_1312 = arith.addf %add3A_1119, %mul3A_1311 : vector<16xf32>
    %mul3A_1313 = arith.mulf %get3A_1270, %select_n3A_1298 : vector<16xf32>
    %add3A_1314 = arith.addf %add3A_1121, %mul3A_1313 : vector<16xf32>
    %mul3A_1315 = arith.mulf %get3A_1275, %select_n3A_1298 : vector<16xf32>
    %add3A_1316 = arith.addf %add3A_1123, %mul3A_1315 : vector<16xf32>
    %mul3A_1317 = arith.mulf %get3A_1280, %select_n3A_1298 : vector<16xf32>
    %add3A_1318 = arith.addf %add3A_1125, %mul3A_1317 : vector<16xf32>
    %mul3A_1319 = arith.mulf %get3A_1285, %select_n3A_1298 : vector<16xf32>
    %add3A_1320 = arith.addf %add3A_1127, %mul3A_1319 : vector<16xf32>
    %mul3A_1321 = arith.mulf %get3A_1290, %select_n3A_1298 : vector<16xf32>
    %add3A_1322 = arith.addf %add3A_1129, %mul3A_1321 : vector<16xf32>
    %eq3A_1323 = arith.constant 1 : i32
    %eq3A_1324 = vector.broadcast %eq3A_1323 : i32 to vector<16xi32>
    %eq3A_1325 = arith.cmpi eq, %gather3A_1230, %eq3A_1324 : vector<16xi32>
    %jit3A_1326 = arith.constant 1.000000e+00 : f32
    %jit3A_1327 = arith.constant 0.000000e+00 : f32
    %broadcast_in_dim3A_1328 = vector.broadcast %jit3A_1326 : f32 to vector<16xf32>
    %broadcast_in_dim3A_1329 = vector.broadcast %jit3A_1327 : f32 to vector<16xf32>
    %select_n3A_1330 = arith.select %eq3A_1325, %broadcast_in_dim3A_1328, %broadcast_in_dim3A_1329 : vector<16xi1>, vector<16xf32>
    %mul3A_1331 = arith.mulf %get3A_1235, %select_n3A_1330 : vector<16xf32>
    %add3A_1332 = arith.addf %add3A_1139, %mul3A_1331 : vector<16xf32>
    %mul3A_1333 = arith.mulf %get3A_1240, %select_n3A_1330 : vector<16xf32>
    %add3A_1334 = arith.addf %add3A_1141, %mul3A_1333 : vector<16xf32>
    %mul3A_1335 = arith.mulf %get3A_1245, %select_n3A_1330 : vector<16xf32>
    %add3A_1336 = arith.addf %add3A_1143, %mul3A_1335 : vector<16xf32>
    %mul3A_1337 = arith.mulf %get3A_1250, %select_n3A_1330 : vector<16xf32>
    %add3A_1338 = arith.addf %add3A_1145, %mul3A_1337 : vector<16xf32>
    %mul3A_1339 = arith.mulf %get3A_1255, %select_n3A_1330 : vector<16xf32>
    %add3A_1340 = arith.addf %add3A_1147, %mul3A_1339 : vector<16xf32>
    %mul3A_1341 = arith.mulf %get3A_1260, %select_n3A_1330 : vector<16xf32>
    %add3A_1342 = arith.addf %add3A_1149, %mul3A_1341 : vector<16xf32>
    %mul3A_1343 = arith.mulf %get3A_1265, %select_n3A_1330 : vector<16xf32>
    %add3A_1344 = arith.addf %add3A_1151, %mul3A_1343 : vector<16xf32>
    %mul3A_1345 = arith.mulf %get3A_1270, %select_n3A_1330 : vector<16xf32>
    %add3A_1346 = arith.addf %add3A_1153, %mul3A_1345 : vector<16xf32>
    %mul3A_1347 = arith.mulf %get3A_1275, %select_n3A_1330 : vector<16xf32>
    %add3A_1348 = arith.addf %add3A_1155, %mul3A_1347 : vector<16xf32>
    %mul3A_1349 = arith.mulf %get3A_1280, %select_n3A_1330 : vector<16xf32>
    %add3A_1350 = arith.addf %add3A_1157, %mul3A_1349 : vector<16xf32>
    %mul3A_1351 = arith.mulf %get3A_1285, %select_n3A_1330 : vector<16xf32>
    %add3A_1352 = arith.addf %add3A_1159, %mul3A_1351 : vector<16xf32>
    %mul3A_1353 = arith.mulf %get3A_1290, %select_n3A_1330 : vector<16xf32>
    %add3A_1354 = arith.addf %add3A_1161, %mul3A_1353 : vector<16xf32>
    %eq3A_1355 = arith.constant 2 : i32
    %eq3A_1356 = vector.broadcast %eq3A_1355 : i32 to vector<16xi32>
    %eq3A_1357 = arith.cmpi eq, %gather3A_1230, %eq3A_1356 : vector<16xi32>
    %jit3A_1358 = arith.constant 1.000000e+00 : f32
    %jit3A_1359 = arith.constant 0.000000e+00 : f32
    %broadcast_in_dim3A_1360 = vector.broadcast %jit3A_1358 : f32 to vector<16xf32>
    %broadcast_in_dim3A_1361 = vector.broadcast %jit3A_1359 : f32 to vector<16xf32>
    %select_n3A_1362 = arith.select %eq3A_1357, %broadcast_in_dim3A_1360, %broadcast_in_dim3A_1361 : vector<16xi1>, vector<16xf32>
    %mul3A_1363 = arith.mulf %get3A_1235, %select_n3A_1362 : vector<16xf32>
    %add3A_1364 = arith.addf %add3A_1171, %mul3A_1363 : vector<16xf32>
    %mul3A_1365 = arith.mulf %get3A_1240, %select_n3A_1362 : vector<16xf32>
    %add3A_1366 = arith.addf %add3A_1173, %mul3A_1365 : vector<16xf32>
    %mul3A_1367 = arith.mulf %get3A_1245, %select_n3A_1362 : vector<16xf32>
    %add3A_1368 = arith.addf %add3A_1175, %mul3A_1367 : vector<16xf32>
    %mul3A_1369 = arith.mulf %get3A_1250, %select_n3A_1362 : vector<16xf32>
    %add3A_1370 = arith.addf %add3A_1177, %mul3A_1369 : vector<16xf32>
    %mul3A_1371 = arith.mulf %get3A_1255, %select_n3A_1362 : vector<16xf32>
    %add3A_1372 = arith.addf %add3A_1179, %mul3A_1371 : vector<16xf32>
    %mul3A_1373 = arith.mulf %get3A_1260, %select_n3A_1362 : vector<16xf32>
    %add3A_1374 = arith.addf %add3A_1181, %mul3A_1373 : vector<16xf32>
    %mul3A_1375 = arith.mulf %get3A_1265, %select_n3A_1362 : vector<16xf32>
    %add3A_1376 = arith.addf %add3A_1183, %mul3A_1375 : vector<16xf32>
    %mul3A_1377 = arith.mulf %get3A_1270, %select_n3A_1362 : vector<16xf32>
    %add3A_1378 = arith.addf %add3A_1185, %mul3A_1377 : vector<16xf32>
    %mul3A_1379 = arith.mulf %get3A_1275, %select_n3A_1362 : vector<16xf32>
    %add3A_1380 = arith.addf %add3A_1187, %mul3A_1379 : vector<16xf32>
    %mul3A_1381 = arith.mulf %get3A_1280, %select_n3A_1362 : vector<16xf32>
    %add3A_1382 = arith.addf %add3A_1189, %mul3A_1381 : vector<16xf32>
    %mul3A_1383 = arith.mulf %get3A_1285, %select_n3A_1362 : vector<16xf32>
    %add3A_1384 = arith.addf %add3A_1191, %mul3A_1383 : vector<16xf32>
    %mul3A_1385 = arith.mulf %get3A_1290, %select_n3A_1362 : vector<16xf32>
    %add3A_1386 = arith.addf %add3A_1193, %mul3A_1385 : vector<16xf32>
    %eq3A_1387 = arith.constant 3 : i32
    %eq3A_1388 = vector.broadcast %eq3A_1387 : i32 to vector<16xi32>
    %eq3A_1389 = arith.cmpi eq, %gather3A_1230, %eq3A_1388 : vector<16xi32>
    %jit3A_1390 = arith.constant 1.000000e+00 : f32
    %jit3A_1391 = arith.constant 0.000000e+00 : f32
    %broadcast_in_dim3A_1392 = vector.broadcast %jit3A_1390 : f32 to vector<16xf32>
    %broadcast_in_dim3A_1393 = vector.broadcast %jit3A_1391 : f32 to vector<16xf32>
    %select_n3A_1394 = arith.select %eq3A_1389, %broadcast_in_dim3A_1392, %broadcast_in_dim3A_1393 : vector<16xi1>, vector<16xf32>
    %mul3A_1395 = arith.mulf %get3A_1235, %select_n3A_1394 : vector<16xf32>
    %add3A_1396 = arith.addf %add3A_1203, %mul3A_1395 : vector<16xf32>
    %mul3A_1397 = arith.mulf %get3A_1240, %select_n3A_1394 : vector<16xf32>
    %add3A_1398 = arith.addf %add3A_1205, %mul3A_1397 : vector<16xf32>
    %mul3A_1399 = arith.mulf %get3A_1245, %select_n3A_1394 : vector<16xf32>
    %add3A_1400 = arith.addf %add3A_1207, %mul3A_1399 : vector<16xf32>
    %mul3A_1401 = arith.mulf %get3A_1250, %select_n3A_1394 : vector<16xf32>
    %add3A_1402 = arith.addf %add3A_1209, %mul3A_1401 : vector<16xf32>
    %mul3A_1403 = arith.mulf %get3A_1255, %select_n3A_1394 : vector<16xf32>
    %add3A_1404 = arith.addf %add3A_1211, %mul3A_1403 : vector<16xf32>
    %mul3A_1405 = arith.mulf %get3A_1260, %select_n3A_1394 : vector<16xf32>
    %add3A_1406 = arith.addf %add3A_1213, %mul3A_1405 : vector<16xf32>
    %mul3A_1407 = arith.mulf %get3A_1265, %select_n3A_1394 : vector<16xf32>
    %add3A_1408 = arith.addf %add3A_1215, %mul3A_1407 : vector<16xf32>
    %mul3A_1409 = arith.mulf %get3A_1270, %select_n3A_1394 : vector<16xf32>
    %add3A_1410 = arith.addf %add3A_1217, %mul3A_1409 : vector<16xf32>
    %mul3A_1411 = arith.mulf %get3A_1275, %select_n3A_1394 : vector<16xf32>
    %add3A_1412 = arith.addf %add3A_1219, %mul3A_1411 : vector<16xf32>
    %mul3A_1413 = arith.mulf %get3A_1280, %select_n3A_1394 : vector<16xf32>
    %add3A_1414 = arith.addf %add3A_1221, %mul3A_1413 : vector<16xf32>
    %mul3A_1415 = arith.mulf %get3A_1285, %select_n3A_1394 : vector<16xf32>
    %add3A_1416 = arith.addf %add3A_1223, %mul3A_1415 : vector<16xf32>
    %mul3A_1417 = arith.mulf %get3A_1290, %select_n3A_1394 : vector<16xf32>
    %add3A_1418 = arith.addf %add3A_1225, %mul3A_1417 : vector<16xf32>
    %broadcast_in_dim3A_1419 = arith.constant 3 : i32
    %broadcast_in_dim3A_1420 = vector.broadcast %broadcast_in_dim3A_1419 : i32 to vector<16xi32>
    %broadcast_in_dim3A_1421 = vector.shape_cast %broadcast_in_dim3A_1420 : vector<16xi32> to vector<16x1xi32>
    %gather3A_1422 = vector.shape_cast %broadcast_in_dim3A_1421 : vector<16x1xi32> to vector<16xi32>
    %gather3A_1423 = tpu.dynamic_gather %select_n3A_743[%gather3A_1422] in [0] : vector<16xi32>, vector<16xi32> -> vector<16xi32>
    %get3A_1424 = arith.constant 3 : i32
    %get3A_1425 = arith.index_cast %get3A_1424 : i32 to index
    %get3A_1426 = arith.constant 0 : index
    %get3A_1427 = tpu.vector_load %arg6[%get3A_1425, %get3A_1426] {strides = array<i32>} : memref<12x192xf32, #tpu.memory_space<vmem>>, vector<1x16xf32>,
    %get3A_1428 = vector.shape_cast %get3A_1427 : vector<1x16xf32> to vector<16xf32>
    %get3A_1429 = arith.constant 3 : i32
    %get3A_1430 = arith.index_cast %get3A_1429 : i32 to index
    %get3A_1431 = arith.constant 16 : index
    %get3A_1432 = tpu.vector_load %arg6[%get3A_1430, %get3A_1431] {strides = array<i32>} : memref<12x192xf32, #tpu.memory_space<vmem>>, vector<1x16xf32>,
    %get3A_1433 = vector.shape_cast %get3A_1432 : vector<1x16xf32> to vector<16xf32>
    %get3A_1434 = arith.constant 3 : i32
    %get3A_1435 = arith.index_cast %get3A_1434 : i32 to index
    %get3A_1436 = arith.constant 32 : index
    %get3A_1437 = tpu.vector_load %arg6[%get3A_1435, %get3A_1436] {strides = array<i32>} : memref<12x192xf32, #tpu.memory_space<vmem>>, vector<1x16xf32>,
    %get3A_1438 = vector.shape_cast %get3A_1437 : vector<1x16xf32> to vector<16xf32>
    %get3A_1439 = arith.constant 3 : i32
    %get3A_1440 = arith.index_cast %get3A_1439 : i32 to index
    %get3A_1441 = arith.constant 48 : index
    %get3A_1442 = tpu.vector_load %arg6[%get3A_1440, %get3A_1441] {strides = array<i32>} : memref<12x192xf32, #tpu.memory_space<vmem>>, vector<1x16xf32>,
    %get3A_1443 = vector.shape_cast %get3A_1442 : vector<1x16xf32> to vector<16xf32>
    %get3A_1444 = arith.constant 3 : i32
    %get3A_1445 = arith.index_cast %get3A_1444 : i32 to index
    %get3A_1446 = arith.constant 64 : index
    %get3A_1447 = tpu.vector_load %arg6[%get3A_1445, %get3A_1446] {strides = array<i32>} : memref<12x192xf32, #tpu.memory_space<vmem>>, vector<1x16xf32>,
    %get3A_1448 = vector.shape_cast %get3A_1447 : vector<1x16xf32> to vector<16xf32>
    %get3A_1449 = arith.constant 3 : i32
    %get3A_1450 = arith.index_cast %get3A_1449 : i32 to index
    %get3A_1451 = arith.constant 80 : index
    %get3A_1452 = tpu.vector_load %arg6[%get3A_1450, %get3A_1451] {strides = array<i32>} : memref<12x192xf32, #tpu.memory_space<vmem>>, vector<1x16xf32>,
    %get3A_1453 = vector.shape_cast %get3A_1452 : vector<1x16xf32> to vector<16xf32>
    %get3A_1454 = arith.constant 3 : i32
    %get3A_1455 = arith.index_cast %get3A_1454 : i32 to index
    %get3A_1456 = arith.constant 96 : index
    %get3A_1457 = tpu.vector_load %arg6[%get3A_1455, %get3A_1456] {strides = array<i32>} : memref<12x192xf32, #tpu.memory_space<vmem>>, vector<1x16xf32>,
    %get3A_1458 = vector.shape_cast %get3A_1457 : vector<1x16xf32> to vector<16xf32>
    %get3A_1459 = arith.constant 3 : i32
    %get3A_1460 = arith.index_cast %get3A_1459 : i32 to index
    %get3A_1461 = arith.constant 112 : index
    %get3A_1462 = tpu.vector_load %arg6[%get3A_1460, %get3A_1461] {strides = array<i32>} : memref<12x192xf32, #tpu.memory_space<vmem>>, vector<1x16xf32>,
    %get3A_1463 = vector.shape_cast %get3A_1462 : vector<1x16xf32> to vector<16xf32>
    %get3A_1464 = arith.constant 3 : i32
    %get3A_1465 = arith.index_cast %get3A_1464 : i32 to index
    %get3A_1466 = arith.constant 128 : index
    %get3A_1467 = tpu.vector_load %arg6[%get3A_1465, %get3A_1466] {strides = array<i32>} : memref<12x192xf32, #tpu.memory_space<vmem>>, vector<1x16xf32>,
    %get3A_1468 = vector.shape_cast %get3A_1467 : vector<1x16xf32> to vector<16xf32>
    %get3A_1469 = arith.constant 3 : i32
    %get3A_1470 = arith.index_cast %get3A_1469 : i32 to index
    %get3A_1471 = arith.constant 144 : index
    %get3A_1472 = tpu.vector_load %arg6[%get3A_1470, %get3A_1471] {strides = array<i32>} : memref<12x192xf32, #tpu.memory_space<vmem>>, vector<1x16xf32>,
    %get3A_1473 = vector.shape_cast %get3A_1472 : vector<1x16xf32> to vector<16xf32>
    %get3A_1474 = arith.constant 3 : i32
    %get3A_1475 = arith.index_cast %get3A_1474 : i32 to index
    %get3A_1476 = arith.constant 160 : index
    %get3A_1477 = tpu.vector_load %arg6[%get3A_1475, %get3A_1476] {strides = array<i32>} : memref<12x192xf32, #tpu.memory_space<vmem>>, vector<1x16xf32>,
    %get3A_1478 = vector.shape_cast %get3A_1477 : vector<1x16xf32> to vector<16xf32>
    %get3A_1479 = arith.constant 3 : i32
    %get3A_1480 = arith.index_cast %get3A_1479 : i32 to index
    %get3A_1481 = arith.constant 176 : index
    %get3A_1482 = tpu.vector_load %arg6[%get3A_1480, %get3A_1481] {strides = array<i32>} : memref<12x192xf32, #tpu.memory_space<vmem>>, vector<1x16xf32>,
    %get3A_1483 = vector.shape_cast %get3A_1482 : vector<1x16xf32> to vector<16xf32>
    %eq3A_1484 = arith.constant 0 : i32
    %eq3A_1485 = vector.broadcast %eq3A_1484 : i32 to vector<16xi32>
    %eq3A_1486 = arith.cmpi eq, %gather3A_1423, %eq3A_1485 : vector<16xi32>
    %jit3A_1487 = arith.constant 1.000000e+00 : f32
    %jit3A_1488 = arith.constant 0.000000e+00 : f32
    %broadcast_in_dim3A_1489 = vector.broadcast %jit3A_1487 : f32 to vector<16xf32>
    %broadcast_in_dim3A_1490 = vector.broadcast %jit3A_1488 : f32 to vector<16xf32>
    %select_n3A_1491 = arith.select %eq3A_1486, %broadcast_in_dim3A_1489, %broadcast_in_dim3A_1490 : vector<16xi1>, vector<16xf32>
    %mul3A_1492 = arith.mulf %get3A_1428, %select_n3A_1491 : vector<16xf32>
    %add3A_1493 = arith.addf %add3A_1300, %mul3A_1492 : vector<16xf32>
    %mul3A_1494 = arith.mulf %get3A_1433, %select_n3A_1491 : vector<16xf32>
    %add3A_1495 = arith.addf %add3A_1302, %mul3A_1494 : vector<16xf32>
    %mul3A_1496 = arith.mulf %get3A_1438, %select_n3A_1491 : vector<16xf32>
    %add3A_1497 = arith.addf %add3A_1304, %mul3A_1496 : vector<16xf32>
    %mul3A_1498 = arith.mulf %get3A_1443, %select_n3A_1491 : vector<16xf32>
    %add3A_1499 = arith.addf %add3A_1306, %mul3A_1498 : vector<16xf32>
    %mul3A_1500 = arith.mulf %get3A_1448, %select_n3A_1491 : vector<16xf32>
    %add3A_1501 = arith.addf %add3A_1308, %mul3A_1500 : vector<16xf32>
    %mul3A_1502 = arith.mulf %get3A_1453, %select_n3A_1491 : vector<16xf32>
    %add3A_1503 = arith.addf %add3A_1310, %mul3A_1502 : vector<16xf32>
    %mul3A_1504 = arith.mulf %get3A_1458, %select_n3A_1491 : vector<16xf32>
    %add3A_1505 = arith.addf %add3A_1312, %mul3A_1504 : vector<16xf32>
    %mul3A_1506 = arith.mulf %get3A_1463, %select_n3A_1491 : vector<16xf32>
    %add3A_1507 = arith.addf %add3A_1314, %mul3A_1506 : vector<16xf32>
    %mul3A_1508 = arith.mulf %get3A_1468, %select_n3A_1491 : vector<16xf32>
    %add3A_1509 = arith.addf %add3A_1316, %mul3A_1508 : vector<16xf32>
    %mul3A_1510 = arith.mulf %get3A_1473, %select_n3A_1491 : vector<16xf32>
    %add3A_1511 = arith.addf %add3A_1318, %mul3A_1510 : vector<16xf32>
    %mul3A_1512 = arith.mulf %get3A_1478, %select_n3A_1491 : vector<16xf32>
    %add3A_1513 = arith.addf %add3A_1320, %mul3A_1512 : vector<16xf32>
    %mul3A_1514 = arith.mulf %get3A_1483, %select_n3A_1491 : vector<16xf32>
    %add3A_1515 = arith.addf %add3A_1322, %mul3A_1514 : vector<16xf32>
    %eq3A_1516 = arith.constant 1 : i32
    %eq3A_1517 = vector.broadcast %eq3A_1516 : i32 to vector<16xi32>
    %eq3A_1518 = arith.cmpi eq, %gather3A_1423, %eq3A_1517 : vector<16xi32>
    %jit3A_1519 = arith.constant 1.000000e+00 : f32
    %jit3A_1520 = arith.constant 0.000000e+00 : f32
    %broadcast_in_dim3A_1521 = vector.broadcast %jit3A_1519 : f32 to vector<16xf32>
    %broadcast_in_dim3A_1522 = vector.broadcast %jit3A_1520 : f32 to vector<16xf32>
    %select_n3A_1523 = arith.select %eq3A_1518, %broadcast_in_dim3A_1521, %broadcast_in_dim3A_1522 : vector<16xi1>, vector<16xf32>
    %mul3A_1524 = arith.mulf %get3A_1428, %select_n3A_1523 : vector<16xf32>
    %add3A_1525 = arith.addf %add3A_1332, %mul3A_1524 : vector<16xf32>
    %mul3A_1526 = arith.mulf %get3A_1433, %select_n3A_1523 : vector<16xf32>
    %add3A_1527 = arith.addf %add3A_1334, %mul3A_1526 : vector<16xf32>
    %mul3A_1528 = arith.mulf %get3A_1438, %select_n3A_1523 : vector<16xf32>
    %add3A_1529 = arith.addf %add3A_1336, %mul3A_1528 : vector<16xf32>
    %mul3A_1530 = arith.mulf %get3A_1443, %select_n3A_1523 : vector<16xf32>
    %add3A_1531 = arith.addf %add3A_1338, %mul3A_1530 : vector<16xf32>
    %mul3A_1532 = arith.mulf %get3A_1448, %select_n3A_1523 : vector<16xf32>
    %add3A_1533 = arith.addf %add3A_1340, %mul3A_1532 : vector<16xf32>
    %mul3A_1534 = arith.mulf %get3A_1453, %select_n3A_1523 : vector<16xf32>
    %add3A_1535 = arith.addf %add3A_1342, %mul3A_1534 : vector<16xf32>
    %mul3A_1536 = arith.mulf %get3A_1458, %select_n3A_1523 : vector<16xf32>
    %add3A_1537 = arith.addf %add3A_1344, %mul3A_1536 : vector<16xf32>
    %mul3A_1538 = arith.mulf %get3A_1463, %select_n3A_1523 : vector<16xf32>
    %add3A_1539 = arith.addf %add3A_1346, %mul3A_1538 : vector<16xf32>
    %mul3A_1540 = arith.mulf %get3A_1468, %select_n3A_1523 : vector<16xf32>
    %add3A_1541 = arith.addf %add3A_1348, %mul3A_1540 : vector<16xf32>
    %mul3A_1542 = arith.mulf %get3A_1473, %select_n3A_1523 : vector<16xf32>
    %add3A_1543 = arith.addf %add3A_1350, %mul3A_1542 : vector<16xf32>
    %mul3A_1544 = arith.mulf %get3A_1478, %select_n3A_1523 : vector<16xf32>
    %add3A_1545 = arith.addf %add3A_1352, %mul3A_1544 : vector<16xf32>
    %mul3A_1546 = arith.mulf %get3A_1483, %select_n3A_1523 : vector<16xf32>
    %add3A_1547 = arith.addf %add3A_1354, %mul3A_1546 : vector<16xf32>
    %eq3A_1548 = arith.constant 2 : i32
    %eq3A_1549 = vector.broadcast %eq3A_1548 : i32 to vector<16xi32>
    %eq3A_1550 = arith.cmpi eq, %gather3A_1423, %eq3A_1549 : vector<16xi32>
    %jit3A_1551 = arith.constant 1.000000e+00 : f32
    %jit3A_1552 = arith.constant 0.000000e+00 : f32
    %broadcast_in_dim3A_1553 = vector.broadcast %jit3A_1551 : f32 to vector<16xf32>
    %broadcast_in_dim3A_1554 = vector.broadcast %jit3A_1552 : f32 to vector<16xf32>
    %select_n3A_1555 = arith.select %eq3A_1550, %broadcast_in_dim3A_1553, %broadcast_in_dim3A_1554 : vector<16xi1>, vector<16xf32>
    %mul3A_1556 = arith.mulf %get3A_1428, %select_n3A_1555 : vector<16xf32>
    %add3A_1557 = arith.addf %add3A_1364, %mul3A_1556 : vector<16xf32>
    %mul3A_1558 = arith.mulf %get3A_1433, %select_n3A_1555 : vector<16xf32>
    %add3A_1559 = arith.addf %add3A_1366, %mul3A_1558 : vector<16xf32>
    %mul3A_1560 = arith.mulf %get3A_1438, %select_n3A_1555 : vector<16xf32>
    %add3A_1561 = arith.addf %add3A_1368, %mul3A_1560 : vector<16xf32>
    %mul3A_1562 = arith.mulf %get3A_1443, %select_n3A_1555 : vector<16xf32>
    %add3A_1563 = arith.addf %add3A_1370, %mul3A_1562 : vector<16xf32>
    %mul3A_1564 = arith.mulf %get3A_1448, %select_n3A_1555 : vector<16xf32>
    %add3A_1565 = arith.addf %add3A_1372, %mul3A_1564 : vector<16xf32>
    %mul3A_1566 = arith.mulf %get3A_1453, %select_n3A_1555 : vector<16xf32>
    %add3A_1567 = arith.addf %add3A_1374, %mul3A_1566 : vector<16xf32>
    %mul3A_1568 = arith.mulf %get3A_1458, %select_n3A_1555 : vector<16xf32>
    %add3A_1569 = arith.addf %add3A_1376, %mul3A_1568 : vector<16xf32>
    %mul3A_1570 = arith.mulf %get3A_1463, %select_n3A_1555 : vector<16xf32>
    %add3A_1571 = arith.addf %add3A_1378, %mul3A_1570 : vector<16xf32>
    %mul3A_1572 = arith.mulf %get3A_1468, %select_n3A_1555 : vector<16xf32>
    %add3A_1573 = arith.addf %add3A_1380, %mul3A_1572 : vector<16xf32>
    %mul3A_1574 = arith.mulf %get3A_1473, %select_n3A_1555 : vector<16xf32>
    %add3A_1575 = arith.addf %add3A_1382, %mul3A_1574 : vector<16xf32>
    %mul3A_1576 = arith.mulf %get3A_1478, %select_n3A_1555 : vector<16xf32>
    %add3A_1577 = arith.addf %add3A_1384, %mul3A_1576 : vector<16xf32>
    %mul3A_1578 = arith.mulf %get3A_1483, %select_n3A_1555 : vector<16xf32>
    %add3A_1579 = arith.addf %add3A_1386, %mul3A_1578 : vector<16xf32>
    %eq3A_1580 = arith.constant 3 : i32
    %eq3A_1581 = vector.broadcast %eq3A_1580 : i32 to vector<16xi32>
    %eq3A_1582 = arith.cmpi eq, %gather3A_1423, %eq3A_1581 : vector<16xi32>
    %jit3A_1583 = arith.constant 1.000000e+00 : f32
    %jit3A_1584 = arith.constant 0.000000e+00 : f32
    %broadcast_in_dim3A_1585 = vector.broadcast %jit3A_1583 : f32 to vector<16xf32>
    %broadcast_in_dim3A_1586 = vector.broadcast %jit3A_1584 : f32 to vector<16xf32>
    %select_n3A_1587 = arith.select %eq3A_1582, %broadcast_in_dim3A_1585, %broadcast_in_dim3A_1586 : vector<16xi1>, vector<16xf32>
    %mul3A_1588 = arith.mulf %get3A_1428, %select_n3A_1587 : vector<16xf32>
    %add3A_1589 = arith.addf %add3A_1396, %mul3A_1588 : vector<16xf32>
    %mul3A_1590 = arith.mulf %get3A_1433, %select_n3A_1587 : vector<16xf32>
    %add3A_1591 = arith.addf %add3A_1398, %mul3A_1590 : vector<16xf32>
    %mul3A_1592 = arith.mulf %get3A_1438, %select_n3A_1587 : vector<16xf32>
    %add3A_1593 = arith.addf %add3A_1400, %mul3A_1592 : vector<16xf32>
    %mul3A_1594 = arith.mulf %get3A_1443, %select_n3A_1587 : vector<16xf32>
    %add3A_1595 = arith.addf %add3A_1402, %mul3A_1594 : vector<16xf32>
    %mul3A_1596 = arith.mulf %get3A_1448, %select_n3A_1587 : vector<16xf32>
    %add3A_1597 = arith.addf %add3A_1404, %mul3A_1596 : vector<16xf32>
    %mul3A_1598 = arith.mulf %get3A_1453, %select_n3A_1587 : vector<16xf32>
    %add3A_1599 = arith.addf %add3A_1406, %mul3A_1598 : vector<16xf32>
    %mul3A_1600 = arith.mulf %get3A_1458, %select_n3A_1587 : vector<16xf32>
    %add3A_1601 = arith.addf %add3A_1408, %mul3A_1600 : vector<16xf32>
    %mul3A_1602 = arith.mulf %get3A_1463, %select_n3A_1587 : vector<16xf32>
    %add3A_1603 = arith.addf %add3A_1410, %mul3A_1602 : vector<16xf32>
    %mul3A_1604 = arith.mulf %get3A_1468, %select_n3A_1587 : vector<16xf32>
    %add3A_1605 = arith.addf %add3A_1412, %mul3A_1604 : vector<16xf32>
    %mul3A_1606 = arith.mulf %get3A_1473, %select_n3A_1587 : vector<16xf32>
    %add3A_1607 = arith.addf %add3A_1414, %mul3A_1606 : vector<16xf32>
    %mul3A_1608 = arith.mulf %get3A_1478, %select_n3A_1587 : vector<16xf32>
    %add3A_1609 = arith.addf %add3A_1416, %mul3A_1608 : vector<16xf32>
    %mul3A_1610 = arith.mulf %get3A_1483, %select_n3A_1587 : vector<16xf32>
    %add3A_1611 = arith.addf %add3A_1418, %mul3A_1610 : vector<16xf32>
    %broadcast_in_dim3A_1612 = arith.constant 4 : i32
    %broadcast_in_dim3A_1613 = vector.broadcast %broadcast_in_dim3A_1612 : i32 to vector<16xi32>
    %broadcast_in_dim3A_1614 = vector.shape_cast %broadcast_in_dim3A_1613 : vector<16xi32> to vector<16x1xi32>
    %gather3A_1615 = vector.shape_cast %broadcast_in_dim3A_1614 : vector<16x1xi32> to vector<16xi32>
    %gather3A_1616 = tpu.dynamic_gather %select_n3A_743[%gather3A_1615] in [0] : vector<16xi32>, vector<16xi32> -> vector<16xi32>
    %get3A_1617 = arith.constant 4 : i32
    %get3A_1618 = arith.index_cast %get3A_1617 : i32 to index
    %get3A_1619 = arith.constant 0 : index
    %get3A_1620 = tpu.vector_load %arg6[%get3A_1618, %get3A_1619] {strides = array<i32>} : memref<12x192xf32, #tpu.memory_space<vmem>>, vector<1x16xf32>,
    %get3A_1621 = vector.shape_cast %get3A_1620 : vector<1x16xf32> to vector<16xf32>
    %get3A_1622 = arith.constant 4 : i32
    %get3A_1623 = arith.index_cast %get3A_1622 : i32 to index
    %get3A_1624 = arith.constant 16 : index
    %get3A_1625 = tpu.vector_load %arg6[%get3A_1623, %get3A_1624] {strides = array<i32>} : memref<12x192xf32, #tpu.memory_space<vmem>>, vector<1x16xf32>,
    %get3A_1626 = vector.shape_cast %get3A_1625 : vector<1x16xf32> to vector<16xf32>
    %get3A_1627 = arith.constant 4 : i32
    %get3A_1628 = arith.index_cast %get3A_1627 : i32 to index
    %get3A_1629 = arith.constant 32 : index
    %get3A_1630 = tpu.vector_load %arg6[%get3A_1628, %get3A_1629] {strides = array<i32>} : memref<12x192xf32, #tpu.memory_space<vmem>>, vector<1x16xf32>,
    %get3A_1631 = vector.shape_cast %get3A_1630 : vector<1x16xf32> to vector<16xf32>
    %get3A_1632 = arith.constant 4 : i32
    %get3A_1633 = arith.index_cast %get3A_1632 : i32 to index
    %get3A_1634 = arith.constant 48 : index
    %get3A_1635 = tpu.vector_load %arg6[%get3A_1633, %get3A_1634] {strides = array<i32>} : memref<12x192xf32, #tpu.memory_space<vmem>>, vector<1x16xf32>,
    %get3A_1636 = vector.shape_cast %get3A_1635 : vector<1x16xf32> to vector<16xf32>
    %get3A_1637 = arith.constant 4 : i32
    %get3A_1638 = arith.index_cast %get3A_1637 : i32 to index
    %get3A_1639 = arith.constant 64 : index
    %get3A_1640 = tpu.vector_load %arg6[%get3A_1638, %get3A_1639] {strides = array<i32>} : memref<12x192xf32, #tpu.memory_space<vmem>>, vector<1x16xf32>,
    %get3A_1641 = vector.shape_cast %get3A_1640 : vector<1x16xf32> to vector<16xf32>
    %get3A_1642 = arith.constant 4 : i32
    %get3A_1643 = arith.index_cast %get3A_1642 : i32 to index
    %get3A_1644 = arith.constant 80 : index
    %get3A_1645 = tpu.vector_load %arg6[%get3A_1643, %get3A_1644] {strides = array<i32>} : memref<12x192xf32, #tpu.memory_space<vmem>>, vector<1x16xf32>,
    %get3A_1646 = vector.shape_cast %get3A_1645 : vector<1x16xf32> to vector<16xf32>
    %get3A_1647 = arith.constant 4 : i32
    %get3A_1648 = arith.index_cast %get3A_1647 : i32 to index
    %get3A_1649 = arith.constant 96 : index
    %get3A_1650 = tpu.vector_load %arg6[%get3A_1648, %get3A_1649] {strides = array<i32>} : memref<12x192xf32, #tpu.memory_space<vmem>>, vector<1x16xf32>,
    %get3A_1651 = vector.shape_cast %get3A_1650 : vector<1x16xf32> to vector<16xf32>
    %get3A_1652 = arith.constant 4 : i32
    %get3A_1653 = arith.index_cast %get3A_1652 : i32 to index
    %get3A_1654 = arith.constant 112 : index
    %get3A_1655 = tpu.vector_load %arg6[%get3A_1653, %get3A_1654] {strides = array<i32>} : memref<12x192xf32, #tpu.memory_space<vmem>>, vector<1x16xf32>,
    %get3A_1656 = vector.shape_cast %get3A_1655 : vector<1x16xf32> to vector<16xf32>
    %get3A_1657 = arith.constant 4 : i32
    %get3A_1658 = arith.index_cast %get3A_1657 : i32 to index
    %get3A_1659 = arith.constant 128 : index
    %get3A_1660 = tpu.vector_load %arg6[%get3A_1658, %get3A_1659] {strides = array<i32>} : memref<12x192xf32, #tpu.memory_space<vmem>>, vector<1x16xf32>,
    %get3A_1661 = vector.shape_cast %get3A_1660 : vector<1x16xf32> to vector<16xf32>
    %get3A_1662 = arith.constant 4 : i32
    %get3A_1663 = arith.index_cast %get3A_1662 : i32 to index
    %get3A_1664 = arith.constant 144 : index
    %get3A_1665 = tpu.vector_load %arg6[%get3A_1663, %get3A_1664] {strides = array<i32>} : memref<12x192xf32, #tpu.memory_space<vmem>>, vector<1x16xf32>,
    %get3A_1666 = vector.shape_cast %get3A_1665 : vector<1x16xf32> to vector<16xf32>
    %get3A_1667 = arith.constant 4 : i32
    %get3A_1668 = arith.index_cast %get3A_1667 : i32 to index
    %get3A_1669 = arith.constant 160 : index
    %get3A_1670 = tpu.vector_load %arg6[%get3A_1668, %get3A_1669] {strides = array<i32>} : memref<12x192xf32, #tpu.memory_space<vmem>>, vector<1x16xf32>,
    %get3A_1671 = vector.shape_cast %get3A_1670 : vector<1x16xf32> to vector<16xf32>
    %get3A_1672 = arith.constant 4 : i32
    %get3A_1673 = arith.index_cast %get3A_1672 : i32 to index
    %get3A_1674 = arith.constant 176 : index
    %get3A_1675 = tpu.vector_load %arg6[%get3A_1673, %get3A_1674] {strides = array<i32>} : memref<12x192xf32, #tpu.memory_space<vmem>>, vector<1x16xf32>,
    %get3A_1676 = vector.shape_cast %get3A_1675 : vector<1x16xf32> to vector<16xf32>
    %eq3A_1677 = arith.constant 0 : i32
    %eq3A_1678 = vector.broadcast %eq3A_1677 : i32 to vector<16xi32>
    %eq3A_1679 = arith.cmpi eq, %gather3A_1616, %eq3A_1678 : vector<16xi32>
    %jit3A_1680 = arith.constant 1.000000e+00 : f32
    %jit3A_1681 = arith.constant 0.000000e+00 : f32
    %broadcast_in_dim3A_1682 = vector.broadcast %jit3A_1680 : f32 to vector<16xf32>
    %broadcast_in_dim3A_1683 = vector.broadcast %jit3A_1681 : f32 to vector<16xf32>
    %select_n3A_1684 = arith.select %eq3A_1679, %broadcast_in_dim3A_1682, %broadcast_in_dim3A_1683 : vector<16xi1>, vector<16xf32>
    %mul3A_1685 = arith.mulf %get3A_1621, %select_n3A_1684 : vector<16xf32>
    %add3A_1686 = arith.addf %add3A_1493, %mul3A_1685 : vector<16xf32>
    %mul3A_1687 = arith.mulf %get3A_1626, %select_n3A_1684 : vector<16xf32>
    %add3A_1688 = arith.addf %add3A_1495, %mul3A_1687 : vector<16xf32>
    %mul3A_1689 = arith.mulf %get3A_1631, %select_n3A_1684 : vector<16xf32>
    %add3A_1690 = arith.addf %add3A_1497, %mul3A_1689 : vector<16xf32>
    %mul3A_1691 = arith.mulf %get3A_1636, %select_n3A_1684 : vector<16xf32>
    %add3A_1692 = arith.addf %add3A_1499, %mul3A_1691 : vector<16xf32>
    %mul3A_1693 = arith.mulf %get3A_1641, %select_n3A_1684 : vector<16xf32>
    %add3A_1694 = arith.addf %add3A_1501, %mul3A_1693 : vector<16xf32>
    %mul3A_1695 = arith.mulf %get3A_1646, %select_n3A_1684 : vector<16xf32>
    %add3A_1696 = arith.addf %add3A_1503, %mul3A_1695 : vector<16xf32>
    %mul3A_1697 = arith.mulf %get3A_1651, %select_n3A_1684 : vector<16xf32>
    %add3A_1698 = arith.addf %add3A_1505, %mul3A_1697 : vector<16xf32>
    %mul3A_1699 = arith.mulf %get3A_1656, %select_n3A_1684 : vector<16xf32>
    %add3A_1700 = arith.addf %add3A_1507, %mul3A_1699 : vector<16xf32>
    %mul3A_1701 = arith.mulf %get3A_1661, %select_n3A_1684 : vector<16xf32>
    %add3A_1702 = arith.addf %add3A_1509, %mul3A_1701 : vector<16xf32>
    %mul3A_1703 = arith.mulf %get3A_1666, %select_n3A_1684 : vector<16xf32>
    %add3A_1704 = arith.addf %add3A_1511, %mul3A_1703 : vector<16xf32>
    %mul3A_1705 = arith.mulf %get3A_1671, %select_n3A_1684 : vector<16xf32>
    %add3A_1706 = arith.addf %add3A_1513, %mul3A_1705 : vector<16xf32>
    %mul3A_1707 = arith.mulf %get3A_1676, %select_n3A_1684 : vector<16xf32>
    %add3A_1708 = arith.addf %add3A_1515, %mul3A_1707 : vector<16xf32>
    %eq3A_1709 = arith.constant 1 : i32
    %eq3A_1710 = vector.broadcast %eq3A_1709 : i32 to vector<16xi32>
    %eq3A_1711 = arith.cmpi eq, %gather3A_1616, %eq3A_1710 : vector<16xi32>
    %jit3A_1712 = arith.constant 1.000000e+00 : f32
    %jit3A_1713 = arith.constant 0.000000e+00 : f32
    %broadcast_in_dim3A_1714 = vector.broadcast %jit3A_1712 : f32 to vector<16xf32>
    %broadcast_in_dim3A_1715 = vector.broadcast %jit3A_1713 : f32 to vector<16xf32>
    %select_n3A_1716 = arith.select %eq3A_1711, %broadcast_in_dim3A_1714, %broadcast_in_dim3A_1715 : vector<16xi1>, vector<16xf32>
    %mul3A_1717 = arith.mulf %get3A_1621, %select_n3A_1716 : vector<16xf32>
    %add3A_1718 = arith.addf %add3A_1525, %mul3A_1717 : vector<16xf32>
    %mul3A_1719 = arith.mulf %get3A_1626, %select_n3A_1716 : vector<16xf32>
    %add3A_1720 = arith.addf %add3A_1527, %mul3A_1719 : vector<16xf32>
    %mul3A_1721 = arith.mulf %get3A_1631, %select_n3A_1716 : vector<16xf32>
    %add3A_1722 = arith.addf %add3A_1529, %mul3A_1721 : vector<16xf32>
    %mul3A_1723 = arith.mulf %get3A_1636, %select_n3A_1716 : vector<16xf32>
    %add3A_1724 = arith.addf %add3A_1531, %mul3A_1723 : vector<16xf32>
    %mul3A_1725 = arith.mulf %get3A_1641, %select_n3A_1716 : vector<16xf32>
    %add3A_1726 = arith.addf %add3A_1533, %mul3A_1725 : vector<16xf32>
    %mul3A_1727 = arith.mulf %get3A_1646, %select_n3A_1716 : vector<16xf32>
    %add3A_1728 = arith.addf %add3A_1535, %mul3A_1727 : vector<16xf32>
    %mul3A_1729 = arith.mulf %get3A_1651, %select_n3A_1716 : vector<16xf32>
    %add3A_1730 = arith.addf %add3A_1537, %mul3A_1729 : vector<16xf32>
    %mul3A_1731 = arith.mulf %get3A_1656, %select_n3A_1716 : vector<16xf32>
    %add3A_1732 = arith.addf %add3A_1539, %mul3A_1731 : vector<16xf32>
    %mul3A_1733 = arith.mulf %get3A_1661, %select_n3A_1716 : vector<16xf32>
    %add3A_1734 = arith.addf %add3A_1541, %mul3A_1733 : vector<16xf32>
    %mul3A_1735 = arith.mulf %get3A_1666, %select_n3A_1716 : vector<16xf32>
    %add3A_1736 = arith.addf %add3A_1543, %mul3A_1735 : vector<16xf32>
    %mul3A_1737 = arith.mulf %get3A_1671, %select_n3A_1716 : vector<16xf32>
    %add3A_1738 = arith.addf %add3A_1545, %mul3A_1737 : vector<16xf32>
    %mul3A_1739 = arith.mulf %get3A_1676, %select_n3A_1716 : vector<16xf32>
    %add3A_1740 = arith.addf %add3A_1547, %mul3A_1739 : vector<16xf32>
    %eq3A_1741 = arith.constant 2 : i32
    %eq3A_1742 = vector.broadcast %eq3A_1741 : i32 to vector<16xi32>
    %eq3A_1743 = arith.cmpi eq, %gather3A_1616, %eq3A_1742 : vector<16xi32>
    %jit3A_1744 = arith.constant 1.000000e+00 : f32
    %jit3A_1745 = arith.constant 0.000000e+00 : f32
    %broadcast_in_dim3A_1746 = vector.broadcast %jit3A_1744 : f32 to vector<16xf32>
    %broadcast_in_dim3A_1747 = vector.broadcast %jit3A_1745 : f32 to vector<16xf32>
    %select_n3A_1748 = arith.select %eq3A_1743, %broadcast_in_dim3A_1746, %broadcast_in_dim3A_1747 : vector<16xi1>, vector<16xf32>
    %mul3A_1749 = arith.mulf %get3A_1621, %select_n3A_1748 : vector<16xf32>
    %add3A_1750 = arith.addf %add3A_1557, %mul3A_1749 : vector<16xf32>
    %mul3A_1751 = arith.mulf %get3A_1626, %select_n3A_1748 : vector<16xf32>
    %add3A_1752 = arith.addf %add3A_1559, %mul3A_1751 : vector<16xf32>
    %mul3A_1753 = arith.mulf %get3A_1631, %select_n3A_1748 : vector<16xf32>
    %add3A_1754 = arith.addf %add3A_1561, %mul3A_1753 : vector<16xf32>
    %mul3A_1755 = arith.mulf %get3A_1636, %select_n3A_1748 : vector<16xf32>
    %add3A_1756 = arith.addf %add3A_1563, %mul3A_1755 : vector<16xf32>
    %mul3A_1757 = arith.mulf %get3A_1641, %select_n3A_1748 : vector<16xf32>
    %add3A_1758 = arith.addf %add3A_1565, %mul3A_1757 : vector<16xf32>
    %mul3A_1759 = arith.mulf %get3A_1646, %select_n3A_1748 : vector<16xf32>
    %add3A_1760 = arith.addf %add3A_1567, %mul3A_1759 : vector<16xf32>
    %mul3A_1761 = arith.mulf %get3A_1651, %select_n3A_1748 : vector<16xf32>
    %add3A_1762 = arith.addf %add3A_1569, %mul3A_1761 : vector<16xf32>
    %mul3A_1763 = arith.mulf %get3A_1656, %select_n3A_1748 : vector<16xf32>
    %add3A_1764 = arith.addf %add3A_1571, %mul3A_1763 : vector<16xf32>
    %mul3A_1765 = arith.mulf %get3A_1661, %select_n3A_1748 : vector<16xf32>
    %add3A_1766 = arith.addf %add3A_1573, %mul3A_1765 : vector<16xf32>
    %mul3A_1767 = arith.mulf %get3A_1666, %select_n3A_1748 : vector<16xf32>
    %add3A_1768 = arith.addf %add3A_1575, %mul3A_1767 : vector<16xf32>
    %mul3A_1769 = arith.mulf %get3A_1671, %select_n3A_1748 : vector<16xf32>
    %add3A_1770 = arith.addf %add3A_1577, %mul3A_1769 : vector<16xf32>
    %mul3A_1771 = arith.mulf %get3A_1676, %select_n3A_1748 : vector<16xf32>
    %add3A_1772 = arith.addf %add3A_1579, %mul3A_1771 : vector<16xf32>
    %eq3A_1773 = arith.constant 3 : i32
    %eq3A_1774 = vector.broadcast %eq3A_1773 : i32 to vector<16xi32>
    %eq3A_1775 = arith.cmpi eq, %gather3A_1616, %eq3A_1774 : vector<16xi32>
    %jit3A_1776 = arith.constant 1.000000e+00 : f32
    %jit3A_1777 = arith.constant 0.000000e+00 : f32
    %broadcast_in_dim3A_1778 = vector.broadcast %jit3A_1776 : f32 to vector<16xf32>
    %broadcast_in_dim3A_1779 = vector.broadcast %jit3A_1777 : f32 to vector<16xf32>
    %select_n3A_1780 = arith.select %eq3A_1775, %broadcast_in_dim3A_1778, %broadcast_in_dim3A_1779 : vector<16xi1>, vector<16xf32>
    %mul3A_1781 = arith.mulf %get3A_1621, %select_n3A_1780 : vector<16xf32>
    %add3A_1782 = arith.addf %add3A_1589, %mul3A_1781 : vector<16xf32>
    %mul3A_1783 = arith.mulf %get3A_1626, %select_n3A_1780 : vector<16xf32>
    %add3A_1784 = arith.addf %add3A_1591, %mul3A_1783 : vector<16xf32>
    %mul3A_1785 = arith.mulf %get3A_1631, %select_n3A_1780 : vector<16xf32>
    %add3A_1786 = arith.addf %add3A_1593, %mul3A_1785 : vector<16xf32>
    %mul3A_1787 = arith.mulf %get3A_1636, %select_n3A_1780 : vector<16xf32>
    %add3A_1788 = arith.addf %add3A_1595, %mul3A_1787 : vector<16xf32>
    %mul3A_1789 = arith.mulf %get3A_1641, %select_n3A_1780 : vector<16xf32>
    %add3A_1790 = arith.addf %add3A_1597, %mul3A_1789 : vector<16xf32>
    %mul3A_1791 = arith.mulf %get3A_1646, %select_n3A_1780 : vector<16xf32>
    %add3A_1792 = arith.addf %add3A_1599, %mul3A_1791 : vector<16xf32>
    %mul3A_1793 = arith.mulf %get3A_1651, %select_n3A_1780 : vector<16xf32>
    %add3A_1794 = arith.addf %add3A_1601, %mul3A_1793 : vector<16xf32>
    %mul3A_1795 = arith.mulf %get3A_1656, %select_n3A_1780 : vector<16xf32>
    %add3A_1796 = arith.addf %add3A_1603, %mul3A_1795 : vector<16xf32>
    %mul3A_1797 = arith.mulf %get3A_1661, %select_n3A_1780 : vector<16xf32>
    %add3A_1798 = arith.addf %add3A_1605, %mul3A_1797 : vector<16xf32>
    %mul3A_1799 = arith.mulf %get3A_1666, %select_n3A_1780 : vector<16xf32>
    %add3A_1800 = arith.addf %add3A_1607, %mul3A_1799 : vector<16xf32>
    %mul3A_1801 = arith.mulf %get3A_1671, %select_n3A_1780 : vector<16xf32>
    %add3A_1802 = arith.addf %add3A_1609, %mul3A_1801 : vector<16xf32>
    %mul3A_1803 = arith.mulf %get3A_1676, %select_n3A_1780 : vector<16xf32>
    %add3A_1804 = arith.addf %add3A_1611, %mul3A_1803 : vector<16xf32>
    %broadcast_in_dim3A_1805 = arith.constant 5 : i32
    %broadcast_in_dim3A_1806 = vector.broadcast %broadcast_in_dim3A_1805 : i32 to vector<16xi32>
    %broadcast_in_dim3A_1807 = vector.shape_cast %broadcast_in_dim3A_1806 : vector<16xi32> to vector<16x1xi32>
    %gather3A_1808 = vector.shape_cast %broadcast_in_dim3A_1807 : vector<16x1xi32> to vector<16xi32>
    %gather3A_1809 = tpu.dynamic_gather %select_n3A_743[%gather3A_1808] in [0] : vector<16xi32>, vector<16xi32> -> vector<16xi32>
    %get3A_1810 = arith.constant 5 : i32
    %get3A_1811 = arith.index_cast %get3A_1810 : i32 to index
    %get3A_1812 = arith.constant 0 : index
    %get3A_1813 = tpu.vector_load %arg6[%get3A_1811, %get3A_1812] {strides = array<i32>} : memref<12x192xf32, #tpu.memory_space<vmem>>, vector<1x16xf32>,
    %get3A_1814 = vector.shape_cast %get3A_1813 : vector<1x16xf32> to vector<16xf32>
    %get3A_1815 = arith.constant 5 : i32
    %get3A_1816 = arith.index_cast %get3A_1815 : i32 to index
    %get3A_1817 = arith.constant 16 : index
    %get3A_1818 = tpu.vector_load %arg6[%get3A_1816, %get3A_1817] {strides = array<i32>} : memref<12x192xf32, #tpu.memory_space<vmem>>, vector<1x16xf32>,
    %get3A_1819 = vector.shape_cast %get3A_1818 : vector<1x16xf32> to vector<16xf32>
    %get3A_1820 = arith.constant 5 : i32
    %get3A_1821 = arith.index_cast %get3A_1820 : i32 to index
    %get3A_1822 = arith.constant 32 : index
    %get3A_1823 = tpu.vector_load %arg6[%get3A_1821, %get3A_1822] {strides = array<i32>} : memref<12x192xf32, #tpu.memory_space<vmem>>, vector<1x16xf32>,
    %get3A_1824 = vector.shape_cast %get3A_1823 : vector<1x16xf32> to vector<16xf32>
    %get3A_1825 = arith.constant 5 : i32
    %get3A_1826 = arith.index_cast %get3A_1825 : i32 to index
    %get3A_1827 = arith.constant 48 : index
    %get3A_1828 = tpu.vector_load %arg6[%get3A_1826, %get3A_1827] {strides = array<i32>} : memref<12x192xf32, #tpu.memory_space<vmem>>, vector<1x16xf32>,
    %get3A_1829 = vector.shape_cast %get3A_1828 : vector<1x16xf32> to vector<16xf32>
    %get3A_1830 = arith.constant 5 : i32
    %get3A_1831 = arith.index_cast %get3A_1830 : i32 to index
    %get3A_1832 = arith.constant 64 : index
    %get3A_1833 = tpu.vector_load %arg6[%get3A_1831, %get3A_1832] {strides = array<i32>} : memref<12x192xf32, #tpu.memory_space<vmem>>, vector<1x16xf32>,
    %get3A_1834 = vector.shape_cast %get3A_1833 : vector<1x16xf32> to vector<16xf32>
    %get3A_1835 = arith.constant 5 : i32
    %get3A_1836 = arith.index_cast %get3A_1835 : i32 to index
    %get3A_1837 = arith.constant 80 : index
    %get3A_1838 = tpu.vector_load %arg6[%get3A_1836, %get3A_1837] {strides = array<i32>} : memref<12x192xf32, #tpu.memory_space<vmem>>, vector<1x16xf32>,
    %get3A_1839 = vector.shape_cast %get3A_1838 : vector<1x16xf32> to vector<16xf32>
    %get3A_1840 = arith.constant 5 : i32
    %get3A_1841 = arith.index_cast %get3A_1840 : i32 to index
    %get3A_1842 = arith.constant 96 : index
    %get3A_1843 = tpu.vector_load %arg6[%get3A_1841, %get3A_1842] {strides = array<i32>} : memref<12x192xf32, #tpu.memory_space<vmem>>, vector<1x16xf32>,
    %get3A_1844 = vector.shape_cast %get3A_1843 : vector<1x16xf32> to vector<16xf32>
    %get3A_1845 = arith.constant 5 : i32
    %get3A_1846 = arith.index_cast %get3A_1845 : i32 to index
    %get3A_1847 = arith.constant 112 : index
    %get3A_1848 = tpu.vector_load %arg6[%get3A_1846, %get3A_1847] {strides = array<i32>} : memref<12x192xf32, #tpu.memory_space<vmem>>, vector<1x16xf32>,
    %get3A_1849 = vector.shape_cast %get3A_1848 : vector<1x16xf32> to vector<16xf32>
    %get3A_1850 = arith.constant 5 : i32
    %get3A_1851 = arith.index_cast %get3A_1850 : i32 to index
    %get3A_1852 = arith.constant 128 : index
    %get3A_1853 = tpu.vector_load %arg6[%get3A_1851, %get3A_1852] {strides = array<i32>} : memref<12x192xf32, #tpu.memory_space<vmem>>, vector<1x16xf32>,
    %get3A_1854 = vector.shape_cast %get3A_1853 : vector<1x16xf32> to vector<16xf32>
    %get3A_1855 = arith.constant 5 : i32
    %get3A_1856 = arith.index_cast %get3A_1855 : i32 to index
    %get3A_1857 = arith.constant 144 : index
    %get3A_1858 = tpu.vector_load %arg6[%get3A_1856, %get3A_1857] {strides = array<i32>} : memref<12x192xf32, #tpu.memory_space<vmem>>, vector<1x16xf32>,
    %get3A_1859 = vector.shape_cast %get3A_1858 : vector<1x16xf32> to vector<16xf32>
    %get3A_1860 = arith.constant 5 : i32
    %get3A_1861 = arith.index_cast %get3A_1860 : i32 to index
    %get3A_1862 = arith.constant 160 : index
    %get3A_1863 = tpu.vector_load %arg6[%get3A_1861, %get3A_1862] {strides = array<i32>} : memref<12x192xf32, #tpu.memory_space<vmem>>, vector<1x16xf32>,
    %get3A_1864 = vector.shape_cast %get3A_1863 : vector<1x16xf32> to vector<16xf32>
    %get3A_1865 = arith.constant 5 : i32
    %get3A_1866 = arith.index_cast %get3A_1865 : i32 to index
    %get3A_1867 = arith.constant 176 : index
    %get3A_1868 = tpu.vector_load %arg6[%get3A_1866, %get3A_1867] {strides = array<i32>} : memref<12x192xf32, #tpu.memory_space<vmem>>, vector<1x16xf32>,
    %get3A_1869 = vector.shape_cast %get3A_1868 : vector<1x16xf32> to vector<16xf32>
    %eq3A_1870 = arith.constant 0 : i32
    %eq3A_1871 = vector.broadcast %eq3A_1870 : i32 to vector<16xi32>
    %eq3A_1872 = arith.cmpi eq, %gather3A_1809, %eq3A_1871 : vector<16xi32>
    %jit3A_1873 = arith.constant 1.000000e+00 : f32
    %jit3A_1874 = arith.constant 0.000000e+00 : f32
    %broadcast_in_dim3A_1875 = vector.broadcast %jit3A_1873 : f32 to vector<16xf32>
    %broadcast_in_dim3A_1876 = vector.broadcast %jit3A_1874 : f32 to vector<16xf32>
    %select_n3A_1877 = arith.select %eq3A_1872, %broadcast_in_dim3A_1875, %broadcast_in_dim3A_1876 : vector<16xi1>, vector<16xf32>
    %mul3A_1878 = arith.mulf %get3A_1814, %select_n3A_1877 : vector<16xf32>
    %add3A_1879 = arith.addf %add3A_1686, %mul3A_1878 : vector<16xf32>
    %mul3A_1880 = arith.mulf %get3A_1819, %select_n3A_1877 : vector<16xf32>
    %add3A_1881 = arith.addf %add3A_1688, %mul3A_1880 : vector<16xf32>
    %mul3A_1882 = arith.mulf %get3A_1824, %select_n3A_1877 : vector<16xf32>
    %add3A_1883 = arith.addf %add3A_1690, %mul3A_1882 : vector<16xf32>
    %mul3A_1884 = arith.mulf %get3A_1829, %select_n3A_1877 : vector<16xf32>
    %add3A_1885 = arith.addf %add3A_1692, %mul3A_1884 : vector<16xf32>
    %mul3A_1886 = arith.mulf %get3A_1834, %select_n3A_1877 : vector<16xf32>
    %add3A_1887 = arith.addf %add3A_1694, %mul3A_1886 : vector<16xf32>
    %mul3A_1888 = arith.mulf %get3A_1839, %select_n3A_1877 : vector<16xf32>
    %add3A_1889 = arith.addf %add3A_1696, %mul3A_1888 : vector<16xf32>
    %mul3A_1890 = arith.mulf %get3A_1844, %select_n3A_1877 : vector<16xf32>
    %add3A_1891 = arith.addf %add3A_1698, %mul3A_1890 : vector<16xf32>
    %mul3A_1892 = arith.mulf %get3A_1849, %select_n3A_1877 : vector<16xf32>
    %add3A_1893 = arith.addf %add3A_1700, %mul3A_1892 : vector<16xf32>
    %mul3A_1894 = arith.mulf %get3A_1854, %select_n3A_1877 : vector<16xf32>
    %add3A_1895 = arith.addf %add3A_1702, %mul3A_1894 : vector<16xf32>
    %mul3A_1896 = arith.mulf %get3A_1859, %select_n3A_1877 : vector<16xf32>
    %add3A_1897 = arith.addf %add3A_1704, %mul3A_1896 : vector<16xf32>
    %mul3A_1898 = arith.mulf %get3A_1864, %select_n3A_1877 : vector<16xf32>
    %add3A_1899 = arith.addf %add3A_1706, %mul3A_1898 : vector<16xf32>
    %mul3A_1900 = arith.mulf %get3A_1869, %select_n3A_1877 : vector<16xf32>
    %add3A_1901 = arith.addf %add3A_1708, %mul3A_1900 : vector<16xf32>
    %eq3A_1902 = arith.constant 1 : i32
    %eq3A_1903 = vector.broadcast %eq3A_1902 : i32 to vector<16xi32>
    %eq3A_1904 = arith.cmpi eq, %gather3A_1809, %eq3A_1903 : vector<16xi32>
    %jit3A_1905 = arith.constant 1.000000e+00 : f32
    %jit3A_1906 = arith.constant 0.000000e+00 : f32
    %broadcast_in_dim3A_1907 = vector.broadcast %jit3A_1905 : f32 to vector<16xf32>
    %broadcast_in_dim3A_1908 = vector.broadcast %jit3A_1906 : f32 to vector<16xf32>
    %select_n3A_1909 = arith.select %eq3A_1904, %broadcast_in_dim3A_1907, %broadcast_in_dim3A_1908 : vector<16xi1>, vector<16xf32>
    %mul3A_1910 = arith.mulf %get3A_1814, %select_n3A_1909 : vector<16xf32>
    %add3A_1911 = arith.addf %add3A_1718, %mul3A_1910 : vector<16xf32>
    %mul3A_1912 = arith.mulf %get3A_1819, %select_n3A_1909 : vector<16xf32>
    %add3A_1913 = arith.addf %add3A_1720, %mul3A_1912 : vector<16xf32>
    %mul3A_1914 = arith.mulf %get3A_1824, %select_n3A_1909 : vector<16xf32>
    %add3A_1915 = arith.addf %add3A_1722, %mul3A_1914 : vector<16xf32>
    %mul3A_1916 = arith.mulf %get3A_1829, %select_n3A_1909 : vector<16xf32>
    %add3A_1917 = arith.addf %add3A_1724, %mul3A_1916 : vector<16xf32>
    %mul3A_1918 = arith.mulf %get3A_1834, %select_n3A_1909 : vector<16xf32>
    %add3A_1919 = arith.addf %add3A_1726, %mul3A_1918 : vector<16xf32>
    %mul3A_1920 = arith.mulf %get3A_1839, %select_n3A_1909 : vector<16xf32>
    %add3A_1921 = arith.addf %add3A_1728, %mul3A_1920 : vector<16xf32>
    %mul3A_1922 = arith.mulf %get3A_1844, %select_n3A_1909 : vector<16xf32>
    %add3A_1923 = arith.addf %add3A_1730, %mul3A_1922 : vector<16xf32>
    %mul3A_1924 = arith.mulf %get3A_1849, %select_n3A_1909 : vector<16xf32>
    %add3A_1925 = arith.addf %add3A_1732, %mul3A_1924 : vector<16xf32>
    %mul3A_1926 = arith.mulf %get3A_1854, %select_n3A_1909 : vector<16xf32>
    %add3A_1927 = arith.addf %add3A_1734, %mul3A_1926 : vector<16xf32>
    %mul3A_1928 = arith.mulf %get3A_1859, %select_n3A_1909 : vector<16xf32>
    %add3A_1929 = arith.addf %add3A_1736, %mul3A_1928 : vector<16xf32>
    %mul3A_1930 = arith.mulf %get3A_1864, %select_n3A_1909 : vector<16xf32>
    %add3A_1931 = arith.addf %add3A_1738, %mul3A_1930 : vector<16xf32>
    %mul3A_1932 = arith.mulf %get3A_1869, %select_n3A_1909 : vector<16xf32>
    %add3A_1933 = arith.addf %add3A_1740, %mul3A_1932 : vector<16xf32>
    %eq3A_1934 = arith.constant 2 : i32
    %eq3A_1935 = vector.broadcast %eq3A_1934 : i32 to vector<16xi32>
    %eq3A_1936 = arith.cmpi eq, %gather3A_1809, %eq3A_1935 : vector<16xi32>
    %jit3A_1937 = arith.constant 1.000000e+00 : f32
    %jit3A_1938 = arith.constant 0.000000e+00 : f32
    %broadcast_in_dim3A_1939 = vector.broadcast %jit3A_1937 : f32 to vector<16xf32>
    %broadcast_in_dim3A_1940 = vector.broadcast %jit3A_1938 : f32 to vector<16xf32>
    %select_n3A_1941 = arith.select %eq3A_1936, %broadcast_in_dim3A_1939, %broadcast_in_dim3A_1940 : vector<16xi1>, vector<16xf32>
    %mul3A_1942 = arith.mulf %get3A_1814, %select_n3A_1941 : vector<16xf32>
    %add3A_1943 = arith.addf %add3A_1750, %mul3A_1942 : vector<16xf32>
    %mul3A_1944 = arith.mulf %get3A_1819, %select_n3A_1941 : vector<16xf32>
    %add3A_1945 = arith.addf %add3A_1752, %mul3A_1944 : vector<16xf32>
    %mul3A_1946 = arith.mulf %get3A_1824, %select_n3A_1941 : vector<16xf32>
    %add3A_1947 = arith.addf %add3A_1754, %mul3A_1946 : vector<16xf32>
    %mul3A_1948 = arith.mulf %get3A_1829, %select_n3A_1941 : vector<16xf32>
    %add3A_1949 = arith.addf %add3A_1756, %mul3A_1948 : vector<16xf32>
    %mul3A_1950 = arith.mulf %get3A_1834, %select_n3A_1941 : vector<16xf32>
    %add3A_1951 = arith.addf %add3A_1758, %mul3A_1950 : vector<16xf32>
    %mul3A_1952 = arith.mulf %get3A_1839, %select_n3A_1941 : vector<16xf32>
    %add3A_1953 = arith.addf %add3A_1760, %mul3A_1952 : vector<16xf32>
    %mul3A_1954 = arith.mulf %get3A_1844, %select_n3A_1941 : vector<16xf32>
    %add3A_1955 = arith.addf %add3A_1762, %mul3A_1954 : vector<16xf32>
    %mul3A_1956 = arith.mulf %get3A_1849, %select_n3A_1941 : vector<16xf32>
    %add3A_1957 = arith.addf %add3A_1764, %mul3A_1956 : vector<16xf32>
    %mul3A_1958 = arith.mulf %get3A_1854, %select_n3A_1941 : vector<16xf32>
    %add3A_1959 = arith.addf %add3A_1766, %mul3A_1958 : vector<16xf32>
    %mul3A_1960 = arith.mulf %get3A_1859, %select_n3A_1941 : vector<16xf32>
    %add3A_1961 = arith.addf %add3A_1768, %mul3A_1960 : vector<16xf32>
    %mul3A_1962 = arith.mulf %get3A_1864, %select_n3A_1941 : vector<16xf32>
    %add3A_1963 = arith.addf %add3A_1770, %mul3A_1962 : vector<16xf32>
    %mul3A_1964 = arith.mulf %get3A_1869, %select_n3A_1941 : vector<16xf32>
    %add3A_1965 = arith.addf %add3A_1772, %mul3A_1964 : vector<16xf32>
    %eq3A_1966 = arith.constant 3 : i32
    %eq3A_1967 = vector.broadcast %eq3A_1966 : i32 to vector<16xi32>
    %eq3A_1968 = arith.cmpi eq, %gather3A_1809, %eq3A_1967 : vector<16xi32>
    %jit3A_1969 = arith.constant 1.000000e+00 : f32
    %jit3A_1970 = arith.constant 0.000000e+00 : f32
    %broadcast_in_dim3A_1971 = vector.broadcast %jit3A_1969 : f32 to vector<16xf32>
    %broadcast_in_dim3A_1972 = vector.broadcast %jit3A_1970 : f32 to vector<16xf32>
    %select_n3A_1973 = arith.select %eq3A_1968, %broadcast_in_dim3A_1971, %broadcast_in_dim3A_1972 : vector<16xi1>, vector<16xf32>
    %mul3A_1974 = arith.mulf %get3A_1814, %select_n3A_1973 : vector<16xf32>
    %add3A_1975 = arith.addf %add3A_1782, %mul3A_1974 : vector<16xf32>
    %mul3A_1976 = arith.mulf %get3A_1819, %select_n3A_1973 : vector<16xf32>
    %add3A_1977 = arith.addf %add3A_1784, %mul3A_1976 : vector<16xf32>
    %mul3A_1978 = arith.mulf %get3A_1824, %select_n3A_1973 : vector<16xf32>
    %add3A_1979 = arith.addf %add3A_1786, %mul3A_1978 : vector<16xf32>
    %mul3A_1980 = arith.mulf %get3A_1829, %select_n3A_1973 : vector<16xf32>
    %add3A_1981 = arith.addf %add3A_1788, %mul3A_1980 : vector<16xf32>
    %mul3A_1982 = arith.mulf %get3A_1834, %select_n3A_1973 : vector<16xf32>
    %add3A_1983 = arith.addf %add3A_1790, %mul3A_1982 : vector<16xf32>
    %mul3A_1984 = arith.mulf %get3A_1839, %select_n3A_1973 : vector<16xf32>
    %add3A_1985 = arith.addf %add3A_1792, %mul3A_1984 : vector<16xf32>
    %mul3A_1986 = arith.mulf %get3A_1844, %select_n3A_1973 : vector<16xf32>
    %add3A_1987 = arith.addf %add3A_1794, %mul3A_1986 : vector<16xf32>
    %mul3A_1988 = arith.mulf %get3A_1849, %select_n3A_1973 : vector<16xf32>
    %add3A_1989 = arith.addf %add3A_1796, %mul3A_1988 : vector<16xf32>
    %mul3A_1990 = arith.mulf %get3A_1854, %select_n3A_1973 : vector<16xf32>
    %add3A_1991 = arith.addf %add3A_1798, %mul3A_1990 : vector<16xf32>
    %mul3A_1992 = arith.mulf %get3A_1859, %select_n3A_1973 : vector<16xf32>
    %add3A_1993 = arith.addf %add3A_1800, %mul3A_1992 : vector<16xf32>
    %mul3A_1994 = arith.mulf %get3A_1864, %select_n3A_1973 : vector<16xf32>
    %add3A_1995 = arith.addf %add3A_1802, %mul3A_1994 : vector<16xf32>
    %mul3A_1996 = arith.mulf %get3A_1869, %select_n3A_1973 : vector<16xf32>
    %add3A_1997 = arith.addf %add3A_1804, %mul3A_1996 : vector<16xf32>
    %broadcast_in_dim3A_1998 = arith.constant 6 : i32
    %broadcast_in_dim3A_1999 = vector.broadcast %broadcast_in_dim3A_1998 : i32 to vector<16xi32>
    %broadcast_in_dim3A_2000 = vector.shape_cast %broadcast_in_dim3A_1999 : vector<16xi32> to vector<16x1xi32>
    %gather3A_2001 = vector.shape_cast %broadcast_in_dim3A_2000 : vector<16x1xi32> to vector<16xi32>
    %gather3A_2002 = tpu.dynamic_gather %select_n3A_743[%gather3A_2001] in [0] : vector<16xi32>, vector<16xi32> -> vector<16xi32>
    %get3A_2003 = arith.constant 6 : i32
    %get3A_2004 = arith.index_cast %get3A_2003 : i32 to index
    %get3A_2005 = arith.constant 0 : index
    %get3A_2006 = tpu.vector_load %arg6[%get3A_2004, %get3A_2005] {strides = array<i32>} : memref<12x192xf32, #tpu.memory_space<vmem>>, vector<1x16xf32>,
    %get3A_2007 = vector.shape_cast %get3A_2006 : vector<1x16xf32> to vector<16xf32>
    %get3A_2008 = arith.constant 6 : i32
    %get3A_2009 = arith.index_cast %get3A_2008 : i32 to index
    %get3A_2010 = arith.constant 16 : index
    %get3A_2011 = tpu.vector_load %arg6[%get3A_2009, %get3A_2010] {strides = array<i32>} : memref<12x192xf32, #tpu.memory_space<vmem>>, vector<1x16xf32>,
    %get3A_2012 = vector.shape_cast %get3A_2011 : vector<1x16xf32> to vector<16xf32>
    %get3A_2013 = arith.constant 6 : i32
    %get3A_2014 = arith.index_cast %get3A_2013 : i32 to index
    %get3A_2015 = arith.constant 32 : index
    %get3A_2016 = tpu.vector_load %arg6[%get3A_2014, %get3A_2015] {strides = array<i32>} : memref<12x192xf32, #tpu.memory_space<vmem>>, vector<1x16xf32>,
    %get3A_2017 = vector.shape_cast %get3A_2016 : vector<1x16xf32> to vector<16xf32>
    %get3A_2018 = arith.constant 6 : i32
    %get3A_2019 = arith.index_cast %get3A_2018 : i32 to index
    %get3A_2020 = arith.constant 48 : index
    %get3A_2021 = tpu.vector_load %arg6[%get3A_2019, %get3A_2020] {strides = array<i32>} : memref<12x192xf32, #tpu.memory_space<vmem>>, vector<1x16xf32>,
    %get3A_2022 = vector.shape_cast %get3A_2021 : vector<1x16xf32> to vector<16xf32>
    %get3A_2023 = arith.constant 6 : i32
    %get3A_2024 = arith.index_cast %get3A_2023 : i32 to index
    %get3A_2025 = arith.constant 64 : index
    %get3A_2026 = tpu.vector_load %arg6[%get3A_2024, %get3A_2025] {strides = array<i32>} : memref<12x192xf32, #tpu.memory_space<vmem>>, vector<1x16xf32>,
    %get3A_2027 = vector.shape_cast %get3A_2026 : vector<1x16xf32> to vector<16xf32>
    %get3A_2028 = arith.constant 6 : i32
    %get3A_2029 = arith.index_cast %get3A_2028 : i32 to index
    %get3A_2030 = arith.constant 80 : index
    %get3A_2031 = tpu.vector_load %arg6[%get3A_2029, %get3A_2030] {strides = array<i32>} : memref<12x192xf32, #tpu.memory_space<vmem>>, vector<1x16xf32>,
    %get3A_2032 = vector.shape_cast %get3A_2031 : vector<1x16xf32> to vector<16xf32>
    %get3A_2033 = arith.constant 6 : i32
    %get3A_2034 = arith.index_cast %get3A_2033 : i32 to index
    %get3A_2035 = arith.constant 96 : index
    %get3A_2036 = tpu.vector_load %arg6[%get3A_2034, %get3A_2035] {strides = array<i32>} : memref<12x192xf32, #tpu.memory_space<vmem>>, vector<1x16xf32>,
    %get3A_2037 = vector.shape_cast %get3A_2036 : vector<1x16xf32> to vector<16xf32>
    %get3A_2038 = arith.constant 6 : i32
    %get3A_2039 = arith.index_cast %get3A_2038 : i32 to index
    %get3A_2040 = arith.constant 112 : index
    %get3A_2041 = tpu.vector_load %arg6[%get3A_2039, %get3A_2040] {strides = array<i32>} : memref<12x192xf32, #tpu.memory_space<vmem>>, vector<1x16xf32>,
    %get3A_2042 = vector.shape_cast %get3A_2041 : vector<1x16xf32> to vector<16xf32>
    %get3A_2043 = arith.constant 6 : i32
    %get3A_2044 = arith.index_cast %get3A_2043 : i32 to index
    %get3A_2045 = arith.constant 128 : index
    %get3A_2046 = tpu.vector_load %arg6[%get3A_2044, %get3A_2045] {strides = array<i32>} : memref<12x192xf32, #tpu.memory_space<vmem>>, vector<1x16xf32>,
    %get3A_2047 = vector.shape_cast %get3A_2046 : vector<1x16xf32> to vector<16xf32>
    %get3A_2048 = arith.constant 6 : i32
    %get3A_2049 = arith.index_cast %get3A_2048 : i32 to index
    %get3A_2050 = arith.constant 144 : index
    %get3A_2051 = tpu.vector_load %arg6[%get3A_2049, %get3A_2050] {strides = array<i32>} : memref<12x192xf32, #tpu.memory_space<vmem>>, vector<1x16xf32>,
    %get3A_2052 = vector.shape_cast %get3A_2051 : vector<1x16xf32> to vector<16xf32>
    %get3A_2053 = arith.constant 6 : i32
    %get3A_2054 = arith.index_cast %get3A_2053 : i32 to index
    %get3A_2055 = arith.constant 160 : index
    %get3A_2056 = tpu.vector_load %arg6[%get3A_2054, %get3A_2055] {strides = array<i32>} : memref<12x192xf32, #tpu.memory_space<vmem>>, vector<1x16xf32>,
    %get3A_2057 = vector.shape_cast %get3A_2056 : vector<1x16xf32> to vector<16xf32>
    %get3A_2058 = arith.constant 6 : i32
    %get3A_2059 = arith.index_cast %get3A_2058 : i32 to index
    %get3A_2060 = arith.constant 176 : index
    %get3A_2061 = tpu.vector_load %arg6[%get3A_2059, %get3A_2060] {strides = array<i32>} : memref<12x192xf32, #tpu.memory_space<vmem>>, vector<1x16xf32>,
    %get3A_2062 = vector.shape_cast %get3A_2061 : vector<1x16xf32> to vector<16xf32>
    %eq3A_2063 = arith.constant 0 : i32
    %eq3A_2064 = vector.broadcast %eq3A_2063 : i32 to vector<16xi32>
    %eq3A_2065 = arith.cmpi eq, %gather3A_2002, %eq3A_2064 : vector<16xi32>
    %jit3A_2066 = arith.constant 1.000000e+00 : f32
    %jit3A_2067 = arith.constant 0.000000e+00 : f32
    %broadcast_in_dim3A_2068 = vector.broadcast %jit3A_2066 : f32 to vector<16xf32>
    %broadcast_in_dim3A_2069 = vector.broadcast %jit3A_2067 : f32 to vector<16xf32>
    %select_n3A_2070 = arith.select %eq3A_2065, %broadcast_in_dim3A_2068, %broadcast_in_dim3A_2069 : vector<16xi1>, vector<16xf32>
    %mul3A_2071 = arith.mulf %get3A_2007, %select_n3A_2070 : vector<16xf32>
    %add3A_2072 = arith.addf %add3A_1879, %mul3A_2071 : vector<16xf32>
    %mul3A_2073 = arith.mulf %get3A_2012, %select_n3A_2070 : vector<16xf32>
    %add3A_2074 = arith.addf %add3A_1881, %mul3A_2073 : vector<16xf32>
    %mul3A_2075 = arith.mulf %get3A_2017, %select_n3A_2070 : vector<16xf32>
    %add3A_2076 = arith.addf %add3A_1883, %mul3A_2075 : vector<16xf32>
    %mul3A_2077 = arith.mulf %get3A_2022, %select_n3A_2070 : vector<16xf32>
    %add3A_2078 = arith.addf %add3A_1885, %mul3A_2077 : vector<16xf32>
    %mul3A_2079 = arith.mulf %get3A_2027, %select_n3A_2070 : vector<16xf32>
    %add3A_2080 = arith.addf %add3A_1887, %mul3A_2079 : vector<16xf32>
    %mul3A_2081 = arith.mulf %get3A_2032, %select_n3A_2070 : vector<16xf32>
    %add3A_2082 = arith.addf %add3A_1889, %mul3A_2081 : vector<16xf32>
    %mul3A_2083 = arith.mulf %get3A_2037, %select_n3A_2070 : vector<16xf32>
    %add3A_2084 = arith.addf %add3A_1891, %mul3A_2083 : vector<16xf32>
    %mul3A_2085 = arith.mulf %get3A_2042, %select_n3A_2070 : vector<16xf32>
    %add3A_2086 = arith.addf %add3A_1893, %mul3A_2085 : vector<16xf32>
    %mul3A_2087 = arith.mulf %get3A_2047, %select_n3A_2070 : vector<16xf32>
    %add3A_2088 = arith.addf %add3A_1895, %mul3A_2087 : vector<16xf32>
    %mul3A_2089 = arith.mulf %get3A_2052, %select_n3A_2070 : vector<16xf32>
    %add3A_2090 = arith.addf %add3A_1897, %mul3A_2089 : vector<16xf32>
    %mul3A_2091 = arith.mulf %get3A_2057, %select_n3A_2070 : vector<16xf32>
    %add3A_2092 = arith.addf %add3A_1899, %mul3A_2091 : vector<16xf32>
    %mul3A_2093 = arith.mulf %get3A_2062, %select_n3A_2070 : vector<16xf32>
    %add3A_2094 = arith.addf %add3A_1901, %mul3A_2093 : vector<16xf32>
    %eq3A_2095 = arith.constant 1 : i32
    %eq3A_2096 = vector.broadcast %eq3A_2095 : i32 to vector<16xi32>
    %eq3A_2097 = arith.cmpi eq, %gather3A_2002, %eq3A_2096 : vector<16xi32>
    %jit3A_2098 = arith.constant 1.000000e+00 : f32
    %jit3A_2099 = arith.constant 0.000000e+00 : f32
    %broadcast_in_dim3A_2100 = vector.broadcast %jit3A_2098 : f32 to vector<16xf32>
    %broadcast_in_dim3A_2101 = vector.broadcast %jit3A_2099 : f32 to vector<16xf32>
    %select_n3A_2102 = arith.select %eq3A_2097, %broadcast_in_dim3A_2100, %broadcast_in_dim3A_2101 : vector<16xi1>, vector<16xf32>
    %mul3A_2103 = arith.mulf %get3A_2007, %select_n3A_2102 : vector<16xf32>
    %add3A_2104 = arith.addf %add3A_1911, %mul3A_2103 : vector<16xf32>
    %mul3A_2105 = arith.mulf %get3A_2012, %select_n3A_2102 : vector<16xf32>
    %add3A_2106 = arith.addf %add3A_1913, %mul3A_2105 : vector<16xf32>
    %mul3A_2107 = arith.mulf %get3A_2017, %select_n3A_2102 : vector<16xf32>
    %add3A_2108 = arith.addf %add3A_1915, %mul3A_2107 : vector<16xf32>
    %mul3A_2109 = arith.mulf %get3A_2022, %select_n3A_2102 : vector<16xf32>
    %add3A_2110 = arith.addf %add3A_1917, %mul3A_2109 : vector<16xf32>
    %mul3A_2111 = arith.mulf %get3A_2027, %select_n3A_2102 : vector<16xf32>
    %add3A_2112 = arith.addf %add3A_1919, %mul3A_2111 : vector<16xf32>
    %mul3A_2113 = arith.mulf %get3A_2032, %select_n3A_2102 : vector<16xf32>
    %add3A_2114 = arith.addf %add3A_1921, %mul3A_2113 : vector<16xf32>
    %mul3A_2115 = arith.mulf %get3A_2037, %select_n3A_2102 : vector<16xf32>
    %add3A_2116 = arith.addf %add3A_1923, %mul3A_2115 : vector<16xf32>
    %mul3A_2117 = arith.mulf %get3A_2042, %select_n3A_2102 : vector<16xf32>
    %add3A_2118 = arith.addf %add3A_1925, %mul3A_2117 : vector<16xf32>
    %mul3A_2119 = arith.mulf %get3A_2047, %select_n3A_2102 : vector<16xf32>
    %add3A_2120 = arith.addf %add3A_1927, %mul3A_2119 : vector<16xf32>
    %mul3A_2121 = arith.mulf %get3A_2052, %select_n3A_2102 : vector<16xf32>
    %add3A_2122 = arith.addf %add3A_1929, %mul3A_2121 : vector<16xf32>
    %mul3A_2123 = arith.mulf %get3A_2057, %select_n3A_2102 : vector<16xf32>
    %add3A_2124 = arith.addf %add3A_1931, %mul3A_2123 : vector<16xf32>
    %mul3A_2125 = arith.mulf %get3A_2062, %select_n3A_2102 : vector<16xf32>
    %add3A_2126 = arith.addf %add3A_1933, %mul3A_2125 : vector<16xf32>
    %eq3A_2127 = arith.constant 2 : i32
    %eq3A_2128 = vector.broadcast %eq3A_2127 : i32 to vector<16xi32>
    %eq3A_2129 = arith.cmpi eq, %gather3A_2002, %eq3A_2128 : vector<16xi32>
    %jit3A_2130 = arith.constant 1.000000e+00 : f32
    %jit3A_2131 = arith.constant 0.000000e+00 : f32
    %broadcast_in_dim3A_2132 = vector.broadcast %jit3A_2130 : f32 to vector<16xf32>
    %broadcast_in_dim3A_2133 = vector.broadcast %jit3A_2131 : f32 to vector<16xf32>
    %select_n3A_2134 = arith.select %eq3A_2129, %broadcast_in_dim3A_2132, %broadcast_in_dim3A_2133 : vector<16xi1>, vector<16xf32>
    %mul3A_2135 = arith.mulf %get3A_2007, %select_n3A_2134 : vector<16xf32>
    %add3A_2136 = arith.addf %add3A_1943, %mul3A_2135 : vector<16xf32>
    %mul3A_2137 = arith.mulf %get3A_2012, %select_n3A_2134 : vector<16xf32>
    %add3A_2138 = arith.addf %add3A_1945, %mul3A_2137 : vector<16xf32>
    %mul3A_2139 = arith.mulf %get3A_2017, %select_n3A_2134 : vector<16xf32>
    %add3A_2140 = arith.addf %add3A_1947, %mul3A_2139 : vector<16xf32>
    %mul3A_2141 = arith.mulf %get3A_2022, %select_n3A_2134 : vector<16xf32>
    %add3A_2142 = arith.addf %add3A_1949, %mul3A_2141 : vector<16xf32>
    %mul3A_2143 = arith.mulf %get3A_2027, %select_n3A_2134 : vector<16xf32>
    %add3A_2144 = arith.addf %add3A_1951, %mul3A_2143 : vector<16xf32>
    %mul3A_2145 = arith.mulf %get3A_2032, %select_n3A_2134 : vector<16xf32>
    %add3A_2146 = arith.addf %add3A_1953, %mul3A_2145 : vector<16xf32>
    %mul3A_2147 = arith.mulf %get3A_2037, %select_n3A_2134 : vector<16xf32>
    %add3A_2148 = arith.addf %add3A_1955, %mul3A_2147 : vector<16xf32>
    %mul3A_2149 = arith.mulf %get3A_2042, %select_n3A_2134 : vector<16xf32>
    %add3A_2150 = arith.addf %add3A_1957, %mul3A_2149 : vector<16xf32>
    %mul3A_2151 = arith.mulf %get3A_2047, %select_n3A_2134 : vector<16xf32>
    %add3A_2152 = arith.addf %add3A_1959, %mul3A_2151 : vector<16xf32>
    %mul3A_2153 = arith.mulf %get3A_2052, %select_n3A_2134 : vector<16xf32>
    %add3A_2154 = arith.addf %add3A_1961, %mul3A_2153 : vector<16xf32>
    %mul3A_2155 = arith.mulf %get3A_2057, %select_n3A_2134 : vector<16xf32>
    %add3A_2156 = arith.addf %add3A_1963, %mul3A_2155 : vector<16xf32>
    %mul3A_2157 = arith.mulf %get3A_2062, %select_n3A_2134 : vector<16xf32>
    %add3A_2158 = arith.addf %add3A_1965, %mul3A_2157 : vector<16xf32>
    %eq3A_2159 = arith.constant 3 : i32
    %eq3A_2160 = vector.broadcast %eq3A_2159 : i32 to vector<16xi32>
    %eq3A_2161 = arith.cmpi eq, %gather3A_2002, %eq3A_2160 : vector<16xi32>
    %jit3A_2162 = arith.constant 1.000000e+00 : f32
    %jit3A_2163 = arith.constant 0.000000e+00 : f32
    %broadcast_in_dim3A_2164 = vector.broadcast %jit3A_2162 : f32 to vector<16xf32>
    %broadcast_in_dim3A_2165 = vector.broadcast %jit3A_2163 : f32 to vector<16xf32>
    %select_n3A_2166 = arith.select %eq3A_2161, %broadcast_in_dim3A_2164, %broadcast_in_dim3A_2165 : vector<16xi1>, vector<16xf32>
    %mul3A_2167 = arith.mulf %get3A_2007, %select_n3A_2166 : vector<16xf32>
    %add3A_2168 = arith.addf %add3A_1975, %mul3A_2167 : vector<16xf32>
    %mul3A_2169 = arith.mulf %get3A_2012, %select_n3A_2166 : vector<16xf32>
    %add3A_2170 = arith.addf %add3A_1977, %mul3A_2169 : vector<16xf32>
    %mul3A_2171 = arith.mulf %get3A_2017, %select_n3A_2166 : vector<16xf32>
    %add3A_2172 = arith.addf %add3A_1979, %mul3A_2171 : vector<16xf32>
    %mul3A_2173 = arith.mulf %get3A_2022, %select_n3A_2166 : vector<16xf32>
    %add3A_2174 = arith.addf %add3A_1981, %mul3A_2173 : vector<16xf32>
    %mul3A_2175 = arith.mulf %get3A_2027, %select_n3A_2166 : vector<16xf32>
    %add3A_2176 = arith.addf %add3A_1983, %mul3A_2175 : vector<16xf32>
    %mul3A_2177 = arith.mulf %get3A_2032, %select_n3A_2166 : vector<16xf32>
    %add3A_2178 = arith.addf %add3A_1985, %mul3A_2177 : vector<16xf32>
    %mul3A_2179 = arith.mulf %get3A_2037, %select_n3A_2166 : vector<16xf32>
    %add3A_2180 = arith.addf %add3A_1987, %mul3A_2179 : vector<16xf32>
    %mul3A_2181 = arith.mulf %get3A_2042, %select_n3A_2166 : vector<16xf32>
    %add3A_2182 = arith.addf %add3A_1989, %mul3A_2181 : vector<16xf32>
    %mul3A_2183 = arith.mulf %get3A_2047, %select_n3A_2166 : vector<16xf32>
    %add3A_2184 = arith.addf %add3A_1991, %mul3A_2183 : vector<16xf32>
    %mul3A_2185 = arith.mulf %get3A_2052, %select_n3A_2166 : vector<16xf32>
    %add3A_2186 = arith.addf %add3A_1993, %mul3A_2185 : vector<16xf32>
    %mul3A_2187 = arith.mulf %get3A_2057, %select_n3A_2166 : vector<16xf32>
    %add3A_2188 = arith.addf %add3A_1995, %mul3A_2187 : vector<16xf32>
    %mul3A_2189 = arith.mulf %get3A_2062, %select_n3A_2166 : vector<16xf32>
    %add3A_2190 = arith.addf %add3A_1997, %mul3A_2189 : vector<16xf32>
    %broadcast_in_dim3A_2191 = arith.constant 7 : i32
    %broadcast_in_dim3A_2192 = vector.broadcast %broadcast_in_dim3A_2191 : i32 to vector<16xi32>
    %broadcast_in_dim3A_2193 = vector.shape_cast %broadcast_in_dim3A_2192 : vector<16xi32> to vector<16x1xi32>
    %gather3A_2194 = vector.shape_cast %broadcast_in_dim3A_2193 : vector<16x1xi32> to vector<16xi32>
    %gather3A_2195 = tpu.dynamic_gather %select_n3A_743[%gather3A_2194] in [0] : vector<16xi32>, vector<16xi32> -> vector<16xi32>
    %get3A_2196 = arith.constant 7 : i32
    %get3A_2197 = arith.index_cast %get3A_2196 : i32 to index
    %get3A_2198 = arith.constant 0 : index
    %get3A_2199 = tpu.vector_load %arg6[%get3A_2197, %get3A_2198] {strides = array<i32>} : memref<12x192xf32, #tpu.memory_space<vmem>>, vector<1x16xf32>,
    %get3A_2200 = vector.shape_cast %get3A_2199 : vector<1x16xf32> to vector<16xf32>
    %get3A_2201 = arith.constant 7 : i32
    %get3A_2202 = arith.index_cast %get3A_2201 : i32 to index
    %get3A_2203 = arith.constant 16 : index
    %get3A_2204 = tpu.vector_load %arg6[%get3A_2202, %get3A_2203] {strides = array<i32>} : memref<12x192xf32, #tpu.memory_space<vmem>>, vector<1x16xf32>,
    %get3A_2205 = vector.shape_cast %get3A_2204 : vector<1x16xf32> to vector<16xf32>
    %get3A_2206 = arith.constant 7 : i32
    %get3A_2207 = arith.index_cast %get3A_2206 : i32 to index
    %get3A_2208 = arith.constant 32 : index
    %get3A_2209 = tpu.vector_load %arg6[%get3A_2207, %get3A_2208] {strides = array<i32>} : memref<12x192xf32, #tpu.memory_space<vmem>>, vector<1x16xf32>,
    %get3A_2210 = vector.shape_cast %get3A_2209 : vector<1x16xf32> to vector<16xf32>
    %get3A_2211 = arith.constant 7 : i32
    %get3A_2212 = arith.index_cast %get3A_2211 : i32 to index
    %get3A_2213 = arith.constant 48 : index
    %get3A_2214 = tpu.vector_load %arg6[%get3A_2212, %get3A_2213] {strides = array<i32>} : memref<12x192xf32, #tpu.memory_space<vmem>>, vector<1x16xf32>,
    %get3A_2215 = vector.shape_cast %get3A_2214 : vector<1x16xf32> to vector<16xf32>
    %get3A_2216 = arith.constant 7 : i32
    %get3A_2217 = arith.index_cast %get3A_2216 : i32 to index
    %get3A_2218 = arith.constant 64 : index
    %get3A_2219 = tpu.vector_load %arg6[%get3A_2217, %get3A_2218] {strides = array<i32>} : memref<12x192xf32, #tpu.memory_space<vmem>>, vector<1x16xf32>,
    %get3A_2220 = vector.shape_cast %get3A_2219 : vector<1x16xf32> to vector<16xf32>
    %get3A_2221 = arith.constant 7 : i32
    %get3A_2222 = arith.index_cast %get3A_2221 : i32 to index
    %get3A_2223 = arith.constant 80 : index
    %get3A_2224 = tpu.vector_load %arg6[%get3A_2222, %get3A_2223] {strides = array<i32>} : memref<12x192xf32, #tpu.memory_space<vmem>>, vector<1x16xf32>,
    %get3A_2225 = vector.shape_cast %get3A_2224 : vector<1x16xf32> to vector<16xf32>
    %get3A_2226 = arith.constant 7 : i32
    %get3A_2227 = arith.index_cast %get3A_2226 : i32 to index
    %get3A_2228 = arith.constant 96 : index
    %get3A_2229 = tpu.vector_load %arg6[%get3A_2227, %get3A_2228] {strides = array<i32>} : memref<12x192xf32, #tpu.memory_space<vmem>>, vector<1x16xf32>,
    %get3A_2230 = vector.shape_cast %get3A_2229 : vector<1x16xf32> to vector<16xf32>
    %get3A_2231 = arith.constant 7 : i32
    %get3A_2232 = arith.index_cast %get3A_2231 : i32 to index
    %get3A_2233 = arith.constant 112 : index
    %get3A_2234 = tpu.vector_load %arg6[%get3A_2232, %get3A_2233] {strides = array<i32>} : memref<12x192xf32, #tpu.memory_space<vmem>>, vector<1x16xf32>,
    %get3A_2235 = vector.shape_cast %get3A_2234 : vector<1x16xf32> to vector<16xf32>
    %get3A_2236 = arith.constant 7 : i32
    %get3A_2237 = arith.index_cast %get3A_2236 : i32 to index
    %get3A_2238 = arith.constant 128 : index
    %get3A_2239 = tpu.vector_load %arg6[%get3A_2237, %get3A_2238] {strides = array<i32>} : memref<12x192xf32, #tpu.memory_space<vmem>>, vector<1x16xf32>,
    %get3A_2240 = vector.shape_cast %get3A_2239 : vector<1x16xf32> to vector<16xf32>
    %get3A_2241 = arith.constant 7 : i32
    %get3A_2242 = arith.index_cast %get3A_2241 : i32 to index
    %get3A_2243 = arith.constant 144 : index
    %get3A_2244 = tpu.vector_load %arg6[%get3A_2242, %get3A_2243] {strides = array<i32>} : memref<12x192xf32, #tpu.memory_space<vmem>>, vector<1x16xf32>,
    %get3A_2245 = vector.shape_cast %get3A_2244 : vector<1x16xf32> to vector<16xf32>
    %get3A_2246 = arith.constant 7 : i32
    %get3A_2247 = arith.index_cast %get3A_2246 : i32 to index
    %get3A_2248 = arith.constant 160 : index
    %get3A_2249 = tpu.vector_load %arg6[%get3A_2247, %get3A_2248] {strides = array<i32>} : memref<12x192xf32, #tpu.memory_space<vmem>>, vector<1x16xf32>,
    %get3A_2250 = vector.shape_cast %get3A_2249 : vector<1x16xf32> to vector<16xf32>
    %get3A_2251 = arith.constant 7 : i32
    %get3A_2252 = arith.index_cast %get3A_2251 : i32 to index
    %get3A_2253 = arith.constant 176 : index
    %get3A_2254 = tpu.vector_load %arg6[%get3A_2252, %get3A_2253] {strides = array<i32>} : memref<12x192xf32, #tpu.memory_space<vmem>>, vector<1x16xf32>,
    %get3A_2255 = vector.shape_cast %get3A_2254 : vector<1x16xf32> to vector<16xf32>
    %eq3A_2256 = arith.constant 0 : i32
    %eq3A_2257 = vector.broadcast %eq3A_2256 : i32 to vector<16xi32>
    %eq3A_2258 = arith.cmpi eq, %gather3A_2195, %eq3A_2257 : vector<16xi32>
    %jit3A_2259 = arith.constant 1.000000e+00 : f32
    %jit3A_2260 = arith.constant 0.000000e+00 : f32
    %broadcast_in_dim3A_2261 = vector.broadcast %jit3A_2259 : f32 to vector<16xf32>
    %broadcast_in_dim3A_2262 = vector.broadcast %jit3A_2260 : f32 to vector<16xf32>
    %select_n3A_2263 = arith.select %eq3A_2258, %broadcast_in_dim3A_2261, %broadcast_in_dim3A_2262 : vector<16xi1>, vector<16xf32>
    %mul3A_2264 = arith.mulf %get3A_2200, %select_n3A_2263 : vector<16xf32>
    %add3A_2265 = arith.addf %add3A_2072, %mul3A_2264 : vector<16xf32>
    %mul3A_2266 = arith.mulf %get3A_2205, %select_n3A_2263 : vector<16xf32>
    %add3A_2267 = arith.addf %add3A_2074, %mul3A_2266 : vector<16xf32>
    %mul3A_2268 = arith.mulf %get3A_2210, %select_n3A_2263 : vector<16xf32>
    %add3A_2269 = arith.addf %add3A_2076, %mul3A_2268 : vector<16xf32>
    %mul3A_2270 = arith.mulf %get3A_2215, %select_n3A_2263 : vector<16xf32>
    %add3A_2271 = arith.addf %add3A_2078, %mul3A_2270 : vector<16xf32>
    %mul3A_2272 = arith.mulf %get3A_2220, %select_n3A_2263 : vector<16xf32>
    %add3A_2273 = arith.addf %add3A_2080, %mul3A_2272 : vector<16xf32>
    %mul3A_2274 = arith.mulf %get3A_2225, %select_n3A_2263 : vector<16xf32>
    %add3A_2275 = arith.addf %add3A_2082, %mul3A_2274 : vector<16xf32>
    %mul3A_2276 = arith.mulf %get3A_2230, %select_n3A_2263 : vector<16xf32>
    %add3A_2277 = arith.addf %add3A_2084, %mul3A_2276 : vector<16xf32>
    %mul3A_2278 = arith.mulf %get3A_2235, %select_n3A_2263 : vector<16xf32>
    %add3A_2279 = arith.addf %add3A_2086, %mul3A_2278 : vector<16xf32>
    %mul3A_2280 = arith.mulf %get3A_2240, %select_n3A_2263 : vector<16xf32>
    %add3A_2281 = arith.addf %add3A_2088, %mul3A_2280 : vector<16xf32>
    %mul3A_2282 = arith.mulf %get3A_2245, %select_n3A_2263 : vector<16xf32>
    %add3A_2283 = arith.addf %add3A_2090, %mul3A_2282 : vector<16xf32>
    %mul3A_2284 = arith.mulf %get3A_2250, %select_n3A_2263 : vector<16xf32>
    %add3A_2285 = arith.addf %add3A_2092, %mul3A_2284 : vector<16xf32>
    %mul3A_2286 = arith.mulf %get3A_2255, %select_n3A_2263 : vector<16xf32>
    %add3A_2287 = arith.addf %add3A_2094, %mul3A_2286 : vector<16xf32>
    %eq3A_2288 = arith.constant 1 : i32
    %eq3A_2289 = vector.broadcast %eq3A_2288 : i32 to vector<16xi32>
    %eq3A_2290 = arith.cmpi eq, %gather3A_2195, %eq3A_2289 : vector<16xi32>
    %jit3A_2291 = arith.constant 1.000000e+00 : f32
    %jit3A_2292 = arith.constant 0.000000e+00 : f32
    %broadcast_in_dim3A_2293 = vector.broadcast %jit3A_2291 : f32 to vector<16xf32>
    %broadcast_in_dim3A_2294 = vector.broadcast %jit3A_2292 : f32 to vector<16xf32>
    %select_n3A_2295 = arith.select %eq3A_2290, %broadcast_in_dim3A_2293, %broadcast_in_dim3A_2294 : vector<16xi1>, vector<16xf32>
    %mul3A_2296 = arith.mulf %get3A_2200, %select_n3A_2295 : vector<16xf32>
    %add3A_2297 = arith.addf %add3A_2104, %mul3A_2296 : vector<16xf32>
    %mul3A_2298 = arith.mulf %get3A_2205, %select_n3A_2295 : vector<16xf32>
    %add3A_2299 = arith.addf %add3A_2106, %mul3A_2298 : vector<16xf32>
    %mul3A_2300 = arith.mulf %get3A_2210, %select_n3A_2295 : vector<16xf32>
    %add3A_2301 = arith.addf %add3A_2108, %mul3A_2300 : vector<16xf32>
    %mul3A_2302 = arith.mulf %get3A_2215, %select_n3A_2295 : vector<16xf32>
    %add3A_2303 = arith.addf %add3A_2110, %mul3A_2302 : vector<16xf32>
    %mul3A_2304 = arith.mulf %get3A_2220, %select_n3A_2295 : vector<16xf32>
    %add3A_2305 = arith.addf %add3A_2112, %mul3A_2304 : vector<16xf32>
    %mul3A_2306 = arith.mulf %get3A_2225, %select_n3A_2295 : vector<16xf32>
    %add3A_2307 = arith.addf %add3A_2114, %mul3A_2306 : vector<16xf32>
    %mul3A_2308 = arith.mulf %get3A_2230, %select_n3A_2295 : vector<16xf32>
    %add3A_2309 = arith.addf %add3A_2116, %mul3A_2308 : vector<16xf32>
    %mul3A_2310 = arith.mulf %get3A_2235, %select_n3A_2295 : vector<16xf32>
    %add3A_2311 = arith.addf %add3A_2118, %mul3A_2310 : vector<16xf32>
    %mul3A_2312 = arith.mulf %get3A_2240, %select_n3A_2295 : vector<16xf32>
    %add3A_2313 = arith.addf %add3A_2120, %mul3A_2312 : vector<16xf32>
    %mul3A_2314 = arith.mulf %get3A_2245, %select_n3A_2295 : vector<16xf32>
    %add3A_2315 = arith.addf %add3A_2122, %mul3A_2314 : vector<16xf32>
    %mul3A_2316 = arith.mulf %get3A_2250, %select_n3A_2295 : vector<16xf32>
    %add3A_2317 = arith.addf %add3A_2124, %mul3A_2316 : vector<16xf32>
    %mul3A_2318 = arith.mulf %get3A_2255, %select_n3A_2295 : vector<16xf32>
    %add3A_2319 = arith.addf %add3A_2126, %mul3A_2318 : vector<16xf32>
    %eq3A_2320 = arith.constant 2 : i32
    %eq3A_2321 = vector.broadcast %eq3A_2320 : i32 to vector<16xi32>
    %eq3A_2322 = arith.cmpi eq, %gather3A_2195, %eq3A_2321 : vector<16xi32>
    %jit3A_2323 = arith.constant 1.000000e+00 : f32
    %jit3A_2324 = arith.constant 0.000000e+00 : f32
    %broadcast_in_dim3A_2325 = vector.broadcast %jit3A_2323 : f32 to vector<16xf32>
    %broadcast_in_dim3A_2326 = vector.broadcast %jit3A_2324 : f32 to vector<16xf32>
    %select_n3A_2327 = arith.select %eq3A_2322, %broadcast_in_dim3A_2325, %broadcast_in_dim3A_2326 : vector<16xi1>, vector<16xf32>
    %mul3A_2328 = arith.mulf %get3A_2200, %select_n3A_2327 : vector<16xf32>
    %add3A_2329 = arith.addf %add3A_2136, %mul3A_2328 : vector<16xf32>
    %mul3A_2330 = arith.mulf %get3A_2205, %select_n3A_2327 : vector<16xf32>
    %add3A_2331 = arith.addf %add3A_2138, %mul3A_2330 : vector<16xf32>
    %mul3A_2332 = arith.mulf %get3A_2210, %select_n3A_2327 : vector<16xf32>
    %add3A_2333 = arith.addf %add3A_2140, %mul3A_2332 : vector<16xf32>
    %mul3A_2334 = arith.mulf %get3A_2215, %select_n3A_2327 : vector<16xf32>
    %add3A_2335 = arith.addf %add3A_2142, %mul3A_2334 : vector<16xf32>
    %mul3A_2336 = arith.mulf %get3A_2220, %select_n3A_2327 : vector<16xf32>
    %add3A_2337 = arith.addf %add3A_2144, %mul3A_2336 : vector<16xf32>
    %mul3A_2338 = arith.mulf %get3A_2225, %select_n3A_2327 : vector<16xf32>
    %add3A_2339 = arith.addf %add3A_2146, %mul3A_2338 : vector<16xf32>
    %mul3A_2340 = arith.mulf %get3A_2230, %select_n3A_2327 : vector<16xf32>
    %add3A_2341 = arith.addf %add3A_2148, %mul3A_2340 : vector<16xf32>
    %mul3A_2342 = arith.mulf %get3A_2235, %select_n3A_2327 : vector<16xf32>
    %add3A_2343 = arith.addf %add3A_2150, %mul3A_2342 : vector<16xf32>
    %mul3A_2344 = arith.mulf %get3A_2240, %select_n3A_2327 : vector<16xf32>
    %add3A_2345 = arith.addf %add3A_2152, %mul3A_2344 : vector<16xf32>
    %mul3A_2346 = arith.mulf %get3A_2245, %select_n3A_2327 : vector<16xf32>
    %add3A_2347 = arith.addf %add3A_2154, %mul3A_2346 : vector<16xf32>
    %mul3A_2348 = arith.mulf %get3A_2250, %select_n3A_2327 : vector<16xf32>
    %add3A_2349 = arith.addf %add3A_2156, %mul3A_2348 : vector<16xf32>
    %mul3A_2350 = arith.mulf %get3A_2255, %select_n3A_2327 : vector<16xf32>
    %add3A_2351 = arith.addf %add3A_2158, %mul3A_2350 : vector<16xf32>
    %eq3A_2352 = arith.constant 3 : i32
    %eq3A_2353 = vector.broadcast %eq3A_2352 : i32 to vector<16xi32>
    %eq3A_2354 = arith.cmpi eq, %gather3A_2195, %eq3A_2353 : vector<16xi32>
    %jit3A_2355 = arith.constant 1.000000e+00 : f32
    %jit3A_2356 = arith.constant 0.000000e+00 : f32
    %broadcast_in_dim3A_2357 = vector.broadcast %jit3A_2355 : f32 to vector<16xf32>
    %broadcast_in_dim3A_2358 = vector.broadcast %jit3A_2356 : f32 to vector<16xf32>
    %select_n3A_2359 = arith.select %eq3A_2354, %broadcast_in_dim3A_2357, %broadcast_in_dim3A_2358 : vector<16xi1>, vector<16xf32>
    %mul3A_2360 = arith.mulf %get3A_2200, %select_n3A_2359 : vector<16xf32>
    %add3A_2361 = arith.addf %add3A_2168, %mul3A_2360 : vector<16xf32>
    %mul3A_2362 = arith.mulf %get3A_2205, %select_n3A_2359 : vector<16xf32>
    %add3A_2363 = arith.addf %add3A_2170, %mul3A_2362 : vector<16xf32>
    %mul3A_2364 = arith.mulf %get3A_2210, %select_n3A_2359 : vector<16xf32>
    %add3A_2365 = arith.addf %add3A_2172, %mul3A_2364 : vector<16xf32>
    %mul3A_2366 = arith.mulf %get3A_2215, %select_n3A_2359 : vector<16xf32>
    %add3A_2367 = arith.addf %add3A_2174, %mul3A_2366 : vector<16xf32>
    %mul3A_2368 = arith.mulf %get3A_2220, %select_n3A_2359 : vector<16xf32>
    %add3A_2369 = arith.addf %add3A_2176, %mul3A_2368 : vector<16xf32>
    %mul3A_2370 = arith.mulf %get3A_2225, %select_n3A_2359 : vector<16xf32>
    %add3A_2371 = arith.addf %add3A_2178, %mul3A_2370 : vector<16xf32>
    %mul3A_2372 = arith.mulf %get3A_2230, %select_n3A_2359 : vector<16xf32>
    %add3A_2373 = arith.addf %add3A_2180, %mul3A_2372 : vector<16xf32>
    %mul3A_2374 = arith.mulf %get3A_2235, %select_n3A_2359 : vector<16xf32>
    %add3A_2375 = arith.addf %add3A_2182, %mul3A_2374 : vector<16xf32>
    %mul3A_2376 = arith.mulf %get3A_2240, %select_n3A_2359 : vector<16xf32>
    %add3A_2377 = arith.addf %add3A_2184, %mul3A_2376 : vector<16xf32>
    %mul3A_2378 = arith.mulf %get3A_2245, %select_n3A_2359 : vector<16xf32>
    %add3A_2379 = arith.addf %add3A_2186, %mul3A_2378 : vector<16xf32>
    %mul3A_2380 = arith.mulf %get3A_2250, %select_n3A_2359 : vector<16xf32>
    %add3A_2381 = arith.addf %add3A_2188, %mul3A_2380 : vector<16xf32>
    %mul3A_2382 = arith.mulf %get3A_2255, %select_n3A_2359 : vector<16xf32>
    %add3A_2383 = arith.addf %add3A_2190, %mul3A_2382 : vector<16xf32>
    %broadcast_in_dim3A_2384 = arith.constant 8 : i32
    %broadcast_in_dim3A_2385 = vector.broadcast %broadcast_in_dim3A_2384 : i32 to vector<16xi32>
    %broadcast_in_dim3A_2386 = vector.shape_cast %broadcast_in_dim3A_2385 : vector<16xi32> to vector<16x1xi32>
    %gather3A_2387 = vector.shape_cast %broadcast_in_dim3A_2386 : vector<16x1xi32> to vector<16xi32>
    %gather3A_2388 = tpu.dynamic_gather %select_n3A_743[%gather3A_2387] in [0] : vector<16xi32>, vector<16xi32> -> vector<16xi32>
    %get3A_2389 = arith.constant 8 : i32
    %get3A_2390 = arith.index_cast %get3A_2389 : i32 to index
    %get3A_2391 = arith.constant 0 : index
    %get3A_2392 = tpu.vector_load %arg6[%get3A_2390, %get3A_2391] {strides = array<i32>} : memref<12x192xf32, #tpu.memory_space<vmem>>, vector<1x16xf32>,
    %get3A_2393 = vector.shape_cast %get3A_2392 : vector<1x16xf32> to vector<16xf32>
    %get3A_2394 = arith.constant 8 : i32
    %get3A_2395 = arith.index_cast %get3A_2394 : i32 to index
    %get3A_2396 = arith.constant 16 : index
    %get3A_2397 = tpu.vector_load %arg6[%get3A_2395, %get3A_2396] {strides = array<i32>} : memref<12x192xf32, #tpu.memory_space<vmem>>, vector<1x16xf32>,
    %get3A_2398 = vector.shape_cast %get3A_2397 : vector<1x16xf32> to vector<16xf32>
    %get3A_2399 = arith.constant 8 : i32
    %get3A_2400 = arith.index_cast %get3A_2399 : i32 to index
    %get3A_2401 = arith.constant 32 : index
    %get3A_2402 = tpu.vector_load %arg6[%get3A_2400, %get3A_2401] {strides = array<i32>} : memref<12x192xf32, #tpu.memory_space<vmem>>, vector<1x16xf32>,
    %get3A_2403 = vector.shape_cast %get3A_2402 : vector<1x16xf32> to vector<16xf32>
    %get3A_2404 = arith.constant 8 : i32
    %get3A_2405 = arith.index_cast %get3A_2404 : i32 to index
    %get3A_2406 = arith.constant 48 : index
    %get3A_2407 = tpu.vector_load %arg6[%get3A_2405, %get3A_2406] {strides = array<i32>} : memref<12x192xf32, #tpu.memory_space<vmem>>, vector<1x16xf32>,
    %get3A_2408 = vector.shape_cast %get3A_2407 : vector<1x16xf32> to vector<16xf32>
    %get3A_2409 = arith.constant 8 : i32
    %get3A_2410 = arith.index_cast %get3A_2409 : i32 to index
    %get3A_2411 = arith.constant 64 : index
    %get3A_2412 = tpu.vector_load %arg6[%get3A_2410, %get3A_2411] {strides = array<i32>} : memref<12x192xf32, #tpu.memory_space<vmem>>, vector<1x16xf32>,
    %get3A_2413 = vector.shape_cast %get3A_2412 : vector<1x16xf32> to vector<16xf32>
    %get3A_2414 = arith.constant 8 : i32
    %get3A_2415 = arith.index_cast %get3A_2414 : i32 to index
    %get3A_2416 = arith.constant 80 : index
    %get3A_2417 = tpu.vector_load %arg6[%get3A_2415, %get3A_2416] {strides = array<i32>} : memref<12x192xf32, #tpu.memory_space<vmem>>, vector<1x16xf32>,
    %get3A_2418 = vector.shape_cast %get3A_2417 : vector<1x16xf32> to vector<16xf32>
    %get3A_2419 = arith.constant 8 : i32
    %get3A_2420 = arith.index_cast %get3A_2419 : i32 to index
    %get3A_2421 = arith.constant 96 : index
    %get3A_2422 = tpu.vector_load %arg6[%get3A_2420, %get3A_2421] {strides = array<i32>} : memref<12x192xf32, #tpu.memory_space<vmem>>, vector<1x16xf32>,
    %get3A_2423 = vector.shape_cast %get3A_2422 : vector<1x16xf32> to vector<16xf32>
    %get3A_2424 = arith.constant 8 : i32
    %get3A_2425 = arith.index_cast %get3A_2424 : i32 to index
    %get3A_2426 = arith.constant 112 : index
    %get3A_2427 = tpu.vector_load %arg6[%get3A_2425, %get3A_2426] {strides = array<i32>} : memref<12x192xf32, #tpu.memory_space<vmem>>, vector<1x16xf32>,
    %get3A_2428 = vector.shape_cast %get3A_2427 : vector<1x16xf32> to vector<16xf32>
    %get3A_2429 = arith.constant 8 : i32
    %get3A_2430 = arith.index_cast %get3A_2429 : i32 to index
    %get3A_2431 = arith.constant 128 : index
    %get3A_2432 = tpu.vector_load %arg6[%get3A_2430, %get3A_2431] {strides = array<i32>} : memref<12x192xf32, #tpu.memory_space<vmem>>, vector<1x16xf32>,
    %get3A_2433 = vector.shape_cast %get3A_2432 : vector<1x16xf32> to vector<16xf32>
    %get3A_2434 = arith.constant 8 : i32
    %get3A_2435 = arith.index_cast %get3A_2434 : i32 to index
    %get3A_2436 = arith.constant 144 : index
    %get3A_2437 = tpu.vector_load %arg6[%get3A_2435, %get3A_2436] {strides = array<i32>} : memref<12x192xf32, #tpu.memory_space<vmem>>, vector<1x16xf32>,
    %get3A_2438 = vector.shape_cast %get3A_2437 : vector<1x16xf32> to vector<16xf32>
    %get3A_2439 = arith.constant 8 : i32
    %get3A_2440 = arith.index_cast %get3A_2439 : i32 to index
    %get3A_2441 = arith.constant 160 : index
    %get3A_2442 = tpu.vector_load %arg6[%get3A_2440, %get3A_2441] {strides = array<i32>} : memref<12x192xf32, #tpu.memory_space<vmem>>, vector<1x16xf32>,
    %get3A_2443 = vector.shape_cast %get3A_2442 : vector<1x16xf32> to vector<16xf32>
    %get3A_2444 = arith.constant 8 : i32
    %get3A_2445 = arith.index_cast %get3A_2444 : i32 to index
    %get3A_2446 = arith.constant 176 : index
    %get3A_2447 = tpu.vector_load %arg6[%get3A_2445, %get3A_2446] {strides = array<i32>} : memref<12x192xf32, #tpu.memory_space<vmem>>, vector<1x16xf32>,
    %get3A_2448 = vector.shape_cast %get3A_2447 : vector<1x16xf32> to vector<16xf32>
    %eq3A_2449 = arith.constant 0 : i32
    %eq3A_2450 = vector.broadcast %eq3A_2449 : i32 to vector<16xi32>
    %eq3A_2451 = arith.cmpi eq, %gather3A_2388, %eq3A_2450 : vector<16xi32>
    %jit3A_2452 = arith.constant 1.000000e+00 : f32
    %jit3A_2453 = arith.constant 0.000000e+00 : f32
    %broadcast_in_dim3A_2454 = vector.broadcast %jit3A_2452 : f32 to vector<16xf32>
    %broadcast_in_dim3A_2455 = vector.broadcast %jit3A_2453 : f32 to vector<16xf32>
    %select_n3A_2456 = arith.select %eq3A_2451, %broadcast_in_dim3A_2454, %broadcast_in_dim3A_2455 : vector<16xi1>, vector<16xf32>
    %mul3A_2457 = arith.mulf %get3A_2393, %select_n3A_2456 : vector<16xf32>
    %add3A_2458 = arith.addf %add3A_2265, %mul3A_2457 : vector<16xf32>
    %mul3A_2459 = arith.mulf %get3A_2398, %select_n3A_2456 : vector<16xf32>
    %add3A_2460 = arith.addf %add3A_2267, %mul3A_2459 : vector<16xf32>
    %mul3A_2461 = arith.mulf %get3A_2403, %select_n3A_2456 : vector<16xf32>
    %add3A_2462 = arith.addf %add3A_2269, %mul3A_2461 : vector<16xf32>
    %mul3A_2463 = arith.mulf %get3A_2408, %select_n3A_2456 : vector<16xf32>
    %add3A_2464 = arith.addf %add3A_2271, %mul3A_2463 : vector<16xf32>
    %mul3A_2465 = arith.mulf %get3A_2413, %select_n3A_2456 : vector<16xf32>
    %add3A_2466 = arith.addf %add3A_2273, %mul3A_2465 : vector<16xf32>
    %mul3A_2467 = arith.mulf %get3A_2418, %select_n3A_2456 : vector<16xf32>
    %add3A_2468 = arith.addf %add3A_2275, %mul3A_2467 : vector<16xf32>
    %mul3A_2469 = arith.mulf %get3A_2423, %select_n3A_2456 : vector<16xf32>
    %add3A_2470 = arith.addf %add3A_2277, %mul3A_2469 : vector<16xf32>
    %mul3A_2471 = arith.mulf %get3A_2428, %select_n3A_2456 : vector<16xf32>
    %add3A_2472 = arith.addf %add3A_2279, %mul3A_2471 : vector<16xf32>
    %mul3A_2473 = arith.mulf %get3A_2433, %select_n3A_2456 : vector<16xf32>
    %add3A_2474 = arith.addf %add3A_2281, %mul3A_2473 : vector<16xf32>
    %mul3A_2475 = arith.mulf %get3A_2438, %select_n3A_2456 : vector<16xf32>
    %add3A_2476 = arith.addf %add3A_2283, %mul3A_2475 : vector<16xf32>
    %mul3A_2477 = arith.mulf %get3A_2443, %select_n3A_2456 : vector<16xf32>
    %add3A_2478 = arith.addf %add3A_2285, %mul3A_2477 : vector<16xf32>
    %mul3A_2479 = arith.mulf %get3A_2448, %select_n3A_2456 : vector<16xf32>
    %add3A_2480 = arith.addf %add3A_2287, %mul3A_2479 : vector<16xf32>
    %eq3A_2481 = arith.constant 1 : i32
    %eq3A_2482 = vector.broadcast %eq3A_2481 : i32 to vector<16xi32>
    %eq3A_2483 = arith.cmpi eq, %gather3A_2388, %eq3A_2482 : vector<16xi32>
    %jit3A_2484 = arith.constant 1.000000e+00 : f32
    %jit3A_2485 = arith.constant 0.000000e+00 : f32
    %broadcast_in_dim3A_2486 = vector.broadcast %jit3A_2484 : f32 to vector<16xf32>
    %broadcast_in_dim3A_2487 = vector.broadcast %jit3A_2485 : f32 to vector<16xf32>
    %select_n3A_2488 = arith.select %eq3A_2483, %broadcast_in_dim3A_2486, %broadcast_in_dim3A_2487 : vector<16xi1>, vector<16xf32>
    %mul3A_2489 = arith.mulf %get3A_2393, %select_n3A_2488 : vector<16xf32>
    %add3A_2490 = arith.addf %add3A_2297, %mul3A_2489 : vector<16xf32>
    %mul3A_2491 = arith.mulf %get3A_2398, %select_n3A_2488 : vector<16xf32>
    %add3A_2492 = arith.addf %add3A_2299, %mul3A_2491 : vector<16xf32>
    %mul3A_2493 = arith.mulf %get3A_2403, %select_n3A_2488 : vector<16xf32>
    %add3A_2494 = arith.addf %add3A_2301, %mul3A_2493 : vector<16xf32>
    %mul3A_2495 = arith.mulf %get3A_2408, %select_n3A_2488 : vector<16xf32>
    %add3A_2496 = arith.addf %add3A_2303, %mul3A_2495 : vector<16xf32>
    %mul3A_2497 = arith.mulf %get3A_2413, %select_n3A_2488 : vector<16xf32>
    %add3A_2498 = arith.addf %add3A_2305, %mul3A_2497 : vector<16xf32>
    %mul3A_2499 = arith.mulf %get3A_2418, %select_n3A_2488 : vector<16xf32>
    %add3A_2500 = arith.addf %add3A_2307, %mul3A_2499 : vector<16xf32>
    %mul3A_2501 = arith.mulf %get3A_2423, %select_n3A_2488 : vector<16xf32>
    %add3A_2502 = arith.addf %add3A_2309, %mul3A_2501 : vector<16xf32>
    %mul3A_2503 = arith.mulf %get3A_2428, %select_n3A_2488 : vector<16xf32>
    %add3A_2504 = arith.addf %add3A_2311, %mul3A_2503 : vector<16xf32>
    %mul3A_2505 = arith.mulf %get3A_2433, %select_n3A_2488 : vector<16xf32>
    %add3A_2506 = arith.addf %add3A_2313, %mul3A_2505 : vector<16xf32>
    %mul3A_2507 = arith.mulf %get3A_2438, %select_n3A_2488 : vector<16xf32>
    %add3A_2508 = arith.addf %add3A_2315, %mul3A_2507 : vector<16xf32>
    %mul3A_2509 = arith.mulf %get3A_2443, %select_n3A_2488 : vector<16xf32>
    %add3A_2510 = arith.addf %add3A_2317, %mul3A_2509 : vector<16xf32>
    %mul3A_2511 = arith.mulf %get3A_2448, %select_n3A_2488 : vector<16xf32>
    %add3A_2512 = arith.addf %add3A_2319, %mul3A_2511 : vector<16xf32>
    %eq3A_2513 = arith.constant 2 : i32
    %eq3A_2514 = vector.broadcast %eq3A_2513 : i32 to vector<16xi32>
    %eq3A_2515 = arith.cmpi eq, %gather3A_2388, %eq3A_2514 : vector<16xi32>
    %jit3A_2516 = arith.constant 1.000000e+00 : f32
    %jit3A_2517 = arith.constant 0.000000e+00 : f32
    %broadcast_in_dim3A_2518 = vector.broadcast %jit3A_2516 : f32 to vector<16xf32>
    %broadcast_in_dim3A_2519 = vector.broadcast %jit3A_2517 : f32 to vector<16xf32>
    %select_n3A_2520 = arith.select %eq3A_2515, %broadcast_in_dim3A_2518, %broadcast_in_dim3A_2519 : vector<16xi1>, vector<16xf32>
    %mul3A_2521 = arith.mulf %get3A_2393, %select_n3A_2520 : vector<16xf32>
    %add3A_2522 = arith.addf %add3A_2329, %mul3A_2521 : vector<16xf32>
    %mul3A_2523 = arith.mulf %get3A_2398, %select_n3A_2520 : vector<16xf32>
    %add3A_2524 = arith.addf %add3A_2331, %mul3A_2523 : vector<16xf32>
    %mul3A_2525 = arith.mulf %get3A_2403, %select_n3A_2520 : vector<16xf32>
    %add3A_2526 = arith.addf %add3A_2333, %mul3A_2525 : vector<16xf32>
    %mul3A_2527 = arith.mulf %get3A_2408, %select_n3A_2520 : vector<16xf32>
    %add3A_2528 = arith.addf %add3A_2335, %mul3A_2527 : vector<16xf32>
    %mul3A_2529 = arith.mulf %get3A_2413, %select_n3A_2520 : vector<16xf32>
    %add3A_2530 = arith.addf %add3A_2337, %mul3A_2529 : vector<16xf32>
    %mul3A_2531 = arith.mulf %get3A_2418, %select_n3A_2520 : vector<16xf32>
    %add3A_2532 = arith.addf %add3A_2339, %mul3A_2531 : vector<16xf32>
    %mul3A_2533 = arith.mulf %get3A_2423, %select_n3A_2520 : vector<16xf32>
    %add3A_2534 = arith.addf %add3A_2341, %mul3A_2533 : vector<16xf32>
    %mul3A_2535 = arith.mulf %get3A_2428, %select_n3A_2520 : vector<16xf32>
    %add3A_2536 = arith.addf %add3A_2343, %mul3A_2535 : vector<16xf32>
    %mul3A_2537 = arith.mulf %get3A_2433, %select_n3A_2520 : vector<16xf32>
    %add3A_2538 = arith.addf %add3A_2345, %mul3A_2537 : vector<16xf32>
    %mul3A_2539 = arith.mulf %get3A_2438, %select_n3A_2520 : vector<16xf32>
    %add3A_2540 = arith.addf %add3A_2347, %mul3A_2539 : vector<16xf32>
    %mul3A_2541 = arith.mulf %get3A_2443, %select_n3A_2520 : vector<16xf32>
    %add3A_2542 = arith.addf %add3A_2349, %mul3A_2541 : vector<16xf32>
    %mul3A_2543 = arith.mulf %get3A_2448, %select_n3A_2520 : vector<16xf32>
    %add3A_2544 = arith.addf %add3A_2351, %mul3A_2543 : vector<16xf32>
    %eq3A_2545 = arith.constant 3 : i32
    %eq3A_2546 = vector.broadcast %eq3A_2545 : i32 to vector<16xi32>
    %eq3A_2547 = arith.cmpi eq, %gather3A_2388, %eq3A_2546 : vector<16xi32>
    %jit3A_2548 = arith.constant 1.000000e+00 : f32
    %jit3A_2549 = arith.constant 0.000000e+00 : f32
    %broadcast_in_dim3A_2550 = vector.broadcast %jit3A_2548 : f32 to vector<16xf32>
    %broadcast_in_dim3A_2551 = vector.broadcast %jit3A_2549 : f32 to vector<16xf32>
    %select_n3A_2552 = arith.select %eq3A_2547, %broadcast_in_dim3A_2550, %broadcast_in_dim3A_2551 : vector<16xi1>, vector<16xf32>
    %mul3A_2553 = arith.mulf %get3A_2393, %select_n3A_2552 : vector<16xf32>
    %add3A_2554 = arith.addf %add3A_2361, %mul3A_2553 : vector<16xf32>
    %mul3A_2555 = arith.mulf %get3A_2398, %select_n3A_2552 : vector<16xf32>
    %add3A_2556 = arith.addf %add3A_2363, %mul3A_2555 : vector<16xf32>
    %mul3A_2557 = arith.mulf %get3A_2403, %select_n3A_2552 : vector<16xf32>
    %add3A_2558 = arith.addf %add3A_2365, %mul3A_2557 : vector<16xf32>
    %mul3A_2559 = arith.mulf %get3A_2408, %select_n3A_2552 : vector<16xf32>
    %add3A_2560 = arith.addf %add3A_2367, %mul3A_2559 : vector<16xf32>
    %mul3A_2561 = arith.mulf %get3A_2413, %select_n3A_2552 : vector<16xf32>
    %add3A_2562 = arith.addf %add3A_2369, %mul3A_2561 : vector<16xf32>
    %mul3A_2563 = arith.mulf %get3A_2418, %select_n3A_2552 : vector<16xf32>
    %add3A_2564 = arith.addf %add3A_2371, %mul3A_2563 : vector<16xf32>
    %mul3A_2565 = arith.mulf %get3A_2423, %select_n3A_2552 : vector<16xf32>
    %add3A_2566 = arith.addf %add3A_2373, %mul3A_2565 : vector<16xf32>
    %mul3A_2567 = arith.mulf %get3A_2428, %select_n3A_2552 : vector<16xf32>
    %add3A_2568 = arith.addf %add3A_2375, %mul3A_2567 : vector<16xf32>
    %mul3A_2569 = arith.mulf %get3A_2433, %select_n3A_2552 : vector<16xf32>
    %add3A_2570 = arith.addf %add3A_2377, %mul3A_2569 : vector<16xf32>
    %mul3A_2571 = arith.mulf %get3A_2438, %select_n3A_2552 : vector<16xf32>
    %add3A_2572 = arith.addf %add3A_2379, %mul3A_2571 : vector<16xf32>
    %mul3A_2573 = arith.mulf %get3A_2443, %select_n3A_2552 : vector<16xf32>
    %add3A_2574 = arith.addf %add3A_2381, %mul3A_2573 : vector<16xf32>
    %mul3A_2575 = arith.mulf %get3A_2448, %select_n3A_2552 : vector<16xf32>
    %add3A_2576 = arith.addf %add3A_2383, %mul3A_2575 : vector<16xf32>
    %broadcast_in_dim3A_2577 = arith.constant 9 : i32
    %broadcast_in_dim3A_2578 = vector.broadcast %broadcast_in_dim3A_2577 : i32 to vector<16xi32>
    %broadcast_in_dim3A_2579 = vector.shape_cast %broadcast_in_dim3A_2578 : vector<16xi32> to vector<16x1xi32>
    %gather3A_2580 = vector.shape_cast %broadcast_in_dim3A_2579 : vector<16x1xi32> to vector<16xi32>
    %gather3A_2581 = tpu.dynamic_gather %select_n3A_743[%gather3A_2580] in [0] : vector<16xi32>, vector<16xi32> -> vector<16xi32>
    %get3A_2582 = arith.constant 9 : i32
    %get3A_2583 = arith.index_cast %get3A_2582 : i32 to index
    %get3A_2584 = arith.constant 0 : index
    %get3A_2585 = tpu.vector_load %arg6[%get3A_2583, %get3A_2584] {strides = array<i32>} : memref<12x192xf32, #tpu.memory_space<vmem>>, vector<1x16xf32>,
    %get3A_2586 = vector.shape_cast %get3A_2585 : vector<1x16xf32> to vector<16xf32>
    %get3A_2587 = arith.constant 9 : i32
    %get3A_2588 = arith.index_cast %get3A_2587 : i32 to index
    %get3A_2589 = arith.constant 16 : index
    %get3A_2590 = tpu.vector_load %arg6[%get3A_2588, %get3A_2589] {strides = array<i32>} : memref<12x192xf32, #tpu.memory_space<vmem>>, vector<1x16xf32>,
    %get3A_2591 = vector.shape_cast %get3A_2590 : vector<1x16xf32> to vector<16xf32>
    %get3A_2592 = arith.constant 9 : i32
    %get3A_2593 = arith.index_cast %get3A_2592 : i32 to index
    %get3A_2594 = arith.constant 32 : index
    %get3A_2595 = tpu.vector_load %arg6[%get3A_2593, %get3A_2594] {strides = array<i32>} : memref<12x192xf32, #tpu.memory_space<vmem>>, vector<1x16xf32>,
    %get3A_2596 = vector.shape_cast %get3A_2595 : vector<1x16xf32> to vector<16xf32>
    %get3A_2597 = arith.constant 9 : i32
    %get3A_2598 = arith.index_cast %get3A_2597 : i32 to index
    %get3A_2599 = arith.constant 48 : index
    %get3A_2600 = tpu.vector_load %arg6[%get3A_2598, %get3A_2599] {strides = array<i32>} : memref<12x192xf32, #tpu.memory_space<vmem>>, vector<1x16xf32>,
    %get3A_2601 = vector.shape_cast %get3A_2600 : vector<1x16xf32> to vector<16xf32>
    %get3A_2602 = arith.constant 9 : i32
    %get3A_2603 = arith.index_cast %get3A_2602 : i32 to index
    %get3A_2604 = arith.constant 64 : index
    %get3A_2605 = tpu.vector_load %arg6[%get3A_2603, %get3A_2604] {strides = array<i32>} : memref<12x192xf32, #tpu.memory_space<vmem>>, vector<1x16xf32>,
    %get3A_2606 = vector.shape_cast %get3A_2605 : vector<1x16xf32> to vector<16xf32>
    %get3A_2607 = arith.constant 9 : i32
    %get3A_2608 = arith.index_cast %get3A_2607 : i32 to index
    %get3A_2609 = arith.constant 80 : index
    %get3A_2610 = tpu.vector_load %arg6[%get3A_2608, %get3A_2609] {strides = array<i32>} : memref<12x192xf32, #tpu.memory_space<vmem>>, vector<1x16xf32>,
    %get3A_2611 = vector.shape_cast %get3A_2610 : vector<1x16xf32> to vector<16xf32>
    %get3A_2612 = arith.constant 9 : i32
    %get3A_2613 = arith.index_cast %get3A_2612 : i32 to index
    %get3A_2614 = arith.constant 96 : index
    %get3A_2615 = tpu.vector_load %arg6[%get3A_2613, %get3A_2614] {strides = array<i32>} : memref<12x192xf32, #tpu.memory_space<vmem>>, vector<1x16xf32>,
    %get3A_2616 = vector.shape_cast %get3A_2615 : vector<1x16xf32> to vector<16xf32>
    %get3A_2617 = arith.constant 9 : i32
    %get3A_2618 = arith.index_cast %get3A_2617 : i32 to index
    %get3A_2619 = arith.constant 112 : index
    %get3A_2620 = tpu.vector_load %arg6[%get3A_2618, %get3A_2619] {strides = array<i32>} : memref<12x192xf32, #tpu.memory_space<vmem>>, vector<1x16xf32>,
    %get3A_2621 = vector.shape_cast %get3A_2620 : vector<1x16xf32> to vector<16xf32>
    %get3A_2622 = arith.constant 9 : i32
    %get3A_2623 = arith.index_cast %get3A_2622 : i32 to index
    %get3A_2624 = arith.constant 128 : index
    %get3A_2625 = tpu.vector_load %arg6[%get3A_2623, %get3A_2624] {strides = array<i32>} : memref<12x192xf32, #tpu.memory_space<vmem>>, vector<1x16xf32>,
    %get3A_2626 = vector.shape_cast %get3A_2625 : vector<1x16xf32> to vector<16xf32>
    %get3A_2627 = arith.constant 9 : i32
    %get3A_2628 = arith.index_cast %get3A_2627 : i32 to index
    %get3A_2629 = arith.constant 144 : index
    %get3A_2630 = tpu.vector_load %arg6[%get3A_2628, %get3A_2629] {strides = array<i32>} : memref<12x192xf32, #tpu.memory_space<vmem>>, vector<1x16xf32>,
    %get3A_2631 = vector.shape_cast %get3A_2630 : vector<1x16xf32> to vector<16xf32>
    %get3A_2632 = arith.constant 9 : i32
    %get3A_2633 = arith.index_cast %get3A_2632 : i32 to index
    %get3A_2634 = arith.constant 160 : index
    %get3A_2635 = tpu.vector_load %arg6[%get3A_2633, %get3A_2634] {strides = array<i32>} : memref<12x192xf32, #tpu.memory_space<vmem>>, vector<1x16xf32>,
    %get3A_2636 = vector.shape_cast %get3A_2635 : vector<1x16xf32> to vector<16xf32>
    %get3A_2637 = arith.constant 9 : i32
    %get3A_2638 = arith.index_cast %get3A_2637 : i32 to index
    %get3A_2639 = arith.constant 176 : index
    %get3A_2640 = tpu.vector_load %arg6[%get3A_2638, %get3A_2639] {strides = array<i32>} : memref<12x192xf32, #tpu.memory_space<vmem>>, vector<1x16xf32>,
    %get3A_2641 = vector.shape_cast %get3A_2640 : vector<1x16xf32> to vector<16xf32>
    %eq3A_2642 = arith.constant 0 : i32
    %eq3A_2643 = vector.broadcast %eq3A_2642 : i32 to vector<16xi32>
    %eq3A_2644 = arith.cmpi eq, %gather3A_2581, %eq3A_2643 : vector<16xi32>
    %jit3A_2645 = arith.constant 1.000000e+00 : f32
    %jit3A_2646 = arith.constant 0.000000e+00 : f32
    %broadcast_in_dim3A_2647 = vector.broadcast %jit3A_2645 : f32 to vector<16xf32>
    %broadcast_in_dim3A_2648 = vector.broadcast %jit3A_2646 : f32 to vector<16xf32>
    %select_n3A_2649 = arith.select %eq3A_2644, %broadcast_in_dim3A_2647, %broadcast_in_dim3A_2648 : vector<16xi1>, vector<16xf32>
    %mul3A_2650 = arith.mulf %get3A_2586, %select_n3A_2649 : vector<16xf32>
    %add3A_2651 = arith.addf %add3A_2458, %mul3A_2650 : vector<16xf32>
    %mul3A_2652 = arith.mulf %get3A_2591, %select_n3A_2649 : vector<16xf32>
    %add3A_2653 = arith.addf %add3A_2460, %mul3A_2652 : vector<16xf32>
    %mul3A_2654 = arith.mulf %get3A_2596, %select_n3A_2649 : vector<16xf32>
    %add3A_2655 = arith.addf %add3A_2462, %mul3A_2654 : vector<16xf32>
    %mul3A_2656 = arith.mulf %get3A_2601, %select_n3A_2649 : vector<16xf32>
    %add3A_2657 = arith.addf %add3A_2464, %mul3A_2656 : vector<16xf32>
    %mul3A_2658 = arith.mulf %get3A_2606, %select_n3A_2649 : vector<16xf32>
    %add3A_2659 = arith.addf %add3A_2466, %mul3A_2658 : vector<16xf32>
    %mul3A_2660 = arith.mulf %get3A_2611, %select_n3A_2649 : vector<16xf32>
    %add3A_2661 = arith.addf %add3A_2468, %mul3A_2660 : vector<16xf32>
    %mul3A_2662 = arith.mulf %get3A_2616, %select_n3A_2649 : vector<16xf32>
    %add3A_2663 = arith.addf %add3A_2470, %mul3A_2662 : vector<16xf32>
    %mul3A_2664 = arith.mulf %get3A_2621, %select_n3A_2649 : vector<16xf32>
    %add3A_2665 = arith.addf %add3A_2472, %mul3A_2664 : vector<16xf32>
    %mul3A_2666 = arith.mulf %get3A_2626, %select_n3A_2649 : vector<16xf32>
    %add3A_2667 = arith.addf %add3A_2474, %mul3A_2666 : vector<16xf32>
    %mul3A_2668 = arith.mulf %get3A_2631, %select_n3A_2649 : vector<16xf32>
    %add3A_2669 = arith.addf %add3A_2476, %mul3A_2668 : vector<16xf32>
    %mul3A_2670 = arith.mulf %get3A_2636, %select_n3A_2649 : vector<16xf32>
    %add3A_2671 = arith.addf %add3A_2478, %mul3A_2670 : vector<16xf32>
    %mul3A_2672 = arith.mulf %get3A_2641, %select_n3A_2649 : vector<16xf32>
    %add3A_2673 = arith.addf %add3A_2480, %mul3A_2672 : vector<16xf32>
    %eq3A_2674 = arith.constant 1 : i32
    %eq3A_2675 = vector.broadcast %eq3A_2674 : i32 to vector<16xi32>
    %eq3A_2676 = arith.cmpi eq, %gather3A_2581, %eq3A_2675 : vector<16xi32>
    %jit3A_2677 = arith.constant 1.000000e+00 : f32
    %jit3A_2678 = arith.constant 0.000000e+00 : f32
    %broadcast_in_dim3A_2679 = vector.broadcast %jit3A_2677 : f32 to vector<16xf32>
    %broadcast_in_dim3A_2680 = vector.broadcast %jit3A_2678 : f32 to vector<16xf32>
    %select_n3A_2681 = arith.select %eq3A_2676, %broadcast_in_dim3A_2679, %broadcast_in_dim3A_2680 : vector<16xi1>, vector<16xf32>
    %mul3A_2682 = arith.mulf %get3A_2586, %select_n3A_2681 : vector<16xf32>
    %add3A_2683 = arith.addf %add3A_2490, %mul3A_2682 : vector<16xf32>
    %mul3A_2684 = arith.mulf %get3A_2591, %select_n3A_2681 : vector<16xf32>
    %add3A_2685 = arith.addf %add3A_2492, %mul3A_2684 : vector<16xf32>
    %mul3A_2686 = arith.mulf %get3A_2596, %select_n3A_2681 : vector<16xf32>
    %add3A_2687 = arith.addf %add3A_2494, %mul3A_2686 : vector<16xf32>
    %mul3A_2688 = arith.mulf %get3A_2601, %select_n3A_2681 : vector<16xf32>
    %add3A_2689 = arith.addf %add3A_2496, %mul3A_2688 : vector<16xf32>
    %mul3A_2690 = arith.mulf %get3A_2606, %select_n3A_2681 : vector<16xf32>
    %add3A_2691 = arith.addf %add3A_2498, %mul3A_2690 : vector<16xf32>
    %mul3A_2692 = arith.mulf %get3A_2611, %select_n3A_2681 : vector<16xf32>
    %add3A_2693 = arith.addf %add3A_2500, %mul3A_2692 : vector<16xf32>
    %mul3A_2694 = arith.mulf %get3A_2616, %select_n3A_2681 : vector<16xf32>
    %add3A_2695 = arith.addf %add3A_2502, %mul3A_2694 : vector<16xf32>
    %mul3A_2696 = arith.mulf %get3A_2621, %select_n3A_2681 : vector<16xf32>
    %add3A_2697 = arith.addf %add3A_2504, %mul3A_2696 : vector<16xf32>
    %mul3A_2698 = arith.mulf %get3A_2626, %select_n3A_2681 : vector<16xf32>
    %add3A_2699 = arith.addf %add3A_2506, %mul3A_2698 : vector<16xf32>
    %mul3A_2700 = arith.mulf %get3A_2631, %select_n3A_2681 : vector<16xf32>
    %add3A_2701 = arith.addf %add3A_2508, %mul3A_2700 : vector<16xf32>
    %mul3A_2702 = arith.mulf %get3A_2636, %select_n3A_2681 : vector<16xf32>
    %add3A_2703 = arith.addf %add3A_2510, %mul3A_2702 : vector<16xf32>
    %mul3A_2704 = arith.mulf %get3A_2641, %select_n3A_2681 : vector<16xf32>
    %add3A_2705 = arith.addf %add3A_2512, %mul3A_2704 : vector<16xf32>
    %eq3A_2706 = arith.constant 2 : i32
    %eq3A_2707 = vector.broadcast %eq3A_2706 : i32 to vector<16xi32>
    %eq3A_2708 = arith.cmpi eq, %gather3A_2581, %eq3A_2707 : vector<16xi32>
    %jit3A_2709 = arith.constant 1.000000e+00 : f32
    %jit3A_2710 = arith.constant 0.000000e+00 : f32
    %broadcast_in_dim3A_2711 = vector.broadcast %jit3A_2709 : f32 to vector<16xf32>
    %broadcast_in_dim3A_2712 = vector.broadcast %jit3A_2710 : f32 to vector<16xf32>
    %select_n3A_2713 = arith.select %eq3A_2708, %broadcast_in_dim3A_2711, %broadcast_in_dim3A_2712 : vector<16xi1>, vector<16xf32>
    %mul3A_2714 = arith.mulf %get3A_2586, %select_n3A_2713 : vector<16xf32>
    %add3A_2715 = arith.addf %add3A_2522, %mul3A_2714 : vector<16xf32>
    %mul3A_2716 = arith.mulf %get3A_2591, %select_n3A_2713 : vector<16xf32>
    %add3A_2717 = arith.addf %add3A_2524, %mul3A_2716 : vector<16xf32>
    %mul3A_2718 = arith.mulf %get3A_2596, %select_n3A_2713 : vector<16xf32>
    %add3A_2719 = arith.addf %add3A_2526, %mul3A_2718 : vector<16xf32>
    %mul3A_2720 = arith.mulf %get3A_2601, %select_n3A_2713 : vector<16xf32>
    %add3A_2721 = arith.addf %add3A_2528, %mul3A_2720 : vector<16xf32>
    %mul3A_2722 = arith.mulf %get3A_2606, %select_n3A_2713 : vector<16xf32>
    %add3A_2723 = arith.addf %add3A_2530, %mul3A_2722 : vector<16xf32>
    %mul3A_2724 = arith.mulf %get3A_2611, %select_n3A_2713 : vector<16xf32>
    %add3A_2725 = arith.addf %add3A_2532, %mul3A_2724 : vector<16xf32>
    %mul3A_2726 = arith.mulf %get3A_2616, %select_n3A_2713 : vector<16xf32>
    %add3A_2727 = arith.addf %add3A_2534, %mul3A_2726 : vector<16xf32>
    %mul3A_2728 = arith.mulf %get3A_2621, %select_n3A_2713 : vector<16xf32>
    %add3A_2729 = arith.addf %add3A_2536, %mul3A_2728 : vector<16xf32>
    %mul3A_2730 = arith.mulf %get3A_2626, %select_n3A_2713 : vector<16xf32>
    %add3A_2731 = arith.addf %add3A_2538, %mul3A_2730 : vector<16xf32>
    %mul3A_2732 = arith.mulf %get3A_2631, %select_n3A_2713 : vector<16xf32>
    %add3A_2733 = arith.addf %add3A_2540, %mul3A_2732 : vector<16xf32>
    %mul3A_2734 = arith.mulf %get3A_2636, %select_n3A_2713 : vector<16xf32>
    %add3A_2735 = arith.addf %add3A_2542, %mul3A_2734 : vector<16xf32>
    %mul3A_2736 = arith.mulf %get3A_2641, %select_n3A_2713 : vector<16xf32>
    %add3A_2737 = arith.addf %add3A_2544, %mul3A_2736 : vector<16xf32>
    %eq3A_2738 = arith.constant 3 : i32
    %eq3A_2739 = vector.broadcast %eq3A_2738 : i32 to vector<16xi32>
    %eq3A_2740 = arith.cmpi eq, %gather3A_2581, %eq3A_2739 : vector<16xi32>
    %jit3A_2741 = arith.constant 1.000000e+00 : f32
    %jit3A_2742 = arith.constant 0.000000e+00 : f32
    %broadcast_in_dim3A_2743 = vector.broadcast %jit3A_2741 : f32 to vector<16xf32>
    %broadcast_in_dim3A_2744 = vector.broadcast %jit3A_2742 : f32 to vector<16xf32>
    %select_n3A_2745 = arith.select %eq3A_2740, %broadcast_in_dim3A_2743, %broadcast_in_dim3A_2744 : vector<16xi1>, vector<16xf32>
    %mul3A_2746 = arith.mulf %get3A_2586, %select_n3A_2745 : vector<16xf32>
    %add3A_2747 = arith.addf %add3A_2554, %mul3A_2746 : vector<16xf32>
    %mul3A_2748 = arith.mulf %get3A_2591, %select_n3A_2745 : vector<16xf32>
    %add3A_2749 = arith.addf %add3A_2556, %mul3A_2748 : vector<16xf32>
    %mul3A_2750 = arith.mulf %get3A_2596, %select_n3A_2745 : vector<16xf32>
    %add3A_2751 = arith.addf %add3A_2558, %mul3A_2750 : vector<16xf32>
    %mul3A_2752 = arith.mulf %get3A_2601, %select_n3A_2745 : vector<16xf32>
    %add3A_2753 = arith.addf %add3A_2560, %mul3A_2752 : vector<16xf32>
    %mul3A_2754 = arith.mulf %get3A_2606, %select_n3A_2745 : vector<16xf32>
    %add3A_2755 = arith.addf %add3A_2562, %mul3A_2754 : vector<16xf32>
    %mul3A_2756 = arith.mulf %get3A_2611, %select_n3A_2745 : vector<16xf32>
    %add3A_2757 = arith.addf %add3A_2564, %mul3A_2756 : vector<16xf32>
    %mul3A_2758 = arith.mulf %get3A_2616, %select_n3A_2745 : vector<16xf32>
    %add3A_2759 = arith.addf %add3A_2566, %mul3A_2758 : vector<16xf32>
    %mul3A_2760 = arith.mulf %get3A_2621, %select_n3A_2745 : vector<16xf32>
    %add3A_2761 = arith.addf %add3A_2568, %mul3A_2760 : vector<16xf32>
    %mul3A_2762 = arith.mulf %get3A_2626, %select_n3A_2745 : vector<16xf32>
    %add3A_2763 = arith.addf %add3A_2570, %mul3A_2762 : vector<16xf32>
    %mul3A_2764 = arith.mulf %get3A_2631, %select_n3A_2745 : vector<16xf32>
    %add3A_2765 = arith.addf %add3A_2572, %mul3A_2764 : vector<16xf32>
    %mul3A_2766 = arith.mulf %get3A_2636, %select_n3A_2745 : vector<16xf32>
    %add3A_2767 = arith.addf %add3A_2574, %mul3A_2766 : vector<16xf32>
    %mul3A_2768 = arith.mulf %get3A_2641, %select_n3A_2745 : vector<16xf32>
    %add3A_2769 = arith.addf %add3A_2576, %mul3A_2768 : vector<16xf32>
    %broadcast_in_dim3A_2770 = arith.constant 10 : i32
    %broadcast_in_dim3A_2771 = vector.broadcast %broadcast_in_dim3A_2770 : i32 to vector<16xi32>
    %broadcast_in_dim3A_2772 = vector.shape_cast %broadcast_in_dim3A_2771 : vector<16xi32> to vector<16x1xi32>
    %gather3A_2773 = vector.shape_cast %broadcast_in_dim3A_2772 : vector<16x1xi32> to vector<16xi32>
    %gather3A_2774 = tpu.dynamic_gather %select_n3A_743[%gather3A_2773] in [0] : vector<16xi32>, vector<16xi32> -> vector<16xi32>
    %get3A_2775 = arith.constant 10 : i32
    %get3A_2776 = arith.index_cast %get3A_2775 : i32 to index
    %get3A_2777 = arith.constant 0 : index
    %get3A_2778 = tpu.vector_load %arg6[%get3A_2776, %get3A_2777] {strides = array<i32>} : memref<12x192xf32, #tpu.memory_space<vmem>>, vector<1x16xf32>,
    %get3A_2779 = vector.shape_cast %get3A_2778 : vector<1x16xf32> to vector<16xf32>
    %get3A_2780 = arith.constant 10 : i32
    %get3A_2781 = arith.index_cast %get3A_2780 : i32 to index
    %get3A_2782 = arith.constant 16 : index
    %get3A_2783 = tpu.vector_load %arg6[%get3A_2781, %get3A_2782] {strides = array<i32>} : memref<12x192xf32, #tpu.memory_space<vmem>>, vector<1x16xf32>,
    %get3A_2784 = vector.shape_cast %get3A_2783 : vector<1x16xf32> to vector<16xf32>
    %get3A_2785 = arith.constant 10 : i32
    %get3A_2786 = arith.index_cast %get3A_2785 : i32 to index
    %get3A_2787 = arith.constant 32 : index
    %get3A_2788 = tpu.vector_load %arg6[%get3A_2786, %get3A_2787] {strides = array<i32>} : memref<12x192xf32, #tpu.memory_space<vmem>>, vector<1x16xf32>,
    %get3A_2789 = vector.shape_cast %get3A_2788 : vector<1x16xf32> to vector<16xf32>
    %get3A_2790 = arith.constant 10 : i32
    %get3A_2791 = arith.index_cast %get3A_2790 : i32 to index
    %get3A_2792 = arith.constant 48 : index
    %get3A_2793 = tpu.vector_load %arg6[%get3A_2791, %get3A_2792] {strides = array<i32>} : memref<12x192xf32, #tpu.memory_space<vmem>>, vector<1x16xf32>,
    %get3A_2794 = vector.shape_cast %get3A_2793 : vector<1x16xf32> to vector<16xf32>
    %get3A_2795 = arith.constant 10 : i32
    %get3A_2796 = arith.index_cast %get3A_2795 : i32 to index
    %get3A_2797 = arith.constant 64 : index
    %get3A_2798 = tpu.vector_load %arg6[%get3A_2796, %get3A_2797] {strides = array<i32>} : memref<12x192xf32, #tpu.memory_space<vmem>>, vector<1x16xf32>,
    %get3A_2799 = vector.shape_cast %get3A_2798 : vector<1x16xf32> to vector<16xf32>
    %get3A_2800 = arith.constant 10 : i32
    %get3A_2801 = arith.index_cast %get3A_2800 : i32 to index
    %get3A_2802 = arith.constant 80 : index
    %get3A_2803 = tpu.vector_load %arg6[%get3A_2801, %get3A_2802] {strides = array<i32>} : memref<12x192xf32, #tpu.memory_space<vmem>>, vector<1x16xf32>,
    %get3A_2804 = vector.shape_cast %get3A_2803 : vector<1x16xf32> to vector<16xf32>
    %get3A_2805 = arith.constant 10 : i32
    %get3A_2806 = arith.index_cast %get3A_2805 : i32 to index
    %get3A_2807 = arith.constant 96 : index
    %get3A_2808 = tpu.vector_load %arg6[%get3A_2806, %get3A_2807] {strides = array<i32>} : memref<12x192xf32, #tpu.memory_space<vmem>>, vector<1x16xf32>,
    %get3A_2809 = vector.shape_cast %get3A_2808 : vector<1x16xf32> to vector<16xf32>
    %get3A_2810 = arith.constant 10 : i32
    %get3A_2811 = arith.index_cast %get3A_2810 : i32 to index
    %get3A_2812 = arith.constant 112 : index
    %get3A_2813 = tpu.vector_load %arg6[%get3A_2811, %get3A_2812] {strides = array<i32>} : memref<12x192xf32, #tpu.memory_space<vmem>>, vector<1x16xf32>,
    %get3A_2814 = vector.shape_cast %get3A_2813 : vector<1x16xf32> to vector<16xf32>
    %get3A_2815 = arith.constant 10 : i32
    %get3A_2816 = arith.index_cast %get3A_2815 : i32 to index
    %get3A_2817 = arith.constant 128 : index
    %get3A_2818 = tpu.vector_load %arg6[%get3A_2816, %get3A_2817] {strides = array<i32>} : memref<12x192xf32, #tpu.memory_space<vmem>>, vector<1x16xf32>,
    %get3A_2819 = vector.shape_cast %get3A_2818 : vector<1x16xf32> to vector<16xf32>
    %get3A_2820 = arith.constant 10 : i32
    %get3A_2821 = arith.index_cast %get3A_2820 : i32 to index
    %get3A_2822 = arith.constant 144 : index
    %get3A_2823 = tpu.vector_load %arg6[%get3A_2821, %get3A_2822] {strides = array<i32>} : memref<12x192xf32, #tpu.memory_space<vmem>>, vector<1x16xf32>,
    %get3A_2824 = vector.shape_cast %get3A_2823 : vector<1x16xf32> to vector<16xf32>
    %get3A_2825 = arith.constant 10 : i32
    %get3A_2826 = arith.index_cast %get3A_2825 : i32 to index
    %get3A_2827 = arith.constant 160 : index
    %get3A_2828 = tpu.vector_load %arg6[%get3A_2826, %get3A_2827] {strides = array<i32>} : memref<12x192xf32, #tpu.memory_space<vmem>>, vector<1x16xf32>,
    %get3A_2829 = vector.shape_cast %get3A_2828 : vector<1x16xf32> to vector<16xf32>
    %get3A_2830 = arith.constant 10 : i32
    %get3A_2831 = arith.index_cast %get3A_2830 : i32 to index
    %get3A_2832 = arith.constant 176 : index
    %get3A_2833 = tpu.vector_load %arg6[%get3A_2831, %get3A_2832] {strides = array<i32>} : memref<12x192xf32, #tpu.memory_space<vmem>>, vector<1x16xf32>,
    %get3A_2834 = vector.shape_cast %get3A_2833 : vector<1x16xf32> to vector<16xf32>
    %eq3A_2835 = arith.constant 0 : i32
    %eq3A_2836 = vector.broadcast %eq3A_2835 : i32 to vector<16xi32>
    %eq3A_2837 = arith.cmpi eq, %gather3A_2774, %eq3A_2836 : vector<16xi32>
    %jit3A_2838 = arith.constant 1.000000e+00 : f32
    %jit3A_2839 = arith.constant 0.000000e+00 : f32
    %broadcast_in_dim3A_2840 = vector.broadcast %jit3A_2838 : f32 to vector<16xf32>
    %broadcast_in_dim3A_2841 = vector.broadcast %jit3A_2839 : f32 to vector<16xf32>
    %select_n3A_2842 = arith.select %eq3A_2837, %broadcast_in_dim3A_2840, %broadcast_in_dim3A_2841 : vector<16xi1>, vector<16xf32>
    %mul3A_2843 = arith.mulf %get3A_2779, %select_n3A_2842 : vector<16xf32>
    %add3A_2844 = arith.addf %add3A_2651, %mul3A_2843 : vector<16xf32>
    %mul3A_2845 = arith.mulf %get3A_2784, %select_n3A_2842 : vector<16xf32>
    %add3A_2846 = arith.addf %add3A_2653, %mul3A_2845 : vector<16xf32>
    %mul3A_2847 = arith.mulf %get3A_2789, %select_n3A_2842 : vector<16xf32>
    %add3A_2848 = arith.addf %add3A_2655, %mul3A_2847 : vector<16xf32>
    %mul3A_2849 = arith.mulf %get3A_2794, %select_n3A_2842 : vector<16xf32>
    %add3A_2850 = arith.addf %add3A_2657, %mul3A_2849 : vector<16xf32>
    %mul3A_2851 = arith.mulf %get3A_2799, %select_n3A_2842 : vector<16xf32>
    %add3A_2852 = arith.addf %add3A_2659, %mul3A_2851 : vector<16xf32>
    %mul3A_2853 = arith.mulf %get3A_2804, %select_n3A_2842 : vector<16xf32>
    %add3A_2854 = arith.addf %add3A_2661, %mul3A_2853 : vector<16xf32>
    %mul3A_2855 = arith.mulf %get3A_2809, %select_n3A_2842 : vector<16xf32>
    %add3A_2856 = arith.addf %add3A_2663, %mul3A_2855 : vector<16xf32>
    %mul3A_2857 = arith.mulf %get3A_2814, %select_n3A_2842 : vector<16xf32>
    %add3A_2858 = arith.addf %add3A_2665, %mul3A_2857 : vector<16xf32>
    %mul3A_2859 = arith.mulf %get3A_2819, %select_n3A_2842 : vector<16xf32>
    %add3A_2860 = arith.addf %add3A_2667, %mul3A_2859 : vector<16xf32>
    %mul3A_2861 = arith.mulf %get3A_2824, %select_n3A_2842 : vector<16xf32>
    %add3A_2862 = arith.addf %add3A_2669, %mul3A_2861 : vector<16xf32>
    %mul3A_2863 = arith.mulf %get3A_2829, %select_n3A_2842 : vector<16xf32>
    %add3A_2864 = arith.addf %add3A_2671, %mul3A_2863 : vector<16xf32>
    %mul3A_2865 = arith.mulf %get3A_2834, %select_n3A_2842 : vector<16xf32>
    %add3A_2866 = arith.addf %add3A_2673, %mul3A_2865 : vector<16xf32>
    %eq3A_2867 = arith.constant 1 : i32
    %eq3A_2868 = vector.broadcast %eq3A_2867 : i32 to vector<16xi32>
    %eq3A_2869 = arith.cmpi eq, %gather3A_2774, %eq3A_2868 : vector<16xi32>
    %jit3A_2870 = arith.constant 1.000000e+00 : f32
    %jit3A_2871 = arith.constant 0.000000e+00 : f32
    %broadcast_in_dim3A_2872 = vector.broadcast %jit3A_2870 : f32 to vector<16xf32>
    %broadcast_in_dim3A_2873 = vector.broadcast %jit3A_2871 : f32 to vector<16xf32>
    %select_n3A_2874 = arith.select %eq3A_2869, %broadcast_in_dim3A_2872, %broadcast_in_dim3A_2873 : vector<16xi1>, vector<16xf32>
    %mul3A_2875 = arith.mulf %get3A_2779, %select_n3A_2874 : vector<16xf32>
    %add3A_2876 = arith.addf %add3A_2683, %mul3A_2875 : vector<16xf32>
    %mul3A_2877 = arith.mulf %get3A_2784, %select_n3A_2874 : vector<16xf32>
    %add3A_2878 = arith.addf %add3A_2685, %mul3A_2877 : vector<16xf32>
    %mul3A_2879 = arith.mulf %get3A_2789, %select_n3A_2874 : vector<16xf32>
    %add3A_2880 = arith.addf %add3A_2687, %mul3A_2879 : vector<16xf32>
    %mul3A_2881 = arith.mulf %get3A_2794, %select_n3A_2874 : vector<16xf32>
    %add3A_2882 = arith.addf %add3A_2689, %mul3A_2881 : vector<16xf32>
    %mul3A_2883 = arith.mulf %get3A_2799, %select_n3A_2874 : vector<16xf32>
    %add3A_2884 = arith.addf %add3A_2691, %mul3A_2883 : vector<16xf32>
    %mul3A_2885 = arith.mulf %get3A_2804, %select_n3A_2874 : vector<16xf32>
    %add3A_2886 = arith.addf %add3A_2693, %mul3A_2885 : vector<16xf32>
    %mul3A_2887 = arith.mulf %get3A_2809, %select_n3A_2874 : vector<16xf32>
    %add3A_2888 = arith.addf %add3A_2695, %mul3A_2887 : vector<16xf32>
    %mul3A_2889 = arith.mulf %get3A_2814, %select_n3A_2874 : vector<16xf32>
    %add3A_2890 = arith.addf %add3A_2697, %mul3A_2889 : vector<16xf32>
    %mul3A_2891 = arith.mulf %get3A_2819, %select_n3A_2874 : vector<16xf32>
    %add3A_2892 = arith.addf %add3A_2699, %mul3A_2891 : vector<16xf32>
    %mul3A_2893 = arith.mulf %get3A_2824, %select_n3A_2874 : vector<16xf32>
    %add3A_2894 = arith.addf %add3A_2701, %mul3A_2893 : vector<16xf32>
    %mul3A_2895 = arith.mulf %get3A_2829, %select_n3A_2874 : vector<16xf32>
    %add3A_2896 = arith.addf %add3A_2703, %mul3A_2895 : vector<16xf32>
    %mul3A_2897 = arith.mulf %get3A_2834, %select_n3A_2874 : vector<16xf32>
    %add3A_2898 = arith.addf %add3A_2705, %mul3A_2897 : vector<16xf32>
    %eq3A_2899 = arith.constant 2 : i32
    %eq3A_2900 = vector.broadcast %eq3A_2899 : i32 to vector<16xi32>
    %eq3A_2901 = arith.cmpi eq, %gather3A_2774, %eq3A_2900 : vector<16xi32>
    %jit3A_2902 = arith.constant 1.000000e+00 : f32
    %jit3A_2903 = arith.constant 0.000000e+00 : f32
    %broadcast_in_dim3A_2904 = vector.broadcast %jit3A_2902 : f32 to vector<16xf32>
    %broadcast_in_dim3A_2905 = vector.broadcast %jit3A_2903 : f32 to vector<16xf32>
    %select_n3A_2906 = arith.select %eq3A_2901, %broadcast_in_dim3A_2904, %broadcast_in_dim3A_2905 : vector<16xi1>, vector<16xf32>
    %mul3A_2907 = arith.mulf %get3A_2779, %select_n3A_2906 : vector<16xf32>
    %add3A_2908 = arith.addf %add3A_2715, %mul3A_2907 : vector<16xf32>
    %mul3A_2909 = arith.mulf %get3A_2784, %select_n3A_2906 : vector<16xf32>
    %add3A_2910 = arith.addf %add3A_2717, %mul3A_2909 : vector<16xf32>
    %mul3A_2911 = arith.mulf %get3A_2789, %select_n3A_2906 : vector<16xf32>
    %add3A_2912 = arith.addf %add3A_2719, %mul3A_2911 : vector<16xf32>
    %mul3A_2913 = arith.mulf %get3A_2794, %select_n3A_2906 : vector<16xf32>
    %add3A_2914 = arith.addf %add3A_2721, %mul3A_2913 : vector<16xf32>
    %mul3A_2915 = arith.mulf %get3A_2799, %select_n3A_2906 : vector<16xf32>
    %add3A_2916 = arith.addf %add3A_2723, %mul3A_2915 : vector<16xf32>
    %mul3A_2917 = arith.mulf %get3A_2804, %select_n3A_2906 : vector<16xf32>
    %add3A_2918 = arith.addf %add3A_2725, %mul3A_2917 : vector<16xf32>
    %mul3A_2919 = arith.mulf %get3A_2809, %select_n3A_2906 : vector<16xf32>
    %add3A_2920 = arith.addf %add3A_2727, %mul3A_2919 : vector<16xf32>
    %mul3A_2921 = arith.mulf %get3A_2814, %select_n3A_2906 : vector<16xf32>
    %add3A_2922 = arith.addf %add3A_2729, %mul3A_2921 : vector<16xf32>
    %mul3A_2923 = arith.mulf %get3A_2819, %select_n3A_2906 : vector<16xf32>
    %add3A_2924 = arith.addf %add3A_2731, %mul3A_2923 : vector<16xf32>
    %mul3A_2925 = arith.mulf %get3A_2824, %select_n3A_2906 : vector<16xf32>
    %add3A_2926 = arith.addf %add3A_2733, %mul3A_2925 : vector<16xf32>
    %mul3A_2927 = arith.mulf %get3A_2829, %select_n3A_2906 : vector<16xf32>
    %add3A_2928 = arith.addf %add3A_2735, %mul3A_2927 : vector<16xf32>
    %mul3A_2929 = arith.mulf %get3A_2834, %select_n3A_2906 : vector<16xf32>
    %add3A_2930 = arith.addf %add3A_2737, %mul3A_2929 : vector<16xf32>
    %eq3A_2931 = arith.constant 3 : i32
    %eq3A_2932 = vector.broadcast %eq3A_2931 : i32 to vector<16xi32>
    %eq3A_2933 = arith.cmpi eq, %gather3A_2774, %eq3A_2932 : vector<16xi32>
    %jit3A_2934 = arith.constant 1.000000e+00 : f32
    %jit3A_2935 = arith.constant 0.000000e+00 : f32
    %broadcast_in_dim3A_2936 = vector.broadcast %jit3A_2934 : f32 to vector<16xf32>
    %broadcast_in_dim3A_2937 = vector.broadcast %jit3A_2935 : f32 to vector<16xf32>
    %select_n3A_2938 = arith.select %eq3A_2933, %broadcast_in_dim3A_2936, %broadcast_in_dim3A_2937 : vector<16xi1>, vector<16xf32>
    %mul3A_2939 = arith.mulf %get3A_2779, %select_n3A_2938 : vector<16xf32>
    %add3A_2940 = arith.addf %add3A_2747, %mul3A_2939 : vector<16xf32>
    %mul3A_2941 = arith.mulf %get3A_2784, %select_n3A_2938 : vector<16xf32>
    %add3A_2942 = arith.addf %add3A_2749, %mul3A_2941 : vector<16xf32>
    %mul3A_2943 = arith.mulf %get3A_2789, %select_n3A_2938 : vector<16xf32>
    %add3A_2944 = arith.addf %add3A_2751, %mul3A_2943 : vector<16xf32>
    %mul3A_2945 = arith.mulf %get3A_2794, %select_n3A_2938 : vector<16xf32>
    %add3A_2946 = arith.addf %add3A_2753, %mul3A_2945 : vector<16xf32>
    %mul3A_2947 = arith.mulf %get3A_2799, %select_n3A_2938 : vector<16xf32>
    %add3A_2948 = arith.addf %add3A_2755, %mul3A_2947 : vector<16xf32>
    %mul3A_2949 = arith.mulf %get3A_2804, %select_n3A_2938 : vector<16xf32>
    %add3A_2950 = arith.addf %add3A_2757, %mul3A_2949 : vector<16xf32>
    %mul3A_2951 = arith.mulf %get3A_2809, %select_n3A_2938 : vector<16xf32>
    %add3A_2952 = arith.addf %add3A_2759, %mul3A_2951 : vector<16xf32>
    %mul3A_2953 = arith.mulf %get3A_2814, %select_n3A_2938 : vector<16xf32>
    %add3A_2954 = arith.addf %add3A_2761, %mul3A_2953 : vector<16xf32>
    %mul3A_2955 = arith.mulf %get3A_2819, %select_n3A_2938 : vector<16xf32>
    %add3A_2956 = arith.addf %add3A_2763, %mul3A_2955 : vector<16xf32>
    %mul3A_2957 = arith.mulf %get3A_2824, %select_n3A_2938 : vector<16xf32>
    %add3A_2958 = arith.addf %add3A_2765, %mul3A_2957 : vector<16xf32>
    %mul3A_2959 = arith.mulf %get3A_2829, %select_n3A_2938 : vector<16xf32>
    %add3A_2960 = arith.addf %add3A_2767, %mul3A_2959 : vector<16xf32>
    %mul3A_2961 = arith.mulf %get3A_2834, %select_n3A_2938 : vector<16xf32>
    %add3A_2962 = arith.addf %add3A_2769, %mul3A_2961 : vector<16xf32>
    %broadcast_in_dim3A_2963 = arith.constant 11 : i32
    %broadcast_in_dim3A_2964 = vector.broadcast %broadcast_in_dim3A_2963 : i32 to vector<16xi32>
    %broadcast_in_dim3A_2965 = vector.shape_cast %broadcast_in_dim3A_2964 : vector<16xi32> to vector<16x1xi32>
    %gather3A_2966 = vector.shape_cast %broadcast_in_dim3A_2965 : vector<16x1xi32> to vector<16xi32>
    %gather3A_2967 = tpu.dynamic_gather %select_n3A_743[%gather3A_2966] in [0] : vector<16xi32>, vector<16xi32> -> vector<16xi32>
    %get3A_2968 = arith.constant 11 : i32
    %get3A_2969 = arith.index_cast %get3A_2968 : i32 to index
    %get3A_2970 = arith.constant 0 : index
    %get3A_2971 = tpu.vector_load %arg6[%get3A_2969, %get3A_2970] {strides = array<i32>} : memref<12x192xf32, #tpu.memory_space<vmem>>, vector<1x16xf32>,
    %get3A_2972 = vector.shape_cast %get3A_2971 : vector<1x16xf32> to vector<16xf32>
    %get3A_2973 = arith.constant 11 : i32
    %get3A_2974 = arith.index_cast %get3A_2973 : i32 to index
    %get3A_2975 = arith.constant 16 : index
    %get3A_2976 = tpu.vector_load %arg6[%get3A_2974, %get3A_2975] {strides = array<i32>} : memref<12x192xf32, #tpu.memory_space<vmem>>, vector<1x16xf32>,
    %get3A_2977 = vector.shape_cast %get3A_2976 : vector<1x16xf32> to vector<16xf32>
    %get3A_2978 = arith.constant 11 : i32
    %get3A_2979 = arith.index_cast %get3A_2978 : i32 to index
    %get3A_2980 = arith.constant 32 : index
    %get3A_2981 = tpu.vector_load %arg6[%get3A_2979, %get3A_2980] {strides = array<i32>} : memref<12x192xf32, #tpu.memory_space<vmem>>, vector<1x16xf32>,
    %get3A_2982 = vector.shape_cast %get3A_2981 : vector<1x16xf32> to vector<16xf32>
    %get3A_2983 = arith.constant 11 : i32
    %get3A_2984 = arith.index_cast %get3A_2983 : i32 to index
    %get3A_2985 = arith.constant 48 : index
    %get3A_2986 = tpu.vector_load %arg6[%get3A_2984, %get3A_2985] {strides = array<i32>} : memref<12x192xf32, #tpu.memory_space<vmem>>, vector<1x16xf32>,
    %get3A_2987 = vector.shape_cast %get3A_2986 : vector<1x16xf32> to vector<16xf32>
    %get3A_2988 = arith.constant 11 : i32
    %get3A_2989 = arith.index_cast %get3A_2988 : i32 to index
    %get3A_2990 = arith.constant 64 : index
    %get3A_2991 = tpu.vector_load %arg6[%get3A_2989, %get3A_2990] {strides = array<i32>} : memref<12x192xf32, #tpu.memory_space<vmem>>, vector<1x16xf32>,
    %get3A_2992 = vector.shape_cast %get3A_2991 : vector<1x16xf32> to vector<16xf32>
    %get3A_2993 = arith.constant 11 : i32
    %get3A_2994 = arith.index_cast %get3A_2993 : i32 to index
    %get3A_2995 = arith.constant 80 : index
    %get3A_2996 = tpu.vector_load %arg6[%get3A_2994, %get3A_2995] {strides = array<i32>} : memref<12x192xf32, #tpu.memory_space<vmem>>, vector<1x16xf32>,
    %get3A_2997 = vector.shape_cast %get3A_2996 : vector<1x16xf32> to vector<16xf32>
    %get3A_2998 = arith.constant 11 : i32
    %get3A_2999 = arith.index_cast %get3A_2998 : i32 to index
    %get3A_3000 = arith.constant 96 : index
    %get3A_3001 = tpu.vector_load %arg6[%get3A_2999, %get3A_3000] {strides = array<i32>} : memref<12x192xf32, #tpu.memory_space<vmem>>, vector<1x16xf32>,
    %get3A_3002 = vector.shape_cast %get3A_3001 : vector<1x16xf32> to vector<16xf32>
    %get3A_3003 = arith.constant 11 : i32
    %get3A_3004 = arith.index_cast %get3A_3003 : i32 to index
    %get3A_3005 = arith.constant 112 : index
    %get3A_3006 = tpu.vector_load %arg6[%get3A_3004, %get3A_3005] {strides = array<i32>} : memref<12x192xf32, #tpu.memory_space<vmem>>, vector<1x16xf32>,
    %get3A_3007 = vector.shape_cast %get3A_3006 : vector<1x16xf32> to vector<16xf32>
    %get3A_3008 = arith.constant 11 : i32
    %get3A_3009 = arith.index_cast %get3A_3008 : i32 to index
    %get3A_3010 = arith.constant 128 : index
    %get3A_3011 = tpu.vector_load %arg6[%get3A_3009, %get3A_3010] {strides = array<i32>} : memref<12x192xf32, #tpu.memory_space<vmem>>, vector<1x16xf32>,
    %get3A_3012 = vector.shape_cast %get3A_3011 : vector<1x16xf32> to vector<16xf32>
    %get3A_3013 = arith.constant 11 : i32
    %get3A_3014 = arith.index_cast %get3A_3013 : i32 to index
    %get3A_3015 = arith.constant 144 : index
    %get3A_3016 = tpu.vector_load %arg6[%get3A_3014, %get3A_3015] {strides = array<i32>} : memref<12x192xf32, #tpu.memory_space<vmem>>, vector<1x16xf32>,
    %get3A_3017 = vector.shape_cast %get3A_3016 : vector<1x16xf32> to vector<16xf32>
    %get3A_3018 = arith.constant 11 : i32
    %get3A_3019 = arith.index_cast %get3A_3018 : i32 to index
    %get3A_3020 = arith.constant 160 : index
    %get3A_3021 = tpu.vector_load %arg6[%get3A_3019, %get3A_3020] {strides = array<i32>} : memref<12x192xf32, #tpu.memory_space<vmem>>, vector<1x16xf32>,
    %get3A_3022 = vector.shape_cast %get3A_3021 : vector<1x16xf32> to vector<16xf32>
    %get3A_3023 = arith.constant 11 : i32
    %get3A_3024 = arith.index_cast %get3A_3023 : i32 to index
    %get3A_3025 = arith.constant 176 : index
    %get3A_3026 = tpu.vector_load %arg6[%get3A_3024, %get3A_3025] {strides = array<i32>} : memref<12x192xf32, #tpu.memory_space<vmem>>, vector<1x16xf32>,
    %get3A_3027 = vector.shape_cast %get3A_3026 : vector<1x16xf32> to vector<16xf32>
    %eq3A_3028 = arith.constant 0 : i32
    %eq3A_3029 = vector.broadcast %eq3A_3028 : i32 to vector<16xi32>
    %eq3A_3030 = arith.cmpi eq, %gather3A_2967, %eq3A_3029 : vector<16xi32>
    %jit3A_3031 = arith.constant 1.000000e+00 : f32
    %jit3A_3032 = arith.constant 0.000000e+00 : f32
    %broadcast_in_dim3A_3033 = vector.broadcast %jit3A_3031 : f32 to vector<16xf32>
    %broadcast_in_dim3A_3034 = vector.broadcast %jit3A_3032 : f32 to vector<16xf32>
    %select_n3A_3035 = arith.select %eq3A_3030, %broadcast_in_dim3A_3033, %broadcast_in_dim3A_3034 : vector<16xi1>, vector<16xf32>
    %mul3A_3036 = arith.mulf %get3A_2972, %select_n3A_3035 : vector<16xf32>
    %add3A_3037 = arith.addf %add3A_2844, %mul3A_3036 : vector<16xf32>
    %mul3A_3038 = arith.mulf %get3A_2977, %select_n3A_3035 : vector<16xf32>
    %add3A_3039 = arith.addf %add3A_2846, %mul3A_3038 : vector<16xf32>
    %mul3A_3040 = arith.mulf %get3A_2982, %select_n3A_3035 : vector<16xf32>
    %add3A_3041 = arith.addf %add3A_2848, %mul3A_3040 : vector<16xf32>
    %mul3A_3042 = arith.mulf %get3A_2987, %select_n3A_3035 : vector<16xf32>
    %add3A_3043 = arith.addf %add3A_2850, %mul3A_3042 : vector<16xf32>
    %mul3A_3044 = arith.mulf %get3A_2992, %select_n3A_3035 : vector<16xf32>
    %add3A_3045 = arith.addf %add3A_2852, %mul3A_3044 : vector<16xf32>
    %mul3A_3046 = arith.mulf %get3A_2997, %select_n3A_3035 : vector<16xf32>
    %add3A_3047 = arith.addf %add3A_2854, %mul3A_3046 : vector<16xf32>
    %mul3A_3048 = arith.mulf %get3A_3002, %select_n3A_3035 : vector<16xf32>
    %add3A_3049 = arith.addf %add3A_2856, %mul3A_3048 : vector<16xf32>
    %mul3A_3050 = arith.mulf %get3A_3007, %select_n3A_3035 : vector<16xf32>
    %add3A_3051 = arith.addf %add3A_2858, %mul3A_3050 : vector<16xf32>
    %mul3A_3052 = arith.mulf %get3A_3012, %select_n3A_3035 : vector<16xf32>
    %add3A_3053 = arith.addf %add3A_2860, %mul3A_3052 : vector<16xf32>
    %mul3A_3054 = arith.mulf %get3A_3017, %select_n3A_3035 : vector<16xf32>
    %add3A_3055 = arith.addf %add3A_2862, %mul3A_3054 : vector<16xf32>
    %mul3A_3056 = arith.mulf %get3A_3022, %select_n3A_3035 : vector<16xf32>
    %add3A_3057 = arith.addf %add3A_2864, %mul3A_3056 : vector<16xf32>
    %mul3A_3058 = arith.mulf %get3A_3027, %select_n3A_3035 : vector<16xf32>
    %add3A_3059 = arith.addf %add3A_2866, %mul3A_3058 : vector<16xf32>
    %eq3A_3060 = arith.constant 1 : i32
    %eq3A_3061 = vector.broadcast %eq3A_3060 : i32 to vector<16xi32>
    %eq3A_3062 = arith.cmpi eq, %gather3A_2967, %eq3A_3061 : vector<16xi32>
    %jit3A_3063 = arith.constant 1.000000e+00 : f32
    %jit3A_3064 = arith.constant 0.000000e+00 : f32
    %broadcast_in_dim3A_3065 = vector.broadcast %jit3A_3063 : f32 to vector<16xf32>
    %broadcast_in_dim3A_3066 = vector.broadcast %jit3A_3064 : f32 to vector<16xf32>
    %select_n3A_3067 = arith.select %eq3A_3062, %broadcast_in_dim3A_3065, %broadcast_in_dim3A_3066 : vector<16xi1>, vector<16xf32>
    %mul3A_3068 = arith.mulf %get3A_2972, %select_n3A_3067 : vector<16xf32>
    %add3A_3069 = arith.addf %add3A_2876, %mul3A_3068 : vector<16xf32>
    %mul3A_3070 = arith.mulf %get3A_2977, %select_n3A_3067 : vector<16xf32>
    %add3A_3071 = arith.addf %add3A_2878, %mul3A_3070 : vector<16xf32>
    %mul3A_3072 = arith.mulf %get3A_2982, %select_n3A_3067 : vector<16xf32>
    %add3A_3073 = arith.addf %add3A_2880, %mul3A_3072 : vector<16xf32>
    %mul3A_3074 = arith.mulf %get3A_2987, %select_n3A_3067 : vector<16xf32>
    %add3A_3075 = arith.addf %add3A_2882, %mul3A_3074 : vector<16xf32>
    %mul3A_3076 = arith.mulf %get3A_2992, %select_n3A_3067 : vector<16xf32>
    %add3A_3077 = arith.addf %add3A_2884, %mul3A_3076 : vector<16xf32>
    %mul3A_3078 = arith.mulf %get3A_2997, %select_n3A_3067 : vector<16xf32>
    %add3A_3079 = arith.addf %add3A_2886, %mul3A_3078 : vector<16xf32>
    %mul3A_3080 = arith.mulf %get3A_3002, %select_n3A_3067 : vector<16xf32>
    %add3A_3081 = arith.addf %add3A_2888, %mul3A_3080 : vector<16xf32>
    %mul3A_3082 = arith.mulf %get3A_3007, %select_n3A_3067 : vector<16xf32>
    %add3A_3083 = arith.addf %add3A_2890, %mul3A_3082 : vector<16xf32>
    %mul3A_3084 = arith.mulf %get3A_3012, %select_n3A_3067 : vector<16xf32>
    %add3A_3085 = arith.addf %add3A_2892, %mul3A_3084 : vector<16xf32>
    %mul3A_3086 = arith.mulf %get3A_3017, %select_n3A_3067 : vector<16xf32>
    %add3A_3087 = arith.addf %add3A_2894, %mul3A_3086 : vector<16xf32>
    %mul3A_3088 = arith.mulf %get3A_3022, %select_n3A_3067 : vector<16xf32>
    %add3A_3089 = arith.addf %add3A_2896, %mul3A_3088 : vector<16xf32>
    %mul3A_3090 = arith.mulf %get3A_3027, %select_n3A_3067 : vector<16xf32>
    %add3A_3091 = arith.addf %add3A_2898, %mul3A_3090 : vector<16xf32>
    %eq3A_3092 = arith.constant 2 : i32
    %eq3A_3093 = vector.broadcast %eq3A_3092 : i32 to vector<16xi32>
    %eq3A_3094 = arith.cmpi eq, %gather3A_2967, %eq3A_3093 : vector<16xi32>
    %jit3A_3095 = arith.constant 1.000000e+00 : f32
    %jit3A_3096 = arith.constant 0.000000e+00 : f32
    %broadcast_in_dim3A_3097 = vector.broadcast %jit3A_3095 : f32 to vector<16xf32>
    %broadcast_in_dim3A_3098 = vector.broadcast %jit3A_3096 : f32 to vector<16xf32>
    %select_n3A_3099 = arith.select %eq3A_3094, %broadcast_in_dim3A_3097, %broadcast_in_dim3A_3098 : vector<16xi1>, vector<16xf32>
    %mul3A_3100 = arith.mulf %get3A_2972, %select_n3A_3099 : vector<16xf32>
    %add3A_3101 = arith.addf %add3A_2908, %mul3A_3100 : vector<16xf32>
    %mul3A_3102 = arith.mulf %get3A_2977, %select_n3A_3099 : vector<16xf32>
    %add3A_3103 = arith.addf %add3A_2910, %mul3A_3102 : vector<16xf32>
    %mul3A_3104 = arith.mulf %get3A_2982, %select_n3A_3099 : vector<16xf32>
    %add3A_3105 = arith.addf %add3A_2912, %mul3A_3104 : vector<16xf32>
    %mul3A_3106 = arith.mulf %get3A_2987, %select_n3A_3099 : vector<16xf32>
    %add3A_3107 = arith.addf %add3A_2914, %mul3A_3106 : vector<16xf32>
    %mul3A_3108 = arith.mulf %get3A_2992, %select_n3A_3099 : vector<16xf32>
    %add3A_3109 = arith.addf %add3A_2916, %mul3A_3108 : vector<16xf32>
    %mul3A_3110 = arith.mulf %get3A_2997, %select_n3A_3099 : vector<16xf32>
    %add3A_3111 = arith.addf %add3A_2918, %mul3A_3110 : vector<16xf32>
    %mul3A_3112 = arith.mulf %get3A_3002, %select_n3A_3099 : vector<16xf32>
    %add3A_3113 = arith.addf %add3A_2920, %mul3A_3112 : vector<16xf32>
    %mul3A_3114 = arith.mulf %get3A_3007, %select_n3A_3099 : vector<16xf32>
    %add3A_3115 = arith.addf %add3A_2922, %mul3A_3114 : vector<16xf32>
    %mul3A_3116 = arith.mulf %get3A_3012, %select_n3A_3099 : vector<16xf32>
    %add3A_3117 = arith.addf %add3A_2924, %mul3A_3116 : vector<16xf32>
    %mul3A_3118 = arith.mulf %get3A_3017, %select_n3A_3099 : vector<16xf32>
    %add3A_3119 = arith.addf %add3A_2926, %mul3A_3118 : vector<16xf32>
    %mul3A_3120 = arith.mulf %get3A_3022, %select_n3A_3099 : vector<16xf32>
    %add3A_3121 = arith.addf %add3A_2928, %mul3A_3120 : vector<16xf32>
    %mul3A_3122 = arith.mulf %get3A_3027, %select_n3A_3099 : vector<16xf32>
    %add3A_3123 = arith.addf %add3A_2930, %mul3A_3122 : vector<16xf32>
    %eq3A_3124 = arith.constant 3 : i32
    %eq3A_3125 = vector.broadcast %eq3A_3124 : i32 to vector<16xi32>
    %eq3A_3126 = arith.cmpi eq, %gather3A_2967, %eq3A_3125 : vector<16xi32>
    %jit3A_3127 = arith.constant 1.000000e+00 : f32
    %jit3A_3128 = arith.constant 0.000000e+00 : f32
    %broadcast_in_dim3A_3129 = vector.broadcast %jit3A_3127 : f32 to vector<16xf32>
    %broadcast_in_dim3A_3130 = vector.broadcast %jit3A_3128 : f32 to vector<16xf32>
    %select_n3A_3131 = arith.select %eq3A_3126, %broadcast_in_dim3A_3129, %broadcast_in_dim3A_3130 : vector<16xi1>, vector<16xf32>
    %mul3A_3132 = arith.mulf %get3A_2972, %select_n3A_3131 : vector<16xf32>
    %add3A_3133 = arith.addf %add3A_2940, %mul3A_3132 : vector<16xf32>
    %mul3A_3134 = arith.mulf %get3A_2977, %select_n3A_3131 : vector<16xf32>
    %add3A_3135 = arith.addf %add3A_2942, %mul3A_3134 : vector<16xf32>
    %mul3A_3136 = arith.mulf %get3A_2982, %select_n3A_3131 : vector<16xf32>
    %add3A_3137 = arith.addf %add3A_2944, %mul3A_3136 : vector<16xf32>
    %mul3A_3138 = arith.mulf %get3A_2987, %select_n3A_3131 : vector<16xf32>
    %add3A_3139 = arith.addf %add3A_2946, %mul3A_3138 : vector<16xf32>
    %mul3A_3140 = arith.mulf %get3A_2992, %select_n3A_3131 : vector<16xf32>
    %add3A_3141 = arith.addf %add3A_2948, %mul3A_3140 : vector<16xf32>
    %mul3A_3142 = arith.mulf %get3A_2997, %select_n3A_3131 : vector<16xf32>
    %add3A_3143 = arith.addf %add3A_2950, %mul3A_3142 : vector<16xf32>
    %mul3A_3144 = arith.mulf %get3A_3002, %select_n3A_3131 : vector<16xf32>
    %add3A_3145 = arith.addf %add3A_2952, %mul3A_3144 : vector<16xf32>
    %mul3A_3146 = arith.mulf %get3A_3007, %select_n3A_3131 : vector<16xf32>
    %add3A_3147 = arith.addf %add3A_2954, %mul3A_3146 : vector<16xf32>
    %mul3A_3148 = arith.mulf %get3A_3012, %select_n3A_3131 : vector<16xf32>
    %add3A_3149 = arith.addf %add3A_2956, %mul3A_3148 : vector<16xf32>
    %mul3A_3150 = arith.mulf %get3A_3017, %select_n3A_3131 : vector<16xf32>
    %add3A_3151 = arith.addf %add3A_2958, %mul3A_3150 : vector<16xf32>
    %mul3A_3152 = arith.mulf %get3A_3022, %select_n3A_3131 : vector<16xf32>
    %add3A_3153 = arith.addf %add3A_2960, %mul3A_3152 : vector<16xf32>
    %mul3A_3154 = arith.mulf %get3A_3027, %select_n3A_3131 : vector<16xf32>
    %add3A_3155 = arith.addf %add3A_2962, %mul3A_3154 : vector<16xf32>
    %max3A_3156 = arith.maximumf %add3A_3037, %add3A_3069 : vector<16xf32>
    %max3A_3157 = arith.maximumf %add3A_3101, %add3A_3133 : vector<16xf32>
    %max3A_3158 = arith.maximumf %max3A_3156, %max3A_3157 : vector<16xf32>
    %swap3A = arith.constant 0 : index
    %swap3A_3159 = tpu.vector_load %arg7[%swap3A] {strides = array<i32>} : memref<192xf32, #tpu.memory_space<vmem>>, vector<16xf32>,
    %swap3A_3160 = vector.shape_cast %swap3A_3159 : vector<16xf32> to vector<16xf32>
    %swap3A_3161 = vector.shape_cast %max3A_3158 : vector<16xf32> to vector<16xf32>
    tpu.vector_store %arg7[%swap3A], %swap3A_3161 {strides = array<i32>} : memref<192xf32, #tpu.memory_space<vmem>>, vector<16xf32>,
    %max3A_3162 = arith.maximumf %add3A_3039, %add3A_3071 : vector<16xf32>
    %max3A_3163 = arith.maximumf %add3A_3103, %add3A_3135 : vector<16xf32>
    %max3A_3164 = arith.maximumf %max3A_3162, %max3A_3163 : vector<16xf32>
    %swap3A_3165 = arith.constant 16 : index
    %swap3A_3166 = tpu.vector_load %arg7[%swap3A_3165] {strides = array<i32>} : memref<192xf32, #tpu.memory_space<vmem>>, vector<16xf32>,
    %swap3A_3167 = vector.shape_cast %swap3A_3166 : vector<16xf32> to vector<16xf32>
    %swap3A_3168 = vector.shape_cast %max3A_3164 : vector<16xf32> to vector<16xf32>
    tpu.vector_store %arg7[%swap3A_3165], %swap3A_3168 {strides = array<i32>} : memref<192xf32, #tpu.memory_space<vmem>>, vector<16xf32>,
    %max3A_3169 = arith.maximumf %add3A_3041, %add3A_3073 : vector<16xf32>
    %max3A_3170 = arith.maximumf %add3A_3105, %add3A_3137 : vector<16xf32>
    %max3A_3171 = arith.maximumf %max3A_3169, %max3A_3170 : vector<16xf32>
    %swap3A_3172 = arith.constant 32 : index
    %swap3A_3173 = tpu.vector_load %arg7[%swap3A_3172] {strides = array<i32>} : memref<192xf32, #tpu.memory_space<vmem>>, vector<16xf32>,
    %swap3A_3174 = vector.shape_cast %swap3A_3173 : vector<16xf32> to vector<16xf32>
    %swap3A_3175 = vector.shape_cast %max3A_3171 : vector<16xf32> to vector<16xf32>
    tpu.vector_store %arg7[%swap3A_3172], %swap3A_3175 {strides = array<i32>} : memref<192xf32, #tpu.memory_space<vmem>>, vector<16xf32>,
    %max3A_3176 = arith.maximumf %add3A_3043, %add3A_3075 : vector<16xf32>
    %max3A_3177 = arith.maximumf %add3A_3107, %add3A_3139 : vector<16xf32>
    %max3A_3178 = arith.maximumf %max3A_3176, %max3A_3177 : vector<16xf32>
    %swap3A_3179 = arith.constant 48 : index
    %swap3A_3180 = tpu.vector_load %arg7[%swap3A_3179] {strides = array<i32>} : memref<192xf32, #tpu.memory_space<vmem>>, vector<16xf32>,
    %swap3A_3181 = vector.shape_cast %swap3A_3180 : vector<16xf32> to vector<16xf32>
    %swap3A_3182 = vector.shape_cast %max3A_3178 : vector<16xf32> to vector<16xf32>
    tpu.vector_store %arg7[%swap3A_3179], %swap3A_3182 {strides = array<i32>} : memref<192xf32, #tpu.memory_space<vmem>>, vector<16xf32>,
    %max3A_3183 = arith.maximumf %add3A_3045, %add3A_3077 : vector<16xf32>
    %max3A_3184 = arith.maximumf %add3A_3109, %add3A_3141 : vector<16xf32>
    %max3A_3185 = arith.maximumf %max3A_3183, %max3A_3184 : vector<16xf32>
    %swap3A_3186 = arith.constant 64 : index
    %swap3A_3187 = tpu.vector_load %arg7[%swap3A_3186] {strides = array<i32>} : memref<192xf32, #tpu.memory_space<vmem>>, vector<16xf32>,
    %swap3A_3188 = vector.shape_cast %swap3A_3187 : vector<16xf32> to vector<16xf32>
    %swap3A_3189 = vector.shape_cast %max3A_3185 : vector<16xf32> to vector<16xf32>
    tpu.vector_store %arg7[%swap3A_3186], %swap3A_3189 {strides = array<i32>} : memref<192xf32, #tpu.memory_space<vmem>>, vector<16xf32>,
    %max3A_3190 = arith.maximumf %add3A_3047, %add3A_3079 : vector<16xf32>
    %max3A_3191 = arith.maximumf %add3A_3111, %add3A_3143 : vector<16xf32>
    %max3A_3192 = arith.maximumf %max3A_3190, %max3A_3191 : vector<16xf32>
    %swap3A_3193 = arith.constant 80 : index
    %swap3A_3194 = tpu.vector_load %arg7[%swap3A_3193] {strides = array<i32>} : memref<192xf32, #tpu.memory_space<vmem>>, vector<16xf32>,
    %swap3A_3195 = vector.shape_cast %swap3A_3194 : vector<16xf32> to vector<16xf32>
    %swap3A_3196 = vector.shape_cast %max3A_3192 : vector<16xf32> to vector<16xf32>
    tpu.vector_store %arg7[%swap3A_3193], %swap3A_3196 {strides = array<i32>} : memref<192xf32, #tpu.memory_space<vmem>>, vector<16xf32>,
    %max3A_3197 = arith.maximumf %add3A_3049, %add3A_3081 : vector<16xf32>
    %max3A_3198 = arith.maximumf %add3A_3113, %add3A_3145 : vector<16xf32>
    %max3A_3199 = arith.maximumf %max3A_3197, %max3A_3198 : vector<16xf32>
    %swap3A_3200 = arith.constant 96 : index
    %swap3A_3201 = tpu.vector_load %arg7[%swap3A_3200] {strides = array<i32>} : memref<192xf32, #tpu.memory_space<vmem>>, vector<16xf32>,
    %swap3A_3202 = vector.shape_cast %swap3A_3201 : vector<16xf32> to vector<16xf32>
    %swap3A_3203 = vector.shape_cast %max3A_3199 : vector<16xf32> to vector<16xf32>
    tpu.vector_store %arg7[%swap3A_3200], %swap3A_3203 {strides = array<i32>} : memref<192xf32, #tpu.memory_space<vmem>>, vector<16xf32>,
    %max3A_3204 = arith.maximumf %add3A_3051, %add3A_3083 : vector<16xf32>
    %max3A_3205 = arith.maximumf %add3A_3115, %add3A_3147 : vector<16xf32>
    %max3A_3206 = arith.maximumf %max3A_3204, %max3A_3205 : vector<16xf32>
    %swap3A_3207 = arith.constant 112 : index
    %swap3A_3208 = tpu.vector_load %arg7[%swap3A_3207] {strides = array<i32>} : memref<192xf32, #tpu.memory_space<vmem>>, vector<16xf32>,
    %swap3A_3209 = vector.shape_cast %swap3A_3208 : vector<16xf32> to vector<16xf32>
    %swap3A_3210 = vector.shape_cast %max3A_3206 : vector<16xf32> to vector<16xf32>
    tpu.vector_store %arg7[%swap3A_3207], %swap3A_3210 {strides = array<i32>} : memref<192xf32, #tpu.memory_space<vmem>>, vector<16xf32>,
    %max3A_3211 = arith.maximumf %add3A_3053, %add3A_3085 : vector<16xf32>
    %max3A_3212 = arith.maximumf %add3A_3117, %add3A_3149 : vector<16xf32>
    %max3A_3213 = arith.maximumf %max3A_3211, %max3A_3212 : vector<16xf32>
    %swap3A_3214 = arith.constant 128 : index
    %swap3A_3215 = tpu.vector_load %arg7[%swap3A_3214] {strides = array<i32>} : memref<192xf32, #tpu.memory_space<vmem>>, vector<16xf32>,
    %swap3A_3216 = vector.shape_cast %swap3A_3215 : vector<16xf32> to vector<16xf32>
    %swap3A_3217 = vector.shape_cast %max3A_3213 : vector<16xf32> to vector<16xf32>
    tpu.vector_store %arg7[%swap3A_3214], %swap3A_3217 {strides = array<i32>} : memref<192xf32, #tpu.memory_space<vmem>>, vector<16xf32>,
    %max3A_3218 = arith.maximumf %add3A_3055, %add3A_3087 : vector<16xf32>
    %max3A_3219 = arith.maximumf %add3A_3119, %add3A_3151 : vector<16xf32>
    %max3A_3220 = arith.maximumf %max3A_3218, %max3A_3219 : vector<16xf32>
    %swap3A_3221 = arith.constant 144 : index
    %swap3A_3222 = tpu.vector_load %arg7[%swap3A_3221] {strides = array<i32>} : memref<192xf32, #tpu.memory_space<vmem>>, vector<16xf32>,
    %swap3A_3223 = vector.shape_cast %swap3A_3222 : vector<16xf32> to vector<16xf32>
    %swap3A_3224 = vector.shape_cast %max3A_3220 : vector<16xf32> to vector<16xf32>
    tpu.vector_store %arg7[%swap3A_3221], %swap3A_3224 {strides = array<i32>} : memref<192xf32, #tpu.memory_space<vmem>>, vector<16xf32>,
    %max3A_3225 = arith.maximumf %add3A_3057, %add3A_3089 : vector<16xf32>
    %max3A_3226 = arith.maximumf %add3A_3121, %add3A_3153 : vector<16xf32>
    %max3A_3227 = arith.maximumf %max3A_3225, %max3A_3226 : vector<16xf32>
    %swap3A_3228 = arith.constant 160 : index
    %swap3A_3229 = tpu.vector_load %arg7[%swap3A_3228] {strides = array<i32>} : memref<192xf32, #tpu.memory_space<vmem>>, vector<16xf32>,
    %swap3A_3230 = vector.shape_cast %swap3A_3229 : vector<16xf32> to vector<16xf32>
    %swap3A_3231 = vector.shape_cast %max3A_3227 : vector<16xf32> to vector<16xf32>
    tpu.vector_store %arg7[%swap3A_3228], %swap3A_3231 {strides = array<i32>} : memref<192xf32, #tpu.memory_space<vmem>>, vector<16xf32>,
    %max3A_3232 = arith.maximumf %add3A_3059, %add3A_3091 : vector<16xf32>
    %max3A_3233 = arith.maximumf %add3A_3123, %add3A_3155 : vector<16xf32>
    %max3A_3234 = arith.maximumf %max3A_3232, %max3A_3233 : vector<16xf32>
    %swap3A_3235 = arith.constant 176 : index
    %swap3A_3236 = tpu.vector_load %arg7[%swap3A_3235] {strides = array<i32>} : memref<192xf32, #tpu.memory_space<vmem>>, vector<16xf32>,
    %swap3A_3237 = vector.shape_cast %swap3A_3236 : vector<16xf32> to vector<16xf32>
    %swap3A_3238 = vector.shape_cast %max3A_3234 : vector<16xf32> to vector<16xf32>
    tpu.vector_store %arg7[%swap3A_3235], %swap3A_3238 {strides = array<i32>} : memref<192xf32, #tpu.memory_space<vmem>>, vector<16xf32>,
    "tpu.region"() ({
      %run_scoped3A = tpu.sem_alloc : memref<!tpu.dma_semaphore, #tpu.memory_space<semaphore_mem>>
      %dma_start3A = arith.constant 0 : i32
      %dma_start3A_3239 = tpu.memref_slice %arg4[%add3A, %dma_start3A] : memref<32x192xf32, #tpu.memory_space<hbm>> -> memref<1x192xf32, #tpu.memory_space<hbm>>
      %dma_start3A_3240 = tpu.memref_squeeze %dma_start3A_3239 : memref<1x192xf32, #tpu.memory_space<hbm>> -> memref<192xf32, #tpu.memory_space<hbm>>
      %dma_start3A_3241 = arith.constant 0 : i32
      %dma_start3A_3242 = tpu.memref_slice %arg4[%add3A, %dma_start3A_3241] : memref<32x192xf32, #tpu.memory_space<hbm>> -> memref<1x192xf32, #tpu.memory_space<hbm>>
      %dma_start3A_3243 = tpu.memref_squeeze %dma_start3A_3242 : memref<1x192xf32, #tpu.memory_space<hbm>> -> memref<192xf32, #tpu.memory_space<hbm>>
      tpu.enqueue_dma source(%arg7 : memref<192xf32, #tpu.memory_space<vmem>>) target(%dma_start3A_3243 : memref<192xf32, #tpu.memory_space<hbm>>) target_semaphore(%run_scoped3A : memref<!tpu.dma_semaphore, #tpu.memory_space<semaphore_mem>>)
      %dma_wait3A = arith.constant 0 : i32
      %dma_wait3A_3244 = tpu.memref_slice %arg4[%add3A, %dma_wait3A] : memref<32x192xf32, #tpu.memory_space<hbm>> -> memref<1x192xf32, #tpu.memory_space<hbm>>
      %dma_wait3A_3245 = tpu.memref_squeeze %dma_wait3A_3244 : memref<1x192xf32, #tpu.memory_space<hbm>> -> memref<192xf32, #tpu.memory_space<hbm>>
      %dma_wait3A_3246 = arith.constant 0 : i32
      %dma_wait3A_3247 = tpu.memref_slice %arg4[%add3A, %dma_wait3A_3246] : memref<32x192xf32, #tpu.memory_space<hbm>> -> memref<1x192xf32, #tpu.memory_space<hbm>>
      %dma_wait3A_3248 = tpu.memref_squeeze %dma_wait3A_3247 : memref<1x192xf32, #tpu.memory_space<hbm>> -> memref<192xf32, #tpu.memory_space<hbm>>
      tpu.wait_dma2 semaphore(%run_scoped3A : memref<!tpu.dma_semaphore, #tpu.memory_space<semaphore_mem>>) src(%arg7 : memref<192xf32, #tpu.memory_space<vmem>>) dst(%dma_wait3A_3248 : memref<192xf32, #tpu.memory_space<hbm>>)
      tpu.yield
    }) : () -> ()
    return
  }
}

module attributes {stable_mosaic.version = 14 : i64} {
  func.func @_stageA_body(%arg0: i32, %arg1: memref<16x3x224x224xf32, #tpu.memory_space<vmem>>, %arg2: memref<14x16x48x16xf32, #tpu.memory_space<vmem>>) attributes {dimension_semantics = [#tpu.dimension_semantics<arbitrary>], iteration_bounds = array<i64: 6>, scalar_prefetch = 0 : i64, scratch_operands = 0 : i64, tpu.core_type = #tpu.core_type<tc>, window_params = [{transform_indices = @transform_0, window_bounds = array<i64: 16, 3, 224, 224>}, {transform_indices = @transform_1, window_bounds = array<i64: 14, 16, 48, 16>}]} {
    %get3A = arith.constant 0 : index
    %get3A_0 = arith.constant 0 : index
    %get3A_1 = arith.constant 0 : index
    %get3A_2 = arith.constant 0 : index
    %get3A_3 = vector.load %arg1[%get3A, %get3A_0, %get3A_1, %get3A_2] : memref<16x3x224x224xf32, #tpu.memory_space<vmem>>, vector<16x3x224x224xf32>
    %reshape3A = vector.shape_cast %get3A_3 : vector<16x3x224x224xf32> to vector<16x3x14x16x224xf32>
    %reduce_sum3A = arith.constant dense<0.000000e+00> : vector<16x3x16x224xf32>
    %reduce_sum3A_4 = vector.multi_reduction <add>, %reshape3A, %reduce_sum3A [2] : vector<16x3x14x16x224xf32> to vector<16x3x16x224xf32>
    %reshape3A_5 = vector.shape_cast %reduce_sum3A_4 : vector<16x3x16x224xf32> to vector<768x224xf32>
    %slice3A = vector.extract_strided_slice %reshape3A_5 {offsets = [0, 0], sizes = [768, 16], strides = [1, 1]} : vector<768x224xf32> to vector<768x16xf32>
    %slice3A_6 = vector.extract_strided_slice %reshape3A_5 {offsets = [0, 16], sizes = [768, 16], strides = [1, 1]} : vector<768x224xf32> to vector<768x16xf32>
    %slice3A_7 = vector.extract_strided_slice %reshape3A_5 {offsets = [0, 32], sizes = [768, 16], strides = [1, 1]} : vector<768x224xf32> to vector<768x16xf32>
    %slice3A_8 = vector.extract_strided_slice %reshape3A_5 {offsets = [0, 48], sizes = [768, 16], strides = [1, 1]} : vector<768x224xf32> to vector<768x16xf32>
    %slice3A_9 = vector.extract_strided_slice %reshape3A_5 {offsets = [0, 64], sizes = [768, 16], strides = [1, 1]} : vector<768x224xf32> to vector<768x16xf32>
    %slice3A_10 = vector.extract_strided_slice %reshape3A_5 {offsets = [0, 80], sizes = [768, 16], strides = [1, 1]} : vector<768x224xf32> to vector<768x16xf32>
    %slice3A_11 = vector.extract_strided_slice %reshape3A_5 {offsets = [0, 96], sizes = [768, 16], strides = [1, 1]} : vector<768x224xf32> to vector<768x16xf32>
    %slice3A_12 = vector.extract_strided_slice %reshape3A_5 {offsets = [0, 112], sizes = [768, 16], strides = [1, 1]} : vector<768x224xf32> to vector<768x16xf32>
    %slice3A_13 = vector.extract_strided_slice %reshape3A_5 {offsets = [0, 128], sizes = [768, 16], strides = [1, 1]} : vector<768x224xf32> to vector<768x16xf32>
    %slice3A_14 = vector.extract_strided_slice %reshape3A_5 {offsets = [0, 144], sizes = [768, 16], strides = [1, 1]} : vector<768x224xf32> to vector<768x16xf32>
    %slice3A_15 = vector.extract_strided_slice %reshape3A_5 {offsets = [0, 160], sizes = [768, 16], strides = [1, 1]} : vector<768x224xf32> to vector<768x16xf32>
    %slice3A_16 = vector.extract_strided_slice %reshape3A_5 {offsets = [0, 176], sizes = [768, 16], strides = [1, 1]} : vector<768x224xf32> to vector<768x16xf32>
    %slice3A_17 = vector.extract_strided_slice %reshape3A_5 {offsets = [0, 192], sizes = [768, 16], strides = [1, 1]} : vector<768x224xf32> to vector<768x16xf32>
    %slice3A_18 = vector.extract_strided_slice %reshape3A_5 {offsets = [0, 208], sizes = [768, 16], strides = [1, 1]} : vector<768x224xf32> to vector<768x16xf32>
    %stack3A = vector.shape_cast %slice3A : vector<768x16xf32> to vector<1x768x16xf32>
    %stack3A_19 = vector.shape_cast %slice3A_6 : vector<768x16xf32> to vector<1x768x16xf32>
    %stack3A_20 = vector.shape_cast %slice3A_7 : vector<768x16xf32> to vector<1x768x16xf32>
    %stack3A_21 = vector.shape_cast %slice3A_8 : vector<768x16xf32> to vector<1x768x16xf32>
    %stack3A_22 = vector.shape_cast %slice3A_9 : vector<768x16xf32> to vector<1x768x16xf32>
    %stack3A_23 = vector.shape_cast %slice3A_10 : vector<768x16xf32> to vector<1x768x16xf32>
    %stack3A_24 = vector.shape_cast %slice3A_11 : vector<768x16xf32> to vector<1x768x16xf32>
    %stack3A_25 = vector.shape_cast %slice3A_12 : vector<768x16xf32> to vector<1x768x16xf32>
    %stack3A_26 = vector.shape_cast %slice3A_13 : vector<768x16xf32> to vector<1x768x16xf32>
    %stack3A_27 = vector.shape_cast %slice3A_14 : vector<768x16xf32> to vector<1x768x16xf32>
    %stack3A_28 = vector.shape_cast %slice3A_15 : vector<768x16xf32> to vector<1x768x16xf32>
    %stack3A_29 = vector.shape_cast %slice3A_16 : vector<768x16xf32> to vector<1x768x16xf32>
    %stack3A_30 = vector.shape_cast %slice3A_17 : vector<768x16xf32> to vector<1x768x16xf32>
    %stack3A_31 = vector.shape_cast %slice3A_18 : vector<768x16xf32> to vector<1x768x16xf32>
    %stack3A_32 = tpu.concatenate %stack3A, %stack3A_19, %stack3A_20, %stack3A_21, %stack3A_22, %stack3A_23, %stack3A_24, %stack3A_25, %stack3A_26, %stack3A_27, %stack3A_28, %stack3A_29, %stack3A_30, %stack3A_31 in 0 : vector<1x768x16xf32>, vector<1x768x16xf32>, vector<1x768x16xf32>, vector<1x768x16xf32>, vector<1x768x16xf32>, vector<1x768x16xf32>, vector<1x768x16xf32>, vector<1x768x16xf32>, vector<1x768x16xf32>, vector<1x768x16xf32>, vector<1x768x16xf32>, vector<1x768x16xf32>, vector<1x768x16xf32>, vector<1x768x16xf32> -> vector<14x768x16xf32>
    %reshape3A_33 = vector.shape_cast %stack3A_32 : vector<14x768x16xf32> to vector<14x16x48x16xf32>
    %mul3A = arith.constant 0.00510204071 : f32
    %mul3A_34 = vector.broadcast %mul3A : f32 to vector<14x16x48x16xf32>
    %mul3A_35 = arith.mulf %reshape3A_33, %mul3A_34 : vector<14x16x48x16xf32>
    %swap3A = arith.constant 0 : index
    %swap3A_36 = arith.constant 0 : index
    %swap3A_37 = arith.constant 0 : index
    %swap3A_38 = arith.constant 0 : index
    %swap3A_39 = vector.load %arg2[%swap3A, %swap3A_36, %swap3A_37, %swap3A_38] : memref<14x16x48x16xf32, #tpu.memory_space<vmem>>, vector<14x16x48x16xf32>
    tpu.vector_store %arg2[%swap3A, %swap3A_36, %swap3A_37, %swap3A_38], %mul3A_35 {strides = array<i32>} : memref<14x16x48x16xf32, #tpu.memory_space<vmem>>, vector<14x16x48x16xf32>,
    return
  }
  func.func @transform_0(%arg0: i32) -> (i32, i32, i32, i32) {
    %c0_i32 = arith.constant 0 : i32
    %c0_i32_0 = arith.constant 0 : i32
    %c0_i32_1 = arith.constant 0 : i32
    %c0_i32_2 = arith.constant 0 : i32
    return %arg0, %c0_i32, %c0_i32_0, %c0_i32_1 : i32, i32, i32, i32
  }
  func.func @transform_1(%arg0: i32) -> (i32, i32, i32, i32) {
    %c0_i32 = arith.constant 0 : i32
    %c0_i32_0 = arith.constant 0 : i32
    %c0_i32_1 = arith.constant 0 : i32
    %c0_i32_2 = arith.constant 0 : i32
    return %c0_i32, %arg0, %c0_i32_0, %c0_i32_1 : i32, i32, i32, i32
  }
}

module attributes {stable_mosaic.version = 14 : i64} {
  func.func @_stageB_body(%arg0: memref<14x96x768xf32, #tpu.memory_space<vmem>>, %arg1: memref<768x768xf32, #tpu.memory_space<vmem>>, %arg2: memref<1x768xf32, #tpu.memory_space<vmem>>, %arg3: memref<96x768xf32, #tpu.memory_space<vmem>>, %arg4: memref<128x16xf32, #tpu.memory_space<vmem>>) attributes {dimension_semantics = [], scalar_prefetch = 0 : i64, scratch_operands = 0 : i64, tpu.core_type = #tpu.core_type<tc>} {
    %get3A = arith.constant 0 : index
    %get3A_0 = arith.constant 0 : index
    %get3A_1 = vector.load %arg1[%get3A, %get3A_0] : memref<768x768xf32, #tpu.memory_space<vmem>>, vector<768x768xf32>
    %get3A_2 = arith.constant 0 : index
    %get3A_3 = arith.constant 0 : index
    %get3A_4 = arith.constant 0 : index
    %get3A_5 = vector.load %arg0[%get3A_2, %get3A_3, %get3A_4] : memref<14x96x768xf32, #tpu.memory_space<vmem>>, vector<14x96x768xf32>
    %reshape3A = vector.shape_cast %get3A_5 : vector<14x96x768xf32> to vector<1344x768xf32>
    %dot_general3A = arith.constant dense<0.000000e+00> : vector<1344x768xf32>
    %dot_general3A_6 = tpu.matmul %reshape3A, %get3A_1, %dot_general3A {dimension_numbers = #tpu.dot_dimension_numbers<[1], [0], [0], [1], [0, 0, 1, 1], [], []>, transpose_lhs_hint = false} : vector<1344x768xf32>, vector<768x768xf32>, vector<1344x768xf32> -> vector<1344x768xf32>
    %get3A_7 = arith.constant 0 : index
    %get3A_8 = arith.constant 0 : index
    %get3A_9 = vector.load %arg2[%get3A_7, %get3A_8] : memref<1x768xf32, #tpu.memory_space<vmem>>, vector<1x768xf32>
    %reshape3A_10 = vector.shape_cast %dot_general3A_6 : vector<1344x768xf32> to vector<14x96x768xf32>
    %reduce_sum3A = arith.constant dense<0.000000e+00> : vector<96x768xf32>
    %reduce_sum3A_11 = vector.multi_reduction <add>, %reshape3A_10, %reduce_sum3A [0] : vector<14x96x768xf32> to vector<96x768xf32>
    %add3A = vector.broadcast %get3A_9 : vector<1x768xf32> to vector<96x768xf32>
    %add3A_12 = arith.addf %add3A, %reduce_sum3A_11 : vector<96x768xf32>
    %swap3A = arith.constant 0 : index
    %swap3A_13 = arith.constant 0 : index
    %swap3A_14 = vector.load %arg3[%swap3A, %swap3A_13] : memref<96x768xf32, #tpu.memory_space<vmem>>, vector<96x768xf32>
    tpu.vector_store %arg3[%swap3A, %swap3A_13], %add3A_12 {strides = array<i32>} : memref<96x768xf32, #tpu.memory_space<vmem>>, vector<96x768xf32>,
    %mul3A = arith.mulf %add3A_12, %add3A_12 : vector<96x768xf32>
    %reduce_sum3A_15 = arith.constant dense<0.000000e+00> : vector<96xf32>
    %reduce_sum3A_16 = vector.multi_reduction <add>, %mul3A, %reduce_sum3A_15 [1] : vector<96x768xf32> to vector<96xf32>
    %broadcast_in_dim3A = vector.shape_cast %reduce_sum3A_16 : vector<96xf32> to vector<96x1xf32>
    %sqrt3A = math.sqrt %broadcast_in_dim3A : vector<96x1xf32>
    %add3A_17 = arith.constant 9.99999993E-9 : f32
    %add3A_18 = vector.broadcast %add3A_17 : f32 to vector<96x1xf32>
    %add3A_19 = arith.addf %sqrt3A, %add3A_18 : vector<96x1xf32>
    %div3A = vector.broadcast %add3A_19 : vector<96x1xf32> to vector<96x768xf32>
    %div3A_20 = arith.divf %add3A_12, %div3A : vector<96x768xf32>
    %iota3A = tpu.iota {dimensions = array<i32: 0>} : vector<128x96xi32>
    %iota3A_21 = tpu.iota {dimensions = array<i32: 1>} : vector<128x96xi32>
    %jit3A = arith.constant 16 : i32
    %div3A_22 = vector.broadcast %jit3A : i32 to vector<128x96xi32>
    %div3A_23 = arith.divsi %iota3A, %div3A_22 : vector<128x96xi32>
    %sign3A = arith.constant 0 : i32
    %sign3A_24 = vector.broadcast %sign3A : i32 to vector<128x96xi32>
    %sign3A_25 = arith.cmpi sgt, %iota3A, %sign3A_24 : vector<128x96xi32>
    %sign3A_26 = arith.extui %sign3A_25 : vector<128x96xi1> to vector<128x96xi32>
    %sign3A_27 = arith.constant 0 : i32
    %sign3A_28 = vector.broadcast %sign3A_27 : i32 to vector<128x96xi32>
    %sign3A_29 = arith.cmpi slt, %iota3A, %sign3A_28 : vector<128x96xi32>
    %sign3A_30 = arith.extui %sign3A_29 : vector<128x96xi1> to vector<128x96xi32>
    %sign3A_31 = arith.subi %sign3A_26, %sign3A_30 : vector<128x96xi32>
    %sign3A_32 = arith.constant 0 : i32
    %sign3A_33 = arith.cmpi sgt, %jit3A, %sign3A_32 : i32
    %sign3A_34 = arith.extui %sign3A_33 : i1 to i32
    %sign3A_35 = arith.constant 0 : i32
    %sign3A_36 = arith.cmpi slt, %jit3A, %sign3A_35 : i32
    %sign3A_37 = arith.extui %sign3A_36 : i1 to i32
    %sign3A_38 = arith.subi %sign3A_34, %sign3A_37 : i32
    %ne3A = vector.broadcast %sign3A_38 : i32 to vector<128x96xi32>
    %ne3A_39 = arith.cmpi ne, %sign3A_31, %ne3A : vector<128x96xi32>
    %rem3A = vector.broadcast %jit3A : i32 to vector<128x96xi32>
    %rem3A_40 = arith.remsi %iota3A, %rem3A : vector<128x96xi32>
    %ne3A_41 = arith.constant 0 : i32
    %ne3A_42 = vector.broadcast %ne3A_41 : i32 to vector<128x96xi32>
    %ne3A_43 = arith.cmpi ne, %rem3A_40, %ne3A_42 : vector<128x96xi32>
    %and3A = arith.andi %ne3A_39, %ne3A_43 : vector<128x96xi1>
    %sub3A = arith.constant 1 : i32
    %sub3A_44 = vector.broadcast %sub3A : i32 to vector<128x96xi32>
    %sub3A_45 = arith.subi %div3A_23, %sub3A_44 : vector<128x96xi32>
    %select_n3A = arith.select %and3A, %sub3A_45, %div3A_23 : vector<128x96xi1>, vector<128x96xi32>
    %mul3A_46 = arith.constant 12 : i32
    %mul3A_47 = vector.broadcast %mul3A_46 : i32 to vector<128x96xi32>
    %mul3A_48 = arith.muli %mul3A_47, %select_n3A : vector<128x96xi32>
    %jit3A_49 = arith.constant 16 : i32
    %eq3A = arith.constant 0 : i32
    %eq3A_50 = arith.cmpi eq, %jit3A_49, %eq3A : i32
    %jit3A_51 = arith.constant 1 : i32
    %select_n3A_52 = arith.select %eq3A_50, %jit3A_51, %jit3A_49 : i32
    %rem3A_53 = vector.broadcast %select_n3A_52 : i32 to vector<128x96xi32>
    %rem3A_54 = arith.remsi %iota3A, %rem3A_53 : vector<128x96xi32>
    %ne3A_55 = arith.constant 0 : i32
    %ne3A_56 = vector.broadcast %ne3A_55 : i32 to vector<128x96xi32>
    %ne3A_57 = arith.cmpi ne, %rem3A_54, %ne3A_56 : vector<128x96xi32>
    %lt3A = arith.constant 0 : i32
    %lt3A_58 = vector.broadcast %lt3A : i32 to vector<128x96xi32>
    %lt3A_59 = arith.cmpi slt, %rem3A_54, %lt3A_58 : vector<128x96xi32>
    %lt3A_60 = arith.constant 0 : i32
    %lt3A_61 = arith.cmpi slt, %select_n3A_52, %lt3A_60 : i32
    %ne3A_62 = vector.broadcast %lt3A_61 : i1 to vector<128x96xi1>
    %ne3A_63 = vector.broadcast %ne3A_62 : vector<128x96xi1> to vector<128x96xi1>
    %ne3A_64 = arith.xori %lt3A_59, %ne3A_63 : vector<128x96xi1>
    %and3A_65 = arith.andi %ne3A_64, %ne3A_57 : vector<128x96xi1>
    %add3A_66 = vector.broadcast %select_n3A_52 : i32 to vector<128x96xi32>
    %add3A_67 = arith.addi %rem3A_54, %add3A_66 : vector<128x96xi32>
    %select_n3A_68 = arith.select %and3A_65, %add3A_67, %rem3A_54 : vector<128x96xi1>, vector<128x96xi32>
    %add3A_69 = arith.addi %mul3A_48, %select_n3A_68 : vector<128x96xi32>
    %eq3A_70 = arith.cmpi eq, %iota3A_21, %add3A_69 : vector<128x96xi32>
    %jit3A_71 = arith.constant 16 : i32
    %eq3A_72 = arith.constant 0 : i32
    %eq3A_73 = arith.cmpi eq, %jit3A_71, %eq3A_72 : i32
    %jit3A_74 = arith.constant 1 : i32
    %select_n3A_75 = arith.select %eq3A_73, %jit3A_74, %jit3A_71 : i32
    %rem3A_76 = vector.broadcast %select_n3A_75 : i32 to vector<128x96xi32>
    %rem3A_77 = arith.remsi %iota3A, %rem3A_76 : vector<128x96xi32>
    %ne3A_78 = arith.constant 0 : i32
    %ne3A_79 = vector.broadcast %ne3A_78 : i32 to vector<128x96xi32>
    %ne3A_80 = arith.cmpi ne, %rem3A_77, %ne3A_79 : vector<128x96xi32>
    %lt3A_81 = arith.constant 0 : i32
    %lt3A_82 = vector.broadcast %lt3A_81 : i32 to vector<128x96xi32>
    %lt3A_83 = arith.cmpi slt, %rem3A_77, %lt3A_82 : vector<128x96xi32>
    %lt3A_84 = arith.constant 0 : i32
    %lt3A_85 = arith.cmpi slt, %select_n3A_75, %lt3A_84 : i32
    %ne3A_86 = vector.broadcast %lt3A_85 : i1 to vector<128x96xi1>
    %ne3A_87 = vector.broadcast %ne3A_86 : vector<128x96xi1> to vector<128x96xi1>
    %ne3A_88 = arith.xori %lt3A_83, %ne3A_87 : vector<128x96xi1>
    %and3A_89 = arith.andi %ne3A_88, %ne3A_80 : vector<128x96xi1>
    %add3A_90 = vector.broadcast %select_n3A_75 : i32 to vector<128x96xi32>
    %add3A_91 = arith.addi %rem3A_77, %add3A_90 : vector<128x96xi32>
    %select_n3A_92 = arith.select %and3A_89, %add3A_91, %rem3A_77 : vector<128x96xi1>, vector<128x96xi32>
    %lt3A_93 = arith.constant 12 : i32
    %lt3A_94 = vector.broadcast %lt3A_93 : i32 to vector<128x96xi32>
    %lt3A_95 = arith.cmpi slt, %select_n3A_92, %lt3A_94 : vector<128x96xi32>
    %and3A_96 = arith.andi %eq3A_70, %lt3A_95 : vector<128x96xi1>
    %convert_element_type3A = arith.extui %and3A_96 : vector<128x96xi1> to vector<128x96xi32>
    %convert_element_type3A_97 = arith.sitofp %convert_element_type3A : vector<128x96xi32> to vector<128x96xf32>
    %dot_general3A_98 = arith.constant dense<0.000000e+00> : vector<128x768xf32>
    %dot_general3A_99 = tpu.matmul %convert_element_type3A_97, %div3A_20, %dot_general3A_98 {dimension_numbers = #tpu.dot_dimension_numbers<[1], [0], [0], [1], [0, 0, 1, 1], [], []>, transpose_lhs_hint = false} : vector<128x96xf32>, vector<96x768xf32>, vector<128x768xf32> -> vector<128x768xf32>
    %slice3A = vector.extract_strided_slice %dot_general3A_99 {offsets = [0, 0], sizes = [16, 768], strides = [1, 1]} : vector<128x768xf32> to vector<16x768xf32>
    %dot_general3A_100 = arith.constant dense<0.000000e+00> : vector<16x16xf32>
    %dot_general3A_101 = tpu.matmul %slice3A, %slice3A, %dot_general3A_100 {dimension_numbers = #tpu.dot_dimension_numbers<[1], [1], [0], [0], [0, 0, 1, 0], [], []>, transpose_lhs_hint = false} : vector<16x768xf32>, vector<16x768xf32>, vector<16x16xf32> -> vector<16x16xf32>
    %slice3A_102 = vector.extract_strided_slice %dot_general3A_99 {offsets = [16, 0], sizes = [16, 768], strides = [1, 1]} : vector<128x768xf32> to vector<16x768xf32>
    %dot_general3A_103 = arith.constant dense<0.000000e+00> : vector<16x16xf32>
    %dot_general3A_104 = tpu.matmul %slice3A_102, %slice3A_102, %dot_general3A_103 {dimension_numbers = #tpu.dot_dimension_numbers<[1], [1], [0], [0], [0, 0, 1, 0], [], []>, transpose_lhs_hint = false} : vector<16x768xf32>, vector<16x768xf32>, vector<16x16xf32> -> vector<16x16xf32>
    %slice3A_105 = vector.extract_strided_slice %dot_general3A_99 {offsets = [32, 0], sizes = [16, 768], strides = [1, 1]} : vector<128x768xf32> to vector<16x768xf32>
    %dot_general3A_106 = arith.constant dense<0.000000e+00> : vector<16x16xf32>
    %dot_general3A_107 = tpu.matmul %slice3A_105, %slice3A_105, %dot_general3A_106 {dimension_numbers = #tpu.dot_dimension_numbers<[1], [1], [0], [0], [0, 0, 1, 0], [], []>, transpose_lhs_hint = false} : vector<16x768xf32>, vector<16x768xf32>, vector<16x16xf32> -> vector<16x16xf32>
    %slice3A_108 = vector.extract_strided_slice %dot_general3A_99 {offsets = [48, 0], sizes = [16, 768], strides = [1, 1]} : vector<128x768xf32> to vector<16x768xf32>
    %dot_general3A_109 = arith.constant dense<0.000000e+00> : vector<16x16xf32>
    %dot_general3A_110 = tpu.matmul %slice3A_108, %slice3A_108, %dot_general3A_109 {dimension_numbers = #tpu.dot_dimension_numbers<[1], [1], [0], [0], [0, 0, 1, 0], [], []>, transpose_lhs_hint = false} : vector<16x768xf32>, vector<16x768xf32>, vector<16x16xf32> -> vector<16x16xf32>
    %slice3A_111 = vector.extract_strided_slice %dot_general3A_99 {offsets = [64, 0], sizes = [16, 768], strides = [1, 1]} : vector<128x768xf32> to vector<16x768xf32>
    %dot_general3A_112 = arith.constant dense<0.000000e+00> : vector<16x16xf32>
    %dot_general3A_113 = tpu.matmul %slice3A_111, %slice3A_111, %dot_general3A_112 {dimension_numbers = #tpu.dot_dimension_numbers<[1], [1], [0], [0], [0, 0, 1, 0], [], []>, transpose_lhs_hint = false} : vector<16x768xf32>, vector<16x768xf32>, vector<16x16xf32> -> vector<16x16xf32>
    %slice3A_114 = vector.extract_strided_slice %dot_general3A_99 {offsets = [80, 0], sizes = [16, 768], strides = [1, 1]} : vector<128x768xf32> to vector<16x768xf32>
    %dot_general3A_115 = arith.constant dense<0.000000e+00> : vector<16x16xf32>
    %dot_general3A_116 = tpu.matmul %slice3A_114, %slice3A_114, %dot_general3A_115 {dimension_numbers = #tpu.dot_dimension_numbers<[1], [1], [0], [0], [0, 0, 1, 0], [], []>, transpose_lhs_hint = false} : vector<16x768xf32>, vector<16x768xf32>, vector<16x16xf32> -> vector<16x16xf32>
    %slice3A_117 = vector.extract_strided_slice %dot_general3A_99 {offsets = [96, 0], sizes = [16, 768], strides = [1, 1]} : vector<128x768xf32> to vector<16x768xf32>
    %dot_general3A_118 = arith.constant dense<0.000000e+00> : vector<16x16xf32>
    %dot_general3A_119 = tpu.matmul %slice3A_117, %slice3A_117, %dot_general3A_118 {dimension_numbers = #tpu.dot_dimension_numbers<[1], [1], [0], [0], [0, 0, 1, 0], [], []>, transpose_lhs_hint = false} : vector<16x768xf32>, vector<16x768xf32>, vector<16x16xf32> -> vector<16x16xf32>
    %slice3A_120 = vector.extract_strided_slice %dot_general3A_99 {offsets = [112, 0], sizes = [16, 768], strides = [1, 1]} : vector<128x768xf32> to vector<16x768xf32>
    %dot_general3A_121 = arith.constant dense<0.000000e+00> : vector<16x16xf32>
    %dot_general3A_122 = tpu.matmul %slice3A_120, %slice3A_120, %dot_general3A_121 {dimension_numbers = #tpu.dot_dimension_numbers<[1], [1], [0], [0], [0, 0, 1, 0], [], []>, transpose_lhs_hint = false} : vector<16x768xf32>, vector<16x768xf32>, vector<16x16xf32> -> vector<16x16xf32>
    %concatenate3A = tpu.concatenate %dot_general3A_101, %dot_general3A_104, %dot_general3A_107, %dot_general3A_110, %dot_general3A_113, %dot_general3A_116, %dot_general3A_119, %dot_general3A_122 in 0 : vector<16x16xf32>, vector<16x16xf32>, vector<16x16xf32>, vector<16x16xf32>, vector<16x16xf32>, vector<16x16xf32>, vector<16x16xf32>, vector<16x16xf32> -> vector<128x16xf32>
    %swap3A_123 = arith.constant 0 : index
    %swap3A_124 = arith.constant 0 : index
    %swap3A_125 = vector.load %arg4[%swap3A_123, %swap3A_124] : memref<128x16xf32, #tpu.memory_space<vmem>>, vector<128x16xf32>
    tpu.vector_store %arg4[%swap3A_123, %swap3A_124], %concatenate3A {strides = array<i32>} : memref<128x16xf32, #tpu.memory_space<vmem>>, vector<128x16xf32>,
    return
  }
}

</mosaic_0001>

<sc_bundles>
// kernel: kernel.5.cloned.1.call-start
scs
__scs_entry_jumppad:
0x0: {  	(pc) =	sbr.rel $0x88, $3  }
0x1: {  	(tag) =	ssettag $0x0;
	lr =	simm.s32 $0x1  }
0x2: {  	[smem:$0x3F9E] =	sst lr;
	_ =	strace $0xD0000000  }
0x3: {  	_ = 	snop  }
0x4: {  	_ = 	snop  }
0x5: {  	_ = 	snop  }
0x6: {  	_ = 	snop  }
0x7: {  	_ = 	snop  }
__scs_overlays_trampoline_lowered:
0x8: {  	[smem:$0x3FAD] =	sst s0  }
0x9: {  	[smem:$0x3FAE] =	sst s1  }
0xa: {  	[smem:$0x3FAF] =	sst s2  }
0xb: {  	[smem:$0x3FB0] =	sst s3  }
0xc: {  	[smem:$0x3FB1] =	sst s4  }
0xd: {  	[smem:$0x3FB2] =	sst s5  }
0xe: {  	[smem:$0x3FB3] =	sst s6  }
0xf: {  	[smem:$0x3FB4] =	sst s7  }
0x10: {  	[smem:$0x3FB5] =	sst s8  }
0x11: {  	[smem:$0x3FB6] =	sst s9;
	s0 =	simm.s32 @!p0 $0x0  }
0x12: {  	s1 =	sld [smem:$0x3F9C];
	s0 =	simm.s32 @p0 $0x1  }
0x13: {  	[smem:$0x3FB7] =	sst s0;
	s0 =	simm.s32 @!p1 $0x0  }
0x14: {  	s2 =	sld [smem:$0x3F9B];
	s0 =	simm.s32 @p1 $0x1  }
0x15: {  	[smem:$0x3FB8] =	sst s0;
	s0 =	simm.s32 @!p2 $0x0  }
0x16: {  	s3 =	sld [smem:$0x3FDB];
	s0 =	simm.s32 @p2 $0x1  }
0x17: {  	s4 =	simm.s32 $0x1BF5;
	[smem:$0x3FBA] =	sst s0  }
0x18: {  	s0 =	sld [smem:$0x3F9D];
	_ =	swait.ge [sflag:s4], $0x0  }
0x19: {  	s7 =	sld [smem:$0x3F9E]  }
0x1a: {  	s8 =	sadd.s32 $0xFFFFE003, lr  }
0x1b: {  	s9 =	sadd.s32 $0xFFFFFEF7, lr;
	s5 =	simm.s32 $0xFFFFFFFF;
	p2 =	slt.u32 s8, $0xFFFFF086  }
0x1c: {  	p1 =	slt.u32 s9, $0xF7A;
	s5 =	simm.s32 @!p2 $0x0  }
0x1d: {  	s5 =	simm.s32 @p1 $0x1;
	p0 =	seq.s32 s7, s2  }
0x1e: {  	s7 =	smul.u32 @!p0 $0xF7A, s2;
	p2 =	seq.s32 @!p0 s5, $0x0  }
0x1f: {  	s9 =	smul.u32 $0xF7A, s1;
	s8 =	simm.s32 @!p0 $0x1BF5;
	p2 =	por !p2, p0  }
0x20: {  	[sflag:s8] =	ssyncset.s32 @!p0 $0xFFFFF086;
	s6 =	sadd.s32 @!p0 s3, s7;
	s7 =	simm.s32 @!p0 $0x108  }
0x21: {  	s3 =	sadd.s32 s3, s9;
	s6 =	sadd.s32 @!p0 $0x88, s6;
	s7 =	simm.s32 @p2 $0x1082  }
0x22: {  	[simem:s7], [sflag:s8] =	dma.local @!p0 [hbm:s6], $0xF7A  }
0x23: {  	s9 =	sor.u32 $0xD0000000, s2;
	s6 =	simm.s32 $0x108;
	_ =	swait.ge @!p0 [sflag:s8], $0x0  }
0x24: {  	s3 =	sadd.s32 $0x88, s3;
	s6 =	simm.s32 @!p1 $0x1082;
	[sflag:s4] =	ssyncset.s32 $0xFFFFF086  }
0x25: {  	[simem:s6], [sflag:s4] =	dma.local [hbm:s3], $0xF7A  }
0x26: {  	[smem:$0x3F9E] =	sst s1;
	(tag) =	ssettag s2;
	_ =	strace s9  }
0x27: {  	s1 =	sld [smem:$0x3FAE]  }
0x28: {  	s2 =	sld [smem:$0x3FAF]  }
0x29: {  	s4 =	sld [smem:$0x3FB1]  }
0x2a: {  	p0 =	seq.s32 s5, $0x0;
	s5 =	sld [smem:$0x3FB2]  }
0x2b: {  	s6 =	sld [smem:$0x3FB3]  }
0x2c: {  	s7 =	sld [smem:$0x3FB4]  }
0x2d: {  	s3 =	simm.s32 $0x108;
	s8 =	sld [smem:$0x3FB5]  }
0x2e: {  	s3 =	simm.s32 @!p0 $0x1082;
	s9 =	sld [smem:$0x3FB6]  }
0x2f: {  	lr =	sadd.s32 s0, s3;
	s0 =	sld [smem:$0x3FAD]  }
0x30: {  	s3 =	sld [smem:$0x3FB0]  }
0x31: {  	[smem:$0x3FB9] =	sst s10  }
0x32: {  	s10 =	sld [smem:$0x3FB7];
	_ =	sdelay $0x3  }
0x33: {  	p0 =	seq.s32 s10, $0x1;
	s10 =	sld [smem:$0x3FB9];
	_ =	sdelay $0x3  }
0x34: {  	[smem:$0x3FB9] =	sst s10  }
0x35: {  	s10 =	sld [smem:$0x3FB8];
	_ =	sdelay $0x3  }
0x36: {  	p1 =	seq.s32 s10, $0x1;
	s10 =	sld [smem:$0x3FB9];
	_ =	sdelay $0x3  }
0x37: {  	[smem:$0x3FB9] =	sst s10  }
0x38: {  	s10 =	sld [smem:$0x3FBA]  }
0x39: {  	_ = 	snop;
	(pc) =	sbr.ind lr, $3  }
0x3a: {  	_ = 	snop  }
0x3b: {  	_ = 	snop  }
0x3c: {  	p2 =	seq.s32 s10, $0x1;
	s10 =	sld [smem:$0x3FB9]  }
0x3d: {  	_ =	shalt  }
0x3e: {  	_ =	shalt  }
0x3f: {  	_ =	shalt  }
0x40: {  	_ =	shalt  }
0x41: {  	_ =	shalt  }
0x42: {  	_ =	shalt  }
0x43: {  	_ =	shalt  }
0x44: {  	_ =	shalt  }
0x45: {  	_ =	shalt  }
0x46: {  	_ =	shalt  }
0x47: {  	_ =	shalt  }
0x48: {  	_ =	shalt  }
0x49: {  	_ =	shalt  }
0x4a: {  	_ =	shalt  }
0x4b: {  	_ =	shalt  }
0x4c: {  	_ =	shalt  }
0x4d: {  	_ =	shalt  }
0x4e: {  	_ =	shalt  }
0x4f: {  	_ =	shalt  }
0x50: {  	_ =	shalt  }
0x51: {  	_ =	shalt  }
0x52: {  	_ =	shalt  }
0x53: {  	_ =	shalt  }
0x54: {  	_ =	shalt  }
0x55: {  	_ =	shalt  }
0x56: {  	_ =	shalt  }
0x57: {  	_ =	shalt  }
0x58: {  	_ =	shalt  }
0x59: {  	_ =	shalt  }
0x5a: {  	_ =	shalt  }
0x5b: {  	_ =	shalt  }
0x5c: {  	_ =	shalt  }
0x5d: {  	_ =	shalt  }
0x5e: {  	_ =	shalt  }
0x5f: {  	_ =	shalt  }
0x60: {  	_ =	shalt  }
0x61: {  	_ =	shalt  }
0x62: {  	_ =	shalt  }
0x63: {  	_ =	shalt  }
0x64: {  	_ =	shalt  }
0x65: {  	_ =	shalt  }
0x66: {  	_ =	shalt  }
0x67: {  	_ =	shalt  }
0x68: {  	_ =	shalt  }
0x69: {  	_ =	shalt  }
0x6a: {  	_ =	shalt  }
0x6b: {  	_ =	shalt  }
0x6c: {  	_ =	shalt  }
0x6d: {  	_ =	shalt  }
0x6e: {  	_ =	shalt  }
0x6f: {  	_ =	shalt  }
0x70: {  	_ =	shalt  }
0x71: {  	_ =	shalt  }
0x72: {  	_ =	shalt  }
0x73: {  	_ =	shalt  }
0x74: {  	_ =	shalt  }
0x75: {  	_ =	shalt  }
0x76: {  	_ =	shalt  }
0x77: {  	_ =	shalt  }
0x78: {  	_ =	shalt  }
0x79: {  	_ =	shalt  }
0x7a: {  	_ =	shalt  }
0x7b: {  	_ =	shalt  }
0x7c: {  	_ =	shalt  }
0x7d: {  	_ =	shalt  }
0x7e: {  	_ =	shalt  }
0x7f: {  	_ =	shalt  }
0x80: {  	_ =	shalt  }
0x81: {  	_ =	shalt  }
0x82: {  	_ =	shalt  }
0x83: {  	_ =	shalt  }
0x84: {  	_ =	shalt  }
0x85: {  	_ =	shalt  }
0x86: {  	_ =	shalt  }
0x87: {  	_ =	shalt  }
.Lfunc_end0:
.L_simem_size_0:
called_computation_lowered:
.L_overlay_start_0:
0x88: {  	s2 =	sld [smem:$0x3FD9]  }
0x89: {  	s3 =	sld [smem:$0x3FFE];
	_ =	sdelay $0x1  }
0x8a: {  	s1 =	srdreg.scid  }
0x8b: {  	s0 =	sand.u32 $0x1, s1  }
0x8c: {  	s16 =	sshll.u32 s0, $0xA;
	s2 =	sadd.s32 s3, s2  }
0x8d: {  	s2 =	sadd.s32 s2, s16  }
0x8e: {  	[smem:$0x3FC5] =	sst s2  }
0x8f: {  	_ = 	snop  }
0x90: {  	(tm) =	ssettm $0x1  }
0x91: {  	s17 =	sld [smem:$0x3FFB];
	_ =	sdelay $0x3  }
0x92: {  	_ =	strace s17  }
0x93: {  	s2 =	sld [smem:$0x3FFC];
	_ =	sdelay $0x3  }
0x94: {  	_ =	strace s2  }
0x95: {  	s2 =	sld [smem:$0x3FFD];
	_ =	sdelay $0x3  }
0x96: {  	_ =	strace s2  }
0x97: {  	_ =	strace $0x8FFFFFFF  }
0x98: {  	s18 =	sld [smem:$0x3FDB];
	_ =	sdelay $0x1  }
0x99: {  	s19 =	simm.s32 $_scs_section_size  }
0x9a: {  	s4 =	simm.s32 $_size__tile_overlayer_lowered;
	s5 =	simm.s32 $_tile_overlayer_lowered  }
0x9b: {  	s22 =	simm.s32 $0x1BFF;
	s21 =	sshll.u32 s5, $0x1;
	s2 =	sadd.s32 s19, s18  }
0x9c: {  	s6 =	simm.s32 $0x0;
	s20 =	sshll.u32 s4, $0x1;
	s4 =	sadd.s32 s21, s2  }
0x9d: {  	[timem:s6], [sflag:s22] =	dma.local [hbm:s4], s20  }
0x9e: {  	_ =	swait.ge [sflag:s22], s20  }
0x9f: {  	s3 =	ssub.s32 $0x0, s20;
	[sflag:s22] =	ssyncset.done $0x0  }
0xa0: {  	[sflag:s22] =	ssyncadd.s32 s3;
	_ =	sdelay $0x1  }
0xa1: {  	s23 =	simm.s32 $0x1B8B  }
0xa2: {  	_ =	swait.ge [sflag:s23], $0x1  }
0xa3: {  	[sflag:s23] =	ssyncset.done $0x0  }
0xa4: {  	s25 =	simm.s32 $0x1B8E;
	s24 =	sld [smem:$0x3FFE];
	[sflag:s23] =	ssyncadd.s32 $0xFFFFFFFF  }
0xa5: {  	s26 =	simm.s32 $execute0_lowered;
	[smem:$0x3FD2] =	sst s25  }
0xa6: {  	s4 =	sshll.u32 s26, $0x1;
	_ =	strace $0x80000046;
	[dreg:$0x1] =	wrdreg $0xFFFFFFFF  }
0xa7: {  	s28 =	simm.s32 $_size_execute0_lowered;
	s2 =	sadd.s32 s2, s4;
	[dreg:$0x0] =	wrdreg $0x0  }
0xa8: {  	s4 =	sshll.u32 s28, $0x1;
	[dreg:$0x2] =	wrdreg s2  }
0xa9: {  	[dreg:$0x3] =	wrdreg s4  }
0xaa: {  	[dreg:$0x4] =	wrdreg $0xC0  }
0xab: {  	_ =	task [dreg:s6], $0x5FFFF  }
0xac: {  	[dreg:$0x1] =	wrdreg $0xFFFFFFFF  }
0xad: {  	[dreg:$0x0] =	wrdreg $0x60  }
0xae: {  	[dreg:$0x2] =	wrdreg s24  }
0xaf: {  	[dreg:$0x3] =	wrdreg $0x9  }
0xb0: {  	_ =	task.clear_ibuf [dreg:s6], $0x4FFFF;
	_ =	strace $0x90000046  }
0xb1: {  	s29 =	simm.s32 $0x9;
	_ =	strace $0x80000048  }
0xb2: {  	_ =	swait.ge [sflag:s29], $0x1  }
0xb3: {  	[sflag:s29] =	ssyncadd.s32 $0xFFFFFFFF  }
0xb4: {  	_ =	strace $0x90000048  }
0xb5: {  	_ =	sfence  }
0xb6: {  	s30 =	sld [smem:$0x0];
	_ =	sdelay $0x2  }
0xb7: {  	s31 =	sshll.u32 s1, $0xD;
	s1 =	sshrl.u32 s1, $0x2  }
0xb8: {  	s3 =	sand.u32 $0x4000, s31;
	s1 =	sadd.s32 s1, s30  }
0xb9: {  	s0 =	sor.u32 s3, s0;
	s1 =	sshll.u32 s1, $0x11  }
0xba: {  	s0 =	sor.u32 s1, s0  }
0xbb: {  	s0 =	sadd.s32 $0x8F2B, s0  }
0xbc: {  	[sflag:s0] =	ssyncadd.remote.s32 $0x1  }
0xbd: {  	_ =	sfence.sel $0xFFFF  }
0xbe: {  	[dreg:$0x0] =	wrdreg $0xFFFFFFFF;
	(pc) =	sbr.abs _section_cstart, $3  }
0xbf: {  	[dreg:$0x1] =	wrdreg $0xFFFFFFFF  }
0xc0: {  	_ =	task.clear_ibuf [dreg:s6], $0x2FFFF;
	_ =	strace $0x9FFFFFFF  }
0xc1: {  	(tm) =	ssettm $0x7FFFFFFF  }
tec
execute0_lowered:
.L_overlay_start_1:
0x0: {  	(tag) =	ssettag $0x1  }
0x1: {  	v6 =	vimm.f32 $0.0e+00  }
0x2: {  	vm0 =	vcmask $0x300;
	vm13 =	vcmask $0x704;
	vm14 =	vcmask $0xB08  }
0x3: {  	vm1 =	vcmask $0xF0C;
	v61 =	vimm.s32 $0xEFCDAB89;
	v1 =	vimm.s32 $0x67452301  }
0x4: {  	v62 =	vimm.s32 $0xDCFE98BA;
	v2 =	vimm.s32 $0x54761032;
	v3 =	vimm.s32 $0xBA98FEDC  }
0x5: {  	s3 =	rddreg [dreg:$0x0];
	v4 =	vimm.s32 $0x32107654;
	v15 =	vimm.s32 $0xFEDCBA98;
	v0 =	vsel vm0, $0x3F800000, v6  }
0x6: {  	s0 =	rddreg [dreg:$0x1];
	s2 =	simm.s32 $0x0;
	s1 =	stileid.u32;
	v16 =	vimm.s32 $0x76543210;
	v1 =	vunpack.c.l.s4.s8 v1;
	[tilespmem:$0x1FFC0] =	vst v0;
	v0 =	vunpack.c.l.s4.s8 v61  }
0x7: {  	s4 =	srdreg.scid;
	vm15 =	vcmask $0x2F00;
	s10 =	simm.s32 $0x400;
	s11 =	simm.s32 $0x1800;
	v58 =	vsel vm13, $0x3F800000, v6;
	v59 =	vsel vm14, $0x3F800000, v6  }
0x8: {  	s12 =	simm.s32 $0x0;
	v60 =	vsel vm1, $0x3F800000, v6;
	[smem:$0x7FF] =	sst s2;
	s4 =	sand.u32 $0x1, s4;
	[tilespmem:$0x1FFD0] =	vst v58;
	v1 =	vunpack.c.0.s8.s32 v1;
	v0 =	vunpack.c.0.s8.s32 v0  }
0x9: {  	s5 =	sshll.u32 s1, $0x1;
	s6 =	sshll.u32 s1, $0x7;
	v2 =	vunpack.c.l.s4.s8 v2;
	v3 =	vunpack.c.l.s4.s8 v3;
	s8 =	sshll.u32 s1, $0x6;
	v4 =	vunpack.c.l.s4.s8 v4;
	[tilespmem:$0x1FFE0] =	vst v59  }
0xa: {  	v15 =	vunpack.c.l.s4.s8 v15;
	[tilespmem:$0x1FFF0] =	vst v60;
	s5 =	sor.u32 s4, s5;
	s6 =	sand.u32 $0x700, s6;
	s8 =	sand.u32 $0x300, s8;
	v0 =	vcombine.low v1, v0;
	v1 =	vunpack.c.l.s4.s8 v62  }
0xb: {  	v16 =	vunpack.c.l.s4.s8 v16;
	s4 =	ssub.s32 $0x2, s4;
	_ =	strace $0x80000047;
	s7 =	sshll.u32 s5, $0x9;
	v2 =	vunpack.c.0.s8.s32 v2;
	v3 =	vunpack.c.0.s8.s32 v3  }
0xc: {  	s6 =	sadd.s32 s6, s3;
	s5 =	sshll.u32 s5, $0x4;
	s8 =	sadd.s32 s8, s3;
	v4 =	vunpack.c.0.s8.s32 v4;
	v17 =	vunpack.c.0.s8.s32 v15;
	v1 =	vunpack.c.0.s8.s32 v1  }
0xd: {  	v5 =	vimm.s32 $0x0;
	v21 =	vsel vm15, $0x3F800000, v6;
	s31 =	sshrl.u32 s4, $0x1;
	v63 =	vunpack.c.0.s8.s32 v16;
	s7 =	sadd.s32 s7, s3;
	s5 =	sand.u32 $0x70, s5  }
0xe: {  	s9 =	ssub.s32 s4, s31;
	s3 =	sadd.s32 $0xC00, s6;
	s5 =	sadd.s32 s5, s8;
	v3 =	vcombine.low v4, v3;
	v4 =	vand.u32 $0xF, v17;
	v1 =	vcombine.low v2, v1  }
0xf: {  	v15 =	vimm.s32 $0xA;
	v16 =	vimm.s32 $0xB;
	s4 =	sadd.s32 $0x1400, s7;
	s6 =	smax.u32 s9, $0x1;
	s7 =	simm.s32 $0x1;
	v18 =	vcombine.low v4, v63  }
0x10: {  	s8 =	simm.s32 $0x800;
	s9 =	simm.s32 $0x80;
	s5 =	sadd.s32 $0x5400, s5;
	v20 =	vand.u32 $0xF, v3;
	v17 =	vand.u32 $0xF, v0;
	v19 =	vand.u32 $0xF, v1  }
.LBB2_1:
0x11: {  	[tilespmem:s2], [sflag:$0x1] =	stream.linear.gather [hbm4b:s3+s2], $0x800, $0x38;
	[tilespmem:$0x1900] =	vst v63  }
0x12: {  	_ =	swait.ge [sflag:s7], $0x800  }
0x13: {  	[sflag:s7] =	ssyncset.done $0x0  }
0x14: {  	[sflag:s7] =	ssyncadd.s32 $0xFFFFF800  }
0x15: {  	[tilespmem:s8], [sflag:$0x1] =	stream.linear.gather [hbm4b:s4+s2], $0x1000, $0x38;
	[tilespmem:$0x1900] =	vst v63  }
0x16: {  	_ =	swait.ge [sflag:s7], $0x1000  }
0x17: {  	v8 =	vld [tilespmem:$0x1FFE0];
	_ =	sdelay $0x1  }
0x18: {  	v6 =	vld [tilespmem:$0x1FFC0];
	_ =	sdelay $0x1  }
0x19: {  	v12 =	vimm.s32 $0x3;
	v9 =	vld [tilespmem:$0x1FFF0]  }
0x1a: {  	v53 =	vimm.s32 $0x5;
	v55 =	vimm.s32 $0x9;
	v0 =	vperm.xlane v8, v12  }
0x1b: {  	v14 =	vimm.s32 $0x7;
	v1 =	vperm.xlane v8, v53;
	v2 =	vperm.xlane v8, v55  }
0x1c: {  	v11 =	vimm.s32 $0x2;
	v7 =	vld [tilespmem:$0x1FFD0];
	v3 =	vperm.xlane v6, v53;
	v4 =	vperm.xlane v8, v14  }
0x1d: {  	v13 =	vimm.s32 $0x6;
	v29 =	vperm.xlane v6, v5;
	v30 =	vperm.xlane v8, v11  }
0x1e: {  	v54 =	vimm.s32 $0x8;
	v31 =	vperm.xlane v6, v13;
	v34 =	vperm.xlane v9, v55  }
0x1f: {  	v52 =	vimm.s32 $0x4;
	v22 =	vperm.xlane v6, v11;
	v32 =	vperm.xlane v8, v13  }
0x20: {  	v33 =	vperm.xlane v6, v54;
	v35 =	vperm.xlane v8, v52  }
0x21: {  	[sflag:s7] =	ssyncset.done $0x0;
	v37 =	vperm.xlane v7, v55;
	v38 =	vperm.xlane v6, v16  }
0x22: {  	[sflag:s7] =	ssyncadd.s32 $0xFFFFF000;
	v39 =	vperm.xlane v7, v14;
	v40 =	vperm.xlane v6, v52  }
0x23: {  	v10 =	vimm.s32 $0x1;
	v23 =	vld [tilespmem:$0x100];
	v41 =	vperm.xlane v9, v15;
	v42 =	vperm.xlane v8, v5  }
0x24: {  	v27 =	vld [tilespmem:$0x0];
	v43 =	vperm.xlane v8, v10;
	v44 =	vperm.xlane v9, v54  }
0x25: {  	v24 =	vld [tilespmem:$0x200];
	v45 =	vperm.xlane v7, v13;
	v46 =	vperm.xlane v8, v54  }
0x26: {  	v28 =	vld [tilespmem:$0x80];
	v47 =	vperm.xlane v7, v11;
	v48 =	vperm.xlane v7, v53  }
0x27: {  	v25 =	vld [tilespmem:$0x280];
	v58 =	vperm.xlane v9, v5;
	v50 =	vperm.xlane v6, v10  }
0x28: {  	v26 =	vld [tilespmem:$0x180];
	v59 =	vperm.xlane v9, v12;
	v60 =	vperm.xlane v7, v5  }
0x29: {  	v61 =	vperm.xlane v7, v10;
	v56 =	vperm.xlane v9, v53  }
0x2a: {  	v36 =	vmul.f32 v22, v23;
	v22 =	vld [tilespmem:$0x300];
	v40 =	vmul.f32 v40, v24  }
0x2b: {  	v42 =	vmul.f32 v42, v27;
	v43 =	vmul.f32 v43, v28  }
0x2c: {  	v3 =	vmul.f32 v3, v25;
	v51 =	vmul.f32 v29, v27;
	v29 =	vld [tilespmem:$0x380]  }
0x2d: {  	v30 =	vmul.f32 v30, v23;
	v0 =	vmul.f32 v0, v26  }
0x2e: {  	v35 =	vmul.f32 v35, v24;
	v1 =	vmul.f32 v1, v25;
	v42 =	vadd.f32 $0.0e+00, v42  }
0x2f: {  	v50 =	vmul.f32 v50, v28;
	v49 =	vmul.f32 v31, v22  }
0x30: {  	v31 =	vadd.f32 v43, v42;
	v43 =	vperm.xlane v9, v14;
	v42 =	vmul.f32 v58, v27  }
0x31: {  	v32 =	vmul.f32 v32, v22;
	v4 =	vmul.f32 v4, v29  }
0x32: {  	v58 =	vmul.f32 v47, v23;
	v45 =	vmul.f32 v45, v22;
	v30 =	vadd.f32 v30, v31  }
0x33: {  	v31 =	vperm.xlane v9, v10;
	v10 =	vmul.f32 v61, v28  }
0x34: {  	v61 =	vperm.xlane v7, v52;
	v0 =	vadd.f32 v0, v30;
	v30 =	vperm.xlane v9, v11  }
0x35: {  	v42 =	vadd.f32 $0.0e+00, v42;
	v43 =	vmul.f32 v43, v29;
	v31 =	vmul.f32 v31, v28  }
0x36: {  	v11 =	vperm.xlane v6, v12;
	v0 =	vadd.f32 v35, v0;
	v30 =	vmul.f32 v30, v23  }
0x37: {  	v31 =	vadd.f32 v31, v42;
	v35 =	vmul.f32 v59, v26;
	v42 =	vmul.f32 v60, v27  }
0x38: {  	v60 =	vperm.xlane v7, v12;
	v0 =	vadd.f32 v1, v0;
	v1 =	vadd.f32 $0.0e+00, v51  }
0x39: {  	v31 =	vadd.f32 v30, v31;
	v63 =	vadd.f32 $0.0e+00, v42;
	v42 =	vmul.f32 v56, v25  }
0x3a: {  	v30 =	vld [tilespmem:$0x400];
	v51 =	vmul.f32 v60, v26;
	v56 =	vmul.f32 v48, v25;
	v0 =	vadd.f32 v32, v0  }
0x3b: {  	v1 =	vadd.f32 v50, v1;
	v50 =	vperm.xlane v6, v15;
	v62 =	vadd.f32 v35, v31  }
0x3c: {  	v31 =	vperm.xlane v9, v52;
	v35 =	vadd.f32 v10, v63;
	v63 =	vperm.xlane v9, v13  }
0x3d: {  	v10 =	vperm.xlane v6, v55;
	v55 =	vperm.xlane v8, v15;
	v1 =	vadd.f32 v36, v1  }
0x3e: {  	v57 =	vmul.f32 v31, v24;
	v0 =	vadd.f32 v4, v0;
	v4 =	vmul.f32 v11, v26  }
0x3f: {  	v11 =	vperm.xlane v6, v14;
	v46 =	vmul.f32 v46, v30  }
0x40: {  	v32 =	vld [tilespmem:$0x500];
	v60 =	vmul.f32 v44, v30;
	v1 =	vadd.f32 v4, v1;
	v4 =	vadd.f32 v58, v35  }
0x41: {  	v31 =	vld [tilespmem:$0x480];
	v59 =	vadd.f32 v57, v62;
	v62 =	vmul.f32 v33, v30;
	v35 =	vmul.f32 v61, v24  }
0x42: {  	v52 =	vmul.f32 v11, v29;
	v57 =	vperm.xlane v7, v54;
	v4 =	vadd.f32 v51, v4  }
0x43: {  	v58 =	vmul.f32 v39, v29;
	v11 =	vperm.xlane v9, v16;
	v1 =	vadd.f32 v40, v1  }
0x44: {  	v0 =	vadd.f32 v46, v0;
	v46 =	vmul.f32 v63, v22;
	v4 =	vadd.f32 v35, v4  }
0x45: {  	v53 =	vmul.f32 v50, v32;
	v42 =	vadd.f32 v42, v59;
	v1 =	vadd.f32 v3, v1  }
0x46: {  	v33 =	vld [tilespmem:$0x580];
	v61 =	vmul.f32 v57, v30;
	v2 =	vmul.f32 v2, v31;
	v4 =	vadd.f32 v56, v4  }
0x47: {  	v63 =	vmul.f32 v37, v31;
	v51 =	vadd.f32 v46, v42;
	v1 =	vadd.f32 v49, v1  }
0x48: {  	v3 =	vperm.xlane v8, v16;
	v35 =	vmul.f32 v55, v32;
	v4 =	vadd.f32 v45, v4  }
0x49: {  	v42 =	vmul.f32 v41, v32;
	v0 =	vadd.f32 v2, v0;
	v1 =	vadd.f32 v52, v1  }
0x4a: {  	v2 =	vmul.f32 v10, v31;
	v59 =	vadd.f32 v43, v51;
	v4 =	vadd.f32 v58, v4  }
0x4b: {  	v3 =	vmul.f32 v3, v33;
	v0 =	vadd.f32 v35, v0;
	v1 =	vadd.f32 v62, v1  }
0x4c: {  	v10 =	vadd.f32 v60, v59;
	v62 =	vperm.xlane v7, v15;
	v4 =	vadd.f32 v61, v4  }
0x4d: {  	v0 =	vadd.f32 v3, v0;
	v3 =	vmul.f32 v34, v31;
	v1 =	vadd.f32 v2, v1  }
0x4e: {  	v2 =	vperm.xlane v7, v16;
	v34 =	vmul.f32 v62, v32;
	v4 =	vadd.f32 v63, v4  }
0x4f: {  	v38 =	vmul.f32 v38, v33;
	v3 =	vadd.f32 v3, v10;
	v1 =	vadd.f32 v53, v1  }
0x50: {  	v40 =	vmul.f32 v0, v8;
	v2 =	vmul.f32 v2, v33;
	v4 =	vadd.f32 v34, v4  }
0x51: {  	v44 =	vmul.f32 v11, v33;
	v3 =	vadd.f32 v42, v3;
	v1 =	vadd.f32 v38, v1  }
0x52: {  	v43 =	vperm.xlane v40, v17;
	v2 =	vadd.f32 v2, v4  }
0x53: {  	v3 =	vadd.f32 v44, v3;
	v45 =	vmul.f32 v1, v6  }
0x54: {  	v4 =	vadd.f32 v40, v43;
	v46 =	vmul.f32 v2, v7  }
0x55: {  	v49 =	vmul.f32 v3, v9;
	v48 =	vperm.xlane v45, v17  }
0x56: {  	v47 =	vperm.xlane v4, v19;
	v50 =	vperm.xlane v46, v17  }
0x57: {  	v34 =	vadd.f32 v45, v48  }
0x58: {  	v51 =	vperm.xlane v49, v17;
	v4 =	vadd.f32 v4, v47;
	v35 =	vadd.f32 v46, v50  }
0x59: {  	v37 =	vperm.xlane v34, v19  }
0x5a: {  	v36 =	vadd.f32 v49, v51;
	v52 =	vperm.xlane v4, v20;
	v53 =	vperm.xlane v35, v19  }
0x5b: {  	v34 =	vadd.f32 v34, v37  }
0x5c: {  	v54 =	vperm.xlane v36, v19;
	v4 =	vadd.f32 v4, v52;
	v35 =	vadd.f32 v35, v53  }
0x5d: {  	v55 =	vperm.xlane v34, v20  }
0x5e: {  	v36 =	vadd.f32 v36, v54;
	v39 =	vperm.xlane v4, v18;
	v56 =	vperm.xlane v35, v20  }
0x5f: {  	v34 =	vadd.f32 v34, v55  }
0x60: {  	v57 =	vperm.xlane v36, v20;
	v4 =	vadd.f32 v4, v39;
	v35 =	vadd.f32 v35, v56  }
0x61: {  	v58 =	vperm.xlane v34, v18  }
0x62: {  	v36 =	vadd.f32 v36, v57;
	v4 =	vmax.f32 v4, $1.000000000e-30;
	v59 =	vperm.xlane v35, v18  }
0x63: {  	v60 =	vshrl.u32 v4, $0x1;
	v40 =	vmul.f32 $5.000000000e-01, v4;
	v34 =	vadd.f32 v34, v58  }
0x64: {  	v61 =	vsub.s32 $0x5F3759DF, v60;
	v35 =	vadd.f32 v35, v59  }
0x65: {  	v62 =	vperm.xlane v36, v18;
	v39 =	vmul.f32 v61, v40;
	v34 =	vmax.f32 v34, $1.000000000e-30  }
0x66: {  	v63 =	vshrl.u32 v34, $0x1;
	v42 =	vmul.f32 $5.000000000e-01, v34;
	v35 =	vmax.f32 v35, $1.000000000e-30  }
0x67: {  	v41 =	vsub.s32 $0x5F3759DF, v63;
	v10 =	vshrl.u32 v35, $0x1;
	v11 =	vmul.f32 $5.000000000e-01, v35  }
0x68: {  	v52 =	vmul.f32 v41, v42;
	v43 =	vsub.s32 $0x5F3759DF, v10  }
0x69: {  	v36 =	vadd.f32 v36, v62;
	v53 =	vmul.f32 v61, v39;
	v54 =	vmul.f32 v43, v11  }
0x6a: {  	v45 =	vmul.f32 v41, v52  }
0x6b: {  	v36 =	vmax.f32 v36, $1.000000000e-30;
	v38 =	vsub.f32 $1.500000000e+00, v53;
	v39 =	vmul.f32 v43, v54  }
0x6c: {  	v55 =	vshrl.u32 v36, $0x1;
	v56 =	vmul.f32 $5.000000000e-01, v36;
	v45 =	vsub.f32 $1.500000000e+00, v45  }
0x6d: {  	v46 =	vsub.s32 $0x5F3759DF, v55;
	v37 =	vmul.f32 v61, v38;
	v57 =	vsub.f32 $1.500000000e+00, v39  }
0x6e: {  	v58 =	vmul.f32 v46, v56;
	v41 =	vmul.f32 v41, v45  }
0x6f: {  	v59 =	vmul.f32 v37, v40;
	v38 =	vmul.f32 v43, v57  }
0x70: {  	v39 =	vmul.f32 v46, v58;
	v60 =	vmul.f32 v41, v42  }
0x71: {  	v45 =	vmul.f32 v59, v37;
	v61 =	vmul.f32 v38, v11  }
0x72: {  	v39 =	vsub.f32 $1.500000000e+00, v39;
	v43 =	vmul.f32 v60, v41  }
0x73: {  	v45 =	vsub.f32 $1.500000000e+00, v45;
	v48 =	vmul.f32 v61, v38  }
0x74: {  	v39 =	vmul.f32 v46, v39;
	v43 =	vsub.f32 $1.500000000e+00, v43  }
0x75: {  	v37 =	vmul.f32 v45, v37;
	v62 =	vsub.f32 $1.500000000e+00, v48  }
0x76: {  	v63 =	vmul.f32 v39, v56;
	v41 =	vmul.f32 v43, v41  }
0x77: {  	v40 =	vmul.f32 v37, v40;
	v38 =	vmul.f32 v62, v38  }
0x78: {  	v43 =	vmul.f32 v63, v39;
	v42 =	vmul.f32 v41, v42  }
0x79: {  	v40 =	vmul.f32 v40, v37;
	v44 =	vmul.f32 v38, v11  }
0x7a: {  	v43 =	vsub.f32 $1.500000000e+00, v43;
	v42 =	vmul.f32 v42, v41  }
0x7b: {  	v40 =	vsub.f32 $1.500000000e+00, v40;
	v44 =	vmul.f32 v44, v38  }
0x7c: {  	v39 =	vmul.f32 v43, v39;
	v42 =	vsub.f32 $1.500000000e+00, v42  }
0x7d: {  	v37 =	vmul.f32 v40, v37;
	v10 =	vsub.f32 $1.500000000e+00, v44  }
0x7e: {  	v11 =	vmul.f32 v39, v56;
	v41 =	vmul.f32 v42, v41  }
0x7f: {  	v4 =	vmul.f32 v37, v4;
	v40 =	vmul.f32 v10, v38  }
0x80: {  	v34 =	vmul.f32 v41, v34;
	v41 =	vmul.f32 v11, v39  }
0x81: {  	v4 =	vadd.f32 $9.999999930e-09, v4;
	v35 =	vmul.f32 v40, v35  }
0x82: {  	v42 =	vsub.f32 $1.500000000e+00, v41;
	v34 =	vadd.f32 $9.999999930e-09, v34  }
0x83: {  	(erf) = vrcp.f32 v4;
	v4 =	vadd.f32 $9.999999930e-09, v35  }
0x84: {  	v43 =	vmul.f32 v42, v39;
	(erf) = vrcp.f32 v34  }
0x85: {  	(erf) = vrcp.f32 v4  }
0x86: {  	v4 =	vmul.f32 v43, v36;
	_ =	sdelay $0x1  }
0x87: {  	v4 =	vadd.f32 $9.999999930e-09, v4;
	_ =	sdelay $0x1  }
0x88: {  	(erf) = vrcp.f32 v4;
	_ =	sdelay $0x1  }
0x89: {  	v4 =	vpop (erf)  }
0x8a: {  	v34 =	vpop (erf)  }
0x8b: {  	v44 =	vpop (erf)  }
0x8c: {  	v1 =	vmul.f32 v34, v1;
	v2 =	vmul.f32 v44, v2;
	_ =	sdelay $0x1  }
0x8d: {  	v0 =	vmul.f32 v4, v0;
	vm0 =	vgt.f32 v2, v1  }
0x8e: {  	v1 =	vsel vm0, v2, v1  }
0x8f: {  	v2 =	vpop (erf);
	vm1 =	vgt.f32 v0, v1  }
0x90: {  	v2 =	vmul.f32 v2, v3;
	vm1 =	vmneg vm1  }
0x91: {  	v0 =	vsel vm1, v1, v0  }
0x92: {  	v3 =	vsel vm0, $0x1, v5;
	vm0 =	vgt.f32 v2, v0  }
0x93: {  	v1 =	vnsel vm1, $0x2, v3;
	vm1 =	vmor vm1, vm0  }
0x94: {  	v0 =	vsel vm0, $0x3, v1;
	v1 =	vsel vm1, $0x0, v21  }
0x95: {  	vm2 =	veq.s32 v0, $0x0;
	vm1 =	veq.s32 v0, $0x1;
	v0 =	vperm.xlane v1, v17  }
0x96: {  	v2 =	vnsel vm2, $0x0, v21  }
0x97: {  	v4 =	vnsel vm1, $0x0, v21;
	v3 =	vperm.xlane v2, v17;
	v0 =	vadd.f32 v1, v0  }
0x98: {  	v45 =	vperm.xlane v4, v17  }
0x99: {  	v38 =	vnsel vm0, $0x0, v21;
	v3 =	vadd.f32 v2, v3;
	v47 =	vperm.xlane v0, v19  }
0x9a: {  	v46 =	vperm.xlane v38, v17;
	v34 =	vadd.f32 v4, v45  }
0x9b: {  	v48 =	vperm.xlane v3, v19;
	v0 =	vadd.f32 v0, v47  }
0x9c: {  	v35 =	vadd.f32 v38, v46;
	v49 =	vperm.xlane v34, v19  }
0x9d: {  	v3 =	vadd.f32 v3, v48;
	v51 =	vperm.xlane v0, v20  }
0x9e: {  	v50 =	vperm.xlane v35, v19;
	v34 =	vadd.f32 v34, v49  }
0x9f: {  	v52 =	vperm.xlane v3, v20;
	v0 =	vadd.f32 v0, v51  }
0xa0: {  	v35 =	vadd.f32 v35, v50;
	v53 =	vperm.xlane v34, v20  }
0xa1: {  	v3 =	vadd.f32 v3, v52;
	v55 =	vperm.xlane v0, v18  }
0xa2: {  	v54 =	vperm.xlane v35, v20;
	v34 =	vadd.f32 v34, v53  }
0xa3: {  	v56 =	vperm.xlane v3, v18;
	v36 =	vadd.f32 v0, v55  }
0xa4: {  	v35 =	vadd.f32 v35, v54;
	v0 =	vperm.xlane v34, v18  }
0xa5: {  	v3 =	vadd.f32 v3, v56;
	v58 =	vmax.f32 v36, $1.000000000e+00  }
0xa6: {  	v57 =	vperm.xlane v35, v18;
	v0 =	vadd.f32 v34, v0;
	(erf) = vrcp.f32 v58  }
0xa7: {  	v59 =	vmax.f32 v3, $1.000000000e+00  }
0xa8: {  	v35 =	vadd.f32 v35, v57;
	(erf) = vrcp.f32 v59;
	v60 =	vmax.f32 v0, $1.000000000e+00  }
0xa9: {  	(erf) = vrcp.f32 v60  }
0xaa: {  	v61 =	vmax.f32 v35, $1.000000000e+00  }
0xab: {  	(erf) = vrcp.f32 v61;
	_ =	sdelay $0x3  }
0xac: {  	v62 =	vpop (erf)  }
0xad: {  	v1 =	vmul.f32 v62, v1  }
0xae: {  	v63 =	vpop (erf)  }
0xaf: {  	vm1 =	vgt.f32 v3, $5.000000000e-01;
	v3 =	vmul.f32 v63, v2;
	v2 =	vpop (erf)  }
0xb0: {  	v37 =	vmovc v6;
	vm0 =	vgt.f32 v36, $5.000000000e-01;
	v36 =	vmov v7;
	v2 =	vmul.f32 v2, v4  }
0xb1: {  	s13 =	simm.s32 $0x9;
	v34 =	vsel vm0, v1, v8;
	vm0 =	vgt.f32 v35, $5.000000000e-01;
	v35 =	vmov v9;
	v1 =	vpop (erf)  }
.LBB2_2:
0xb2: {  	v12 =	vimm.s32 $0x3;
	vm2 =	vgt.f32 v0, $5.000000000e-01;
	v0 =	vmul.f32 v1, v38  }
0xb3: {  	v13 =	vimm.s32 $0x5;
	v11 =	vimm.s32 $0x9;
	v37 =	vsel vm1, v3, v37  }
0xb4: {  	p0 =	sne.s32 s13, $0x1;
	s13 =	sadd.s32 $0xFFFFFFFF, s13;
	v7 =	vimm.s32 $0x7;
	v6 =	vimm.s32 $0x2;
	v4 =	vperm.xlane v34, v12  }
0xb5: {  	v14 =	vimm.s32 $0x6;
	v38 =	vperm.xlane v34, v13;
	v42 =	vperm.xlane v34, v11  }
0xb6: {  	v3 =	vperm.xlane v37, v13;
	v43 =	vperm.xlane v34, v7;
	v36 =	vsel vm2, v2, v36  }
0xb7: {  	v2 =	vperm.xlane v37, v5;
	v44 =	vperm.xlane v34, v6;
	v35 =	vsel vm0, v0, v35  }
0xb8: {  	v8 =	vimm.s32 $0x8;
	v45 =	vperm.xlane v37, v14;
	v40 =	vperm.xlane v35, v11  }
0xb9: {  	v10 =	vimm.s32 $0x4;
	v46 =	vperm.xlane v34, v14;
	v0 =	vperm.xlane v37, v6  }
0xba: {  	v47 =	vperm.xlane v37, v8;
	v48 =	vperm.xlane v34, v10  }
0xbb: {  	v39 =	vperm.xlane v36, v11;
	v49 =	vmul.f32 v0, v23  }
0xbc: {  	v50 =	vperm.xlane v37, v16;
	v0 =	vperm.xlane v36, v7  }
0xbd: {  	v9 =	vimm.s32 $0x1;
	v51 =	vperm.xlane v37, v10;
	v41 =	vperm.xlane v35, v15  }
0xbe: {  	v52 =	vperm.xlane v34, v9;
	v1 =	vperm.xlane v35, v8  }
0xbf: {  	v53 =	vperm.xlane v36, v14;
	v51 =	vmul.f32 v51, v24  }
0xc0: {  	v54 =	vperm.xlane v34, v8;
	v52 =	vmul.f32 v52, v28  }
0xc1: {  	v55 =	vperm.xlane v36, v6;
	v3 =	vmul.f32 v3, v25  }
0xc2: {  	v56 =	vperm.xlane v36, v13;
	v44 =	vmul.f32 v44, v23  }
0xc3: {  	v57 =	vperm.xlane v34, v5;
	v45 =	vmul.f32 v45, v22  }
0xc4: {  	v4 =	vmul.f32 v4, v26;
	v58 =	vperm.xlane v35, v7  }
0xc5: {  	v59 =	vperm.xlane v37, v15;
	v60 =	vperm.xlane v36, v10  }
0xc6: {  	v57 =	vmul.f32 v57, v27;
	v48 =	vmul.f32 v48, v24  }
0xc7: {  	v61 =	vperm.xlane v37, v11;
	v47 =	vmul.f32 v47, v30  }
0xc8: {  	v62 =	vperm.xlane v37, v7;
	v38 =	vmul.f32 v38, v25;
	v57 =	vadd.f32 $0.0e+00, v57  }
0xc9: {  	v63 =	vperm.xlane v37, v12;
	v61 =	vmul.f32 v61, v31  }
0xca: {  	v62 =	vmul.f32 v62, v29;
	v46 =	vmul.f32 v46, v22;
	v52 =	vadd.f32 v52, v57  }
0xcb: {  	v57 =	vmul.f32 v59, v32;
	v59 =	vperm.xlane v35, v6  }
0xcc: {  	v43 =	vmul.f32 v43, v29;
	v6 =	vperm.xlane v37, v9;
	v44 =	vadd.f32 v44, v52  }
0xcd: {  	v2 =	vmul.f32 v2, v27;
	v50 =	vmul.f32 v50, v33  }
0xce: {  	v52 =	vperm.xlane v34, v16;
	v4 =	vadd.f32 v4, v44;
	v44 =	vperm.xlane v34, v15  }
0xcf: {  	v54 =	vmul.f32 v54, v30;
	v7 =	vperm.xlane v36, v8  }
0xd0: {  	v8 =	vperm.xlane v35, v9;
	v4 =	vadd.f32 v48, v4;
	v48 =	vperm.xlane v35, v5  }
0xd1: {  	v42 =	vmul.f32 v42, v31;
	v9 =	vperm.xlane v36, v9  }
0xd2: {  	v4 =	vadd.f32 v38, v4;
	v38 =	vmul.f32 v48, v27;
	v48 =	vperm.xlane v35, v10  }
0xd3: {  	v44 =	vmul.f32 v44, v32;
	v10 =	vperm.xlane v35, v12  }
0xd4: {  	v8 =	vmul.f32 v8, v28;
	v52 =	vmul.f32 v52, v33;
	v38 =	vadd.f32 $0.0e+00, v38  }
0xd5: {  	v11 =	vperm.xlane v36, v5;
	v2 =	vadd.f32 $0.0e+00, v2;
	v59 =	vmul.f32 v59, v23  }
0xd6: {  	v12 =	vperm.xlane v36, v12;
	v8 =	vadd.f32 v8, v38;
	v38 =	vperm.xlane v35, v13  }
0xd7: {  	v11 =	vmul.f32 v11, v27;
	v6 =	vmul.f32 v6, v28;
	v4 =	vadd.f32 v46, v4  }
0xd8: {  	v10 =	vmul.f32 v10, v26;
	v46 =	vperm.xlane v35, v14;
	v8 =	vadd.f32 v59, v8  }
0xd9: {  	v9 =	vmul.f32 v9, v28;
	v2 =	vadd.f32 v6, v2;
	v6 =	vadd.f32 $0.0e+00, v11  }
0xda: {  	v11 =	vmul.f32 v63, v26;
	v8 =	vadd.f32 v10, v8;
	v10 =	vmul.f32 v48, v24  }
0xdb: {  	v2 =	vadd.f32 v49, v2;
	v6 =	vadd.f32 v9, v6;
	v9 =	vmul.f32 v55, v23  }
0xdc: {  	v4 =	vadd.f32 v43, v4;
	v8 =	vadd.f32 v10, v8;
	v10 =	vmul.f32 v38, v25  }
0xdd: {  	v2 =	vadd.f32 v11, v2;
	v6 =	vadd.f32 v9, v6;
	v9 =	vmul.f32 v12, v26  }
0xde: {  	v4 =	vadd.f32 v54, v4;
	v8 =	vadd.f32 v10, v8;
	v10 =	vmul.f32 v46, v22  }
0xdf: {  	v2 =	vadd.f32 v51, v2;
	v6 =	vadd.f32 v9, v6;
	v9 =	vmul.f32 v60, v24  }
0xe0: {  	v4 =	vadd.f32 v42, v4;
	v8 =	vadd.f32 v10, v8;
	v10 =	vmul.f32 v58, v29  }
0xe1: {  	v2 =	vadd.f32 v3, v2;
	v3 =	vadd.f32 v9, v6;
	v6 =	vmul.f32 v56, v25  }
0xe2: {  	v9 =	vmul.f32 v53, v22;
	v4 =	vadd.f32 v44, v4;
	v8 =	vadd.f32 v10, v8  }
0xe3: {  	v1 =	vmul.f32 v1, v30;
	v2 =	vadd.f32 v45, v2;
	v3 =	vadd.f32 v6, v3  }
0xe4: {  	v0 =	vmul.f32 v0, v29;
	v38 =	vadd.f32 v52, v4;
	v4 =	vmul.f32 v40, v31  }
0xe5: {  	v6 =	vperm.xlane v36, v15;
	v3 =	vadd.f32 v9, v3;
	v1 =	vadd.f32 v1, v8  }
0xe6: {  	v7 =	vmul.f32 v7, v30;
	v2 =	vadd.f32 v62, v2;
	v8 =	vperm.xlane v35, v16  }
0xe7: {  	v0 =	vadd.f32 v0, v3;
	v3 =	vmul.f32 v41, v32;
	v1 =	vadd.f32 v4, v1  }
0xe8: {  	v2 =	vadd.f32 v47, v2;
	v9 =	vmul.f32 v38, v34;
	v4 =	vmul.f32 v39, v31  }
0xe9: {  	v0 =	vadd.f32 v7, v0;
	v1 =	vadd.f32 v3, v1;
	v3 =	vmul.f32 v8, v33  }
0xea: {  	v2 =	vadd.f32 v61, v2;
	v7 =	vperm.xlane v36, v16;
	v8 =	vperm.xlane v9, v17  }
0xeb: {  	v0 =	vadd.f32 v4, v0;
	v4 =	vmul.f32 v6, v32;
	v39 =	vadd.f32 v3, v1  }
0xec: {  	v1 =	vadd.f32 v57, v2;
	v2 =	vadd.f32 v9, v8  }
0xed: {  	v0 =	vadd.f32 v4, v0;
	v3 =	vmul.f32 v7, v33  }
0xee: {  	v40 =	vadd.f32 v50, v1;
	v1 =	vperm.xlane v2, v19;
	v4 =	vmul.f32 v39, v35  }
0xef: {  	v41 =	vadd.f32 v3, v0  }
0xf0: {  	v0 =	vmul.f32 v40, v37;
	v1 =	vadd.f32 v2, v1;
	v2 =	vperm.xlane v4, v17  }
0xf1: {  	v3 =	vmul.f32 v41, v36  }
0xf2: {  	v6 =	vperm.xlane v0, v17;
	v7 =	vperm.xlane v1, v20;
	v2 =	vadd.f32 v4, v2  }
0xf3: {  	v4 =	vperm.xlane v3, v17  }
0xf4: {  	v0 =	vadd.f32 v0, v6;
	v1 =	vadd.f32 v1, v7;
	v6 =	vperm.xlane v2, v19  }
0xf5: {  	v3 =	vadd.f32 v3, v4  }
0xf6: {  	v4 =	vperm.xlane v0, v19;
	v7 =	vperm.xlane v1, v18;
	v2 =	vadd.f32 v2, v6  }
0xf7: {  	v6 =	vperm.xlane v3, v19  }
0xf8: {  	v0 =	vadd.f32 v0, v4;
	v1 =	vadd.f32 v1, v7;
	v4 =	vperm.xlane v2, v20  }
0xf9: {  	v3 =	vadd.f32 v3, v6  }
0xfa: {  	v6 =	vperm.xlane v0, v20;
	v1 =	vmax.f32 v1, $1.000000000e-30;
	v2 =	vadd.f32 v2, v4  }
0xfb: {  	v4 =	vperm.xlane v3, v20;
	v7 =	vshrl.u32 v1, $0x1;
	v8 =	vmul.f32 $5.000000000e-01, v1  }
0xfc: {  	v0 =	vadd.f32 v0, v6;
	v6 =	vsub.s32 $0x5F3759DF, v7;
	v7 =	vperm.xlane v2, v18  }
0xfd: {  	v3 =	vadd.f32 v3, v4;
	v4 =	vmul.f32 v6, v8  }
0xfe: {  	v9 =	vperm.xlane v0, v18;
	v2 =	vadd.f32 v2, v7  }
0xff: {  	v7 =	vperm.xlane v3, v18;
	v4 =	vmul.f32 v6, v4  }
0x100: {  	v0 =	vadd.f32 v0, v9;
	v2 =	vmax.f32 v2, $1.000000000e-30  }
0x101: {  	v3 =	vadd.f32 v3, v7;
	v7 =	vshrl.u32 v2, $0x1;
	v9 =	vmul.f32 $5.000000000e-01, v2  }
0x102: {  	v4 =	vsub.f32 $1.500000000e+00, v4;
	v0 =	vmax.f32 v0, $1.000000000e-30;
	v7 =	vsub.s32 $0x5F3759DF, v7  }
0x103: {  	v3 =	vmax.f32 v3, $1.000000000e-30;
	v10 =	vshrl.u32 v0, $0x1;
	v11 =	vmul.f32 $5.000000000e-01, v0  }
0x104: {  	v12 =	vshrl.u32 v3, $0x1;
	v42 =	vmul.f32 $5.000000000e-01, v3;
	v10 =	vsub.s32 $0x5F3759DF, v10  }
0x105: {  	v44 =	vmul.f32 v7, v9;
	v12 =	vsub.s32 $0x5F3759DF, v12;
	v43 =	vmul.f32 v10, v11  }
0x106: {  	v4 =	vmul.f32 v6, v4;
	v45 =	vmul.f32 v12, v42  }
0x107: {  	v6 =	vmul.f32 v10, v43;
	v43 =	vmul.f32 v7, v44  }
0x108: {  	v44 =	vmul.f32 v12, v45;
	v45 =	vmul.f32 v4, v8  }
0x109: {  	v6 =	vsub.f32 $1.500000000e+00, v6;
	v43 =	vsub.f32 $1.500000000e+00, v43  }
0x10a: {  	v44 =	vsub.f32 $1.500000000e+00, v44;
	v45 =	vmul.f32 v45, v4  }
0x10b: {  	v6 =	vmul.f32 v10, v6;
	v7 =	vmul.f32 v7, v43  }
0x10c: {  	v10 =	vmul.f32 v12, v44;
	v12 =	vsub.f32 $1.500000000e+00, v45  }
0x10d: {  	v43 =	vmul.f32 v6, v11;
	v44 =	vmul.f32 v7, v9  }
0x10e: {  	v45 =	vmul.f32 v10, v42;
	v4 =	vmul.f32 v12, v4  }
0x10f: {  	v12 =	vmul.f32 v43, v6;
	v43 =	vmul.f32 v44, v7  }
0x110: {  	v44 =	vmul.f32 v45, v10;
	v8 =	vmul.f32 v4, v8  }
0x111: {  	v12 =	vsub.f32 $1.500000000e+00, v12;
	v43 =	vsub.f32 $1.500000000e+00, v43  }
0x112: {  	v44 =	vsub.f32 $1.500000000e+00, v44;
	v8 =	vmul.f32 v8, v4  }
0x113: {  	v6 =	vmul.f32 v12, v6;
	v7 =	vmul.f32 v43, v7  }
0x114: {  	v10 =	vmul.f32 v44, v10;
	v8 =	vsub.f32 $1.500000000e+00, v8  }
0x115: {  	v11 =	vmul.f32 v6, v11;
	v9 =	vmul.f32 v7, v9  }
0x116: {  	v12 =	vmul.f32 v10, v42;
	v4 =	vmul.f32 v8, v4  }
0x117: {  	v8 =	vmul.f32 v11, v6;
	v9 =	vmul.f32 v9, v7  }
0x118: {  	v11 =	vmul.f32 v12, v10;
	v1 =	vmul.f32 v4, v1  }
0x119: {  	v4 =	vsub.f32 $1.500000000e+00, v8;
	v8 =	vsub.f32 $1.500000000e+00, v9  }
0x11a: {  	v9 =	vsub.f32 $1.500000000e+00, v11;
	v1 =	vadd.f32 $9.999999930e-09, v1  }
0x11b: {  	v4 =	vmul.f32 v4, v6;
	v6 =	vmul.f32 v8, v7  }
0x11c: {  	v7 =	vmul.f32 v9, v10;
	(erf) = vrcp.f32 v1  }
0x11d: {  	v0 =	vmul.f32 v4, v0;
	v1 =	vmul.f32 v6, v2  }
0x11e: {  	v2 =	vmul.f32 v7, v3  }
0x11f: {  	v0 =	vadd.f32 $9.999999930e-09, v0;
	v1 =	vadd.f32 $9.999999930e-09, v1  }
0x120: {  	v2 =	vadd.f32 $9.999999930e-09, v2  }
0x121: {  	(erf) = vrcp.f32 v0  }
0x122: {  	(erf) = vrcp.f32 v2  }
0x123: {  	(erf) = vrcp.f32 v1;
	_ =	sdelay $0x1  }
0x124: {  	v0 =	vpop (erf);
	_ =	sdelay $0x4  }
0x125: {  	v1 =	vpop (erf)  }
0x126: {  	v2 =	vpop (erf)  }
0x127: {  	v1 =	vmul.f32 v1, v40;
	v2 =	vmul.f32 v2, v41;
	v3 =	vpop (erf)  }
0x128: {  	v3 =	vmul.f32 v3, v39  }
0x129: {  	v0 =	vmul.f32 v0, v38;
	vm0 =	vgt.f32 v2, v1  }
0x12a: {  	v1 =	vsel vm0, v2, v1  }
0x12b: {  	vm1 =	vgt.f32 v0, v1  }
0x12c: {  	vm1 =	vmneg vm1  }
0x12d: {  	v2 =	vsel vm0, $0x1, v5;
	v0 =	vsel vm1, v1, v0  }
0x12e: {  	v1 =	vnsel vm1, $0x2, v2;
	vm0 =	vgt.f32 v3, v0  }
0x12f: {  	v0 =	vsel vm0, $0x3, v1;
	vm1 =	vmor vm1, vm0;
	v38 =	vnsel vm0, $0x0, v21  }
0x130: {  	vm0 =	veq.s32 v0, $0x0;
	vm2 =	veq.s32 v0, $0x1;
	v1 =	vsel vm1, $0x0, v21  }
0x131: {  	v2 =	vnsel vm0, $0x0, v21;
	v4 =	vnsel vm2, $0x0, v21;
	v0 =	vperm.xlane v1, v17  }
0x132: {  	v3 =	vperm.xlane v2, v17;
	v6 =	vperm.xlane v4, v17  }
0x133: {  	v7 =	vperm.xlane v38, v17;
	v0 =	vadd.f32 v1, v0  }
0x134: {  	v3 =	vadd.f32 v2, v3;
	v6 =	vadd.f32 v4, v6  }
0x135: {  	v7 =	vadd.f32 v38, v7;
	v8 =	vperm.xlane v0, v19  }
0x136: {  	v9 =	vperm.xlane v3, v19;
	v10 =	vperm.xlane v6, v19  }
0x137: {  	v0 =	vadd.f32 v0, v8;
	v8 =	vperm.xlane v7, v19  }
0x138: {  	v3 =	vadd.f32 v3, v9;
	v6 =	vadd.f32 v6, v10  }
0x139: {  	v9 =	vperm.xlane v0, v20;
	v7 =	vadd.f32 v7, v8  }
0x13a: {  	v8 =	vperm.xlane v3, v20;
	v10 =	vperm.xlane v6, v20  }
0x13b: {  	v0 =	vadd.f32 v0, v9;
	v9 =	vperm.xlane v7, v20  }
0x13c: {  	v3 =	vadd.f32 v3, v8;
	v6 =	vadd.f32 v6, v10  }
0x13d: {  	v8 =	vperm.xlane v0, v18;
	v7 =	vadd.f32 v7, v9  }
0x13e: {  	v9 =	vperm.xlane v3, v18;
	v10 =	vperm.xlane v6, v18  }
0x13f: {  	v8 =	vadd.f32 v0, v8;
	v11 =	vperm.xlane v7, v18  }
0x140: {  	v3 =	vadd.f32 v3, v9;
	v0 =	vadd.f32 v6, v10  }
0x141: {  	v6 =	vmax.f32 v8, $1.000000000e+00;
	v7 =	vadd.f32 v7, v11  }
0x142: {  	v9 =	vmax.f32 v3, $1.000000000e+00;
	v10 =	vmax.f32 v0, $1.000000000e+00;
	(erf) = vrcp.f32 v6  }
0x143: {  	vm1 =	vgt.f32 v3, $5.000000000e-01;
	v3 =	vmax.f32 v7, $1.000000000e+00;
	(erf) = vrcp.f32 v9  }
0x144: {  	(erf) = vrcp.f32 v10  }
0x145: {  	(erf) = vrcp.f32 v3;
	_ =	sdelay $0x4  }
.Ltmp0:
0x146: {  	(pc) =	sbr.rel @p0 .LBB2_2-.Ltmp0, $4  }
0x147: {  	v3 =	vpop (erf)  }
0x148: {  	v6 =	vmul.f32 v3, v1;
	v3 =	vpop (erf)  }
0x149: {  	vm0 =	vgt.f32 v8, $5.000000000e-01;
	v3 =	vmul.f32 v3, v2;
	v2 =	vpop (erf)  }
0x14a: {  	v2 =	vmul.f32 v2, v4;
	v34 =	vsel vm0, v6, v34;
	vm0 =	vgt.f32 v7, $5.000000000e-01;
	v1 =	vpop (erf)  }
0x14b: {  	v3 =	vsel vm1, v3, v37  }
0x14c: {  	v4 =	vperm.xlane v3, v5  }
0x14d: {  	v42 =	vimm.s32 $0x1  }
0x14e: {  	v6 =	vperm.xlane v3, v42;
	v4 =	vmul.f32 v4, v27  }
0x14f: {  	v7 =	vimm.s32 $0x2  }
0x150: {  	v7 =	vperm.xlane v3, v7;
	v6 =	vmul.f32 v6, v28;
	v4 =	vadd.f32 $0.0e+00, v4  }
0x151: {  	v9 =	vimm.s32 $0x2;
	vm12 =	vgt.f32 v0, $5.000000000e-01;
	v40 =	vimm.s32 $0x3  }
0x152: {  	v11 =	vimm.s32 $0x3;
	v4 =	vadd.f32 v6, v4;
	v6 =	vmul.f32 v7, v23  }
0x153: {  	v10 =	vimm.s32 $0x4;
	v1 =	vmul.f32 v1, v38;
	v7 =	vperm.xlane v3, v40  }
0x154: {  	v57 =	vperm.xlane v34, v5;
	v41 =	vadd.f32 v6, v4;
	v6 =	vimm.s32 $0x4  }
0x155: {  	v0 =	vsel vm12, v2, v36;
	v4 =	vmul.f32 v7, v26;
	v6 =	vperm.xlane v3, v6  }
0x156: {  	v62 =	vimm.s32 $0x3;
	v58 =	vperm.xlane v34, v42;
	v7 =	vperm.xlane v0, v5  }
0x157: {  	v2 =	vadd.f32 v4, v41;
	v4 =	vmul.f32 v6, v24;
	v6 =	vimm.s32 $0x5  }
0x158: {  	v14 =	vimm.s32 $0x5;
	v63 =	vperm.xlane v34, v62;
	v6 =	vperm.xlane v3, v6  }
0x159: {  	v13 =	vimm.s32 $0x6;
	v8 =	vperm.xlane v0, v42;
	v7 =	vmul.f32 v7, v27  }
0x15a: {  	v2 =	vadd.f32 v4, v2;
	v4 =	vmul.f32 v6, v25;
	v6 =	vimm.s32 $0x6  }
0x15b: {  	v12 =	vimm.s32 $0x7;
	v9 =	vperm.xlane v0, v9;
	v6 =	vperm.xlane v3, v6  }
0x15c: {  	v44 =	vperm.xlane v0, v11;
	v8 =	vmul.f32 v8, v28;
	v7 =	vadd.f32 $0.0e+00, v7  }
0x15d: {  	v2 =	vadd.f32 v4, v2;
	v4 =	vmul.f32 v6, v22;
	v6 =	vimm.s32 $0x7  }
0x15e: {  	v45 =	vimm.s32 $0x8;
	v47 =	vperm.xlane v0, v10;
	v6 =	vperm.xlane v3, v6  }
0x15f: {  	v50 =	vperm.xlane v0, v14;
	v43 =	vmul.f32 v9, v23;
	v7 =	vadd.f32 v8, v7  }
0x160: {  	v2 =	vadd.f32 v4, v2;
	v4 =	vmul.f32 v6, v29;
	v6 =	vimm.s32 $0x8  }
0x161: {  	v48 =	vimm.s32 $0x9;
	v52 =	vperm.xlane v0, v13;
	v6 =	vperm.xlane v3, v6  }
0x162: {  	v54 =	vperm.xlane v0, v12;
	v46 =	vmul.f32 v44, v26;
	v7 =	vadd.f32 v43, v7  }
0x163: {  	v2 =	vadd.f32 v4, v2;
	v4 =	vmul.f32 v6, v30;
	v6 =	vimm.s32 $0x9  }
0x164: {  	v55 =	vperm.xlane v0, v45;
	v1 =	vsel vm0, v1, v35;
	v6 =	vperm.xlane v3, v6  }
0x165: {  	v12 =	vimm.s32 $0x2;
	v49 =	vmul.f32 v47, v24;
	v7 =	vadd.f32 v46, v7  }
0x166: {  	v2 =	vadd.f32 v4, v2;
	v4 =	vmul.f32 v6, v31;
	v6 =	vperm.xlane v3, v15  }
0x167: {  	v59 =	vperm.xlane v34, v12;
	v51 =	vmul.f32 v50, v25;
	v7 =	vadd.f32 v49, v7  }
0x168: {  	v2 =	vadd.f32 v4, v2;
	v4 =	vmul.f32 v6, v32;
	v6 =	vperm.xlane v3, v16  }
0x169: {  	v38 =	vperm.xlane v1, v62;
	v53 =	vmul.f32 v52, v22;
	v7 =	vadd.f32 v51, v7  }
0x16a: {  	v62 =	vperm.xlane v34, v16;
	v2 =	vadd.f32 v4, v2;
	v4 =	vmul.f32 v6, v33  }
0x16b: {  	v9 =	vmul.f32 v58, v28;
	v6 =	vadd.f32 v53, v7;
	v7 =	vmul.f32 v54, v29  }
0x16c: {  	v61 =	vmul.f32 v59, v23;
	v40 =	vimm.s32 $0x5;
	v36 =	vadd.f32 v4, v2  }
0x16d: {  	v56 =	vadd.f32 v7, v6;
	v4 =	vmul.f32 v55, v30;
	v6 =	vperm.xlane v0, v48  }
0x16e: {  	v59 =	vperm.xlane v34, v15;
	v41 =	vperm.xlane v34, v40  }
0x16f: {  	v2 =	vadd.f32 v4, v56;
	v4 =	vmul.f32 v6, v31;
	v6 =	vperm.xlane v0, v15  }
0x170: {  	v44 =	vmul.f32 v41, v25;
	v8 =	vmul.f32 v57, v27;
	v48 =	vimm.s32 $0x7  }
0x171: {  	v2 =	vadd.f32 v4, v2;
	v4 =	vmul.f32 v6, v32;
	v6 =	vperm.xlane v0, v16  }
0x172: {  	v8 =	vadd.f32 $0.0e+00, v8;
	v46 =	vperm.xlane v1, v40;
	v49 =	vperm.xlane v34, v48  }
0x173: {  	v2 =	vadd.f32 v4, v2;
	v4 =	vmul.f32 v6, v33;
	v6 =	vperm.xlane v1, v5  }
0x174: {  	v55 =	vimm.s32 $0x9;
	v53 =	vperm.xlane v1, v48;
	v3 =	vmul.f32 v36, v3  }
0x175: {  	v35 =	vadd.f32 v4, v2;
	v60 =	vmul.f32 v6, v27;
	v4 =	vperm.xlane v1, v42  }
0x176: {  	v56 =	vperm.xlane v34, v55;
	v6 =	vadd.f32 v9, v8;
	v27 =	vperm.xlane v1, v12  }
0x177: {  	v12 =	vimm.s32 $0x4;
	v2 =	vadd.f32 $0.0e+00, v60;
	v4 =	vmul.f32 v4, v28  }
0x178: {  	v51 =	vmul.f32 v49, v29;
	v37 =	vperm.xlane v34, v12;
	v6 =	vadd.f32 v61, v6  }
0x179: {  	v28 =	vmul.f32 v63, v26;
	v2 =	vadd.f32 v4, v2;
	v4 =	vmul.f32 v27, v23  }
0x17a: {  	v43 =	vperm.xlane v1, v12;
	v12 =	vimm.s32 $0x6;
	v39 =	vmul.f32 v37, v24  }
0x17b: {  	v6 =	vadd.f32 v28, v6;
	v2 =	vadd.f32 v4, v2;
	v4 =	vmul.f32 v38, v26  }
0x17c: {  	v7 =	vperm.xlane v3, v17;
	v45 =	vperm.xlane v34, v12  }
0x17d: {  	v6 =	vadd.f32 v39, v6;
	v2 =	vadd.f32 v4, v2;
	v4 =	vmul.f32 v43, v24  }
0x17e: {  	v50 =	vperm.xlane v1, v12;
	v12 =	vimm.s32 $0x8;
	v47 =	vmul.f32 v45, v22  }
0x17f: {  	v6 =	vadd.f32 v44, v6;
	v2 =	vadd.f32 v4, v2;
	v4 =	vmul.f32 v46, v25  }
0x180: {  	v58 =	vmul.f32 v56, v31;
	v52 =	vperm.xlane v34, v12  }
0x181: {  	v6 =	vadd.f32 v47, v6;
	v2 =	vadd.f32 v4, v2;
	v4 =	vmul.f32 v50, v22  }
0x182: {  	v57 =	vperm.xlane v1, v12;
	v54 =	vmul.f32 v52, v30  }
0x183: {  	v6 =	vadd.f32 v51, v6;
	v2 =	vadd.f32 v4, v2;
	v4 =	vmul.f32 v53, v29  }
0x184: {  	v60 =	vperm.xlane v1, v55;
	v61 =	vmul.f32 v59, v32  }
0x185: {  	v6 =	vadd.f32 v54, v6;
	v2 =	vadd.f32 v4, v2;
	v4 =	vmul.f32 v57, v30  }
0x186: {  	v63 =	vperm.xlane v1, v15;
	v0 =	vmul.f32 v35, v0  }
0x187: {  	v6 =	vadd.f32 v58, v6;
	v2 =	vadd.f32 v4, v2;
	v4 =	vmul.f32 v60, v31  }
0x188: {  	v24 =	vmul.f32 v62, v33;
	v25 =	vperm.xlane v1, v16  }
0x189: {  	v6 =	vadd.f32 v61, v6;
	v2 =	vadd.f32 v4, v2;
	v4 =	vmul.f32 v63, v32  }
0x18a: {  	v3 =	vadd.f32 v3, v7;
	v7 =	vperm.xlane v0, v17  }
0x18b: {  	v6 =	vadd.f32 v24, v6;
	v2 =	vadd.f32 v4, v2;
	v4 =	vmul.f32 v25, v33  }
0x18c: {  	v26 =	vperm.xlane v3, v19;
	v0 =	vadd.f32 v0, v7  }
0x18d: {  	v7 =	vmul.f32 v6, v34;
	v2 =	vadd.f32 v4, v2  }
0x18e: {  	v3 =	vadd.f32 v3, v26;
	v4 =	vperm.xlane v0, v19  }
0x18f: {  	v27 =	vperm.xlane v7, v17;
	v1 =	vmul.f32 v2, v1  }
0x190: {  	v28 =	vperm.xlane v3, v20  }
0x191: {  	v0 =	vadd.f32 v0, v4;
	v4 =	vadd.f32 v7, v27;
	v7 =	vperm.xlane v1, v17  }
0x192: {  	v3 =	vadd.f32 v3, v28  }
0x193: {  	v29 =	vperm.xlane v0, v20;
	v30 =	vperm.xlane v4, v19;
	v1 =	vadd.f32 v1, v7  }
0x194: {  	v7 =	vperm.xlane v3, v18  }
0x195: {  	v0 =	vadd.f32 v0, v29;
	v4 =	vadd.f32 v4, v30;
	v31 =	vperm.xlane v1, v19  }
0x196: {  	v3 =	vadd.f32 v3, v7  }
0x197: {  	v7 =	vperm.xlane v0, v18;
	v9 =	vperm.xlane v4, v20;
	v1 =	vadd.f32 v1, v31  }
0x198: {  	v3 =	vmax.f32 v3, $1.000000000e-30  }
0x199: {  	v0 =	vadd.f32 v0, v7;
	v4 =	vadd.f32 v4, v9;
	v7 =	vperm.xlane v1, v20  }
0x19a: {  	v32 =	vshrl.u32 v3, $0x1  }
0x19b: {  	v0 =	vmax.f32 v0, $1.000000000e-30;
	v9 =	vperm.xlane v4, v18;
	v1 =	vadd.f32 v1, v7  }
0x19c: {  	v33 =	vmul.f32 $5.000000000e-01, v3;
	v34 =	vshrl.u32 v0, $0x1;
	v37 =	vmul.f32 $5.000000000e-01, v0  }
0x19d: {  	v7 =	vsub.s32 $0x5F3759DF, v32;
	v4 =	vadd.f32 v4, v9;
	v38 =	vperm.xlane v1, v18  }
0x19e: {  	v10 =	vsub.s32 $0x5F3759DF, v34;
	v12 =	vmul.f32 v7, v33  }
0x19f: {  	v22 =	vmul.f32 v10, v37;
	v4 =	vmax.f32 v4, $1.000000000e-30;
	v1 =	vadd.f32 v1, v38  }
0x1a0: {  	v39 =	vmul.f32 v7, v12;
	v12 =	vshrl.u32 v4, $0x1;
	v23 =	vmul.f32 $5.000000000e-01, v4  }
0x1a1: {  	v22 =	vmul.f32 v10, v22;
	v12 =	vsub.s32 $0x5F3759DF, v12;
	v1 =	vmax.f32 v1, $1.000000000e-30  }
0x1a2: {  	v40 =	vmul.f32 v12, v23;
	v41 =	vshrl.u32 v1, $0x1;
	v43 =	vmul.f32 $5.000000000e-01, v1  }
0x1a3: {  	v9 =	vsub.f32 $1.500000000e+00, v39;
	v22 =	vsub.f32 $1.500000000e+00, v22;
	v25 =	vsub.s32 $0x5F3759DF, v41  }
0x1a4: {  	v24 =	vmul.f32 v12, v40;
	v44 =	vmul.f32 v25, v43  }
0x1a5: {  	v7 =	vmul.f32 v7, v9;
	v45 =	vmul.f32 v10, v22  }
0x1a6: {  	v46 =	vsub.f32 $1.500000000e+00, v24;
	v22 =	vmul.f32 v25, v44  }
0x1a7: {  	v47 =	vmul.f32 v7, v33;
	v48 =	vmul.f32 v45, v37  }
0x1a8: {  	v10 =	vmul.f32 v12, v46;
	v12 =	vsub.f32 $1.500000000e+00, v22  }
0x1a9: {  	v49 =	vmul.f32 v48, v45;
	v22 =	vmul.f32 v47, v7  }
0x1aa: {  	v50 =	vmul.f32 v10, v23;
	v12 =	vmul.f32 v25, v12  }
0x1ab: {  	v24 =	vsub.f32 $1.500000000e+00, v49;
	v22 =	vsub.f32 $1.500000000e+00, v22  }
0x1ac: {  	v51 =	vmul.f32 v50, v10;
	v52 =	vmul.f32 v12, v43  }
0x1ad: {  	v9 =	vmul.f32 v24, v45;
	v7 =	vmul.f32 v22, v7  }
0x1ae: {  	v22 =	vsub.f32 $1.500000000e+00, v51;
	v53 =	vmul.f32 v52, v12  }
0x1af: {  	v11 =	vmul.f32 v9, v37;
	v8 =	vmul.f32 v7, v33  }
0x1b0: {  	v10 =	vmul.f32 v22, v10;
	v22 =	vsub.f32 $1.500000000e+00, v53  }
0x1b1: {  	v11 =	vmul.f32 v11, v9;
	v8 =	vmul.f32 v8, v7  }
0x1b2: {  	v23 =	vmul.f32 v10, v23;
	v12 =	vmul.f32 v22, v12  }
0x1b3: {  	v8 =	vsub.f32 $1.500000000e+00, v8  }
0x1b4: {  	v11 =	vsub.f32 $1.500000000e+00, v11;
	v22 =	vmul.f32 v23, v10;
	v23 =	vmul.f32 v12, v43  }
0x1b5: {  	v7 =	vmul.f32 v8, v7  }
0x1b6: {  	v54 =	vmul.f32 v11, v9;
	v55 =	vsub.f32 $1.500000000e+00, v22;
	v56 =	vmul.f32 v23, v12  }
0x1b7: {  	v3 =	vmul.f32 v7, v3  }
0x1b8: {  	v0 =	vmul.f32 v54, v0;
	v7 =	vmul.f32 v55, v10;
	v57 =	vsub.f32 $1.500000000e+00, v56  }
0x1b9: {  	v3 =	vadd.f32 $9.999999930e-09, v3  }
0x1ba: {  	v0 =	vadd.f32 $9.999999930e-09, v0;
	v4 =	vmul.f32 v7, v4;
	v7 =	vmul.f32 v57, v12  }
0x1bb: {  	(erf) = vrcp.f32 v3  }
0x1bc: {  	v58 =	vadd.f32 $9.999999930e-09, v4;
	(erf) = vrcp.f32 v0;
	v1 =	vmul.f32 v7, v1;
	_ =	sdelay $0x1  }
0x1bd: {  	(erf) = vrcp.f32 v58;
	v59 =	vadd.f32 $9.999999930e-09, v1;
	_ =	sdelay $0x1  }
0x1be: {  	(erf) = vrcp.f32 v59;
	_ =	sdelay $0x3  }
0x1bf: {  	v60 =	vpop (erf)  }
0x1c0: {  	v61 =	vpop (erf)  }
0x1c1: {  	v0 =	vmul.f32 v60, v36;
	v1 =	vmul.f32 v61, v35  }
0x1c2: {  	v3 =	vpop (erf)  }
0x1c3: {  	v3 =	vmul.f32 v3, v6;
	vm13 =	vgt.f32 v1, v0  }
0x1c4: {  	v31 =	vld [tilespmem:$0x830];
	v0 =	vsel vm13, v1, v0;
	v4 =	vpop (erf)  }
0x1c5: {  	v32 =	vld [tilespmem:$0x840];
	vm14 =	vgt.f32 v3, v0;
	v62 =	vmul.f32 v4, v2  }
0x1c6: {  	v38 =	vld [tilespmem:$0x800];
	v63 =	vsel vm13, $0x1, v5;
	v0 =	vsel vm14, v3, v0  }
0x1c7: {  	v37 =	vld [tilespmem:$0x860];
	v2 =	vsel vm14, $0x2, v63;
	vm15 =	vgt.f32 v62, v0  }
0x1c8: {  	v36 =	vld [tilespmem:$0x810];
	v14 =	vsel vm15, $0x3, v2  }
0x1c9: {  	v35 =	vld [tilespmem:$0x820];
	v41 =	vperm.xlane v14, v5  }
0x1ca: {  	v33 =	vld [tilespmem:$0x850]  }
0x1cb: {  	v39 =	vld [tilespmem:$0x870];
	v8 =	vimm.f32 $0.0e+00;
	vm4 =	veq.s32 v41, $0x0  }
0x1cc: {  	v13 =	vimm.f32 $0.0e+00;
	v29 =	vld [tilespmem:$0xC10];
	v0 =	vsel vm4, $0x3F800000, v8  }
0x1cd: {  	v40 =	vld [tilespmem:$0xC00];
	vm5 =	veq.s32 v41, $0x1;
	v9 =	vmul.f32 v0, v38;
	v10 =	vmul.f32 v0, v36  }
0x1ce: {  	vm6 =	veq.s32 v41, $0x2;
	v3 =	vmul.f32 v35, v0;
	v11 =	vmul.f32 v31, v0  }
0x1cf: {  	v30 =	vld [tilespmem:$0xC20];
	v44 =	vsel vm6, $0x3F800000, v13;
	v4 =	vmul.f32 v33, v0;
	v24 =	vmul.f32 v37, v0  }
0x1d0: {  	v25 =	vmul.f32 v39, v0;
	v48 =	vadd.f32 $0.0e+00, v3;
	v3 =	vmul.f32 v32, v0  }
0x1d1: {  	v27 =	vmul.f32 v29, v0;
	v59 =	vadd.f32 $0.0e+00, v9;
	v55 =	vadd.f32 $0.0e+00, v10  }
0x1d2: {  	v34 =	vld [tilespmem:$0xC30];
	v56 =	vadd.f32 $0.0e+00, v11;
	v51 =	vadd.f32 $0.0e+00, v3;
	v3 =	vmul.f32 v40, v0  }
0x1d3: {  	v45 =	vmul.f32 v44, v38;
	v52 =	vadd.f32 $0.0e+00, v4;
	v47 =	vadd.f32 $0.0e+00, v24  }
0x1d4: {  	v4 =	vsel vm5, $0x3F800000, v13;
	v26 =	vadd.f32 $0.0e+00, v3;
	v3 =	vmul.f32 v30, v0  }
0x1d5: {  	v43 =	vadd.f32 $0.0e+00, v25;
	v57 =	vadd.f32 $0.0e+00, v27;
	v28 =	vmul.f32 v4, v38  }
0x1d6: {  	v22 =	vmul.f32 v4, v36;
	v46 =	vadd.f32 $0.0e+00, v3;
	v3 =	vmul.f32 v33, v4  }
0x1d7: {  	v25 =	vmul.f32 v44, v36;
	v50 =	vadd.f32 $0.0e+00, v28;
	v0 =	vmul.f32 v34, v0  }
0x1d8: {  	v53 =	vmul.f32 v35, v4;
	v54 =	vadd.f32 $0.0e+00, v22;
	v62 =	vadd.f32 $0.0e+00, v3  }
0x1d9: {  	v27 =	vld [tilespmem:$0x890];
	v22 =	vmul.f32 v39, v4;
	v49 =	vadd.f32 $0.0e+00, v0;
	v3 =	vmul.f32 v30, v4  }
0x1da: {  	v28 =	vld [tilespmem:$0x880];
	v0 =	vadd.f32 $0.0e+00, v53;
	[tilespmem:$0x1F4F0] =	vst v62;
	v62 =	vadd.f32 $0.0e+00, v45;
	v45 =	vperm.xlane v14, v42  }
0x1db: {  	v58 =	vmul.f32 v31, v4;
	v60 =	vmul.f32 v32, v4;
	[tilespmem:$0x1F4C0] =	vst v26;
	v26 =	vadd.f32 $0.0e+00, v3  }
0x1dc: {  	v7 =	vld [tilespmem:$0x8C0];
	v61 =	vmul.f32 v37, v4;
	v8 =	vadd.f32 $0.0e+00, v22;
	[tilespmem:$0x1F4E0] =	vst v0;
	vm7 =	veq.s32 v45, $0x0  }
0x1dd: {  	v9 =	vmul.f32 v40, v4;
	v22 =	vmul.f32 v35, v44;
	[tilespmem:$0x1F520] =	vst v26;
	v26 =	vld [tilespmem:$0x8A0];
	v0 =	vsel vm7, $0x3F800000, v13  }
0x1de: {  	v63 =	vadd.f32 $0.0e+00, v61;
	v53 =	vadd.f32 $0.0e+00, v58;
	[tilespmem:$0x1F510] =	vst v8;
	v8 =	vld [tilespmem:$0x8B0];
	v2 =	vmul.f32 v0, v27  }
0x1df: {  	v23 =	vld [tilespmem:$0x8D0];
	v12 =	vadd.f32 $0.0e+00, v22;
	v22 =	vmul.f32 v33, v44;
	v3 =	vmul.f32 v0, v28  }
0x1e0: {  	v6 =	vld [tilespmem:$0x8F0];
	v10 =	vmul.f32 v29, v4;
	[tilespmem:$0x1F4D0] =	vst v54;
	v58 =	vadd.f32 $0.0e+00, v9;
	v2 =	vadd.f32 v2, v55  }
0x1e1: {  	v11 =	vmul.f32 v34, v4;
	[tilespmem:$0x1F500] =	vst v63;
	v9 =	vadd.f32 $0.0e+00, v22;
	v22 =	vld [tilespmem:$0xC90];
	v3 =	vadd.f32 v3, v59  }
0x1e2: {  	v54 =	vadd.f32 $0.0e+00, v60;
	v60 =	vadd.f32 $0.0e+00, v10;
	v1 =	vmul.f32 v26, v0;
	[tilespmem:$0x1F540] =	vst v2;
	v2 =	vld [tilespmem:$0xCB0]  }
0x1e3: {  	v10 =	vmul.f32 v31, v44;
	v63 =	vadd.f32 $0.0e+00, v25;
	[tilespmem:$0x1F530] =	vst v3;
	v3 =	vmul.f32 v8, v0  }
0x1e4: {  	v24 =	vld [tilespmem:$0x8E0];
	v25 =	vmul.f32 v37, v44;
	v48 =	vadd.f32 v1, v48;
	v1 =	vmul.f32 v7, v0  }
0x1e5: {  	v42 =	vadd.f32 $0.0e+00, v10;
	v3 =	vadd.f32 v3, v56;
	v56 =	vmul.f32 v6, v0  }
0x1e6: {  	v10 =	vadd.f32 $0.0e+00, v25;
	v25 =	vld [tilespmem:$0xCA0];
	v55 =	vmul.f32 v23, v0;
	v1 =	vadd.f32 v1, v51  }
0x1e7: {  	v4 =	vld [tilespmem:$0xC80];
	v56 =	vadd.f32 v56, v43;
	v43 =	vmul.f32 v22, v0;
	v51 =	vmul.f32 v2, v0  }
0x1e8: {  	v52 =	vadd.f32 v55, v52  }
0x1e9: {  	v59 =	vld [tilespmem:$0x1F4C0];
	[tilespmem:$0x1F550] =	vst v3;
	v3 =	vmul.f32 v24, v0;
	v43 =	vadd.f32 v43, v57;
	v57 =	vadd.f32 v51, v49  }
0x1ea: {  	[tilespmem:$0x1F570] =	vst v52  }
0x1eb: {  	v55 =	vadd.f32 v3, v47;
	v47 =	vmul.f32 v25, v0;
	[tilespmem:$0x1F5C0] =	vst v57;
	v57 =	vld [tilespmem:$0x1F4D0]  }
0x1ec: {  	vm8 =	veq.s32 v45, $0x1;
	[tilespmem:$0x1F590] =	vst v56;
	v3 =	vmul.f32 v4, v0  }
0x1ed: {  	[tilespmem:$0x1F580] =	vst v55;
	v55 =	vsel vm8, $0x3F800000, v13;
	v52 =	vadd.f32 v47, v46;
	v46 =	vld [tilespmem:$0x1F4E0]  }
0x1ee: {  	v56 =	vadd.f32 v3, v59;
	[tilespmem:$0x1F5A0] =	vst v43;
	v43 =	vmul.f32 v55, v28;
	v59 =	vmul.f32 v55, v27;
	_ =	sdelay $0x1  }
0x1ef: {  	[tilespmem:$0x1F5B0] =	vst v52;
	v52 =	vadd.f32 v43, v50;
	v43 =	vmul.f32 v26, v55;
	v0 =	vadd.f32 v59, v57;
	_ =	sdelay $0x1  }
0x1f0: {  	[tilespmem:$0x1F5E0] =	vst v0;
	v0 =	vadd.f32 v43, v46;
	v46 =	vld [tilespmem:$0x1F4F0];
	_ =	sdelay $0x2  }
0x1f1: {  	v47 =	vmul.f32 v8, v55;
	v50 =	vmul.f32 v23, v55  }
0x1f2: {  	vm9 =	veq.s32 v41, $0x3  }
0x1f3: {  	[tilespmem:$0x1F560] =	vst v1;
	v49 =	vadd.f32 v47, v53;
	v59 =	vmul.f32 v7, v55;
	v1 =	vadd.f32 v50, v46;
	v50 =	vld [tilespmem:$0x1F500]  }
0x1f4: {  	v61 =	vadd.f32 $0.0e+00, v11;
	v11 =	vmul.f32 v32, v44;
	v51 =	vmul.f32 v39, v44  }
0x1f5: {  	vm10 =	veq.s32 v45, $0x2;
	v53 =	vmul.f32 v22, v55;
	[tilespmem:$0x1F600] =	vst v49;
	v54 =	vadd.f32 v59, v54  }
0x1f6: {  	v49 =	vmul.f32 v4, v55;
	v57 =	vmul.f32 v24, v55;
	[tilespmem:$0x1F5F0] =	vst v0;
	v0 =	vadd.f32 $0.0e+00, v51;
	v51 =	vld [tilespmem:$0x1F510]  }
0x1f7: {  	vm11 =	veq.s32 v45, $0x3;
	v59 =	vmul.f32 v6, v55;
	[tilespmem:$0x1F610] =	vst v54;
	v54 =	vmul.f32 v25, v55  }
0x1f8: {  	v55 =	vmul.f32 v2, v55;
	[tilespmem:$0x1F620] =	vst v1;
	v1 =	vadd.f32 v57, v50;
	v57 =	vsel vm10, $0x3F800000, v13  }
0x1f9: {  	v45 =	vsel vm11, $0x3F800000, v13;
	[tilespmem:$0x1F5D0] =	vst v52;
	v52 =	vadd.f32 v49, v58;
	v49 =	vld [tilespmem:$0x1F520];
	v46 =	vmul.f32 v57, v27  }
0x1fa: {  	v50 =	vadd.f32 v55, v61;
	v58 =	vmul.f32 v23, v57;
	v47 =	vmul.f32 v24, v57  }
0x1fb: {  	v27 =	vmul.f32 v45, v27;
	v23 =	vmul.f32 v23, v45;
	[tilespmem:$0x1F630] =	vst v1;
	v1 =	vadd.f32 v59, v51  }
0x1fc: {  	v59 =	vadd.f32 v53, v60;
	v60 =	vmul.f32 v57, v28;
	v51 =	vmul.f32 v26, v57  }
0x1fd: {  	v28 =	vmul.f32 v45, v28;
	v26 =	vmul.f32 v26, v45;
	v53 =	vadd.f32 v46, v63  }
0x1fe: {  	v63 =	vmul.f32 v25, v57;
	v25 =	vmul.f32 v25, v45;
	[tilespmem:$0x1F640] =	vst v1;
	v1 =	vadd.f32 v54, v49  }
0x1ff: {  	v54 =	vmul.f32 v8, v57;
	v55 =	vadd.f32 v51, v12;
	v12 =	vmul.f32 v7, v57  }
0x200: {  	v11 =	vadd.f32 $0.0e+00, v11;
	[tilespmem:$0x1F660] =	vst v59;
	v59 =	vmul.f32 v40, v44;
	v51 =	vmul.f32 v6, v57  }
0x201: {  	[tilespmem:$0x1F650] =	vst v52;
	v52 =	vadd.f32 v60, v62;
	v62 =	vmul.f32 v22, v57;
	v8 =	vmul.f32 v8, v45  }
0x202: {  	[tilespmem:$0x1F680] =	vst v50;
	v50 =	vadd.f32 v58, v9;
	v7 =	vmul.f32 v7, v45;
	v6 =	vmul.f32 v6, v45  }
0x203: {  	[tilespmem:$0x1F6A0] =	vst v53;
	v53 =	vmul.f32 v30, v44;
	v46 =	vadd.f32 v54, v42;
	v49 =	vadd.f32 v12, v11  }
0x204: {  	[tilespmem:$0x1F690] =	vst v52;
	v12 =	vmul.f32 v29, v44;
	v52 =	vadd.f32 v47, v10;
	v54 =	vmul.f32 v34, v44  }
0x205: {  	[tilespmem:$0x1F670] =	vst v1;
	v0 =	vadd.f32 v51, v0;
	v58 =	vadd.f32 $0.0e+00, v59;
	v59 =	vmul.f32 v4, v57  }
0x206: {  	[tilespmem:$0x1F6B0] =	vst v55;
	v55 =	vsel vm9, $0x3F800000, v13;
	v1 =	vmul.f32 v2, v57;
	v4 =	vmul.f32 v4, v45  }
0x207: {  	v47 =	vimm.s32 $0x2;
	v38 =	vmul.f32 v55, v38;
	v36 =	vmul.f32 v55, v36  }
0x208: {  	v10 =	vadd.f32 $0.0e+00, v53;
	v35 =	vmul.f32 v35, v55;
	v31 =	vmul.f32 v31, v55  }
0x209: {  	v57 =	vld [tilespmem:$0xD20];
	v32 =	vmul.f32 v32, v55;
	v33 =	vmul.f32 v33, v55;
	v12 =	vadd.f32 $0.0e+00, v12  }
0x20a: {  	v40 =	vmul.f32 v40, v55;
	v53 =	vld [tilespmem:$0x1F540];
	v42 =	vadd.f32 $0.0e+00, v54;
	v61 =	vadd.f32 v59, v58  }
0x20b: {  	[tilespmem:$0x1F700] =	vst v0;
	v0 =	vmul.f32 v34, v55;
	v34 =	vld [tilespmem:$0x960];
	v36 =	vadd.f32 $0.0e+00, v36;
	v35 =	vadd.f32 $0.0e+00, v35  }
0x20c: {  	v37 =	vmul.f32 v37, v55;
	[tilespmem:$0x1F6F0] =	vst v52;
	v52 =	vld [tilespmem:$0x1F530];
	v31 =	vadd.f32 $0.0e+00, v31;
	v33 =	vadd.f32 $0.0e+00, v33  }
0x20d: {  	v39 =	vmul.f32 v39, v55;
	v60 =	vadd.f32 $0.0e+00, v40;
	v40 =	vadd.f32 v1, v42;
	v42 =	vld [tilespmem:$0x900]  }
0x20e: {  	v29 =	vmul.f32 v29, v55;
	v32 =	vadd.f32 $0.0e+00, v32;
	v8 =	vadd.f32 v8, v31;
	v31 =	vld [tilespmem:$0x920]  }
0x20f: {  	v26 =	vadd.f32 v26, v35;
	v23 =	vadd.f32 v23, v33;
	v33 =	vperm.xlane v14, v47;
	v35 =	vld [tilespmem:$0x940]  }
0x210: {  	v30 =	vmul.f32 v30, v55;
	v39 =	vadd.f32 $0.0e+00, v39;
	v27 =	vadd.f32 v27, v36;
	v36 =	vld [tilespmem:$0x910]  }
0x211: {  	v38 =	vadd.f32 $0.0e+00, v38;
	v11 =	vadd.f32 v4, v60;
	v4 =	vld [tilespmem:$0x1F560];
	vm12 =	veq.s32 v33, $0x0  }
0x212: {  	[tilespmem:$0x1F6C0] =	vst v46;
	v46 =	vadd.f32 v7, v32;
	v32 =	vld [tilespmem:$0x930];
	v55 =	vadd.f32 v6, v39;
	v39 =	vsel vm12, $0x3F800000, v13  }
0x213: {  	v30 =	vadd.f32 $0.0e+00, v30;
	v28 =	vadd.f32 v28, v38;
	v38 =	vld [tilespmem:$0x970];
	v51 =	vmul.f32 v31, v39  }
0x214: {  	v37 =	vadd.f32 $0.0e+00, v37;
	v29 =	vadd.f32 $0.0e+00, v29;
	v60 =	vld [tilespmem:$0x1F550];
	v58 =	vmul.f32 v35, v39  }
0x215: {  	v22 =	vmul.f32 v22, v45;
	v25 =	vadd.f32 v25, v30;
	v30 =	vadd.f32 v51, v48;
	v51 =	vld [tilespmem:$0x1F580]  }
0x216: {  	v10 =	vadd.f32 v63, v10;
	v41 =	vadd.f32 v58, v4;
	v4 =	vld [tilespmem:$0x1F5B0]  }
0x217: {  	[tilespmem:$0x1F6D0] =	vst v49;
	v22 =	vadd.f32 v22, v29;
	v29 =	vld [tilespmem:$0xD00];
	v49 =	vmul.f32 v39, v42;
	v54 =	vmul.f32 v32, v39  }
0x218: {  	[tilespmem:$0x1F6E0] =	vst v50;
	v12 =	vadd.f32 v62, v12;
	v7 =	vld [tilespmem:$0xD10];
	v62 =	vmul.f32 v34, v39;
	v50 =	vmul.f32 v39, v36  }
0x219: {  	[tilespmem:$0x1F710] =	vst v61;
	v44 =	vadd.f32 v49, v52;
	v52 =	vld [tilespmem:$0x1F590];
	v61 =	vadd.f32 v54, v60;
	v60 =	vmul.f32 v57, v39  }
0x21a: {  	v24 =	vmul.f32 v24, v45;
	v0 =	vadd.f32 $0.0e+00, v0;
	v47 =	vadd.f32 v62, v51;
	v62 =	vld [tilespmem:$0x1F5A0]  }
0x21b: {  	v2 =	vmul.f32 v2, v45;
	v45 =	vadd.f32 v50, v53;
	v50 =	vadd.f32 v60, v4;
	v4 =	vld [tilespmem:$0x1F5D0]  }
0x21c: {  	v24 =	vadd.f32 v24, v37;
	v37 =	vld [tilespmem:$0x950];
	vm13 =	veq.s32 v33, $0x1;
	v3 =	vmul.f32 v38, v39  }
0x21d: {  	v9 =	vadd.f32 v2, v0;
	v0 =	vsel vm13, $0x3F800000, v13;
	v43 =	vmul.f32 v29, v39  }
0x21e: {  	v63 =	vld [tilespmem:$0x1F570];
	v53 =	vmul.f32 v7, v39;
	v49 =	vadd.f32 v3, v52;
	v3 =	vmul.f32 v0, v42  }
0x21f: {  	v43 =	vadd.f32 v43, v56  }
0x220: {  	v56 =	vadd.f32 v53, v62;
	v53 =	vadd.f32 v3, v4;
	v3 =	vld [tilespmem:$0x1F5E0]  }
0x221: {  	v59 =	vmul.f32 v37, v39;
	_ =	sdelay $0x1  }
0x222: {  	[tilespmem:$0x1F720] =	vst v46;
	v46 =	vadd.f32 v59, v63;
	v63 =	vmul.f32 v0, v36;
	_ =	sdelay $0x1  }
0x223: {  	v51 =	vadd.f32 v63, v3;
	v3 =	vld [tilespmem:$0x1F5F0]  }
0x224: {  	v6 =	vld [tilespmem:$0x1F610]  }
0x225: {  	v62 =	vld [tilespmem:$0x1F620]  }
0x226: {  	v48 =	vld [tilespmem:$0xD30];
	v58 =	vmul.f32 v31, v0  }
0x227: {  	v54 =	vld [tilespmem:$0x1F5C0]  }
0x228: {  	v4 =	vld [tilespmem:$0x1F600];
	v52 =	vadd.f32 v58, v3;
	v3 =	vmul.f32 v37, v0  }
0x229: {  	v63 =	vld [tilespmem:$0x1F640]  }
0x22a: {  	v62 =	vadd.f32 v3, v62;
	v3 =	vld [tilespmem:$0x1F630]  }
0x22b: {  	v59 =	vmul.f32 v32, v0;
	v39 =	vmul.f32 v48, v39  }
0x22c: {  	v2 =	vmul.f32 v34, v0;
	v60 =	vmul.f32 v35, v0  }
0x22d: {  	v39 =	vadd.f32 v39, v54;
	v54 =	vadd.f32 v59, v4;
	v4 =	vmul.f32 v38, v0;
	v59 =	vld [tilespmem:$0x1F650]  }
0x22e: {  	v58 =	vadd.f32 v60, v6  }
0x22f: {  	v60 =	vadd.f32 v2, v3;
	v2 =	vadd.f32 v4, v63;
	v63 =	vld [tilespmem:$0x1F660]  }
0x230: {  	v1 =	vmul.f32 v29, v0;
	_ =	sdelay $0x1  }
0x231: {  	v59 =	vadd.f32 v1, v59;
	v1 =	vmul.f32 v7, v0;
	_ =	sdelay $0x1  }
0x232: {  	v63 =	vadd.f32 v1, v63;
	v1 =	vld [tilespmem:$0x1F670];
	_ =	sdelay $0x2  }
0x233: {  	v4 =	vmul.f32 v57, v0;
	_ =	sdelay $0x1  }
0x234: {  	v1 =	vadd.f32 v4, v1;
	v4 =	vld [tilespmem:$0x1F690]  }
0x235: {  	vm14 =	veq.s32 v33, $0x2  }
0x236: {  	v6 =	vmul.f32 v48, v0;
	v0 =	vsel vm14, $0x3F800000, v13  }
0x237: {  	v3 =	vmul.f32 v0, v42;
	_ =	sdelay $0x1  }
0x238: {  	v3 =	vadd.f32 v3, v4;
	_ =	sdelay $0x1  }
0x239: {  	[tilespmem:$0x1F760] =	vst v3;
	v3 =	vld [tilespmem:$0x1F6A0]  }
0x23a: {  	[tilespmem:$0x1F740] =	vst v1;
	v1 =	vld [tilespmem:$0x1F680];
	_ =	sdelay $0x1  }
0x23b: {  	[tilespmem:$0x1F730] =	vst v2;
	v2 =	vmul.f32 v0, v36;
	_ =	sdelay $0x1  }
0x23c: {  	v2 =	vadd.f32 v2, v3;
	v3 =	vld [tilespmem:$0x1F6B0]  }
0x23d: {  	v1 =	vadd.f32 v6, v1;
	_ =	sdelay $0x1  }
0x23e: {  	[tilespmem:$0x1F750] =	vst v1;
	v1 =	vmul.f32 v31, v0  }
0x23f: {  	v6 =	vld [tilespmem:$0x1F6D0]  }
0x240: {  	v1 =	vadd.f32 v1, v3;
	_ =	sdelay $0x1  }
0x241: {  	[tilespmem:$0x1F780] =	vst v1;
	v1 =	vmul.f32 v35, v0;
	_ =	sdelay $0x1  }
0x242: {  	v1 =	vadd.f32 v1, v6;
	_ =	sdelay $0x1  }
0x243: {  	[tilespmem:$0x1F7A0] =	vst v1;
	v1 =	vld [tilespmem:$0x1F6E0]  }
0x244: {  	v4 =	vld [tilespmem:$0x1F6C0];
	_ =	sdelay $0x1  }
0x245: {  	v3 =	vmul.f32 v37, v0  }
0x246: {  	[tilespmem:$0x1F770] =	vst v2;
	v2 =	vmul.f32 v32, v0  }
0x247: {  	v1 =	vadd.f32 v3, v1;
	v3 =	vld [tilespmem:$0x1F6F0]  }
0x248: {  	v2 =	vadd.f32 v2, v4;
	_ =	sdelay $0x1  }
0x249: {  	[tilespmem:$0x1F790] =	vst v2;
	v2 =	vmul.f32 v34, v0;
	_ =	sdelay $0x1  }
0x24a: {  	v2 =	vadd.f32 v2, v3;
	_ =	sdelay $0x1  }
0x24b: {  	[tilespmem:$0x1F7C0] =	vst v2;
	v2 =	vld [tilespmem:$0x1F700];
	_ =	sdelay $0x1  }
0x24c: {  	v3 =	vld [tilespmem:$0x1F710]  }
0x24d: {  	v4 =	vmul.f32 v38, v0;
	_ =	sdelay $0x1  }
0x24e: {  	[tilespmem:$0x1F7B0] =	vst v1;
	v1 =	vmul.f32 v29, v0;
	v2 =	vadd.f32 v4, v2;
	_ =	sdelay $0x1  }
0x24f: {  	v1 =	vadd.f32 v1, v3;
	[tilespmem:$0x1F7D0] =	vst v2;
	v2 =	vmul.f32 v7, v0  }
0x250: {  	vm15 =	veq.s32 v33, $0x3;
	v33 =	vmul.f32 v57, v0  }
0x251: {  	[tilespmem:$0x1F7E0] =	vst v1;
	v0 =	vmul.f32 v48, v0;
	v1 =	vadd.f32 v2, v12;
	v12 =	vsel vm15, $0x3F800000, v13  }
0x252: {  	v10 =	vadd.f32 v33, v10;
	v33 =	vmul.f32 v12, v42;
	v36 =	vmul.f32 v12, v36  }
0x253: {  	v31 =	vmul.f32 v31, v12;
	v42 =	vmul.f32 v37, v12;
	v37 =	vld [tilespmem:$0x1F720]  }
0x254: {  	v0 =	vadd.f32 v0, v40;
	v40 =	vld [tilespmem:$0x980];
	v32 =	vmul.f32 v32, v12;
	v29 =	vmul.f32 v29, v12  }
0x255: {  	v28 =	vadd.f32 v33, v28;
	v27 =	vadd.f32 v36, v27;
	v36 =	vmul.f32 v35, v12;
	v35 =	vld [tilespmem:$0x990]  }
0x256: {  	v34 =	vmul.f32 v34, v12;
	v26 =	vadd.f32 v31, v26;
	v8 =	vadd.f32 v32, v8;
	v32 =	vld [tilespmem:$0x9A0]  }
0x257: {  	v23 =	vadd.f32 v42, v23;
	v42 =	vimm.s32 $0x3;
	v11 =	vadd.f32 v29, v11;
	v29 =	vld [tilespmem:$0x9E0]  }
0x258: {  	v31 =	vperm.xlane v14, v42;
	v33 =	vadd.f32 v36, v37;
	v36 =	vmul.f32 v38, v12;
	v37 =	vld [tilespmem:$0x9B0]  }
0x259: {  	v7 =	vmul.f32 v7, v12;
	v38 =	vld [tilespmem:$0x9C0]  }
0x25a: {  	v24 =	vadd.f32 v34, v24;
	vm4 =	veq.s32 v31, $0x0;
	v34 =	vadd.f32 v36, v55;
	v36 =	vld [tilespmem:$0x9D0]  }
0x25b: {  	v42 =	vmul.f32 v57, v12;
	v12 =	vmul.f32 v48, v12;
	v48 =	vld [tilespmem:$0x9F0];
	v55 =	vsel vm4, $0x3F800000, v13  }
0x25c: {  	[tilespmem:$0x1F800] =	vst v0;
	v7 =	vadd.f32 v7, v22;
	v22 =	vld [tilespmem:$0xD80];
	v57 =	vmul.f32 v55, v40;
	v0 =	vmul.f32 v55, v35  }
0x25d: {  	v25 =	vadd.f32 v42, v25;
	v9 =	vadd.f32 v12, v9;
	v12 =	vld [tilespmem:$0xD90];
	v42 =	vmul.f32 v32, v55  }
0x25e: {  	v44 =	vadd.f32 v57, v44;
	v57 =	vld [tilespmem:$0xDA0];
	v0 =	vadd.f32 v0, v45  }
0x25f: {  	[tilespmem:$0x1F7F0] =	vst v1;
	v45 =	vmul.f32 v37, v55;
	v30 =	vadd.f32 v42, v30;
	v42 =	vld [tilespmem:$0xDB0];
	v1 =	vmul.f32 v36, v55  }
0x260: {  	v2 =	vmul.f32 v48, v55;
	[tilespmem:$0x1F810] =	vst v0;
	v0 =	vmul.f32 v38, v55  }
0x261: {  	v45 =	vadd.f32 v45, v61;
	v61 =	vmul.f32 v29, v55;
	v46 =	vadd.f32 v1, v46  }
0x262: {  	vm5 =	veq.s32 v31, $0x1;
	v0 =	vadd.f32 v0, v41;
	v41 =	vmul.f32 v22, v55  }
0x263: {  	v1 =	vmul.f32 v12, v55;
	[tilespmem:$0x1F830] =	vst v46;
	v46 =	vadd.f32 v61, v47;
	v61 =	vadd.f32 v2, v49  }
0x264: {  	v47 =	vmul.f32 v57, v55;
	v2 =	vmul.f32 v42, v55;
	v55 =	vsel vm5, $0x3F800000, v13  }
0x265: {  	v41 =	vadd.f32 v41, v43;
	v43 =	vadd.f32 v1, v56;
	v1 =	vmul.f32 v55, v35;
	_ =	sdelay $0x1  }
0x266: {  	v51 =	vadd.f32 v1, v51;
	v1 =	vmul.f32 v36, v55  }
0x267: {  	[tilespmem:$0x1F820] =	vst v0;
	v0 =	vmul.f32 v55, v40  }
0x268: {  	v39 =	vadd.f32 v2, v39;
	v2 =	vmul.f32 v32, v55;
	v56 =	vadd.f32 v1, v62;
	v62 =	vld [tilespmem:$0x1F730]  }
0x269: {  	[tilespmem:$0x1F840] =	vst v61;
	v47 =	vadd.f32 v47, v50;
	v61 =	vmul.f32 v37, v55  }
0x26a: {  	v50 =	vadd.f32 v0, v53;
	v49 =	vadd.f32 v2, v52;
	v1 =	vld [tilespmem:$0x1F740]  }
0x26b: {  	v53 =	vadd.f32 v61, v54;
	v2 =	vmul.f32 v29, v55;
	v61 =	vmul.f32 v48, v55;
	_ =	sdelay $0x1  }
0x26c: {  	v54 =	vadd.f32 v2, v60;
	v60 =	vadd.f32 v61, v62;
	v61 =	vmul.f32 v57, v55;
	_ =	sdelay $0x1  }
0x26d: {  	v0 =	vmul.f32 v38, v55;
	v61 =	vadd.f32 v61, v1;
	v1 =	vld [tilespmem:$0x1F750];
	_ =	sdelay $0x1  }
0x26e: {  	v52 =	vadd.f32 v0, v58;
	v58 =	vmul.f32 v22, v55  }
0x26f: {  	v2 =	vmul.f32 v12, v55;
	v55 =	vmul.f32 v42, v55;
	_ =	sdelay $0x1  }
0x270: {  	v6 =	vadd.f32 v55, v1;
	v1 =	vld [tilespmem:$0x1F760]  }
0x271: {  	vm6 =	veq.s32 v31, $0x2  }
0x272: {  	v62 =	vsel vm6, $0x3F800000, v13  }
0x273: {  	v58 =	vadd.f32 v58, v59;
	v59 =	vadd.f32 v2, v63;
	v63 =	vmul.f32 v62, v40;
	_ =	sdelay $0x1  }
0x274: {  	v63 =	vadd.f32 v63, v1;
	v1 =	vld [tilespmem:$0x1F770];
	_ =	sdelay $0x2  }
0x275: {  	v0 =	vmul.f32 v62, v35  }
0x276: {  	v3 =	vld [tilespmem:$0x1F790]  }
0x277: {  	v0 =	vadd.f32 v0, v1;
	_ =	sdelay $0x1  }
0x278: {  	[tilespmem:$0x1F850] =	vst v0;
	v0 =	vmul.f32 v37, v62;
	_ =	sdelay $0x1  }
0x279: {  	v1 =	vld [tilespmem:$0x1F780];
	v0 =	vadd.f32 v0, v3;
	_ =	sdelay $0x1  }
0x27a: {  	[tilespmem:$0x1F860] =	vst v0;
	v0 =	vld [tilespmem:$0x1F7A0]  }
0x27b: {  	v55 =	vmul.f32 v32, v62;
	_ =	sdelay $0x1  }
0x27c: {  	v55 =	vadd.f32 v55, v1;
	v1 =	vmul.f32 v38, v62;
	_ =	sdelay $0x1  }
0x27d: {  	v0 =	vadd.f32 v1, v0;
	_ =	sdelay $0x1  }
0x27e: {  	[tilespmem:$0x1F870] =	vst v0;
	v0 =	vld [tilespmem:$0x1F7B0];
	_ =	sdelay $0x2  }
0x27f: {  	v2 =	vmul.f32 v36, v62;
	v1 =	vld [tilespmem:$0x1F7C0];
	_ =	sdelay $0x1  }
0x280: {  	v0 =	vadd.f32 v2, v0;
	v2 =	vld [tilespmem:$0x1F7E0]  }
0x281: {  	v4 =	vmul.f32 v29, v62;
	_ =	sdelay $0x1  }
0x282: {  	v4 =	vadd.f32 v4, v1;
	v1 =	vld [tilespmem:$0x1F7D0];
	[tilespmem:$0x1F880] =	vst v0;
	v0 =	vmul.f32 v22, v62;
	_ =	sdelay $0x1  }
0x283: {  	v0 =	vadd.f32 v0, v2  }
0x284: {  	v3 =	vmul.f32 v48, v62  }
0x285: {  	[tilespmem:$0x1F8A0] =	vst v0;
	v0 =	vld [tilespmem:$0x1F7F0]  }
0x286: {  	v1 =	vadd.f32 v3, v1;
	_ =	sdelay $0x1  }
0x287: {  	[tilespmem:$0x1F890] =	vst v1;
	v1 =	vmul.f32 v12, v62;
	_ =	sdelay $0x1  }
0x288: {  	v0 =	vadd.f32 v1, v0  }
0x289: {  	vm7 =	veq.s32 v31, $0x3;
	v31 =	vmul.f32 v57, v62  }
0x28a: {  	[tilespmem:$0x1F8B0] =	vst v0;
	v0 =	vsel vm7, $0x3F800000, v13  }
0x28b: {  	v10 =	vadd.f32 v31, v10;
	v31 =	vmul.f32 v0, v40;
	v1 =	vmul.f32 v38, v0  }
0x28c: {  	v35 =	vmul.f32 v0, v35;
	v32 =	vmul.f32 v32, v0  }
0x28d: {  	v28 =	vadd.f32 v31, v28;
	v31 =	vadd.f32 v1, v33;
	v1 =	vmul.f32 v42, v0  }
0x28e: {  	v37 =	vmul.f32 v37, v0;
	v2 =	vmul.f32 v36, v0  }
0x28f: {  	v38 =	vimm.s32 $0x4;
	v27 =	vadd.f32 v35, v27;
	v35 =	vld [tilespmem:$0xA10];
	v1 =	vadd.f32 v1, v9  }
0x290: {  	v29 =	vmul.f32 v29, v0;
	v26 =	vadd.f32 v32, v26;
	v32 =	vperm.xlane v14, v38  }
0x291: {  	v48 =	vmul.f32 v48, v0;
	v22 =	vmul.f32 v22, v0;
	[tilespmem:$0x1F8C0] =	vst v1;
	v1 =	vld [tilespmem:$0x1F810]  }
0x292: {  	v12 =	vmul.f32 v12, v0;
	v8 =	vadd.f32 v37, v8;
	vm8 =	veq.s32 v32, $0x0  }
0x293: {  	v37 =	vld [tilespmem:$0xA30];
	v24 =	vadd.f32 v29, v24;
	v29 =	vadd.f32 v48, v34;
	v48 =	vsel vm8, $0x3F800000, v13  }
0x294: {  	v34 =	vmul.f32 v57, v0;
	v0 =	vmul.f32 v48, v35;
	_ =	sdelay $0x1  }
0x295: {  	v0 =	vadd.f32 v0, v1;
	_ =	sdelay $0x1  }
0x296: {  	[tilespmem:$0x1F8D0] =	vst v0;
	v0 =	vmul.f32 v37, v48;
	_ =	sdelay $0x1  }
0x297: {  	v38 =	vld [tilespmem:$0xA40];
	v0 =	vadd.f32 v0, v45  }
0x298: {  	v40 =	vld [tilespmem:$0x1F800]  }
0x299: {  	[tilespmem:$0x1F8E0] =	vst v0;
	v0 =	vld [tilespmem:$0x1F820];
	_ =	sdelay $0x2  }
0x29a: {  	v62 =	vmul.f32 v42, v62;
	v36 =	vld [tilespmem:$0xA20];
	v1 =	vmul.f32 v38, v48  }
0x29b: {  	v33 =	vld [tilespmem:$0xA50]  }
0x29c: {  	v40 =	vadd.f32 v62, v40;
	v62 =	vld [tilespmem:$0xA00];
	v0 =	vadd.f32 v1, v0  }
0x29d: {  	v11 =	vadd.f32 v22, v11;
	v22 =	vld [tilespmem:$0xA60]  }
0x29e: {  	[tilespmem:$0x1F8F0] =	vst v0;
	v0 =	vld [tilespmem:$0x1F830];
	_ =	sdelay $0x1  }
0x29f: {  	v7 =	vadd.f32 v12, v7;
	v12 =	vld [tilespmem:$0xE00]  }
0x2a0: {  	v23 =	vadd.f32 v2, v23;
	v42 =	vld [tilespmem:$0xA70];
	v2 =	vmul.f32 v33, v48;
	v57 =	vmul.f32 v48, v62  }
0x2a1: {  	v25 =	vadd.f32 v34, v25;
	v9 =	vld [tilespmem:$0xE10];
	v45 =	vmul.f32 v22, v48  }
0x2a2: {  	v34 =	vmul.f32 v36, v48;
	v44 =	vadd.f32 v57, v44;
	v57 =	vld [tilespmem:$0xE20];
	v0 =	vadd.f32 v2, v0  }
0x2a3: {  	v45 =	vadd.f32 v45, v46;
	v46 =	vld [tilespmem:$0x1F840]  }
0x2a4: {  	v30 =	vadd.f32 v34, v30;
	v34 =	vld [tilespmem:$0xE30];
	[tilespmem:$0x1F900] =	vst v0;
	v0 =	vmul.f32 v12, v48;
	_ =	sdelay $0x1  }
0x2a5: {  	v3 =	vmul.f32 v42, v48;
	v0 =	vadd.f32 v0, v41  }
0x2a6: {  	vm9 =	veq.s32 v32, $0x1;
	v41 =	vmul.f32 v9, v48  }
0x2a7: {  	v1 =	vadd.f32 v3, v46;
	v46 =	vmul.f32 v57, v48;
	[tilespmem:$0x1F920] =	vst v0;
	v0 =	vsel vm9, $0x3F800000, v13  }
0x2a8: {  	v48 =	vmul.f32 v34, v48;
	v41 =	vadd.f32 v41, v43;
	v43 =	vmul.f32 v0, v62  }
0x2a9: {  	[tilespmem:$0x1F910] =	vst v1;
	v46 =	vadd.f32 v46, v47;
	v1 =	vmul.f32 v0, v35;
	v47 =	vmul.f32 v36, v0  }
0x2aa: {  	v39 =	vadd.f32 v48, v39;
	v2 =	vmul.f32 v37, v0;
	v43 =	vadd.f32 v43, v50  }
0x2ab: {  	v1 =	vadd.f32 v1, v51;
	v47 =	vadd.f32 v47, v49;
	v50 =	vmul.f32 v33, v0  }
0x2ac: {  	v49 =	vmul.f32 v38, v0;
	v48 =	vadd.f32 v2, v53;
	v2 =	vmul.f32 v42, v0  }
0x2ad: {  	[tilespmem:$0x1F930] =	vst v1;
	v1 =	vmul.f32 v22, v0;
	v50 =	vadd.f32 v50, v56;
	v56 =	vmul.f32 v12, v0  }
0x2ae: {  	v49 =	vadd.f32 v49, v52;
	v53 =	vadd.f32 v2, v60;
	v60 =	vmul.f32 v9, v0  }
0x2af: {  	v52 =	vadd.f32 v56, v58;
	v56 =	vmul.f32 v57, v0;
	v0 =	vmul.f32 v34, v0;
	_ =	sdelay $0x1  }
0x2b0: {  	vm10 =	veq.s32 v32, $0x2;
	v0 =	vadd.f32 v0, v6  }
0x2b1: {  	v58 =	vsel vm10, $0x3F800000, v13  }
0x2b2: {  	v2 =	vmul.f32 v22, v58;
	[tilespmem:$0x1F940] =	vst v0;
	v0 =	vld [tilespmem:$0x1F860];
	_ =	sdelay $0x1  }
0x2b3: {  	v2 =	vadd.f32 v2, v4  }
0x2b4: {  	v56 =	vadd.f32 v56, v61;
	v61 =	vmul.f32 v37, v58  }
0x2b5: {  	[tilespmem:$0x1F950] =	vst v2;
	v2 =	vld [tilespmem:$0x1F890]  }
0x2b6: {  	v51 =	vadd.f32 v1, v54;
	v61 =	vadd.f32 v61, v0;
	v0 =	vld [tilespmem:$0x1F870]  }
0x2b7: {  	v54 =	vadd.f32 v60, v59;
	v59 =	vmul.f32 v58, v62;
	v6 =	vmul.f32 v36, v58  }
0x2b8: {  	v1 =	vmul.f32 v42, v58  }
0x2b9: {  	v59 =	vadd.f32 v59, v63;
	v63 =	vld [tilespmem:$0x1F850];
	v6 =	vadd.f32 v6, v55;
	v55 =	vmul.f32 v38, v58;
	_ =	sdelay $0x1  }
0x2ba: {  	v1 =	vadd.f32 v1, v2;
	v55 =	vadd.f32 v55, v0;
	v0 =	vld [tilespmem:$0x1F880]  }
0x2bb: {  	v60 =	vmul.f32 v58, v35  }
0x2bc: {  	[tilespmem:$0x1F960] =	vst v1;
	v1 =	vld [tilespmem:$0x1F8A0]  }
0x2bd: {  	v60 =	vadd.f32 v60, v63;
	v63 =	vmul.f32 v33, v58;
	_ =	sdelay $0x1  }
0x2be: {  	v63 =	vadd.f32 v63, v0;
	v0 =	vmul.f32 v12, v58;
	_ =	sdelay $0x1  }
0x2bf: {  	v0 =	vadd.f32 v0, v1;
	_ =	sdelay $0x1  }
0x2c0: {  	[tilespmem:$0x1F970] =	vst v0;
	v0 =	vld [tilespmem:$0x1F8B0];
	_ =	sdelay $0x2  }
0x2c1: {  	v4 =	vmul.f32 v9, v58;
	_ =	sdelay $0x1  }
0x2c2: {  	v0 =	vadd.f32 v4, v0  }
0x2c3: {  	vm11 =	veq.s32 v32, $0x3  }
0x2c4: {  	[tilespmem:$0x1F980] =	vst v0;
	v0 =	vsel vm11, $0x3F800000, v13  }
0x2c5: {  	v32 =	vmul.f32 v57, v58;
	v1 =	vmul.f32 v0, v62  }
0x2c6: {  	v35 =	vmul.f32 v0, v35;
	v36 =	vmul.f32 v36, v0  }
0x2c7: {  	v10 =	vadd.f32 v32, v10;
	v37 =	vmul.f32 v37, v0;
	v32 =	vmul.f32 v57, v0  }
0x2c8: {  	v2 =	vmul.f32 v38, v0;
	v33 =	vmul.f32 v33, v0;
	v27 =	vadd.f32 v35, v27;
	v35 =	vld [tilespmem:$0xA90]  }
0x2c9: {  	v22 =	vmul.f32 v22, v0;
	v42 =	vmul.f32 v42, v0;
	v25 =	vadd.f32 v32, v25;
	v32 =	vld [tilespmem:$0x1F8C0]  }
0x2ca: {  	v12 =	vmul.f32 v12, v0;
	v62 =	vimm.s32 $0x5;
	v26 =	vadd.f32 v36, v26;
	v36 =	vld [tilespmem:$0xAA0]  }
0x2cb: {  	v8 =	vadd.f32 v37, v8;
	v37 =	vld [tilespmem:$0xAB0];
	v23 =	vadd.f32 v33, v23;
	v33 =	vperm.xlane v14, v62  }
0x2cc: {  	v9 =	vmul.f32 v9, v0;
	v0 =	vmul.f32 v34, v0;
	v28 =	vadd.f32 v1, v28;
	v1 =	vld [tilespmem:$0x1F8D0]  }
0x2cd: {  	v22 =	vadd.f32 v22, v24;
	vm12 =	veq.s32 v33, $0x0  }
0x2ce: {  	v3 =	vld [tilespmem:$0x1F8E0];
	v24 =	vadd.f32 v42, v29;
	v42 =	vsel vm12, $0x3F800000, v13;
	v0 =	vadd.f32 v0, v32  }
0x2cf: {  	v38 =	vld [tilespmem:$0xAC0];
	v62 =	vmul.f32 v42, v35  }
0x2d0: {  	v11 =	vadd.f32 v12, v11;
	v12 =	vld [tilespmem:$0xAE0];
	[tilespmem:$0x1F990] =	vst v0;
	v0 =	vmul.f32 v36, v42  }
0x2d1: {  	v58 =	vmul.f32 v34, v58;
	v4 =	vld [tilespmem:$0x1F8F0];
	v62 =	vadd.f32 v62, v1;
	v1 =	vmul.f32 v37, v42  }
0x2d2: {  	v0 =	vadd.f32 v0, v30  }
0x2d3: {  	v40 =	vadd.f32 v58, v40;
	v58 =	vld [tilespmem:$0xA80];
	v1 =	vadd.f32 v1, v3  }
0x2d4: {  	[tilespmem:$0x1F9A0] =	vst v0;
	v0 =	vmul.f32 v38, v42  }
0x2d5: {  	v34 =	vld [tilespmem:$0xAF0];
	[tilespmem:$0x1F9B0] =	vst v1;
	v1 =	vmul.f32 v12, v42  }
0x2d6: {  	v29 =	vld [tilespmem:$0xAD0];
	v0 =	vadd.f32 v0, v4  }
0x2d7: {  	v1 =	vadd.f32 v1, v45;
	v45 =	vld [tilespmem:$0x1F910]  }
0x2d8: {  	v57 =	vmul.f32 v42, v58;
	[tilespmem:$0x1F9C0] =	vst v0;
	v0 =	vld [tilespmem:$0x1F900]  }
0x2d9: {  	v7 =	vadd.f32 v9, v7;
	v9 =	vld [tilespmem:$0xE80]  }
0x2da: {  	v44 =	vadd.f32 v57, v44;
	v57 =	vld [tilespmem:$0xEA0];
	v3 =	vmul.f32 v34, v42  }
0x2db: {  	v31 =	vadd.f32 v2, v31;
	v2 =	vmul.f32 v29, v42  }
0x2dc: {  	[tilespmem:$0x1F9E0] =	vst v1;
	v1 =	vadd.f32 v3, v45;
	v45 =	vld [tilespmem:$0x1F920]  }
0x2dd: {  	v32 =	vld [tilespmem:$0xE90];
	v0 =	vadd.f32 v2, v0  }
0x2de: {  	v30 =	vld [tilespmem:$0xEB0]  }
0x2df: {  	v2 =	vmul.f32 v57, v42;
	[tilespmem:$0x1F9D0] =	vst v0;
	v0 =	vmul.f32 v9, v42;
	_ =	sdelay $0x1  }
0x2e0: {  	v2 =	vadd.f32 v2, v46;
	v46 =	vld [tilespmem:$0x1F930];
	v0 =	vadd.f32 v0, v45  }
0x2e1: {  	vm13 =	veq.s32 v33, $0x1;
	v45 =	vmul.f32 v32, v42  }
0x2e2: {  	v42 =	vmul.f32 v30, v42;
	[tilespmem:$0x1FA00] =	vst v0;
	v0 =	vsel vm13, $0x3F800000, v13  }
0x2e3: {  	[tilespmem:$0x1F9F0] =	vst v1;
	v41 =	vadd.f32 v45, v41;
	v1 =	vmul.f32 v0, v35  }
0x2e4: {  	[tilespmem:$0x1FA10] =	vst v2;
	v39 =	vadd.f32 v42, v39;
	v45 =	vmul.f32 v0, v58;
	v2 =	vmul.f32 v37, v0  }
0x2e5: {  	v42 =	vmul.f32 v36, v0;
	v1 =	vadd.f32 v1, v46;
	v46 =	vmul.f32 v38, v0  }
0x2e6: {  	v43 =	vadd.f32 v45, v43;
	v45 =	vadd.f32 v2, v48;
	v48 =	vmul.f32 v12, v0  }
0x2e7: {  	v42 =	vadd.f32 v42, v47;
	v47 =	vmul.f32 v29, v0;
	v46 =	vadd.f32 v46, v49  }
0x2e8: {  	v49 =	vmul.f32 v9, v0;
	v48 =	vadd.f32 v48, v51;
	v51 =	vmul.f32 v57, v0  }
0x2e9: {  	vm14 =	veq.s32 v33, $0x2;
	v47 =	vadd.f32 v47, v50;
	v50 =	vmul.f32 v32, v0  }
0x2ea: {  	v49 =	vadd.f32 v49, v52;
	v52 =	vsel vm14, $0x3F800000, v13;
	v51 =	vadd.f32 v51, v56;
	v56 =	vld [tilespmem:$0x1F940]  }
0x2eb: {  	v50 =	vadd.f32 v50, v54;
	v54 =	vmul.f32 v52, v35;
	v2 =	vmul.f32 v36, v52  }
0x2ec: {  	[tilespmem:$0x1FA20] =	vst v1;
	v1 =	vmul.f32 v34, v0  }
0x2ed: {  	v0 =	vmul.f32 v30, v0;
	v54 =	vadd.f32 v54, v60;
	v60 =	vadd.f32 v2, v6;
	_ =	sdelay $0x1  }
0x2ee: {  	v0 =	vadd.f32 v0, v56;
	[tilespmem:$0x1FA50] =	vst v60;
	v56 =	vmul.f32 v38, v52;
	v60 =	vmul.f32 v29, v52  }
0x2ef: {  	v1 =	vadd.f32 v1, v53;
	v53 =	vmul.f32 v52, v58  }
0x2f0: {  	v55 =	vadd.f32 v56, v55;
	v56 =	vadd.f32 v60, v63;
	v63 =	vld [tilespmem:$0x1F950]  }
0x2f1: {  	v53 =	vadd.f32 v53, v59;
	v59 =	vmul.f32 v37, v52;
	_ =	sdelay $0x1  }
0x2f2: {  	v59 =	vadd.f32 v59, v61;
	v61 =	vmul.f32 v12, v52;
	_ =	sdelay $0x1  }
0x2f3: {  	v61 =	vadd.f32 v61, v63;
	v63 =	vld [tilespmem:$0x1F960];
	_ =	sdelay $0x2  }
0x2f4: {  	[tilespmem:$0x1FA40] =	vst v0;
	v0 =	vmul.f32 v34, v52;
	_ =	sdelay $0x1  }
0x2f5: {  	v0 =	vadd.f32 v0, v63;
	_ =	sdelay $0x1  }
0x2f6: {  	[tilespmem:$0x1FA60] =	vst v0;
	v0 =	vld [tilespmem:$0x1F970];
	_ =	sdelay $0x2  }
0x2f7: {  	v60 =	vmul.f32 v9, v52;
	_ =	sdelay $0x1  }
0x2f8: {  	v60 =	vadd.f32 v60, v0;
	v0 =	vld [tilespmem:$0x1F980];
	_ =	sdelay $0x2  }
0x2f9: {  	v63 =	vmul.f32 v32, v52  }
0x2fa: {  	vm15 =	veq.s32 v33, $0x3  }
0x2fb: {  	v0 =	vadd.f32 v63, v0;
	v63 =	vsel vm15, $0x3F800000, v13  }
0x2fc: {  	[tilespmem:$0x1FA30] =	vst v1;
	v1 =	vmul.f32 v63, v58;
	v36 =	vmul.f32 v36, v63  }
0x2fd: {  	v29 =	vmul.f32 v29, v63;
	v58 =	vimm.s32 $0x6  }
0x2fe: {  	v28 =	vadd.f32 v1, v28;
	v26 =	vadd.f32 v36, v26;
	v36 =	vld [tilespmem:$0xB20];
	v1 =	vmul.f32 v32, v63  }
0x2ff: {  	v37 =	vmul.f32 v37, v63;
	v23 =	vadd.f32 v29, v23;
	v29 =	vperm.xlane v14, v58  }
0x300: {  	v2 =	vmul.f32 v38, v63;
	v7 =	vadd.f32 v1, v7;
	v1 =	vld [tilespmem:$0x1F9A0]  }
0x301: {  	v33 =	vmul.f32 v57, v52;
	v8 =	vadd.f32 v37, v8;
	vm4 =	veq.s32 v29, $0x0  }
0x302: {  	v31 =	vadd.f32 v2, v31;
	v37 =	vld [tilespmem:$0xB40];
	v2 =	vmul.f32 v57, v63;
	v57 =	vsel vm4, $0x3F800000, v13  }
0x303: {  	[tilespmem:$0x1FA70] =	vst v0;
	v0 =	vmul.f32 v36, v57  }
0x304: {  	v6 =	vld [tilespmem:$0x1F9C0]  }
0x305: {  	v0 =	vadd.f32 v0, v1  }
0x306: {  	v12 =	vmul.f32 v12, v63  }
0x307: {  	v10 =	vadd.f32 v33, v10;
	v33 =	vmul.f32 v34, v63;
	[tilespmem:$0x1FA80] =	vst v0;
	v0 =	vmul.f32 v37, v57  }
0x308: {  	v35 =	vmul.f32 v63, v35;
	v12 =	vadd.f32 v12, v22  }
0x309: {  	v22 =	vadd.f32 v33, v24;
	v24 =	vld [tilespmem:$0xB50];
	v0 =	vadd.f32 v0, v6  }
0x30a: {  	v27 =	vadd.f32 v35, v27;
	v35 =	vld [tilespmem:$0xB10]  }
0x30b: {  	[tilespmem:$0x1FA90] =	vst v0;
	v0 =	vld [tilespmem:$0x1F9D0]  }
0x30c: {  	v34 =	vld [tilespmem:$0xB30]  }
0x30d: {  	v52 =	vmul.f32 v30, v52;
	v32 =	vld [tilespmem:$0xB60]  }
0x30e: {  	v9 =	vmul.f32 v9, v63;
	v25 =	vadd.f32 v2, v25;
	v2 =	vld [tilespmem:$0x1F9B0];
	v1 =	vmul.f32 v24, v57  }
0x30f: {  	v30 =	vmul.f32 v30, v63;
	v63 =	vmul.f32 v57, v35  }
0x310: {  	v0 =	vadd.f32 v1, v0;
	v1 =	vld [tilespmem:$0x1F9E0]  }
0x311: {  	v62 =	vadd.f32 v63, v62;
	v63 =	vmul.f32 v34, v57;
	_ =	sdelay $0x1  }
0x312: {  	v63 =	vadd.f32 v63, v2;
	v2 =	vmul.f32 v32, v57;
	_ =	sdelay $0x1  }
0x313: {  	v38 =	vld [tilespmem:$0xB70];
	v1 =	vadd.f32 v2, v1;
	_ =	sdelay $0x1  }
0x314: {  	[tilespmem:$0x1FAB0] =	vst v1;
	v1 =	vld [tilespmem:$0x1F9F0]  }
0x315: {  	v33 =	vld [tilespmem:$0x1F990];
	_ =	sdelay $0x1  }
0x316: {  	v9 =	vadd.f32 v9, v11;
	v11 =	vld [tilespmem:$0xF00];
	v3 =	vmul.f32 v38, v57;
	_ =	sdelay $0x1  }
0x317: {  	v3 =	vadd.f32 v3, v1;
	v1 =	vld [tilespmem:$0x1FA00]  }
0x318: {  	v30 =	vadd.f32 v30, v33;
	v33 =	vld [tilespmem:$0xF10];
	_ =	sdelay $0x1  }
0x319: {  	v40 =	vadd.f32 v52, v40;
	v52 =	vld [tilespmem:$0xB00];
	[tilespmem:$0x1FAA0] =	vst v0;
	v0 =	vmul.f32 v11, v57;
	_ =	sdelay $0x1  }
0x31a: {  	v0 =	vadd.f32 v0, v1  }
0x31b: {  	vm5 =	veq.s32 v29, $0x1;
	v1 =	vmul.f32 v33, v57  }
0x31c: {  	[tilespmem:$0x1FAC0] =	vst v0;
	v0 =	vsel vm5, $0x3F800000, v13  }
0x31d: {  	v1 =	vadd.f32 v1, v41;
	v41 =	vmul.f32 v0, v52  }
0x31e: {  	v4 =	vld [tilespmem:$0xF30];
	v58 =	vmul.f32 v57, v52  }
0x31f: {  	v41 =	vadd.f32 v41, v43;
	v43 =	vld [tilespmem:$0x1FA20]  }
0x320: {  	v44 =	vadd.f32 v58, v44;
	v58 =	vld [tilespmem:$0xF20];
	_ =	sdelay $0x1  }
0x321: {  	[tilespmem:$0x1FAD0] =	vst v1;
	v1 =	vmul.f32 v0, v35  }
0x322: {  	v6 =	vld [tilespmem:$0x1FA10]  }
0x323: {  	v1 =	vadd.f32 v1, v43;
	v43 =	vmul.f32 v34, v0  }
0x324: {  	v2 =	vmul.f32 v58, v57;
	v57 =	vmul.f32 v4, v57  }
0x325: {  	v43 =	vadd.f32 v43, v45;
	v45 =	vmul.f32 v32, v0  }
0x326: {  	v39 =	vadd.f32 v57, v39;
	v57 =	vmul.f32 v36, v0  }
0x327: {  	v2 =	vadd.f32 v2, v6;
	v45 =	vadd.f32 v45, v48;
	v48 =	vld [tilespmem:$0x1FA30]  }
0x328: {  	v42 =	vadd.f32 v57, v42;
	v57 =	vmul.f32 v37, v0;
	[tilespmem:$0x1FAF0] =	vst v1;
	v1 =	vmul.f32 v24, v0  }
0x329: {  	[tilespmem:$0x1FAE0] =	vst v2;
	v2 =	vmul.f32 v38, v0  }
0x32a: {  	v46 =	vadd.f32 v57, v46;
	v57 =	vmul.f32 v11, v0;
	v1 =	vadd.f32 v1, v47  }
0x32b: {  	vm6 =	veq.s32 v29, $0x2  }
0x32c: {  	v47 =	vadd.f32 v57, v49;
	v49 =	vmul.f32 v58, v0;
	[tilespmem:$0x1FB00] =	vst v1;
	v1 =	vadd.f32 v2, v48  }
0x32d: {  	v57 =	vsel vm6, $0x3F800000, v13;
	v48 =	vmul.f32 v33, v0  }
0x32e: {  	v49 =	vadd.f32 v49, v51;
	v51 =	vld [tilespmem:$0x1FA40];
	[tilespmem:$0x1FB10] =	vst v1;
	v1 =	vmul.f32 v4, v0;
	v0 =	vmul.f32 v57, v35;
	_ =	sdelay $0x1  }
0x32f: {  	v48 =	vadd.f32 v48, v50;
	v50 =	vmul.f32 v57, v52;
	v0 =	vadd.f32 v0, v54;
	v54 =	vld [tilespmem:$0x1FA50];
	_ =	sdelay $0x1  }
0x330: {  	v50 =	vadd.f32 v50, v53;
	v53 =	vmul.f32 v34, v57  }
0x331: {  	v1 =	vadd.f32 v1, v51;
	v51 =	vmul.f32 v36, v57  }
0x332: {  	v53 =	vadd.f32 v53, v59  }
0x333: {  	v59 =	vmul.f32 v32, v57;
	v6 =	vadd.f32 v51, v54;
	v54 =	vmul.f32 v24, v57  }
0x334: {  	v51 =	vmul.f32 v37, v57  }
0x335: {  	v54 =	vadd.f32 v54, v56;
	v56 =	vadd.f32 v59, v61;
	v59 =	vld [tilespmem:$0x1FA60]  }
0x336: {  	v51 =	vadd.f32 v51, v55;
	v55 =	vmul.f32 v11, v57  }
0x337: {  	vm7 =	veq.s32 v29, $0x3;
	v29 =	vmul.f32 v58, v57;
	v61 =	vld [tilespmem:$0x1FA70]  }
0x338: {  	[tilespmem:$0x1FB30] =	vst v0;
	v0 =	vmul.f32 v38, v57;
	v55 =	vadd.f32 v55, v60;
	v60 =	vsel vm7, $0x3F800000, v13  }
0x339: {  	v37 =	vmul.f32 v37, v60  }
0x33a: {  	v10 =	vadd.f32 v29, v10;
	v0 =	vadd.f32 v0, v59;
	v59 =	vmul.f32 v33, v57  }
0x33b: {  	v24 =	vmul.f32 v24, v60;
	v57 =	vmul.f32 v4, v57;
	v29 =	vadd.f32 v37, v31  }
0x33c: {  	v37 =	vld [tilespmem:$0xBC0];
	v4 =	vmul.f32 v4, v60;
	v59 =	vadd.f32 v59, v61;
	v61 =	vimm.s32 $0x7  }
0x33d: {  	v23 =	vadd.f32 v24, v23;
	v24 =	vperm.xlane v14, v61  }
0x33e: {  	v40 =	vadd.f32 v57, v40;
	v57 =	vmul.f32 v38, v60;
	v61 =	vadd.f32 v4, v30;
	v4 =	vld [tilespmem:$0x1FA90]  }
0x33f: {  	vm8 =	veq.s32 v24, $0x0  }
0x340: {  	v22 =	vadd.f32 v57, v22;
	v57 =	vsel vm8, $0x3F800000, v13  }
0x341: {  	v31 =	vmul.f32 v32, v60;
	[tilespmem:$0x1FB40] =	vst v0;
	v0 =	vmul.f32 v37, v57;
	_ =	sdelay $0x1  }
0x342: {  	v12 =	vadd.f32 v31, v12;
	v31 =	vld [tilespmem:$0xBD0];
	v0 =	vadd.f32 v0, v4  }
0x343: {  	v36 =	vmul.f32 v36, v60  }
0x344: {  	[tilespmem:$0x1FB60] =	vst v0;
	v0 =	vld [tilespmem:$0x1FAA0]  }
0x345: {  	[tilespmem:$0x1FB20] =	vst v1;
	v1 =	vmul.f32 v33, v60;
	v26 =	vadd.f32 v36, v26;
	v36 =	vld [tilespmem:$0xBB0]  }
0x346: {  	v32 =	vld [tilespmem:$0xBE0]  }
0x347: {  	v2 =	vmul.f32 v60, v52;
	v7 =	vadd.f32 v1, v7;
	v38 =	vld [tilespmem:$0xBF0];
	v1 =	vmul.f32 v31, v57;
	_ =	sdelay $0x1  }
0x348: {  	v28 =	vadd.f32 v2, v28;
	v2 =	vmul.f32 v58, v60;
	v0 =	vadd.f32 v1, v0;
	v1 =	vld [tilespmem:$0x1FAB0]  }
0x349: {  	[tilespmem:$0x1FB50] =	vst v61;
	v61 =	vmul.f32 v36, v57  }
0x34a: {  	v11 =	vmul.f32 v11, v60;
	v25 =	vadd.f32 v2, v25  }
0x34b: {  	v2 =	vmul.f32 v38, v57;
	v61 =	vadd.f32 v61, v63;
	v63 =	vmul.f32 v32, v57  }
0x34c: {  	v9 =	vadd.f32 v11, v9  }
0x34d: {  	v11 =	vld [tilespmem:$0xF80];
	v63 =	vadd.f32 v63, v1;
	v1 =	vadd.f32 v2, v3  }
0x34e: {  	v35 =	vmul.f32 v60, v35  }
0x34f: {  	[tilespmem:$0x1FB80] =	vst v1;
	v1 =	vld [tilespmem:$0x1FAC0]  }
0x350: {  	v27 =	vadd.f32 v35, v27;
	v35 =	vld [tilespmem:$0xB90];
	_ =	sdelay $0x1  }
0x351: {  	v30 =	vld [tilespmem:$0xF90];
	[tilespmem:$0x1FB70] =	vst v0;
	v0 =	vmul.f32 v11, v57  }
0x352: {  	v34 =	vmul.f32 v34, v60;
	v52 =	vld [tilespmem:$0xB80]  }
0x353: {  	v0 =	vadd.f32 v0, v1;
	v1 =	vld [tilespmem:$0x1FAD0]  }
0x354: {  	v8 =	vadd.f32 v34, v8;
	v34 =	vld [tilespmem:$0xBA0];
	v60 =	vmul.f32 v57, v35;
	_ =	sdelay $0x1  }
0x355: {  	v60 =	vadd.f32 v60, v62;
	v62 =	vld [tilespmem:$0x1FA80];
	v3 =	vmul.f32 v30, v57;
	_ =	sdelay $0x1  }
0x356: {  	vm9 =	veq.s32 v24, $0x1;
	v58 =	vmul.f32 v57, v52;
	v1 =	vadd.f32 v3, v1  }
0x357: {  	v33 =	vmul.f32 v34, v57;
	[tilespmem:$0x1FB90] =	vst v0;
	v0 =	vsel vm9, $0x3F800000, v13  }
0x358: {  	v44 =	vadd.f32 v58, v44;
	v58 =	vld [tilespmem:$0xFA0];
	[tilespmem:$0x1FBA0] =	vst v1;
	v1 =	vmul.f32 v0, v52  }
0x359: {  	v33 =	vadd.f32 v33, v62;
	v62 =	vld [tilespmem:$0xFB0]  }
0x35a: {  	v1 =	vadd.f32 v1, v41;
	v41 =	vld [tilespmem:$0x1FAF0];
	_ =	sdelay $0x1  }
0x35b: {  	v3 =	vld [tilespmem:$0x1FAE0]  }
0x35c: {  	v2 =	vmul.f32 v0, v35  }
0x35d: {  	v4 =	vmul.f32 v58, v57;
	v57 =	vmul.f32 v62, v57  }
0x35e: {  	[tilespmem:$0x1FBB0] =	vst v1;
	v1 =	vadd.f32 v2, v41;
	v41 =	vmul.f32 v36, v0  }
0x35f: {  	v39 =	vadd.f32 v57, v39;
	v57 =	vmul.f32 v34, v0  }
0x360: {  	v4 =	vadd.f32 v4, v3;
	v3 =	vld [tilespmem:$0x1FB00];
	v41 =	vadd.f32 v41, v43;
	v43 =	vmul.f32 v32, v0;
	_ =	sdelay $0x1  }
0x361: {  	v42 =	vadd.f32 v57, v42;
	v57 =	vmul.f32 v37, v0;
	v43 =	vadd.f32 v43, v45;
	v45 =	vld [tilespmem:$0x1FB10]  }
0x362: {  	[tilespmem:$0x1FBC0] =	vst v1;
	v1 =	vmul.f32 v31, v0  }
0x363: {  	v46 =	vadd.f32 v57, v46  }
0x364: {  	v57 =	vmul.f32 v11, v0;
	v2 =	vmul.f32 v38, v0;
	v1 =	vadd.f32 v1, v3  }
0x365: {  	vm10 =	veq.s32 v24, $0x2  }
0x366: {  	[tilespmem:$0x1FBD0] =	vst v1;
	v1 =	vadd.f32 v2, v45;
	v45 =	vadd.f32 v57, v47;
	v47 =	vmul.f32 v30, v0  }
0x367: {  	v57 =	vmul.f32 v58, v0;
	v2 =	vmul.f32 v62, v0;
	v0 =	vsel vm10, $0x3F800000, v13  }
0x368: {  	v47 =	vadd.f32 v47, v48;
	v48 =	vmul.f32 v0, v52;
	_ =	sdelay $0x1  }
0x369: {  	v48 =	vadd.f32 v48, v50;
	v50 =	vld [tilespmem:$0x1FB30]  }
0x36a: {  	v3 =	vld [tilespmem:$0x1FB20]  }
0x36b: {  	v49 =	vadd.f32 v57, v49;
	v57 =	vmul.f32 v34, v0  }
0x36c: {  	[tilespmem:$0x1FBE0] =	vst v1;
	v1 =	vmul.f32 v0, v35  }
0x36d: {  	v6 =	vadd.f32 v57, v6;
	v57 =	vmul.f32 v37, v0  }
0x36e: {  	v1 =	vadd.f32 v1, v50;
	v50 =	vmul.f32 v36, v0  }
0x36f: {  	v2 =	vadd.f32 v2, v3;
	v51 =	vadd.f32 v57, v51;
	v57 =	vld [tilespmem:$0x1FB40]  }
0x370: {  	[tilespmem:$0x1FC00] =	vst v1;
	v1 =	vmul.f32 v31, v0;
	v50 =	vadd.f32 v50, v53;
	v53 =	vmul.f32 v32, v0  }
0x371: {  	vm11 =	veq.s32 v24, $0x3;
	v24 =	vmul.f32 v58, v0;
	[tilespmem:$0x1FBF0] =	vst v2;
	v2 =	vmul.f32 v38, v0  }
0x372: {  	v1 =	vadd.f32 v1, v54;
	v53 =	vadd.f32 v53, v56;
	v56 =	vsel vm11, $0x3F800000, v13  }
0x373: {  	v54 =	vmul.f32 v11, v0;
	v35 =	vmul.f32 v56, v35  }
0x374: {  	v34 =	vmul.f32 v34, v56;
	[tilespmem:$0x1FC10] =	vst v1;
	v1 =	vadd.f32 v2, v57;
	v2 =	vmul.f32 v30, v0  }
0x375: {  	v10 =	vadd.f32 v24, v10;
	v36 =	vmul.f32 v36, v56;
	v37 =	vmul.f32 v37, v56  }
0x376: {  	v54 =	vadd.f32 v54, v55;
	v55 =	vadd.f32 v2, v59;
	v59 =	vmul.f32 v56, v52  }
0x377: {  	v31 =	vmul.f32 v31, v56;
	v11 =	vmul.f32 v11, v56;
	v27 =	vadd.f32 v35, v27;
	v35 =	vld [tilespmem:$0x1010]  }
0x378: {  	v26 =	vadd.f32 v34, v26;
	v34 =	vld [tilespmem:$0x1020];
	v24 =	vadd.f32 v59, v28;
	v59 =	vimm.s32 $0x8  }
0x379: {  	v0 =	vmul.f32 v62, v0;
	v23 =	vadd.f32 v31, v23;
	v31 =	vperm.xlane v14, v59  }
0x37a: {  	v57 =	vmul.f32 v38, v56;
	v38 =	vmul.f32 v62, v56;
	v8 =	vadd.f32 v36, v8;
	v36 =	vld [tilespmem:$0x1030]  }
0x37b: {  	v62 =	vld [tilespmem:$0x1FB50];
	v52 =	vmul.f32 v32, v56;
	v2 =	vmul.f32 v58, v56;
	vm12 =	veq.s32 v31, $0x0  }
0x37c: {  	[tilespmem:$0x1FC20] =	vst v1;
	v1 =	vmul.f32 v30, v56;
	v30 =	vld [tilespmem:$0x1060];
	v28 =	vadd.f32 v37, v29;
	v56 =	vsel vm12, $0x3F800000, v13  }
0x37d: {  	v37 =	vld [tilespmem:$0x1040];
	v25 =	vadd.f32 v2, v25;
	v58 =	vmul.f32 v56, v35;
	v2 =	vmul.f32 v34, v56  }
0x37e: {  	v9 =	vadd.f32 v11, v9;
	v11 =	vld [tilespmem:$0x1400]  }
0x37f: {  	v58 =	vadd.f32 v58, v60;
	v60 =	vmul.f32 v36, v56;
	v33 =	vadd.f32 v2, v33;
	v2 =	vld [tilespmem:$0x1FB60]  }
0x380: {  	v0 =	vadd.f32 v0, v40;
	v40 =	vld [tilespmem:$0x1000]  }
0x381: {  	v12 =	vadd.f32 v52, v12;
	v52 =	vld [tilespmem:$0x1070];
	v60 =	vadd.f32 v60, v61;
	v61 =	vmul.f32 v30, v56  }
0x382: {  	v29 =	vld [tilespmem:$0x1050];
	v32 =	vadd.f32 v38, v62;
	v62 =	vmul.f32 v37, v56  }
0x383: {  	v61 =	vadd.f32 v61, v63;
	v63 =	vld [tilespmem:$0x1FB80]  }
0x384: {  	v62 =	vadd.f32 v62, v2;
	v2 =	vld [tilespmem:$0x1FB70]  }
0x385: {  	v22 =	vadd.f32 v57, v22;
	v38 =	vld [tilespmem:$0x1410];
	v57 =	vmul.f32 v56, v40  }
0x386: {  	v7 =	vadd.f32 v1, v7;
	v59 =	vld [tilespmem:$0x1430];
	v1 =	vmul.f32 v52, v56  }
0x387: {  	[tilespmem:$0x1FC30] =	vst v0;
	v0 =	vmul.f32 v29, v56;
	v44 =	vadd.f32 v57, v44;
	v57 =	vld [tilespmem:$0x1420]  }
0x388: {  	v1 =	vadd.f32 v1, v63;
	v63 =	vld [tilespmem:$0x1FB90]  }
0x389: {  	v0 =	vadd.f32 v0, v2;
	_ =	sdelay $0x1  }
0x38a: {  	[tilespmem:$0x1FC40] =	vst v0;
	v0 =	vmul.f32 v11, v56  }
0x38b: {  	v2 =	vmul.f32 v57, v56  }
0x38c: {  	[tilespmem:$0x1FC50] =	vst v1;
	v1 =	vld [tilespmem:$0x1FBA0];
	v0 =	vadd.f32 v0, v63;
	v63 =	vmul.f32 v38, v56;
	v56 =	vmul.f32 v59, v56;
	_ =	sdelay $0x1  }
0x38d: {  	v2 =	vadd.f32 v2, v4;
	v4 =	vadd.f32 v56, v39;
	v56 =	vld [tilespmem:$0x1FBB0]  }
0x38e: {  	vm13 =	veq.s32 v31, $0x1  }
0x38f: {  	[tilespmem:$0x1FC60] =	vst v0;
	v0 =	vsel vm13, $0x3F800000, v13  }
0x390: {  	v3 =	vadd.f32 v63, v1;
	v63 =	vmul.f32 v0, v40;
	_ =	sdelay $0x1  }
0x391: {  	v56 =	vadd.f32 v63, v56;
	v63 =	vld [tilespmem:$0x1FBC0];
	_ =	sdelay $0x1  }
0x392: {  	v39 =	vmul.f32 v34, v0  }
0x393: {  	v1 =	vmul.f32 v0, v35  }
0x394: {  	v39 =	vadd.f32 v39, v42  }
0x395: {  	v42 =	vmul.f32 v37, v0;
	v1 =	vadd.f32 v1, v63;
	v63 =	vmul.f32 v36, v0;
	_ =	sdelay $0x1  }
0x396: {  	v42 =	vadd.f32 v42, v46;
	v46 =	vld [tilespmem:$0x1FBD0];
	v41 =	vadd.f32 v63, v41;
	v63 =	vmul.f32 v30, v0;
	_ =	sdelay $0x1  }
0x397: {  	v43 =	vadd.f32 v63, v43;
	v63 =	vld [tilespmem:$0x1FBE0]  }
0x398: {  	[tilespmem:$0x1FC80] =	vst v1;
	v1 =	vmul.f32 v29, v0;
	_ =	sdelay $0x1  }
0x399: {  	[tilespmem:$0x1FC70] =	vst v2;
	v2 =	vmul.f32 v52, v0;
	v1 =	vadd.f32 v1, v46;
	_ =	sdelay $0x1  }
0x39a: {  	v46 =	vmul.f32 v11, v0;
	[tilespmem:$0x1FC90] =	vst v1;
	v1 =	vadd.f32 v2, v63;
	v63 =	vmul.f32 v57, v0  }
0x39b: {  	vm14 =	veq.s32 v31, $0x2  }
0x39c: {  	v45 =	vadd.f32 v46, v45;
	v46 =	vmul.f32 v38, v0;
	v49 =	vadd.f32 v63, v49;
	v63 =	vld [tilespmem:$0x1FBF0]  }
0x39d: {  	v2 =	vmul.f32 v59, v0;
	v0 =	vsel vm14, $0x3F800000, v13  }
0x39e: {  	v46 =	vadd.f32 v46, v47;
	v47 =	vmul.f32 v0, v40;
	_ =	sdelay $0x1  }
0x39f: {  	v47 =	vadd.f32 v47, v48;
	v48 =	vld [tilespmem:$0x1FC00]  }
0x3a0: {  	v2 =	vadd.f32 v2, v63;
	v63 =	vmul.f32 v34, v0;
	_ =	sdelay $0x1  }
0x3a1: {  	[tilespmem:$0x1FCA0] =	vst v1;
	v1 =	vmul.f32 v0, v35;
	v6 =	vadd.f32 v63, v6;
	v63 =	vmul.f32 v37, v0;
	_ =	sdelay $0x1  }
0x3a2: {  	v1 =	vadd.f32 v1, v48;
	v48 =	vmul.f32 v36, v0;
	v51 =	vadd.f32 v63, v51;
	v63 =	vld [tilespmem:$0x1FC10];
	_ =	sdelay $0x1  }
0x3a3: {  	v48 =	vadd.f32 v48, v50;
	v50 =	vmul.f32 v30, v0  }
0x3a4: {  	[tilespmem:$0x1FCC0] =	vst v1;
	v1 =	vmul.f32 v29, v0  }
0x3a5: {  	v50 =	vadd.f32 v50, v53;
	v53 =	vld [tilespmem:$0x1FC20]  }
0x3a6: {  	v1 =	vadd.f32 v1, v63;
	v63 =	vmul.f32 v11, v0;
	_ =	sdelay $0x1  }
0x3a7: {  	[tilespmem:$0x1FCB0] =	vst v2;
	v2 =	vmul.f32 v52, v0;
	v54 =	vadd.f32 v63, v54;
	v63 =	vmul.f32 v57, v0;
	_ =	sdelay $0x1  }
0x3a8: {  	[tilespmem:$0x1FCD0] =	vst v1;
	v1 =	vadd.f32 v2, v53;
	v2 =	vmul.f32 v38, v0;
	v10 =	vadd.f32 v63, v10;
	v63 =	vld [tilespmem:$0x1FC30]  }
0x3a9: {  	vm15 =	veq.s32 v31, $0x3  }
0x3aa: {  	v53 =	vadd.f32 v2, v55;
	v55 =	vsel vm15, $0x3F800000, v13  }
0x3ab: {  	v0 =	vmul.f32 v59, v0;
	v31 =	vmul.f32 v55, v40  }
0x3ac: {  	v36 =	vmul.f32 v36, v55;
	v29 =	vmul.f32 v29, v55  }
0x3ad: {  	v40 =	vld [tilespmem:$0x1080];
	v37 =	vmul.f32 v37, v55;
	v0 =	vadd.f32 v0, v63;
	v63 =	vimm.s32 $0x9  }
0x3ae: {  	v8 =	vadd.f32 v36, v8;
	v36 =	vld [tilespmem:$0x10B0];
	v23 =	vadd.f32 v29, v23;
	v29 =	vperm.xlane v14, v63  }
0x3af: {  	v35 =	vmul.f32 v55, v35;
	v34 =	vmul.f32 v34, v55;
	v28 =	vadd.f32 v37, v28;
	v37 =	vld [tilespmem:$0x10C0]  }
0x3b0: {  	[tilespmem:$0x1FCE0] =	vst v1;
	v30 =	vmul.f32 v30, v55;
	v1 =	vmul.f32 v38, v55;
	vm4 =	veq.s32 v29, $0x0  }
0x3b1: {  	v38 =	vmul.f32 v57, v55;
	v24 =	vadd.f32 v31, v24;
	v31 =	vld [tilespmem:$0x10E0];
	v57 =	vsel vm4, $0x3F800000, v13  }
0x3b2: {  	v27 =	vadd.f32 v35, v27;
	v35 =	vld [tilespmem:$0x1090];
	[tilespmem:$0x1FCF0] =	vst v0;
	v0 =	vmul.f32 v57, v40  }
0x3b3: {  	v52 =	vmul.f32 v52, v55;
	v26 =	vadd.f32 v34, v26;
	v34 =	vld [tilespmem:$0x10A0];
	v12 =	vadd.f32 v30, v12  }
0x3b4: {  	v30 =	vld [tilespmem:$0x10D0];
	v63 =	vmul.f32 v36, v57;
	v44 =	vadd.f32 v0, v44;
	v0 =	vmul.f32 v37, v57  }
0x3b5: {  	v11 =	vmul.f32 v11, v55;
	v2 =	vmul.f32 v59, v55;
	v55 =	vld [tilespmem:$0x10F0]  }
0x3b6: {  	v60 =	vadd.f32 v63, v60;
	v63 =	vmul.f32 v31, v57;
	v0 =	vadd.f32 v0, v62;
	v62 =	vld [tilespmem:$0x1FC40]  }
0x3b7: {  	v7 =	vadd.f32 v1, v7;
	v1 =	vmul.f32 v57, v35  }
0x3b8: {  	v32 =	vadd.f32 v2, v32;
	v61 =	vadd.f32 v63, v61;
	v63 =	vld [tilespmem:$0x1FC50]  }
0x3b9: {  	v2 =	vmul.f32 v34, v57;
	v58 =	vadd.f32 v1, v58;
	v1 =	vmul.f32 v30, v57  }
0x3ba: {  	v9 =	vadd.f32 v11, v9  }
0x3bb: {  	v11 =	vld [tilespmem:$0x1480];
	v33 =	vadd.f32 v2, v33;
	v2 =	vmul.f32 v55, v57;
	[tilespmem:$0x1FD00] =	vst v0;
	v0 =	vadd.f32 v1, v62  }
0x3bc: {  	v25 =	vadd.f32 v38, v25;
	v38 =	vld [tilespmem:$0x1490]  }
0x3bd: {  	[tilespmem:$0x1FD10] =	vst v0;
	v0 =	vadd.f32 v2, v63;
	v63 =	vld [tilespmem:$0x1FC60];
	_ =	sdelay $0x2  }
0x3be: {  	v62 =	vmul.f32 v11, v57;
	_ =	sdelay $0x1  }
0x3bf: {  	v62 =	vadd.f32 v62, v63;
	v63 =	vmul.f32 v38, v57;
	_ =	sdelay $0x1  }
0x3c0: {  	vm5 =	veq.s32 v29, $0x1;
	v63 =	vadd.f32 v63, v3  }
0x3c1: {  	[tilespmem:$0x1FD20] =	vst v0;
	v0 =	vsel vm5, $0x3F800000, v13  }
0x3c2: {  	v59 =	vld [tilespmem:$0x14A0];
	[tilespmem:$0x1FD30] =	vst v63;
	v63 =	vmul.f32 v0, v40  }
0x3c3: {  	v22 =	vadd.f32 v52, v22;
	v52 =	vld [tilespmem:$0x14B0]  }
0x3c4: {  	v56 =	vadd.f32 v63, v56;
	v63 =	vld [tilespmem:$0x1FC80];
	_ =	sdelay $0x1  }
0x3c5: {  	v3 =	vld [tilespmem:$0x1FC70]  }
0x3c6: {  	v1 =	vmul.f32 v0, v35  }
0x3c7: {  	v2 =	vmul.f32 v59, v57;
	v57 =	vmul.f32 v52, v57  }
0x3c8: {  	v1 =	vadd.f32 v1, v63;
	v63 =	vmul.f32 v36, v0  }
0x3c9: {  	v4 =	vadd.f32 v57, v4;
	v57 =	vmul.f32 v34, v0  }
0x3ca: {  	v2 =	vadd.f32 v2, v3;
	v3 =	vld [tilespmem:$0x1FC90];
	v41 =	vadd.f32 v63, v41;
	v63 =	vmul.f32 v31, v0;
	_ =	sdelay $0x1  }
0x3cb: {  	v39 =	vadd.f32 v57, v39;
	v57 =	vmul.f32 v37, v0;
	v43 =	vadd.f32 v63, v43;
	v63 =	vld [tilespmem:$0x1FCA0]  }
0x3cc: {  	[tilespmem:$0x1FD50] =	vst v1;
	v1 =	vmul.f32 v30, v0  }
0x3cd: {  	v42 =	vadd.f32 v57, v42  }
0x3ce: {  	v57 =	vmul.f32 v11, v0;
	[tilespmem:$0x1FD40] =	vst v2;
	v2 =	vmul.f32 v55, v0;
	v1 =	vadd.f32 v1, v3  }
0x3cf: {  	vm6 =	veq.s32 v29, $0x2  }
0x3d0: {  	v45 =	vadd.f32 v57, v45;
	v57 =	vmul.f32 v38, v0;
	[tilespmem:$0x1FD60] =	vst v1;
	v1 =	vadd.f32 v2, v63  }
0x3d1: {  	v63 =	vmul.f32 v59, v0;
	v2 =	vmul.f32 v52, v0;
	v0 =	vsel vm6, $0x3F800000, v13  }
0x3d2: {  	v46 =	vadd.f32 v57, v46;
	v57 =	vmul.f32 v0, v40;
	_ =	sdelay $0x1  }
0x3d3: {  	v47 =	vadd.f32 v57, v47;
	v57 =	vld [tilespmem:$0x1FCC0]  }
0x3d4: {  	v3 =	vld [tilespmem:$0x1FCB0];
	_ =	sdelay $0x1  }
0x3d5: {  	[tilespmem:$0x1FD70] =	vst v1;
	v1 =	vmul.f32 v0, v35;
	_ =	sdelay $0x1  }
0x3d6: {  	v1 =	vadd.f32 v1, v57;
	v57 =	vmul.f32 v36, v0  }
0x3d7: {  	v49 =	vadd.f32 v63, v49;
	v2 =	vadd.f32 v2, v3  }
0x3d8: {  	v63 =	vmul.f32 v34, v0;
	v3 =	vld [tilespmem:$0x1FCD0];
	v48 =	vadd.f32 v57, v48;
	v57 =	vmul.f32 v31, v0;
	_ =	sdelay $0x1  }
0x3d9: {  	v6 =	vadd.f32 v63, v6;
	v63 =	vmul.f32 v37, v0;
	v50 =	vadd.f32 v57, v50;
	v57 =	vld [tilespmem:$0x1FCE0]  }
0x3da: {  	[tilespmem:$0x1FD90] =	vst v1;
	v1 =	vmul.f32 v30, v0  }
0x3db: {  	v51 =	vadd.f32 v63, v51;
	v63 =	vmul.f32 v11, v0  }
0x3dc: {  	[tilespmem:$0x1FD80] =	vst v2;
	v2 =	vmul.f32 v55, v0;
	v1 =	vadd.f32 v1, v3  }
0x3dd: {  	vm7 =	veq.s32 v29, $0x3;
	v54 =	vadd.f32 v63, v54;
	v63 =	vmul.f32 v59, v0  }
0x3de: {  	[tilespmem:$0x1FDA0] =	vst v1;
	v1 =	vadd.f32 v2, v57;
	v57 =	vsel vm7, $0x3F800000, v13  }
0x3df: {  	v63 =	vadd.f32 v63, v10;
	v10 =	vmul.f32 v57, v40;
	v40 =	vld [tilespmem:$0x1FCF0];
	_ =	sdelay $0x1  }
0x3e0: {  	v2 =	vmul.f32 v38, v0;
	v0 =	vmul.f32 v52, v0  }
0x3e1: {  	v35 =	vmul.f32 v57, v35;
	v34 =	vmul.f32 v34, v57  }
0x3e2: {  	v36 =	vmul.f32 v36, v57;
	v30 =	vmul.f32 v30, v57  }
0x3e3: {  	v55 =	vmul.f32 v55, v57;
	v11 =	vmul.f32 v11, v57;
	v0 =	vadd.f32 v0, v40;
	v40 =	vld [tilespmem:$0x1100]  }
0x3e4: {  	[tilespmem:$0x1FDC0] =	vst v63;
	v63 =	vadd.f32 v35, v27;
	v23 =	vadd.f32 v30, v23;
	v30 =	vperm.xlane v14, v15  }
0x3e5: {  	v52 =	vmul.f32 v52, v57;
	[tilespmem:$0x1FDB0] =	vst v1;
	v53 =	vadd.f32 v2, v53;
	v8 =	vadd.f32 v36, v8;
	v36 =	vld [tilespmem:$0x1130]  }
0x3e6: {  	v1 =	vmul.f32 v37, v57;
	v2 =	vmul.f32 v31, v57;
	[tilespmem:$0x1FDE0] =	vst v63;
	vm8 =	veq.s32 v30, $0x0  }
0x3e7: {  	v63 =	vmul.f32 v38, v57;
	[tilespmem:$0x1FDD0] =	vst v0;
	v0 =	vmul.f32 v59, v57;
	v57 =	vsel vm8, $0x3F800000, v13  }
0x3e8: {  	v28 =	vadd.f32 v1, v28;
	v1 =	vmul.f32 v57, v40  }
0x3e9: {  	v24 =	vadd.f32 v10, v24  }
0x3ea: {  	v29 =	vld [tilespmem:$0x1150];
	v10 =	vadd.f32 v55, v22;
	v22 =	vadd.f32 v1, v44;
	v44 =	vmul.f32 v36, v57;
	_ =	sdelay $0x1  }
0x3eb: {  	v60 =	vadd.f32 v44, v60;
	v44 =	vld [tilespmem:$0x1FD10]  }
0x3ec: {  	v35 =	vld [tilespmem:$0x1110];
	_ =	sdelay $0x1  }
0x3ed: {  	v55 =	vld [tilespmem:$0x1170];
	v1 =	vmul.f32 v29, v57;
	_ =	sdelay $0x1  }
0x3ee: {  	v25 =	vadd.f32 v0, v25;
	v0 =	vadd.f32 v1, v44;
	v44 =	vld [tilespmem:$0x1FD20]  }
0x3ef: {  	v12 =	vadd.f32 v2, v12;
	v2 =	vmul.f32 v57, v35;
	_ =	sdelay $0x1  }
0x3f0: {  	v9 =	vadd.f32 v11, v9;
	v11 =	vld [tilespmem:$0x1500];
	v58 =	vadd.f32 v2, v58;
	v2 =	vmul.f32 v55, v57;
	_ =	sdelay $0x1  }
0x3f1: {  	v38 =	vld [tilespmem:$0x1510];
	v1 =	vadd.f32 v2, v44;
	_ =	sdelay $0x1  }
0x3f2: {  	[tilespmem:$0x1FE00] =	vst v1;
	v1 =	vld [tilespmem:$0x1FD30]  }
0x3f3: {  	[tilespmem:$0x1FDF0] =	vst v0;
	v0 =	vmul.f32 v11, v57;
	_ =	sdelay $0x1  }
0x3f4: {  	v37 =	vld [tilespmem:$0x1140];
	vm9 =	veq.s32 v30, $0x1;
	v44 =	vadd.f32 v0, v62;
	v62 =	vmul.f32 v38, v57  }
0x3f5: {  	v26 =	vadd.f32 v34, v26;
	v34 =	vld [tilespmem:$0x1120];
	v0 =	vsel vm9, $0x3F800000, v13  }
0x3f6: {  	v31 =	vld [tilespmem:$0x1160];
	v1 =	vadd.f32 v62, v1;
	v62 =	vmul.f32 v0, v40  }
0x3f7: {  	v32 =	vadd.f32 v52, v32;
	v52 =	vld [tilespmem:$0x1530]  }
0x3f8: {  	v56 =	vadd.f32 v62, v56;
	v62 =	vld [tilespmem:$0x1FD50]  }
0x3f9: {  	v59 =	vld [tilespmem:$0x1520]  }
0x3fa: {  	v3 =	vld [tilespmem:$0x1FD00];
	v27 =	vmul.f32 v34, v57  }
0x3fb: {  	[tilespmem:$0x1FE10] =	vst v1;
	v1 =	vmul.f32 v0, v35  }
0x3fc: {  	v7 =	vadd.f32 v63, v7;
	v63 =	vmul.f32 v31, v57;
	v27 =	vadd.f32 v27, v33  }
0x3fd: {  	v33 =	vmul.f32 v37, v57;
	v1 =	vadd.f32 v1, v62;
	v62 =	vmul.f32 v36, v0  }
0x3fe: {  	v61 =	vadd.f32 v63, v61;
	v63 =	vmul.f32 v59, v57;
	v57 =	vmul.f32 v52, v57;
	v2 =	vld [tilespmem:$0x1FD40]  }
0x3ff: {  	v33 =	vadd.f32 v33, v3;
	v3 =	vld [tilespmem:$0x1FD60];
	v41 =	vadd.f32 v62, v41;
	v62 =	vmul.f32 v31, v0  }
0x400: {  	v4 =	vadd.f32 v57, v4;
	v57 =	vmul.f32 v34, v0  }
0x401: {  	v43 =	vadd.f32 v62, v43;
	v62 =	vld [tilespmem:$0x1FD70]  }
0x402: {  	v39 =	vadd.f32 v57, v39;
	v57 =	vmul.f32 v37, v0;
	[tilespmem:$0x1FE20] =	vst v1;
	v1 =	vmul.f32 v29, v0  }
0x403: {  	v63 =	vadd.f32 v63, v2;
	v2 =	vmul.f32 v55, v0  }
0x404: {  	v42 =	vadd.f32 v57, v42;
	v57 =	vmul.f32 v11, v0;
	v1 =	vadd.f32 v1, v3;
	_ =	sdelay $0x1  }
0x405: {  	[tilespmem:$0x1FE30] =	vst v1;
	v1 =	vadd.f32 v2, v62;
	v62 =	vadd.f32 v57, v45;
	_ =	sdelay $0x1  }
0x406: {  	[tilespmem:$0x1FE50] =	vst v62;
	v62 =	vmul.f32 v59, v0  }
0x407: {  	vm10 =	veq.s32 v30, $0x2;
	v45 =	vmul.f32 v38, v0  }
0x408: {  	v2 =	vmul.f32 v52, v0;
	v0 =	vsel vm10, $0x3F800000, v13;
	v3 =	vadd.f32 v62, v49  }
0x409: {  	v45 =	vadd.f32 v45, v46;
	v46 =	vmul.f32 v0, v40  }
0x40a: {  	[tilespmem:$0x1FE70] =	vst v3;
	v3 =	vld [tilespmem:$0x1FD80]  }
0x40b: {  	[tilespmem:$0x1FE60] =	vst v45;
	v45 =	vmul.f32 v34, v0;
	v46 =	vadd.f32 v46, v47;
	v47 =	vld [tilespmem:$0x1FD90];
	_ =	sdelay $0x1  }
0x40c: {  	v62 =	vadd.f32 v45, v6;
	v45 =	vmul.f32 v37, v0  }
0x40d: {  	[tilespmem:$0x1FE40] =	vst v1;
	v1 =	vmul.f32 v0, v35;
	v49 =	vmul.f32 v36, v0  }
0x40e: {  	v2 =	vadd.f32 v2, v3;
	v3 =	vadd.f32 v45, v51  }
0x40f: {  	v1 =	vadd.f32 v1, v47;
	v47 =	vadd.f32 v49, v48;
	v48 =	vmul.f32 v31, v0  }
0x410: {  	[tilespmem:$0x1FED0] =	vst v3;
	v3 =	vld [tilespmem:$0x1FDA0]  }
0x411: {  	[tilespmem:$0x1FE90] =	vst v46;
	v57 =	vadd.f32 v48, v50  }
0x412: {  	vm11 =	veq.s32 v30, $0x3;
	[tilespmem:$0x1FEB0] =	vst v62;
	v51 =	vmul.f32 v11, v0;
	v45 =	vld [tilespmem:$0x1FDB0]  }
0x413: {  	v30 =	vld [tilespmem:$0x11D0];
	v46 =	vmul.f32 v29, v0;
	v49 =	vmul.f32 v55, v0;
	[tilespmem:$0x1FEF0] =	vst v57;
	v57 =	vsel vm11, $0x3F800000, v13  }
0x414: {  	v62 =	vld [tilespmem:$0x1FDE0];
	[tilespmem:$0x1FEC0] =	vst v47;
	v48 =	vmul.f32 v59, v0;
	v47 =	vadd.f32 v51, v54;
	v51 =	vmul.f32 v57, v40  }
0x415: {  	[tilespmem:$0x1FEA0] =	vst v1;
	v50 =	vld [tilespmem:$0x1FDC0];
	v35 =	vmul.f32 v57, v35;
	v1 =	vadd.f32 v46, v3;
	v46 =	vmul.f32 v38, v0  }
0x416: {  	v34 =	vmul.f32 v34, v57;
	v36 =	vmul.f32 v36, v57;
	v40 =	vld [tilespmem:$0x1180]  }
0x417: {  	v29 =	vmul.f32 v29, v57;
	[tilespmem:$0x1FEE0] =	vst v1;
	v1 =	vadd.f32 v49, v45;
	v49 =	vadd.f32 v46, v53;
	v53 =	vld [tilespmem:$0x1FDD0]  }
0x418: {  	[tilespmem:$0x1FF10] =	vst v47;
	v47 =	vmul.f32 v55, v57;
	v11 =	vmul.f32 v11, v57;
	v55 =	vld [tilespmem:$0x11F0];
	v54 =	vadd.f32 v51, v24  }
0x419: {  	v24 =	vmul.f32 v37, v57;
	v34 =	vadd.f32 v34, v26;
	v37 =	vadd.f32 v36, v8;
	v36 =	vld [tilespmem:$0x11B0]  }
0x41a: {  	[tilespmem:$0x1FE80] =	vst v2;
	v2 =	vmul.f32 v38, v57;
	v51 =	vadd.f32 v11, v9;
	v11 =	vld [tilespmem:$0x1580];
	v0 =	vmul.f32 v52, v0  }
0x41b: {  	[tilespmem:$0x1FF70] =	vst v34;
	v34 =	vld [tilespmem:$0x11A0];
	v45 =	vadd.f32 v24, v28;
	v46 =	vmul.f32 v31, v57;
	v24 =	vmul.f32 v59, v57  }
0x41c: {  	[tilespmem:$0x1FF80] =	vst v37;
	v37 =	vld [tilespmem:$0x11C0];
	v0 =	vadd.f32 v0, v53;
	v53 =	vadd.f32 v29, v23;
	v29 =	vperm.xlane v14, v16  }
0x41d: {  	v8 =	vld [tilespmem:$0x15A0];
	v52 =	vmul.f32 v52, v57;
	[tilespmem:$0x1FF00] =	vst v1;
	v1 =	vadd.f32 v48, v50;
	v50 =	vadd.f32 v46, v12  }
0x41e: {  	v31 =	vld [tilespmem:$0x11E0];
	[tilespmem:$0x1FF90] =	vst v45;
	v48 =	vadd.f32 v2, v7;
	v45 =	vadd.f32 v24, v25;
	vm12 =	veq.s32 v29, $0x0  }
0x41f: {  	v46 =	vadd.f32 v52, v32;
	[tilespmem:$0x1FF40] =	vst v0;
	v0 =	vadd.f32 v35, v62;
	v35 =	vld [tilespmem:$0x1190];
	v57 =	vsel vm12, $0x3F800000, v13  }
0x420: {  	v38 =	vld [tilespmem:$0x1590];
	v62 =	vadd.f32 v47, v10;
	v26 =	vmul.f32 v57, v40;
	v32 =	vmul.f32 v34, v57  }
0x421: {  	[tilespmem:$0x1FF20] =	vst v49;
	v24 =	vld [tilespmem:$0x1FDF0];
	vm13 =	veq.s32 v29, $0x1;
	v47 =	vmul.f32 v36, v57;
	v49 =	vmul.f32 v37, v57  }
0x422: {  	v59 =	vadd.f32 v26, v22;
	v52 =	vadd.f32 v32, v27;
	v26 =	vld [tilespmem:$0x1FE00];
	v32 =	vmul.f32 v8, v57  }
0x423: {  	[tilespmem:$0x1FF50] =	vst v54;
	v54 =	vmul.f32 v30, v57;
	v60 =	vadd.f32 v47, v60;
	v47 =	vadd.f32 v49, v33;
	v33 =	vld [tilespmem:$0x1FE10]  }
0x424: {  	[tilespmem:$0x1FFA0] =	vst v62;
	v9 =	vmul.f32 v31, v57;
	v28 =	vmul.f32 v57, v35;
	v62 =	vadd.f32 v32, v63;
	v32 =	vld [tilespmem:$0x1FE20]  }
0x425: {  	[tilespmem:$0x1FF60] =	vst v0;
	v10 =	vmul.f32 v55, v57;
	v25 =	vmul.f32 v11, v57;
	v0 =	vsel vm13, $0x3F800000, v13  }
0x426: {  	v49 =	vadd.f32 v54, v24;
	v58 =	vadd.f32 v28, v58;
	v28 =	vmul.f32 v38, v57  }
0x427: {  	v61 =	vadd.f32 v9, v61;
	v54 =	vadd.f32 v10, v26;
	v10 =	vmul.f32 v0, v35  }
0x428: {  	v7 =	vld [tilespmem:$0x15B0];
	v27 =	vadd.f32 v25, v44;
	v9 =	vmul.f32 v0, v40;
	v44 =	vadd.f32 v28, v33  }
0x429: {  	v28 =	vmul.f32 v34, v0;
	v33 =	vmul.f32 v36, v0;
	v26 =	vadd.f32 v10, v32;
	v10 =	vld [tilespmem:$0x1FE30]  }
0x42a: {  	v3 =	vmul.f32 v31, v0;
	v25 =	vadd.f32 v9, v56  }
0x42b: {  	v63 =	vadd.f32 v28, v39;
	v39 =	vmul.f32 v37, v0;
	v56 =	vadd.f32 v33, v41;
	v33 =	vld [tilespmem:$0x1FE40]  }
0x42c: {  	v9 =	vmul.f32 v30, v0;
	v32 =	vadd.f32 v3, v43;
	v43 =	vld [tilespmem:$0x1FE60]  }
0x42d: {  	[tilespmem:$0x1FFB0] =	vst v27;
	v57 =	vmul.f32 v7, v57;
	v27 =	vadd.f32 v39, v42;
	v39 =	vld [tilespmem:$0x1FE50]  }
0x42e: {  	v28 =	vadd.f32 v9, v10;
	v9 =	vld [tilespmem:$0x1FE70]  }
0x42f: {  	v57 =	vadd.f32 v57, v4;
	v4 =	vmul.f32 v55, v0  }
0x430: {  	v24 =	vmul.f32 v11, v0  }
0x431: {  	v41 =	vmul.f32 v38, v0;
	v33 =	vadd.f32 v4, v33;
	v4 =	vmul.f32 v8, v0  }
0x432: {  	v10 =	vld [tilespmem:$0x1FE80];
	v42 =	vadd.f32 v24, v39  }
0x433: {  	v39 =	vadd.f32 v41, v43;
	v41 =	vadd.f32 v4, v9;
	v4 =	vld [tilespmem:$0x1FE90]  }
0x434: {  	vm14 =	veq.s32 v29, $0x2  }
0x435: {  	v6 =	vmul.f32 v7, v0;
	v0 =	vsel vm14, $0x3F800000, v13  }
0x436: {  	v3 =	vmul.f32 v0, v40;
	_ =	sdelay $0x1  }
0x437: {  	v43 =	vadd.f32 v6, v10;
	v6 =	vadd.f32 v3, v4;
	v3 =	vld [tilespmem:$0x1FEA0];
	_ =	sdelay $0x1  }
0x438: {  	v14 =	vld [tilespmem:$0x1FED0]  }
0x439: {  	v2 =	vmul.f32 v0, v35;
	_ =	sdelay $0x1  }
0x43a: {  	v4 =	vmul.f32 v37, v0;
	v9 =	vadd.f32 v2, v3;
	v3 =	vld [tilespmem:$0x1FEB0];
	_ =	sdelay $0x1  }
0x43b: {  	v4 =	vadd.f32 v4, v14;
	v14 =	vld [tilespmem:$0x1FEE0]  }
0x43c: {  	v24 =	vmul.f32 v34, v0;
	_ =	sdelay $0x1  }
0x43d: {  	v10 =	vadd.f32 v24, v3;
	v3 =	vmul.f32 v30, v0;
	v24 =	vld [tilespmem:$0x1FEC0];
	_ =	sdelay $0x1  }
0x43e: {  	v3 =	vadd.f32 v3, v14;
	v14 =	vld [tilespmem:$0x1FEF0]  }
0x43f: {  	v2 =	vmul.f32 v36, v0;
	_ =	sdelay $0x1  }
0x440: {  	v12 =	vadd.f32 v2, v24;
	v24 =	vmul.f32 v31, v0;
	_ =	sdelay $0x1  }
0x441: {  	v22 =	vadd.f32 v24, v14;
	v24 =	vld [tilespmem:$0x1FF00]  }
0x442: {  	v14 =	vld [tilespmem:$0x1FF10];
	_ =	sdelay $0x1  }
0x443: {  	v2 =	vmul.f32 v55, v0  }
0x444: {  	[tilespmem:$0x1FF30] =	vst v1;
	vm15 =	veq.s32 v29, $0x3;
	v1 =	vmul.f32 v11, v0  }
0x445: {  	v29 =	vmul.f32 v8, v0;
	v24 =	vadd.f32 v2, v24;
	v2 =	vmul.f32 v38, v0  }
0x446: {  	v23 =	vadd.f32 v1, v14;
	v1 =	vmul.f32 v7, v0;
	v0 =	vsel vm15, $0x3F800000, v13;
	v13 =	vld [tilespmem:$0x1FF20];
	_ =	sdelay $0x4  }
0x447: {  	v2 =	vadd.f32 v2, v13;
	v13 =	vld [tilespmem:$0x1FF30];
	_ =	sdelay $0x4  }
0x448: {  	v29 =	vadd.f32 v29, v13;
	v13 =	vld [tilespmem:$0x1FF40];
	_ =	sdelay $0x4  }
0x449: {  	v1 =	vadd.f32 v1, v13;
	v13 =	vld [tilespmem:$0x1FF50];
	_ =	sdelay $0x2  }
0x44a: {  	v40 =	vmul.f32 v0, v40;
	_ =	sdelay $0x1  }
0x44b: {  	v40 =	vadd.f32 v40, v13;
	v13 =	vld [tilespmem:$0x1FF60];
	_ =	sdelay $0x2  }
0x44c: {  	v35 =	vmul.f32 v0, v35;
	_ =	sdelay $0x1  }
0x44d: {  	v35 =	vadd.f32 v35, v13;
	v13 =	vld [tilespmem:$0x1FF70];
	_ =	sdelay $0x2  }
0x44e: {  	v34 =	vmul.f32 v34, v0;
	_ =	sdelay $0x1  }
0x44f: {  	v34 =	vadd.f32 v34, v13;
	v13 =	vld [tilespmem:$0x1FF80];
	_ =	sdelay $0x2  }
0x450: {  	v36 =	vmul.f32 v36, v0;
	_ =	sdelay $0x1  }
0x451: {  	v36 =	vadd.f32 v36, v13;
	v13 =	vld [tilespmem:$0x1FF90];
	_ =	sdelay $0x2  }
0x452: {  	v37 =	vmul.f32 v37, v0;
	_ =	sdelay $0x1  }
0x453: {  	v37 =	vadd.f32 v37, v13;
	v13 =	vld [tilespmem:$0x1FFA0]  }
0x454: {  	v30 =	vmul.f32 v30, v0  }
0x455: {  	v25 =	vmax.f32 v59, v25;
	v31 =	vmul.f32 v31, v0  }
0x456: {  	v30 =	vadd.f32 v30, v53;
	v53 =	vmul.f32 v55, v0;
	v6 =	vmax.f32 v6, v40  }
0x457: {  	v31 =	vadd.f32 v31, v50;
	v6 =	vmax.f32 v25, v6  }
0x458: {  	v9 =	vmax.f32 v9, v35;
	v50 =	vadd.f32 v53, v13;
	v53 =	vmax.f32 v58, v26  }
0x459: {  	v55 =	vmax.f32 v52, v63;
	[tilespmem:$0x1800] =	vst v6;
	v10 =	vmax.f32 v10, v34;
	v6 =	vmax.f32 v53, v9  }
0x45a: {  	v59 =	vmax.f32 v12, v36;
	v58 =	vmax.f32 v60, v56;
	[tilespmem:$0x1810] =	vst v6;
	v6 =	vmax.f32 v55, v10  }
0x45b: {  	v4 =	vmax.f32 v4, v37;
	v60 =	vmax.f32 v47, v27;
	[tilespmem:$0x1820] =	vst v6;
	v6 =	vmax.f32 v58, v59  }
0x45c: {  	v3 =	vmax.f32 v3, v30;
	v4 =	vmax.f32 v60, v4;
	[tilespmem:$0x1830] =	vst v6;
	v6 =	vmax.f32 v49, v28  }
0x45d: {  	[tilespmem:$0x1840] =	vst v4;
	v4 =	vmax.f32 v61, v32;
	v3 =	vmax.f32 v6, v3;
	v6 =	vmax.f32 v22, v31  }
0x45e: {  	[tilespmem:$0x1850] =	vst v3;
	v3 =	vmax.f32 v4, v6;
	v4 =	vmax.f32 v54, v33;
	v6 =	vmax.f32 v24, v50  }
0x45f: {  	[tilespmem:$0x1860] =	vst v3;
	v3 =	vmax.f32 v4, v6;
	v4 =	vld [tilespmem:$0x1FFB0]  }
0x460: {  	v11 =	vmul.f32 v11, v0  }
0x461: {  	v38 =	vmul.f32 v38, v0;
	v8 =	vmul.f32 v8, v0  }
0x462: {  	v11 =	vadd.f32 v11, v51;
	v0 =	vmul.f32 v7, v0  }
0x463: {  	v7 =	vadd.f32 v38, v48;
	v8 =	vadd.f32 v8, v45  }
0x464: {  	v0 =	vadd.f32 v0, v46;
	v6 =	vmax.f32 v23, v11;
	v4 =	vmax.f32 v4, v42  }
0x465: {  	v2 =	vmax.f32 v2, v7;
	[tilespmem:$0x1870] =	vst v3;
	v3 =	vmax.f32 v4, v6;
	v4 =	vmax.f32 v44, v39  }
0x466: {  	[tilespmem:$0x1880] =	vst v3;
	v2 =	vmax.f32 v4, v2;
	v3 =	vmax.f32 v62, v41;
	v4 =	vmax.f32 v29, v8  }
0x467: {  	s12 =	sadd.s32 $0x1, s12;
	v0 =	vmax.f32 v1, v0;
	[tilespmem:$0x1890] =	vst v2;
	v63 =	vmax.f32 v3, v4;
	v3 =	vmax.f32 v57, v43  }
0x468: {  	p0 =	sne.s32 s12, s6;
	[tilespmem:$0x18A0] =	vst v63;
	v0 =	vmax.f32 v3, v0  }
.Ltmp1:
0x469: {  	[tilespmem:$0x18B0] =	vst v0;
	(pc) =	sbr.rel @p0 .LBB2_1-.Ltmp1, $4  }
0x46a: {  	[hbm4b:s5+s9] =	stream.strided.scatter [tilespmem:s11], [sflag:$0x1], $0x100, s10, s9, $0x38;
	[tilespmem:$0x1900] =	vst v63  }
0x46b: {  	_ =	swait.ge [sflag:s7], $0x100  }
0x46c: {  	[sflag:s7] =	ssyncset.done $0x0  }
0x46d: {  	[sflag:s7] =	ssyncadd.s32 $0xFFFFFF00  }
0x46e: {  	_ =	sfence.sel $0x180000  }
0x46f: {  	[bflag:$0x0] =	sbarrier.arrive $0xFFFF  }
0x470: {  	p0 =	sne.s32 s1, $0x0;
	_ =	strace $0x90000047  }
0x471: {  	s0 =	sadd.s32 @!p0 $0x100000, s0;
	[bflag:$0x2] =	sbarrier.arrive $0xFFFF  }
0x472: {  	[sflag:s0] =	ssyncadd.tile.s32 @!p0 $0x1;
	_ =	shalt  }
.Lfunc_end2:
_tile_overlayer_lowered:
.L_overlay_start_2:
0x473: {  	(tag) =	ssettag $0x2  }
0x474: {  	s0 =	rddreg [dreg:$0x0];
	s2 =	stileid.u32  }
0x475: {  	s1 =	rddreg [dreg:$0x1];
	p0 =	sne.s32 s2, $0x0  }
0x476: {  	s3 =	rddreg [dreg:$0x2];
	[bflag:$0x3] =	sbarrier.arrive $0xFFFF;
	s2 =	simm.s32 @!p0 $0x1C01  }
0x477: {  	[timem:s3], [sflag:s2] =	dma.local @!p0 [hbm:s0], s1  }
0x478: {  	s0 =	simm.s32 @!p0 $0x1  }
0x479: {  	_ =	swait.ge @!p0 [sflag:s0], s1  }
0x47a: {  	s1 =	ssub.s32 @!p0 $0x0, s1;
	[sflag:s0] =	ssyncset.done @!p0 $0x0  }
0x47b: {  	[sflag:s0] =	ssyncadd.s32 @!p0 s1  }
0x47c: {  	[bflag:$0x3] =	sbarrier.arrive $0xFFFF  }
0x47d: {  	_ =	shalt  }

</sc_bundles>
